<compile_context>
chip_gen: v7x
topology: tpu7x:2x2x1
jax: 0.10.2.dev20260603
libtpu: 0.0.44.dev20260713+nightly
codegen_flags: <defaults>
</compile_context>

<pallas_src>
import functools

import jax
import jax.numpy as jnp
from jax import lax
from jax.experimental import pallas as pl
from jax.experimental.pallas import tpu as pltpu
from jax.experimental.pallas import tpu_sc as plsc

_NC, _NS, _L = 2, 16, 16
_NW = _NC * _NS
_RAD = 256


def _rank_topk(Np, K, interpret=False):
    T = _NS
    CH = Np // T
    LCH = CH // _L
    NV = CH // _L
    mesh = plsc.VectorSubcoreMesh(
        core_axis_name="c", subcore_axis_name="s", num_cores=_NC, num_subcores=_NS
    )
    i32 = jnp.int32

    @functools.partial(
        pl.kernel,
        out_type=(
            jax.ShapeDtypeStruct((Np,), i32),
            jax.ShapeDtypeStruct((Np,), i32),
            jax.ShapeDtypeStruct((Np,), i32),
        ),
        mesh=mesh,
        scratch_types=[
            pltpu.VMEM((CH,), jnp.float32),
            pltpu.VMEM((CH,), i32),
            pltpu.VMEM((CH,), i32),
            pltpu.VMEM((CH,), i32),
            pltpu.VMEM((CH,), i32),
            pltpu.VMEM((_RAD * _L,), i32),
            pltpu.VMEM((_RAD * _L,), i32),
            pltpu.VMEM((_RAD,), i32),
            pltpu.VMEM((_RAD,), i32),
            pltpu.VMEM((_RAD * T,), i32),
            pltpu.VMEM((_L,), i32),
            pltpu.VMEM_SHARED((Np,), i32),
            pltpu.VMEM_SHARED((Np,), i32),
            pltpu.VMEM_SHARED((Np,), i32),
            pltpu.VMEM_SHARED((Np,), i32),
            pltpu.VMEM_SHARED((Np,), i32),
            pltpu.VMEM_SHARED((Np,), i32),
            pltpu.VMEM_SHARED((Np,), i32),
            pltpu.VMEM_SHARED((_RAD * T,), i32),
        ],
        compiler_params=pltpu.CompilerParams(needs_layout_passes=False),
        interpret=interpret,
    )
    def k(score_hbm, nm_hbm, perm_hbm, ssc_hbm, sc_v, keys_v, vals_v, posb_v,
          nmb_v, hist_v, offs_v, base_v, ttot_v, g2all_v, tmp_v,
          sk0, sv0, sk1, sv1, nm_s, perm_s, ssc_s, g2_s):
        cid = lax.axis_index("c")
        t = lax.axis_index("s")
        iota = lax.iota(i32, _L)
        on0 = cid == 0

        @pl.when(on0)
        def _init():
            pltpu.sync_copy(score_hbm.at[pl.ds(t * CH, CH)], sc_v)

            @pl.loop(0, NV)
            def _i(j):
                off = j * _L
                bits = plsc.bitcast(sc_v[pl.ds(off, _L)], i32)
                d = jnp.where(bits < 0, bits, ~bits & 0x7FFFFFFF)
                keys_v[pl.ds(off, _L)] = d
                vals_v[pl.ds(off, _L)] = t * CH + off + iota

            pltpu.sync_copy(keys_v, sk0.at[pl.ds(t * CH, CH)])
            pltpu.sync_copy(vals_v, sv0.at[pl.ds(t * CH, CH)])

        plsc.subcore_barrier()

        bufs = [(sk0, sv0), (sk1, sv1)]
        for p in range(4):
            ink, inv = bufs[p % 2]
            outk, outv = bufs[1 - p % 2]
            shv = jnp.full((_L,), 8 * p, i32)

            @pl.when(on0)
            def _histphase(ink=ink, shv=shv):
                pltpu.sync_copy(ink.at[pl.ds(t * CH, CH)], keys_v)

                @pl.loop(0, _RAD)
                def _z(j):
                    hist_v[pl.ds(j * _L, _L)] = jnp.zeros((_L,), i32)

                @pl.loop(0, LCH)
                def _h(kk):
                    idx = iota * LCH + kk
                    key = plsc.load_gather(keys_v, [idx])
                    dig = lax.shift_right_logical(key, shv) & 0xFF
                    hidx = dig * _L + iota
                    old = plsc.load_gather(hist_v, [hidx])
                    plsc.store_scatter(hist_v, [hidx], old + 1)

                @pl.loop(0, _RAD // _L)
                def _r(g):
                    acc = jnp.zeros((_L,), i32)
                    for l in range(_L):
                        acc = acc + plsc.load_gather(
                            hist_v, [g * _RAD + iota * _L + l]
                        )
                    ttot_v[pl.ds(g * _L, _L)] = acc

                pltpu.sync_copy(ttot_v, g2_s.at[pl.ds(t * _RAD, _RAD)])

            plsc.subcore_barrier()

            @pl.when(on0)
            def _scanscatter(inv=inv, outk=outk, outv=outv, shv=shv, p=p):
                pltpu.sync_copy(g2_s, g2all_v)
                tvec = jnp.zeros((_L,), i32) + t

                @pl.loop(0, _RAD // _L, init_carry=jnp.zeros((_L,), i32))
                def _s(g, carry):
                    tot = jnp.zeros((_L,), i32)
                    tp = jnp.zeros((_L,), i32)
                    for tt in range(T):
                        row = g2all_v[pl.ds(tt * _RAD + g * _L, _L)]
                        tot = tot + row
                        m = jnp.full((_L,), tt, i32) < tvec
                        tp = tp + jnp.where(m, row, 0)
                    cs = plsc.cumsum(tot)
                    base_v[pl.ds(g * _L, _L)] = (cs - tot) + carry + tp
                    tmp_v[pl.ds(0, _L)] = cs
                    last = plsc.load_gather(tmp_v, [jnp.full((_L,), _L - 1, i32)])
                    return carry + last

                @pl.loop(0, _RAD)
                def _o(dg):
                    row = hist_v[pl.ds(dg * _L, _L)]
                    cs = plsc.cumsum(row)
                    b = plsc.load_gather(base_v, [jnp.zeros((_L,), i32) + dg])
                    offs_v[pl.ds(dg * _L, _L)] = (cs - row) + b

                pltpu.sync_copy(inv.at[pl.ds(t * CH, CH)], vals_v)

                @pl.loop(0, LCH)
                def _sc(kk):
                    idx = iota * LCH + kk
                    key = plsc.load_gather(keys_v, [idx])
                    dig = lax.shift_right_logical(key, shv) & 0xFF
                    hidx = dig * _L + iota
                    pos = plsc.load_gather(offs_v, [hidx])
                    plsc.store_scatter(offs_v, [hidx], pos + 1)
                    plsc.store_scatter(posb_v, [idx], pos)

                if p < 3:
                    pltpu.sync_copy(keys_v, outk.at[posb_v])
                    pltpu.sync_copy(vals_v, outv.at[posb_v])
                else:
                    @pl.loop(0, NV)
                    def _f(j):
                        off = j * _L
                        pos = posb_v[pl.ds(off, _L)]
                        nmb_v[pl.ds(off, _L)] = jnp.where(pos < K, pos, -1)

                    pltpu.sync_copy(nmb_v, nm_s.at[vals_v])
                    pltpu.sync_copy(vals_v, perm_s.at[posb_v])
                    pltpu.sync_copy(keys_v, ssc_s.at[posb_v])

            plsc.subcore_barrier()

        @pl.when(on0)
        def _out():
            sl = pl.ds(t * CH, CH)
            pltpu.sync_copy(nm_s.at[sl], nm_hbm.at[sl])
            pltpu.sync_copy(perm_s.at[sl], perm_hbm.at[sl])
            pltpu.sync_copy(ssc_s.at[sl], ssc_hbm.at[sl])

    return k


def _gather_edges(N, Np, K, KP, E, interpret=False):
    W = 2048
    NWIN = E // W
    NIT = -(-NWIN // _NW)
    XW = 128
    NXW = KP // XW
    XIT = -(-NXW // _NW)
    i32 = jnp.int32
    f32 = jnp.float32
    mesh = plsc.VectorSubcoreMesh(
        core_axis_name="c", subcore_axis_name="s", num_cores=_NC, num_subcores=_NS
    )

    @functools.partial(
        pl.kernel,
        out_type=(
            jax.ShapeDtypeStruct((3 * KP,), f32),
            jax.ShapeDtypeStruct((2, E), i32),
        ),
        mesh=mesh,
        scratch_types=[
            pltpu.VMEM((Np,), i32),
            pltpu.VMEM((2, W), i32),
            pltpu.VMEM((2, W), i32),
            pltpu.VMEM((2, W), i32),
            pltpu.VMEM((2, W), i32),
            pltpu.VMEM((XW,), i32),
            pltpu.VMEM((XW,), i32),
            pltpu.VMEM((XW,), i32),
            pltpu.VMEM((3 * XW,), f32),
            pltpu.VMEM((3 * XW,), f32),
            pltpu.SemaphoreType.DMA,
            pltpu.SemaphoreType.DMA,
            pltpu.SemaphoreType.DMA,
            pltpu.SemaphoreType.DMA,
        ],
        compiler_params=pltpu.CompilerParams(needs_layout_passes=False),
        interpret=interpret,
    )
    def k(xflat_hbm, nm_hbm, perm_hbm, ssc_hbm, ei_hbm, xout_hbm, eio_hbm,
          nm_v, inA, outA, inB, outB,
          idxb_v, ssk_v, ix3_v, rows3_v, outb_v,
          inA_sem, inB_sem, outA_sem, outB_sem):
        wid = lax.axis_index("s") * _NC + lax.axis_index("c")
        iota = lax.iota(i32, _L)

        @pl.loop(0, XIT)
        def _xw(i):
            w = wid + i * _NW

            @pl.when(w < NXW)
            def _do():
                base = w * XW
                pltpu.sync_copy(perm_hbm.at[pl.ds(base, XW)], idxb_v)
                pltpu.sync_copy(ssc_hbm.at[pl.ds(base, XW)], ssk_v)
                for c in range(3):
                    @pl.loop(0, XW // _L)
                    def _m(j, c=c):
                        off = j * _L
                        ix = idxb_v[pl.ds(off, _L)]
                        ix3_v[pl.ds(off, _L)] = ix * 3 + c

                    pltpu.sync_copy(
                        xflat_hbm.at[ix3_v],
                        rows3_v.at[pl.ds(c * XW, XW)],
                    )

                @pl.loop(0, 3 * XW // _L)
                def _mul(j):
                    jidx = iota + j * _L
                    sidx = jidx // 3
                    cidx = jidx - sidx * 3
                    d = plsc.load_gather(ssk_v, [sidx])
                    rb = jnp.where(d < 0, d, ~d & 0x7FFFFFFF)
                    f = plsc.bitcast(rb, f32)
                    v = plsc.load_gather(rows3_v, [cidx * XW + sidx])
                    outb_v[pl.ds(j * _L, _L)] = v * f

                pltpu.sync_copy(outb_v, xout_hbm.at[pl.ds(base * 3, 3 * XW)])

        pltpu.sync_copy(nm_hbm, nm_v)
        rings = [(inA, outA, inA_sem, outA_sem), (inB, outB, inB_sem, outB_sem)]
        RING = NIT - 2

        def in_sl(w):
            return ei_hbm.at[:, pl.ds(w * W, W)]

        def out_sl(w):
            return eio_hbm.at[:, pl.ds(w * W, W)]

        def compute(inb, outb):
            @pl.loop(0, W // _L)
            def _vec(j):
                off = j * _L
                s = inb[0, pl.ds(off, _L)]
                d = inb[1, pl.ds(off, _L)]
                r = plsc.load_gather(nm_v, [s])
                c = plsc.load_gather(nm_v, [d])
                keep = (r >= 0) & (c >= 0)
                neg = jnp.full((_L,), -1, i32)
                outb[0, pl.ds(off, _L)] = jnp.where(keep, r, neg)
                outb[1, pl.ds(off, _L)] = jnp.where(keep, c, neg)

        for par in (0, 1):
            inb, _, isem, _ = rings[par]
            pltpu.async_copy(in_sl(wid + par * _NW), inb, isem)

        @pl.loop(0, RING // 2)
        def _win2(h):
            for par in (0, 1):
                inb, outb, isem, osem = rings[par]
                i = h * 2 + par
                w = wid + i * _NW
                pltpu.make_async_copy(in_sl(w), inb, isem).wait()

                @pl.when(h > 0)
                def _drain(outb=outb, osem=osem, w=w):
                    pltpu.make_async_copy(outb, out_sl(w - 2 * _NW), osem).wait()

                compute(inb, outb)
                pltpu.async_copy(outb, out_sl(w), osem)

                @pl.when(w + 2 * _NW < NWIN * 1)
                def _pref(inb=inb, isem=isem, w=w):
                    pltpu.async_copy(in_sl(w + 2 * _NW), inb, isem)

        wt0 = wid + (NIT - 2) * _NW
        wt1 = wid + (NIT - 1) * _NW
        v0 = wt0 < NWIN
        v1 = wt1 < NWIN

        @pl.when(v0)
        def _t0a():
            pltpu.make_async_copy(in_sl(wt0), inA, inA_sem).wait()
        pltpu.make_async_copy(outA, out_sl(wt0 - 2 * _NW), outA_sem).wait()

        @pl.when(v0)
        def _t0b():
            compute(inA, outA)
            pltpu.async_copy(outA, out_sl(wt0), outA_sem)

        @pl.when(v1)
        def _t1a():
            pltpu.make_async_copy(in_sl(wt1), inB, inB_sem).wait()
        pltpu.make_async_copy(outB, out_sl(wt1 - 2 * _NW), outB_sem).wait()

        @pl.when(v1)
        def _t1b():
            compute(inB, outB)
            pltpu.async_copy(outB, out_sl(wt1), outB_sem)

        @pl.when(v0)
        def _t0c():
            pltpu.make_async_copy(outA, out_sl(wt0), outA_sem).wait()

        @pl.when(v1)
        def _t1c():
            pltpu.make_async_copy(outB, out_sl(wt1), outB_sem).wait()

    return k


def kernel(x, edge_index, weight):
    N = x.shape[0]
    E = edge_index.shape[1]
    K = -(-N // 2)
    CHW = _NS * _L * 8
    Np = -(-N // CHW) * CHW
    XW = 128
    KP = -(-K // XW) * XW
    score = jnp.tanh(
        jnp.sum(x * weight[None, :], axis=-1) / (jnp.linalg.norm(weight) + 1e-16)
    )
    pad = jnp.full((Np - N,), jnp.asarray(-1, jnp.int32).view(jnp.float32))
    score_pad = jnp.concatenate([score, pad])
    nm_pad, perm_pad, ssc_pad = _rank_topk(Np, K)(score_pad)
    xout_flat, new_edge_index = _gather_edges(N, Np, K, KP, E)(
        x.reshape(3 * N), nm_pad, perm_pad, ssc_pad, edge_index
    )
    x_out = xout_flat[: 3 * K].reshape(K, 3)
    perm = perm_pad[:K]
    return x_out, new_edge_index, perm

# --- scband reference (transcript-rebuilt; emitter-appended) ---
"""Pipeline reference for scband-down-sample-block-7919919693899 (READ-ONLY COPY).

The authoritative reference and input builder live on the scoring server;
editing this copy changes nothing except your own understanding.
"""

import jax, jax.numpy as jnp
import numpy as np

N = 100000
E = 6400000
C = 3
RATIO = 0.5
K = int(np.ceil(RATIO * N))  # 50000


def setup_inputs(seed: int = 0) -> dict:
    key = jax.random.key(seed)
    k1, k2, k3 = jax.random.split(key, 3)
    x = jax.random.normal(k1, (N, C), dtype=jnp.float32)
    edge_index = jax.random.randint(k2, (2, E), 0, N, dtype=jnp.int32)
    # TopKPooling learnable projection weight, shape [in_channels]
    weight = jax.random.normal(k3, (C,), dtype=jnp.float32)
    return {"x": x, "edge_index": edge_index, "weight": weight}


def reference(x, edge_index, weight):
    # PyG TopKPooling forward:
    #   score = (x * weight).sum(-1) / ||weight||_2
    #   score = tanh(score)
    #   perm = top ceil(ratio*N) nodes by score
    #   x_out = x[perm] * score[perm].unsqueeze(-1)
    #   edge_index filtered/remapped to selected nodes
    score = jnp.sum(x * weight[None, :], axis=-1) / (jnp.linalg.norm(weight) + 1e-16)
    score = jnp.tanh(score)
    _, perm = jax.lax.top_k(score, K)
    score_sel = jnp.take(score, perm, axis=0)
    x_out = jnp.take(x, perm, axis=0) * score_sel[:, None]
    # filter_adj: remap node ids; edges with a dropped endpoint marked -1 (static shape under jit)
    node_map = jnp.full((N,), -1, dtype=edge_index.dtype)
    node_map = node_map.at[perm].set(jnp.arange(K, dtype=edge_index.dtype))
    row = jnp.take(node_map, edge_index[0], axis=0)
    col = jnp.take(node_map, edge_index[1], axis=0)
    keep = (row >= 0) & (col >= 0)
    new_edge_index = jnp.where(keep[None, :], jnp.stack([row, col], axis=0), -1)
    return x_out, new_edge_index, perm

if __name__ == "__main__":
    import jax
    _d = setup_inputs()
    print(jax.jit(kernel)(*tuple(_d.values())))

</pallas_src>

<mosaic_0001>
#map = affine_map<(d0, d1) -> (0)>
module attributes {stable_mosaic.version = 14 : i64} {
  func.func @k(%arg0: i32, %arg1: i32, %arg2: memref<100352xf32, #tpu.memory_space<hbm>>, %arg3: memref<100352xi32, #tpu.memory_space<hbm>>, %arg4: memref<100352xi32, #tpu.memory_space<hbm>>, %arg5: memref<100352xi32, #tpu.memory_space<hbm>>, %arg6: memref<6272xf32, #tpu.memory_space<vmem>>, %arg7: memref<6272xi32, #tpu.memory_space<vmem>>, %arg8: memref<6272xi32, #tpu.memory_space<vmem>>, %arg9: memref<6272xi32, #tpu.memory_space<vmem>>, %arg10: memref<6272xi32, #tpu.memory_space<vmem>>, %arg11: memref<4096xi32, #tpu.memory_space<vmem>>, %arg12: memref<4096xi32, #tpu.memory_space<vmem>>, %arg13: memref<256xi32, #tpu.memory_space<vmem>>, %arg14: memref<256xi32, #tpu.memory_space<vmem>>, %arg15: memref<4096xi32, #tpu.memory_space<vmem>>, %arg16: memref<16xi32, #tpu.memory_space<vmem>>, %arg17: memref<100352xi32, #tpu.memory_space<vmem_shared>>, %arg18: memref<100352xi32, #tpu.memory_space<vmem_shared>>, %arg19: memref<100352xi32, #tpu.memory_space<vmem_shared>>, %arg20: memref<100352xi32, #tpu.memory_space<vmem_shared>>, %arg21: memref<100352xi32, #tpu.memory_space<vmem_shared>>, %arg22: memref<100352xi32, #tpu.memory_space<vmem_shared>>, %arg23: memref<100352xi32, #tpu.memory_space<vmem_shared>>, %arg24: memref<4096xi32, #tpu.memory_space<vmem_shared>>) attributes {dimension_semantics = [#tpu.dimension_semantics<core_parallel>, #tpu.dimension_semantics<subcore_parallel>], iteration_bounds = array<i64: 2, 16>, scalar_prefetch = 0 : i64, scratch_operands = 19 : i64, tpu.core_type = #tpu.core_type<sc_vector_subcore>, window_params = [{transform_indices = #map}, {transform_indices = #map}, {transform_indices = #map}, {transform_indices = #map}]} {
    %iota3A = tpu.iota {dimensions = array<i32: 0>} : vector<16xi32>
    %eq3A = arith.constant 0 : i32
    %eq3A_0 = arith.cmpi eq, %arg0, %eq3A : i32
    %convert_element_type3A = arith.extui %eq3A_0 : i1 to i32
    %cond3A = arith.constant 0 : i32
    %cond3A_1 = arith.cmpi ne, %convert_element_type3A, %cond3A : i32
    scf.if %cond3A_1 {
      %mul3A = arith.constant 6272 : i32
      %mul3A_44 = arith.muli %arg1, %mul3A : i32
      "tpu.region"() ({
        %run_scoped3A = tpu.sem_alloc : memref<!tpu.dma_semaphore, #tpu.memory_space<semaphore_mem>>
        %dma_start3A = tpu.memref_slice %arg2[%mul3A_44] : memref<100352xf32, #tpu.memory_space<hbm>> -> memref<6272xf32, #tpu.memory_space<hbm>>
        %dma_start3A_53 = tpu.memref_slice %arg2[%mul3A_44] : memref<100352xf32, #tpu.memory_space<hbm>> -> memref<6272xf32, #tpu.memory_space<hbm>>
        tpu.enqueue_dma source(%dma_start3A_53 : memref<6272xf32, #tpu.memory_space<hbm>>) target(%arg6 : memref<6272xf32, #tpu.memory_space<vmem>>) target_semaphore(%run_scoped3A : memref<!tpu.dma_semaphore, #tpu.memory_space<semaphore_mem>>)
        %dma_wait3A = tpu.memref_slice %arg2[%mul3A_44] : memref<100352xf32, #tpu.memory_space<hbm>> -> memref<6272xf32, #tpu.memory_space<hbm>>
        %dma_wait3A_54 = tpu.memref_slice %arg2[%mul3A_44] : memref<100352xf32, #tpu.memory_space<hbm>> -> memref<6272xf32, #tpu.memory_space<hbm>>
        tpu.wait_dma2 semaphore(%run_scoped3A : memref<!tpu.dma_semaphore, #tpu.memory_space<semaphore_mem>>) src(%dma_wait3A_54 : memref<6272xf32, #tpu.memory_space<hbm>>) dst(%arg6 : memref<6272xf32, #tpu.memory_space<vmem>>)
        tpu.yield
      }) : () -> ()
      %scan3A = arith.constant 0 : i32
      %scan3A_45 = arith.constant 392 : i32
      %scan3A_46 = arith.addi %scan3A, %scan3A_45 : i32
      %scan3A_47 = arith.constant 1 : i32
      scf.for %scan3A_53 = %scan3A to %scan3A_46 step %scan3A_47  : i32 {
        %mul3A_54 = arith.constant 1 : i32
        %mul3A_55 = arith.muli %scan3A_53, %mul3A_54 : i32
        %add3A = arith.constant 0 : i32
        %add3A_56 = arith.addi %add3A, %mul3A_55 : i32
        %mul3A_57 = arith.constant 16 : i32
        %mul3A_58 = arith.muli %add3A_56, %mul3A_57 : i32
        %get3A = arith.index_cast %mul3A_58 : i32 to index
        %get3A_59 = tpu.vector_load %arg6[%get3A] {strides = array<i32>} : memref<6272xf32, #tpu.memory_space<vmem>>, vector<16xf32>,
        %bitcast3A = vector.bitcast %get3A_59 : vector<16xf32> to vector<16xi32>
        %lt3A = arith.constant 0 : i32
        %lt3A_60 = vector.broadcast %lt3A : i32 to vector<16xi32>
        %lt3A_61 = arith.cmpi slt, %bitcast3A, %lt3A_60 : vector<16xi32>
        %not3A = arith.constant dense<-1> : vector<16xi32>
        %not3A_62 = arith.xori %bitcast3A, %not3A : vector<16xi32>
        %and3A = arith.constant 2147483647 : i32
        %and3A_63 = vector.broadcast %and3A : i32 to vector<16xi32>
        %and3A_64 = arith.andi %not3A_62, %and3A_63 : vector<16xi32>
        %select_n3A = arith.select %lt3A_61, %bitcast3A, %and3A_64 : vector<16xi1>, vector<16xi32>
        %swap3A = arith.index_cast %mul3A_58 : i32 to index
        %swap3A_65 = tpu.vector_load %arg7[%swap3A] {strides = array<i32>} : memref<6272xi32, #tpu.memory_space<vmem>>, vector<16xi32>,
        tpu.vector_store %arg7[%swap3A], %select_n3A {strides = array<i32>} : memref<6272xi32, #tpu.memory_space<vmem>>, vector<16xi32>,
        %mul3A_66 = arith.constant 6272 : i32
        %mul3A_67 = arith.muli %arg1, %mul3A_66 : i32
        %add3A_68 = arith.addi %mul3A_67, %mul3A_58 : i32
        %add3A_69 = vector.broadcast %add3A_68 : i32 to vector<16xi32>
        %add3A_70 = arith.addi %add3A_69, %iota3A : vector<16xi32>
        %swap3A_71 = arith.index_cast %mul3A_58 : i32 to index
        %swap3A_72 = tpu.vector_load %arg8[%swap3A_71] {strides = array<i32>} : memref<6272xi32, #tpu.memory_space<vmem>>, vector<16xi32>,
        tpu.vector_store %arg8[%swap3A_71], %add3A_70 {strides = array<i32>} : memref<6272xi32, #tpu.memory_space<vmem>>, vector<16xi32>,
      }
      %scan3A_48 = arith.constant 392 : i32
      %mul3A_49 = arith.constant 6272 : i32
      %mul3A_50 = arith.muli %arg1, %mul3A_49 : i32
      "tpu.region"() ({
        %run_scoped3A = tpu.sem_alloc : memref<!tpu.dma_semaphore, #tpu.memory_space<semaphore_mem>>
        %dma_start3A = tpu.memref_slice %arg17[%mul3A_50] : memref<100352xi32, #tpu.memory_space<vmem_shared>> -> memref<6272xi32, #tpu.memory_space<vmem_shared>>
        %dma_start3A_53 = tpu.memref_slice %arg17[%mul3A_50] : memref<100352xi32, #tpu.memory_space<vmem_shared>> -> memref<6272xi32, #tpu.memory_space<vmem_shared>>
        tpu.enqueue_dma source(%arg7 : memref<6272xi32, #tpu.memory_space<vmem>>) target(%dma_start3A_53 : memref<6272xi32, #tpu.memory_space<vmem_shared>>) target_semaphore(%run_scoped3A : memref<!tpu.dma_semaphore, #tpu.memory_space<semaphore_mem>>)
        %dma_wait3A = tpu.memref_slice %arg17[%mul3A_50] : memref<100352xi32, #tpu.memory_space<vmem_shared>> -> memref<6272xi32, #tpu.memory_space<vmem_shared>>
        %dma_wait3A_54 = tpu.memref_slice %arg17[%mul3A_50] : memref<100352xi32, #tpu.memory_space<vmem_shared>> -> memref<6272xi32, #tpu.memory_space<vmem_shared>>
        tpu.wait_dma2 semaphore(%run_scoped3A : memref<!tpu.dma_semaphore, #tpu.memory_space<semaphore_mem>>) src(%arg7 : memref<6272xi32, #tpu.memory_space<vmem>>) dst(%dma_wait3A_54 : memref<6272xi32, #tpu.memory_space<vmem_shared>>)
        tpu.yield
      }) : () -> ()
      %mul3A_51 = arith.constant 6272 : i32
      %mul3A_52 = arith.muli %arg1, %mul3A_51 : i32
      "tpu.region"() ({
        %run_scoped3A = tpu.sem_alloc : memref<!tpu.dma_semaphore, #tpu.memory_space<semaphore_mem>>
        %dma_start3A = tpu.memref_slice %arg18[%mul3A_52] : memref<100352xi32, #tpu.memory_space<vmem_shared>> -> memref<6272xi32, #tpu.memory_space<vmem_shared>>
        %dma_start3A_53 = tpu.memref_slice %arg18[%mul3A_52] : memref<100352xi32, #tpu.memory_space<vmem_shared>> -> memref<6272xi32, #tpu.memory_space<vmem_shared>>
        tpu.enqueue_dma source(%arg8 : memref<6272xi32, #tpu.memory_space<vmem>>) target(%dma_start3A_53 : memref<6272xi32, #tpu.memory_space<vmem_shared>>) target_semaphore(%run_scoped3A : memref<!tpu.dma_semaphore, #tpu.memory_space<semaphore_mem>>)
        %dma_wait3A = tpu.memref_slice %arg18[%mul3A_52] : memref<100352xi32, #tpu.memory_space<vmem_shared>> -> memref<6272xi32, #tpu.memory_space<vmem_shared>>
        %dma_wait3A_54 = tpu.memref_slice %arg18[%mul3A_52] : memref<100352xi32, #tpu.memory_space<vmem_shared>> -> memref<6272xi32, #tpu.memory_space<vmem_shared>>
        tpu.wait_dma2 semaphore(%run_scoped3A : memref<!tpu.dma_semaphore, #tpu.memory_space<semaphore_mem>>) src(%arg8 : memref<6272xi32, #tpu.memory_space<vmem>>) dst(%dma_wait3A_54 : memref<6272xi32, #tpu.memory_space<vmem_shared>>)
        tpu.yield
      }) : () -> ()
    } else {
    }
    %barrier3A = arith.constant 0 : index
    tpu.barrier barrier_id(%barrier3A)
    %broadcast_in_dim3A = arith.constant 0 : i32
    %broadcast_in_dim3A_2 = vector.broadcast %broadcast_in_dim3A : i32 to vector<16xi32>
    %convert_element_type3A_3 = arith.extui %eq3A_0 : i1 to i32
    %cond3A_4 = arith.constant 0 : i32
    %cond3A_5 = arith.cmpi ne, %convert_element_type3A_3, %cond3A_4 : i32
    scf.if %cond3A_5 {
      %mul3A = arith.constant 6272 : i32
      %mul3A_44 = arith.muli %arg1, %mul3A : i32
      "tpu.region"() ({
        %run_scoped3A = tpu.sem_alloc : memref<!tpu.dma_semaphore, #tpu.memory_space<semaphore_mem>>
        %dma_start3A = tpu.memref_slice %arg17[%mul3A_44] : memref<100352xi32, #tpu.memory_space<vmem_shared>> -> memref<6272xi32, #tpu.memory_space<vmem_shared>>
        %dma_start3A_61 = tpu.memref_slice %arg17[%mul3A_44] : memref<100352xi32, #tpu.memory_space<vmem_shared>> -> memref<6272xi32, #tpu.memory_space<vmem_shared>>
        tpu.enqueue_dma source(%dma_start3A_61 : memref<6272xi32, #tpu.memory_space<vmem_shared>>) target(%arg7 : memref<6272xi32, #tpu.memory_space<vmem>>) target_semaphore(%run_scoped3A : memref<!tpu.dma_semaphore, #tpu.memory_space<semaphore_mem>>)
        %dma_wait3A = tpu.memref_slice %arg17[%mul3A_44] : memref<100352xi32, #tpu.memory_space<vmem_shared>> -> memref<6272xi32, #tpu.memory_space<vmem_shared>>
        %dma_wait3A_62 = tpu.memref_slice %arg17[%mul3A_44] : memref<100352xi32, #tpu.memory_space<vmem_shared>> -> memref<6272xi32, #tpu.memory_space<vmem_shared>>
        tpu.wait_dma2 semaphore(%run_scoped3A : memref<!tpu.dma_semaphore, #tpu.memory_space<semaphore_mem>>) src(%dma_wait3A_62 : memref<6272xi32, #tpu.memory_space<vmem_shared>>) dst(%arg7 : memref<6272xi32, #tpu.memory_space<vmem>>)
        tpu.yield
      }) : () -> ()
      %scan3A = arith.constant 0 : i32
      %scan3A_45 = arith.constant 256 : i32
      %scan3A_46 = arith.addi %scan3A, %scan3A_45 : i32
      %scan3A_47 = arith.constant 1 : i32
      scf.for %scan3A_61 = %scan3A to %scan3A_46 step %scan3A_47  : i32 {
        %mul3A_62 = arith.constant 1 : i32
        %mul3A_63 = arith.muli %scan3A_61, %mul3A_62 : i32
        %add3A = arith.constant 0 : i32
        %add3A_64 = arith.addi %add3A, %mul3A_63 : i32
        %broadcast_in_dim3A_65 = arith.constant 0 : i32
        %broadcast_in_dim3A_66 = vector.broadcast %broadcast_in_dim3A_65 : i32 to vector<16xi32>
        %mul3A_67 = arith.constant 16 : i32
        %mul3A_68 = arith.muli %add3A_64, %mul3A_67 : i32
        %swap3A = arith.index_cast %mul3A_68 : i32 to index
        %swap3A_69 = tpu.vector_load %arg11[%swap3A] {strides = array<i32>} : memref<4096xi32, #tpu.memory_space<vmem>>, vector<16xi32>,
        tpu.vector_store %arg11[%swap3A], %broadcast_in_dim3A_66 {strides = array<i32>} : memref<4096xi32, #tpu.memory_space<vmem>>, vector<16xi32>,
      }
      %scan3A_48 = arith.constant 256 : i32
      %scan3A_49 = arith.constant 0 : i32
      %scan3A_50 = arith.constant 392 : i32
      %scan3A_51 = arith.addi %scan3A_49, %scan3A_50 : i32
      %scan3A_52 = arith.constant 1 : i32
      scf.for %scan3A_61 = %scan3A_49 to %scan3A_51 step %scan3A_52  : i32 {
        %mul3A_62 = arith.constant 1 : i32
        %mul3A_63 = arith.muli %scan3A_61, %mul3A_62 : i32
        %add3A = arith.constant 0 : i32
        %add3A_64 = arith.addi %add3A, %mul3A_63 : i32
        %mul3A_65 = arith.constant 392 : i32
        %mul3A_66 = vector.broadcast %mul3A_65 : i32 to vector<16xi32>
        %mul3A_67 = arith.muli %iota3A, %mul3A_66 : vector<16xi32>
        %add3A_68 = vector.broadcast %add3A_64 : i32 to vector<16xi32>
        %add3A_69 = arith.addi %mul3A_67, %add3A_68 : vector<16xi32>
        %gather3A = tpu.vector_load_idx %arg7[%add3A_69] : memref<6272xi32, #tpu.memory_space<vmem>>[vector<16xi32>], vector<16xi32>,
        %shift_right_logical3A = arith.shrui %gather3A, %broadcast_in_dim3A_2 : vector<16xi32>
        %and3A = arith.constant 255 : i32
        %and3A_70 = vector.broadcast %and3A : i32 to vector<16xi32>
        %and3A_71 = arith.andi %shift_right_logical3A, %and3A_70 : vector<16xi32>
        %mul3A_72 = arith.constant 16 : i32
        %mul3A_73 = vector.broadcast %mul3A_72 : i32 to vector<16xi32>
        %mul3A_74 = arith.muli %and3A_71, %mul3A_73 : vector<16xi32>
        %add3A_75 = arith.addi %mul3A_74, %iota3A : vector<16xi32>
        %gather3A_76 = tpu.vector_load_idx %arg11[%add3A_75] : memref<4096xi32, #tpu.memory_space<vmem>>[vector<16xi32>], vector<16xi32>,
        %add3A_77 = arith.constant 1 : i32
        %add3A_78 = vector.broadcast %add3A_77 : i32 to vector<16xi32>
        %add3A_79 = arith.addi %gather3A_76, %add3A_78 : vector<16xi32>
        tpu.vector_store_idx %arg11[%add3A_75], %add3A_79 : memref<4096xi32, #tpu.memory_space<vmem>>[vector<16xi32>], vector<16xi32>,
      }
      %scan3A_53 = arith.constant 392 : i32
      %scan3A_54 = arith.constant 0 : i32
      %scan3A_55 = arith.constant 16 : i32
      %scan3A_56 = arith.addi %scan3A_54, %scan3A_55 : i32
      %scan3A_57 = arith.constant 1 : i32
      scf.for %scan3A_61 = %scan3A_54 to %scan3A_56 step %scan3A_57  : i32 {
        %mul3A_62 = arith.constant 1 : i32
        %mul3A_63 = arith.muli %scan3A_61, %mul3A_62 : i32
        %add3A = arith.constant 0 : i32
        %add3A_64 = arith.addi %add3A, %mul3A_63 : i32
        %broadcast_in_dim3A_65 = arith.constant 0 : i32
        %broadcast_in_dim3A_66 = vector.broadcast %broadcast_in_dim3A_65 : i32 to vector<16xi32>
        %mul3A_67 = arith.constant 256 : i32
        %mul3A_68 = arith.muli %add3A_64, %mul3A_67 : i32
        %mul3A_69 = arith.constant 16 : i32
        %mul3A_70 = vector.broadcast %mul3A_69 : i32 to vector<16xi32>
        %mul3A_71 = arith.muli %iota3A, %mul3A_70 : vector<16xi32>
        %add3A_72 = vector.broadcast %mul3A_68 : i32 to vector<16xi32>
        %add3A_73 = arith.addi %add3A_72, %mul3A_71 : vector<16xi32>
        %add3A_74 = arith.constant 0 : i32
        %add3A_75 = vector.broadcast %add3A_74 : i32 to vector<16xi32>
        %add3A_76 = arith.addi %add3A_73, %add3A_75 : vector<16xi32>
        %gather3A = tpu.vector_load_idx %arg11[%add3A_76] : memref<4096xi32, #tpu.memory_space<vmem>>[vector<16xi32>], vector<16xi32>,
        %add3A_77 = arith.addi %broadcast_in_dim3A_66, %gather3A : vector<16xi32>
        %mul3A_78 = arith.constant 256 : i32
        %mul3A_79 = arith.muli %add3A_64, %mul3A_78 : i32
        %mul3A_80 = arith.constant 16 : i32
        %mul3A_81 = vector.broadcast %mul3A_80 : i32 to vector<16xi32>
        %mul3A_82 = arith.muli %iota3A, %mul3A_81 : vector<16xi32>
        %add3A_83 = vector.broadcast %mul3A_79 : i32 to vector<16xi32>
        %add3A_84 = arith.addi %add3A_83, %mul3A_82 : vector<16xi32>
        %add3A_85 = arith.constant 1 : i32
        %add3A_86 = vector.broadcast %add3A_85 : i32 to vector<16xi32>
        %add3A_87 = arith.addi %add3A_84, %add3A_86 : vector<16xi32>
        %gather3A_88 = tpu.vector_load_idx %arg11[%add3A_87] : memref<4096xi32, #tpu.memory_space<vmem>>[vector<16xi32>], vector<16xi32>,
        %add3A_89 = arith.addi %add3A_77, %gather3A_88 : vector<16xi32>
        %mul3A_90 = arith.constant 256 : i32
        %mul3A_91 = arith.muli %add3A_64, %mul3A_90 : i32
        %mul3A_92 = arith.constant 16 : i32
        %mul3A_93 = vector.broadcast %mul3A_92 : i32 to vector<16xi32>
        %mul3A_94 = arith.muli %iota3A, %mul3A_93 : vector<16xi32>
        %add3A_95 = vector.broadcast %mul3A_91 : i32 to vector<16xi32>
        %add3A_96 = arith.addi %add3A_95, %mul3A_94 : vector<16xi32>
        %add3A_97 = arith.constant 2 : i32
        %add3A_98 = vector.broadcast %add3A_97 : i32 to vector<16xi32>
        %add3A_99 = arith.addi %add3A_96, %add3A_98 : vector<16xi32>
        %gather3A_100 = tpu.vector_load_idx %arg11[%add3A_99] : memref<4096xi32, #tpu.memory_space<vmem>>[vector<16xi32>], vector<16xi32>,
        %add3A_101 = arith.addi %add3A_89, %gather3A_100 : vector<16xi32>
        %mul3A_102 = arith.constant 256 : i32
        %mul3A_103 = arith.muli %add3A_64, %mul3A_102 : i32
        %mul3A_104 = arith.constant 16 : i32
        %mul3A_105 = vector.broadcast %mul3A_104 : i32 to vector<16xi32>
        %mul3A_106 = arith.muli %iota3A, %mul3A_105 : vector<16xi32>
        %add3A_107 = vector.broadcast %mul3A_103 : i32 to vector<16xi32>
        %add3A_108 = arith.addi %add3A_107, %mul3A_106 : vector<16xi32>
        %add3A_109 = arith.constant 3 : i32
        %add3A_110 = vector.broadcast %add3A_109 : i32 to vector<16xi32>
        %add3A_111 = arith.addi %add3A_108, %add3A_110 : vector<16xi32>
        %gather3A_112 = tpu.vector_load_idx %arg11[%add3A_111] : memref<4096xi32, #tpu.memory_space<vmem>>[vector<16xi32>], vector<16xi32>,
        %add3A_113 = arith.addi %add3A_101, %gather3A_112 : vector<16xi32>
        %mul3A_114 = arith.constant 256 : i32
        %mul3A_115 = arith.muli %add3A_64, %mul3A_114 : i32
        %mul3A_116 = arith.constant 16 : i32
        %mul3A_117 = vector.broadcast %mul3A_116 : i32 to vector<16xi32>
        %mul3A_118 = arith.muli %iota3A, %mul3A_117 : vector<16xi32>
        %add3A_119 = vector.broadcast %mul3A_115 : i32 to vector<16xi32>
        %add3A_120 = arith.addi %add3A_119, %mul3A_118 : vector<16xi32>
        %add3A_121 = arith.constant 4 : i32
        %add3A_122 = vector.broadcast %add3A_121 : i32 to vector<16xi32>
        %add3A_123 = arith.addi %add3A_120, %add3A_122 : vector<16xi32>
        %gather3A_124 = tpu.vector_load_idx %arg11[%add3A_123] : memref<4096xi32, #tpu.memory_space<vmem>>[vector<16xi32>], vector<16xi32>,
        %add3A_125 = arith.addi %add3A_113, %gather3A_124 : vector<16xi32>
        %mul3A_126 = arith.constant 256 : i32
        %mul3A_127 = arith.muli %add3A_64, %mul3A_126 : i32
        %mul3A_128 = arith.constant 16 : i32
        %mul3A_129 = vector.broadcast %mul3A_128 : i32 to vector<16xi32>
        %mul3A_130 = arith.muli %iota3A, %mul3A_129 : vector<16xi32>
        %add3A_131 = vector.broadcast %mul3A_127 : i32 to vector<16xi32>
        %add3A_132 = arith.addi %add3A_131, %mul3A_130 : vector<16xi32>
        %add3A_133 = arith.constant 5 : i32
        %add3A_134 = vector.broadcast %add3A_133 : i32 to vector<16xi32>
        %add3A_135 = arith.addi %add3A_132, %add3A_134 : vector<16xi32>
        %gather3A_136 = tpu.vector_load_idx %arg11[%add3A_135] : memref<4096xi32, #tpu.memory_space<vmem>>[vector<16xi32>], vector<16xi32>,
        %add3A_137 = arith.addi %add3A_125, %gather3A_136 : vector<16xi32>
        %mul3A_138 = arith.constant 256 : i32
        %mul3A_139 = arith.muli %add3A_64, %mul3A_138 : i32
        %mul3A_140 = arith.constant 16 : i32
        %mul3A_141 = vector.broadcast %mul3A_140 : i32 to vector<16xi32>
        %mul3A_142 = arith.muli %iota3A, %mul3A_141 : vector<16xi32>
        %add3A_143 = vector.broadcast %mul3A_139 : i32 to vector<16xi32>
        %add3A_144 = arith.addi %add3A_143, %mul3A_142 : vector<16xi32>
        %add3A_145 = arith.constant 6 : i32
        %add3A_146 = vector.broadcast %add3A_145 : i32 to vector<16xi32>
        %add3A_147 = arith.addi %add3A_144, %add3A_146 : vector<16xi32>
        %gather3A_148 = tpu.vector_load_idx %arg11[%add3A_147] : memref<4096xi32, #tpu.memory_space<vmem>>[vector<16xi32>], vector<16xi32>,
        %add3A_149 = arith.addi %add3A_137, %gather3A_148 : vector<16xi32>
        %mul3A_150 = arith.constant 256 : i32
        %mul3A_151 = arith.muli %add3A_64, %mul3A_150 : i32
        %mul3A_152 = arith.constant 16 : i32
        %mul3A_153 = vector.broadcast %mul3A_152 : i32 to vector<16xi32>
        %mul3A_154 = arith.muli %iota3A, %mul3A_153 : vector<16xi32>
        %add3A_155 = vector.broadcast %mul3A_151 : i32 to vector<16xi32>
        %add3A_156 = arith.addi %add3A_155, %mul3A_154 : vector<16xi32>
        %add3A_157 = arith.constant 7 : i32
        %add3A_158 = vector.broadcast %add3A_157 : i32 to vector<16xi32>
        %add3A_159 = arith.addi %add3A_156, %add3A_158 : vector<16xi32>
        %gather3A_160 = tpu.vector_load_idx %arg11[%add3A_159] : memref<4096xi32, #tpu.memory_space<vmem>>[vector<16xi32>], vector<16xi32>,
        %add3A_161 = arith.addi %add3A_149, %gather3A_160 : vector<16xi32>
        %mul3A_162 = arith.constant 256 : i32
        %mul3A_163 = arith.muli %add3A_64, %mul3A_162 : i32
        %mul3A_164 = arith.constant 16 : i32
        %mul3A_165 = vector.broadcast %mul3A_164 : i32 to vector<16xi32>
        %mul3A_166 = arith.muli %iota3A, %mul3A_165 : vector<16xi32>
        %add3A_167 = vector.broadcast %mul3A_163 : i32 to vector<16xi32>
        %add3A_168 = arith.addi %add3A_167, %mul3A_166 : vector<16xi32>
        %add3A_169 = arith.constant 8 : i32
        %add3A_170 = vector.broadcast %add3A_169 : i32 to vector<16xi32>
        %add3A_171 = arith.addi %add3A_168, %add3A_170 : vector<16xi32>
        %gather3A_172 = tpu.vector_load_idx %arg11[%add3A_171] : memref<4096xi32, #tpu.memory_space<vmem>>[vector<16xi32>], vector<16xi32>,
        %add3A_173 = arith.addi %add3A_161, %gather3A_172 : vector<16xi32>
        %mul3A_174 = arith.constant 256 : i32
        %mul3A_175 = arith.muli %add3A_64, %mul3A_174 : i32
        %mul3A_176 = arith.constant 16 : i32
        %mul3A_177 = vector.broadcast %mul3A_176 : i32 to vector<16xi32>
        %mul3A_178 = arith.muli %iota3A, %mul3A_177 : vector<16xi32>
        %add3A_179 = vector.broadcast %mul3A_175 : i32 to vector<16xi32>
        %add3A_180 = arith.addi %add3A_179, %mul3A_178 : vector<16xi32>
        %add3A_181 = arith.constant 9 : i32
        %add3A_182 = vector.broadcast %add3A_181 : i32 to vector<16xi32>
        %add3A_183 = arith.addi %add3A_180, %add3A_182 : vector<16xi32>
        %gather3A_184 = tpu.vector_load_idx %arg11[%add3A_183] : memref<4096xi32, #tpu.memory_space<vmem>>[vector<16xi32>], vector<16xi32>,
        %add3A_185 = arith.addi %add3A_173, %gather3A_184 : vector<16xi32>
        %mul3A_186 = arith.constant 256 : i32
        %mul3A_187 = arith.muli %add3A_64, %mul3A_186 : i32
        %mul3A_188 = arith.constant 16 : i32
        %mul3A_189 = vector.broadcast %mul3A_188 : i32 to vector<16xi32>
        %mul3A_190 = arith.muli %iota3A, %mul3A_189 : vector<16xi32>
        %add3A_191 = vector.broadcast %mul3A_187 : i32 to vector<16xi32>
        %add3A_192 = arith.addi %add3A_191, %mul3A_190 : vector<16xi32>
        %add3A_193 = arith.constant 10 : i32
        %add3A_194 = vector.broadcast %add3A_193 : i32 to vector<16xi32>
        %add3A_195 = arith.addi %add3A_192, %add3A_194 : vector<16xi32>
        %gather3A_196 = tpu.vector_load_idx %arg11[%add3A_195] : memref<4096xi32, #tpu.memory_space<vmem>>[vector<16xi32>], vector<16xi32>,
        %add3A_197 = arith.addi %add3A_185, %gather3A_196 : vector<16xi32>
        %mul3A_198 = arith.constant 256 : i32
        %mul3A_199 = arith.muli %add3A_64, %mul3A_198 : i32
        %mul3A_200 = arith.constant 16 : i32
        %mul3A_201 = vector.broadcast %mul3A_200 : i32 to vector<16xi32>
        %mul3A_202 = arith.muli %iota3A, %mul3A_201 : vector<16xi32>
        %add3A_203 = vector.broadcast %mul3A_199 : i32 to vector<16xi32>
        %add3A_204 = arith.addi %add3A_203, %mul3A_202 : vector<16xi32>
        %add3A_205 = arith.constant 11 : i32
        %add3A_206 = vector.broadcast %add3A_205 : i32 to vector<16xi32>
        %add3A_207 = arith.addi %add3A_204, %add3A_206 : vector<16xi32>
        %gather3A_208 = tpu.vector_load_idx %arg11[%add3A_207] : memref<4096xi32, #tpu.memory_space<vmem>>[vector<16xi32>], vector<16xi32>,
        %add3A_209 = arith.addi %add3A_197, %gather3A_208 : vector<16xi32>
        %mul3A_210 = arith.constant 256 : i32
        %mul3A_211 = arith.muli %add3A_64, %mul3A_210 : i32
        %mul3A_212 = arith.constant 16 : i32
        %mul3A_213 = vector.broadcast %mul3A_212 : i32 to vector<16xi32>
        %mul3A_214 = arith.muli %iota3A, %mul3A_213 : vector<16xi32>
        %add3A_215 = vector.broadcast %mul3A_211 : i32 to vector<16xi32>
        %add3A_216 = arith.addi %add3A_215, %mul3A_214 : vector<16xi32>
        %add3A_217 = arith.constant 12 : i32
        %add3A_218 = vector.broadcast %add3A_217 : i32 to vector<16xi32>
        %add3A_219 = arith.addi %add3A_216, %add3A_218 : vector<16xi32>
        %gather3A_220 = tpu.vector_load_idx %arg11[%add3A_219] : memref<4096xi32, #tpu.memory_space<vmem>>[vector<16xi32>], vector<16xi32>,
        %add3A_221 = arith.addi %add3A_209, %gather3A_220 : vector<16xi32>
        %mul3A_222 = arith.constant 256 : i32
        %mul3A_223 = arith.muli %add3A_64, %mul3A_222 : i32
        %mul3A_224 = arith.constant 16 : i32
        %mul3A_225 = vector.broadcast %mul3A_224 : i32 to vector<16xi32>
        %mul3A_226 = arith.muli %iota3A, %mul3A_225 : vector<16xi32>
        %add3A_227 = vector.broadcast %mul3A_223 : i32 to vector<16xi32>
        %add3A_228 = arith.addi %add3A_227, %mul3A_226 : vector<16xi32>
        %add3A_229 = arith.constant 13 : i32
        %add3A_230 = vector.broadcast %add3A_229 : i32 to vector<16xi32>
        %add3A_231 = arith.addi %add3A_228, %add3A_230 : vector<16xi32>
        %gather3A_232 = tpu.vector_load_idx %arg11[%add3A_231] : memref<4096xi32, #tpu.memory_space<vmem>>[vector<16xi32>], vector<16xi32>,
        %add3A_233 = arith.addi %add3A_221, %gather3A_232 : vector<16xi32>
        %mul3A_234 = arith.constant 256 : i32
        %mul3A_235 = arith.muli %add3A_64, %mul3A_234 : i32
        %mul3A_236 = arith.constant 16 : i32
        %mul3A_237 = vector.broadcast %mul3A_236 : i32 to vector<16xi32>
        %mul3A_238 = arith.muli %iota3A, %mul3A_237 : vector<16xi32>
        %add3A_239 = vector.broadcast %mul3A_235 : i32 to vector<16xi32>
        %add3A_240 = arith.addi %add3A_239, %mul3A_238 : vector<16xi32>
        %add3A_241 = arith.constant 14 : i32
        %add3A_242 = vector.broadcast %add3A_241 : i32 to vector<16xi32>
        %add3A_243 = arith.addi %add3A_240, %add3A_242 : vector<16xi32>
        %gather3A_244 = tpu.vector_load_idx %arg11[%add3A_243] : memref<4096xi32, #tpu.memory_space<vmem>>[vector<16xi32>], vector<16xi32>,
        %add3A_245 = arith.addi %add3A_233, %gather3A_244 : vector<16xi32>
        %mul3A_246 = arith.constant 256 : i32
        %mul3A_247 = arith.muli %add3A_64, %mul3A_246 : i32
        %mul3A_248 = arith.constant 16 : i32
        %mul3A_249 = vector.broadcast %mul3A_248 : i32 to vector<16xi32>
        %mul3A_250 = arith.muli %iota3A, %mul3A_249 : vector<16xi32>
        %add3A_251 = vector.broadcast %mul3A_247 : i32 to vector<16xi32>
        %add3A_252 = arith.addi %add3A_251, %mul3A_250 : vector<16xi32>
        %add3A_253 = arith.constant 15 : i32
        %add3A_254 = vector.broadcast %add3A_253 : i32 to vector<16xi32>
        %add3A_255 = arith.addi %add3A_252, %add3A_254 : vector<16xi32>
        %gather3A_256 = tpu.vector_load_idx %arg11[%add3A_255] : memref<4096xi32, #tpu.memory_space<vmem>>[vector<16xi32>], vector<16xi32>,
        %add3A_257 = arith.addi %add3A_245, %gather3A_256 : vector<16xi32>
        %mul3A_258 = arith.constant 16 : i32
        %mul3A_259 = arith.muli %add3A_64, %mul3A_258 : i32
        %swap3A = arith.index_cast %mul3A_259 : i32 to index
        %swap3A_260 = tpu.vector_load %arg14[%swap3A] {strides = array<i32>} : memref<256xi32, #tpu.memory_space<vmem>>, vector<16xi32>,
        tpu.vector_store %arg14[%swap3A], %add3A_257 {strides = array<i32>} : memref<256xi32, #tpu.memory_space<vmem>>, vector<16xi32>,
      }
      %scan3A_58 = arith.constant 16 : i32
      %mul3A_59 = arith.constant 256 : i32
      %mul3A_60 = arith.muli %arg1, %mul3A_59 : i32
      "tpu.region"() ({
        %run_scoped3A = tpu.sem_alloc : memref<!tpu.dma_semaphore, #tpu.memory_space<semaphore_mem>>
        %dma_start3A = tpu.memref_slice %arg24[%mul3A_60] : memref<4096xi32, #tpu.memory_space<vmem_shared>> -> memref<256xi32, #tpu.memory_space<vmem_shared>>
        %dma_start3A_61 = tpu.memref_slice %arg24[%mul3A_60] : memref<4096xi32, #tpu.memory_space<vmem_shared>> -> memref<256xi32, #tpu.memory_space<vmem_shared>>
        tpu.enqueue_dma source(%arg14 : memref<256xi32, #tpu.memory_space<vmem>>) target(%dma_start3A_61 : memref<256xi32, #tpu.memory_space<vmem_shared>>) target_semaphore(%run_scoped3A : memref<!tpu.dma_semaphore, #tpu.memory_space<semaphore_mem>>)
        %dma_wait3A = tpu.memref_slice %arg24[%mul3A_60] : memref<4096xi32, #tpu.memory_space<vmem_shared>> -> memref<256xi32, #tpu.memory_space<vmem_shared>>
        %dma_wait3A_62 = tpu.memref_slice %arg24[%mul3A_60] : memref<4096xi32, #tpu.memory_space<vmem_shared>> -> memref<256xi32, #tpu.memory_space<vmem_shared>>
        tpu.wait_dma2 semaphore(%run_scoped3A : memref<!tpu.dma_semaphore, #tpu.memory_space<semaphore_mem>>) src(%arg14 : memref<256xi32, #tpu.memory_space<vmem>>) dst(%dma_wait3A_62 : memref<256xi32, #tpu.memory_space<vmem_shared>>)
        tpu.yield
      }) : () -> ()
    } else {
    }
    %barrier3A_6 = arith.constant 0 : index
    tpu.barrier barrier_id(%barrier3A_6)
    %convert_element_type3A_7 = arith.extui %eq3A_0 : i1 to i32
    %cond3A_8 = arith.constant 0 : i32
    %cond3A_9 = arith.cmpi ne, %convert_element_type3A_7, %cond3A_8 : i32
    scf.if %cond3A_9 {
      "tpu.region"() ({
        %run_scoped3A = tpu.sem_alloc : memref<!tpu.dma_semaphore, #tpu.memory_space<semaphore_mem>>
        tpu.enqueue_dma source(%arg24 : memref<4096xi32, #tpu.memory_space<vmem_shared>>) target(%arg15 : memref<4096xi32, #tpu.memory_space<vmem>>) target_semaphore(%run_scoped3A : memref<!tpu.dma_semaphore, #tpu.memory_space<semaphore_mem>>)
        tpu.wait_dma2 semaphore(%run_scoped3A : memref<!tpu.dma_semaphore, #tpu.memory_space<semaphore_mem>>) src(%arg24 : memref<4096xi32, #tpu.memory_space<vmem_shared>>) dst(%arg15 : memref<4096xi32, #tpu.memory_space<vmem>>)
        tpu.yield
      }) : () -> ()
      %broadcast_in_dim3A_44 = arith.constant 0 : i32
      %broadcast_in_dim3A_45 = vector.broadcast %broadcast_in_dim3A_44 : i32 to vector<16xi32>
      %add3A = vector.broadcast %arg1 : i32 to vector<16xi32>
      %add3A_46 = arith.addi %broadcast_in_dim3A_45, %add3A : vector<16xi32>
      %broadcast_in_dim3A_47 = arith.constant 0 : i32
      %broadcast_in_dim3A_48 = vector.broadcast %broadcast_in_dim3A_47 : i32 to vector<16xi32>
      %scan3A = arith.constant 0 : i32
      %scan3A_49 = arith.constant 16 : i32
      %scan3A_50 = arith.addi %scan3A, %scan3A_49 : i32
      %scan3A_51 = arith.constant 1 : i32
      %scan3A_52 = scf.for %scan3A_65 = %scan3A to %scan3A_50 step %scan3A_51 iter_args(%scan3A_66 = %broadcast_in_dim3A_48) -> (vector<16xi32>)  : i32 {
        %mul3A_67 = arith.constant 1 : i32
        %mul3A_68 = arith.muli %scan3A_65, %mul3A_67 : i32
        %add3A_69 = arith.constant 0 : i32
        %add3A_70 = arith.addi %add3A_69, %mul3A_68 : i32
        %broadcast_in_dim3A_71 = arith.constant 0 : i32
        %broadcast_in_dim3A_72 = vector.broadcast %broadcast_in_dim3A_71 : i32 to vector<16xi32>
        %broadcast_in_dim3A_73 = arith.constant 0 : i32
        %broadcast_in_dim3A_74 = vector.broadcast %broadcast_in_dim3A_73 : i32 to vector<16xi32>
        %mul3A_75 = arith.constant 16 : i32
        %mul3A_76 = arith.muli %add3A_70, %mul3A_75 : i32
        %add3A_77 = arith.constant 0 : i32
        %add3A_78 = arith.addi %add3A_77, %mul3A_76 : i32
        %get3A = arith.index_cast %add3A_78 : i32 to index
        %get3A_79 = tpu.vector_load %arg15[%get3A] {strides = array<i32>} : memref<4096xi32, #tpu.memory_space<vmem>>, vector<16xi32>,
        %add3A_80 = arith.addi %broadcast_in_dim3A_72, %get3A_79 : vector<16xi32>
        %broadcast_in_dim3A_81 = arith.constant 0 : i32
        %broadcast_in_dim3A_82 = vector.broadcast %broadcast_in_dim3A_81 : i32 to vector<16xi32>
        %lt3A = arith.cmpi slt, %broadcast_in_dim3A_82, %add3A_46 : vector<16xi32>
        %jit3A = arith.constant 0 : i32
        %broadcast_in_dim3A_83 = vector.broadcast %jit3A : i32 to vector<16xi32>
        %select_n3A = arith.select %lt3A, %get3A_79, %broadcast_in_dim3A_83 : vector<16xi1>, vector<16xi32>
        %add3A_84 = arith.addi %broadcast_in_dim3A_74, %select_n3A : vector<16xi32>
        %mul3A_85 = arith.constant 16 : i32
        %mul3A_86 = arith.muli %add3A_70, %mul3A_85 : i32
        %add3A_87 = arith.constant 256 : i32
        %add3A_88 = arith.addi %add3A_87, %mul3A_86 : i32
        %get3A_89 = arith.index_cast %add3A_88 : i32 to index
        %get3A_90 = tpu.vector_load %arg15[%get3A_89] {strides = array<i32>} : memref<4096xi32, #tpu.memory_space<vmem>>, vector<16xi32>,
        %add3A_91 = arith.addi %add3A_80, %get3A_90 : vector<16xi32>
        %broadcast_in_dim3A_92 = arith.constant 1 : i32
        %broadcast_in_dim3A_93 = vector.broadcast %broadcast_in_dim3A_92 : i32 to vector<16xi32>
        %lt3A_94 = arith.cmpi slt, %broadcast_in_dim3A_93, %add3A_46 : vector<16xi32>
        %jit3A_95 = arith.constant 0 : i32
        %broadcast_in_dim3A_96 = vector.broadcast %jit3A_95 : i32 to vector<16xi32>
        %select_n3A_97 = arith.select %lt3A_94, %get3A_90, %broadcast_in_dim3A_96 : vector<16xi1>, vector<16xi32>
        %add3A_98 = arith.addi %add3A_84, %select_n3A_97 : vector<16xi32>
        %mul3A_99 = arith.constant 16 : i32
        %mul3A_100 = arith.muli %add3A_70, %mul3A_99 : i32
        %add3A_101 = arith.constant 512 : i32
        %add3A_102 = arith.addi %add3A_101, %mul3A_100 : i32
        %get3A_103 = arith.index_cast %add3A_102 : i32 to index
        %get3A_104 = tpu.vector_load %arg15[%get3A_103] {strides = array<i32>} : memref<4096xi32, #tpu.memory_space<vmem>>, vector<16xi32>,
        %add3A_105 = arith.addi %add3A_91, %get3A_104 : vector<16xi32>
        %broadcast_in_dim3A_106 = arith.constant 2 : i32
        %broadcast_in_dim3A_107 = vector.broadcast %broadcast_in_dim3A_106 : i32 to vector<16xi32>
        %lt3A_108 = arith.cmpi slt, %broadcast_in_dim3A_107, %add3A_46 : vector<16xi32>
        %jit3A_109 = arith.constant 0 : i32
        %broadcast_in_dim3A_110 = vector.broadcast %jit3A_109 : i32 to vector<16xi32>
        %select_n3A_111 = arith.select %lt3A_108, %get3A_104, %broadcast_in_dim3A_110 : vector<16xi1>, vector<16xi32>
        %add3A_112 = arith.addi %add3A_98, %select_n3A_111 : vector<16xi32>
        %mul3A_113 = arith.constant 16 : i32
        %mul3A_114 = arith.muli %add3A_70, %mul3A_113 : i32
        %add3A_115 = arith.constant 768 : i32
        %add3A_116 = arith.addi %add3A_115, %mul3A_114 : i32
        %get3A_117 = arith.index_cast %add3A_116 : i32 to index
        %get3A_118 = tpu.vector_load %arg15[%get3A_117] {strides = array<i32>} : memref<4096xi32, #tpu.memory_space<vmem>>, vector<16xi32>,
        %add3A_119 = arith.addi %add3A_105, %get3A_118 : vector<16xi32>
        %broadcast_in_dim3A_120 = arith.constant 3 : i32
        %broadcast_in_dim3A_121 = vector.broadcast %broadcast_in_dim3A_120 : i32 to vector<16xi32>
        %lt3A_122 = arith.cmpi slt, %broadcast_in_dim3A_121, %add3A_46 : vector<16xi32>
        %jit3A_123 = arith.constant 0 : i32
        %broadcast_in_dim3A_124 = vector.broadcast %jit3A_123 : i32 to vector<16xi32>
        %select_n3A_125 = arith.select %lt3A_122, %get3A_118, %broadcast_in_dim3A_124 : vector<16xi1>, vector<16xi32>
        %add3A_126 = arith.addi %add3A_112, %select_n3A_125 : vector<16xi32>
        %mul3A_127 = arith.constant 16 : i32
        %mul3A_128 = arith.muli %add3A_70, %mul3A_127 : i32
        %add3A_129 = arith.constant 1024 : i32
        %add3A_130 = arith.addi %add3A_129, %mul3A_128 : i32
        %get3A_131 = arith.index_cast %add3A_130 : i32 to index
        %get3A_132 = tpu.vector_load %arg15[%get3A_131] {strides = array<i32>} : memref<4096xi32, #tpu.memory_space<vmem>>, vector<16xi32>,
        %add3A_133 = arith.addi %add3A_119, %get3A_132 : vector<16xi32>
        %broadcast_in_dim3A_134 = arith.constant 4 : i32
        %broadcast_in_dim3A_135 = vector.broadcast %broadcast_in_dim3A_134 : i32 to vector<16xi32>
        %lt3A_136 = arith.cmpi slt, %broadcast_in_dim3A_135, %add3A_46 : vector<16xi32>
        %jit3A_137 = arith.constant 0 : i32
        %broadcast_in_dim3A_138 = vector.broadcast %jit3A_137 : i32 to vector<16xi32>
        %select_n3A_139 = arith.select %lt3A_136, %get3A_132, %broadcast_in_dim3A_138 : vector<16xi1>, vector<16xi32>
        %add3A_140 = arith.addi %add3A_126, %select_n3A_139 : vector<16xi32>
        %mul3A_141 = arith.constant 16 : i32
        %mul3A_142 = arith.muli %add3A_70, %mul3A_141 : i32
        %add3A_143 = arith.constant 1280 : i32
        %add3A_144 = arith.addi %add3A_143, %mul3A_142 : i32
        %get3A_145 = arith.index_cast %add3A_144 : i32 to index
        %get3A_146 = tpu.vector_load %arg15[%get3A_145] {strides = array<i32>} : memref<4096xi32, #tpu.memory_space<vmem>>, vector<16xi32>,
        %add3A_147 = arith.addi %add3A_133, %get3A_146 : vector<16xi32>
        %broadcast_in_dim3A_148 = arith.constant 5 : i32
        %broadcast_in_dim3A_149 = vector.broadcast %broadcast_in_dim3A_148 : i32 to vector<16xi32>
        %lt3A_150 = arith.cmpi slt, %broadcast_in_dim3A_149, %add3A_46 : vector<16xi32>
        %jit3A_151 = arith.constant 0 : i32
        %broadcast_in_dim3A_152 = vector.broadcast %jit3A_151 : i32 to vector<16xi32>
        %select_n3A_153 = arith.select %lt3A_150, %get3A_146, %broadcast_in_dim3A_152 : vector<16xi1>, vector<16xi32>
        %add3A_154 = arith.addi %add3A_140, %select_n3A_153 : vector<16xi32>
        %mul3A_155 = arith.constant 16 : i32
        %mul3A_156 = arith.muli %add3A_70, %mul3A_155 : i32
        %add3A_157 = arith.constant 1536 : i32
        %add3A_158 = arith.addi %add3A_157, %mul3A_156 : i32
        %get3A_159 = arith.index_cast %add3A_158 : i32 to index
        %get3A_160 = tpu.vector_load %arg15[%get3A_159] {strides = array<i32>} : memref<4096xi32, #tpu.memory_space<vmem>>, vector<16xi32>,
        %add3A_161 = arith.addi %add3A_147, %get3A_160 : vector<16xi32>
        %broadcast_in_dim3A_162 = arith.constant 6 : i32
        %broadcast_in_dim3A_163 = vector.broadcast %broadcast_in_dim3A_162 : i32 to vector<16xi32>
        %lt3A_164 = arith.cmpi slt, %broadcast_in_dim3A_163, %add3A_46 : vector<16xi32>
        %jit3A_165 = arith.constant 0 : i32
        %broadcast_in_dim3A_166 = vector.broadcast %jit3A_165 : i32 to vector<16xi32>
        %select_n3A_167 = arith.select %lt3A_164, %get3A_160, %broadcast_in_dim3A_166 : vector<16xi1>, vector<16xi32>
        %add3A_168 = arith.addi %add3A_154, %select_n3A_167 : vector<16xi32>
        %mul3A_169 = arith.constant 16 : i32
        %mul3A_170 = arith.muli %add3A_70, %mul3A_169 : i32
        %add3A_171 = arith.constant 1792 : i32
        %add3A_172 = arith.addi %add3A_171, %mul3A_170 : i32
        %get3A_173 = arith.index_cast %add3A_172 : i32 to index
        %get3A_174 = tpu.vector_load %arg15[%get3A_173] {strides = array<i32>} : memref<4096xi32, #tpu.memory_space<vmem>>, vector<16xi32>,
        %add3A_175 = arith.addi %add3A_161, %get3A_174 : vector<16xi32>
        %broadcast_in_dim3A_176 = arith.constant 7 : i32
        %broadcast_in_dim3A_177 = vector.broadcast %broadcast_in_dim3A_176 : i32 to vector<16xi32>
        %lt3A_178 = arith.cmpi slt, %broadcast_in_dim3A_177, %add3A_46 : vector<16xi32>
        %jit3A_179 = arith.constant 0 : i32
        %broadcast_in_dim3A_180 = vector.broadcast %jit3A_179 : i32 to vector<16xi32>
        %select_n3A_181 = arith.select %lt3A_178, %get3A_174, %broadcast_in_dim3A_180 : vector<16xi1>, vector<16xi32>
        %add3A_182 = arith.addi %add3A_168, %select_n3A_181 : vector<16xi32>
        %mul3A_183 = arith.constant 16 : i32
        %mul3A_184 = arith.muli %add3A_70, %mul3A_183 : i32
        %add3A_185 = arith.constant 2048 : i32
        %add3A_186 = arith.addi %add3A_185, %mul3A_184 : i32
        %get3A_187 = arith.index_cast %add3A_186 : i32 to index
        %get3A_188 = tpu.vector_load %arg15[%get3A_187] {strides = array<i32>} : memref<4096xi32, #tpu.memory_space<vmem>>, vector<16xi32>,
        %add3A_189 = arith.addi %add3A_175, %get3A_188 : vector<16xi32>
        %broadcast_in_dim3A_190 = arith.constant 8 : i32
        %broadcast_in_dim3A_191 = vector.broadcast %broadcast_in_dim3A_190 : i32 to vector<16xi32>
        %lt3A_192 = arith.cmpi slt, %broadcast_in_dim3A_191, %add3A_46 : vector<16xi32>
        %jit3A_193 = arith.constant 0 : i32
        %broadcast_in_dim3A_194 = vector.broadcast %jit3A_193 : i32 to vector<16xi32>
        %select_n3A_195 = arith.select %lt3A_192, %get3A_188, %broadcast_in_dim3A_194 : vector<16xi1>, vector<16xi32>
        %add3A_196 = arith.addi %add3A_182, %select_n3A_195 : vector<16xi32>
        %mul3A_197 = arith.constant 16 : i32
        %mul3A_198 = arith.muli %add3A_70, %mul3A_197 : i32
        %add3A_199 = arith.constant 2304 : i32
        %add3A_200 = arith.addi %add3A_199, %mul3A_198 : i32
        %get3A_201 = arith.index_cast %add3A_200 : i32 to index
        %get3A_202 = tpu.vector_load %arg15[%get3A_201] {strides = array<i32>} : memref<4096xi32, #tpu.memory_space<vmem>>, vector<16xi32>,
        %add3A_203 = arith.addi %add3A_189, %get3A_202 : vector<16xi32>
        %broadcast_in_dim3A_204 = arith.constant 9 : i32
        %broadcast_in_dim3A_205 = vector.broadcast %broadcast_in_dim3A_204 : i32 to vector<16xi32>
        %lt3A_206 = arith.cmpi slt, %broadcast_in_dim3A_205, %add3A_46 : vector<16xi32>
        %jit3A_207 = arith.constant 0 : i32
        %broadcast_in_dim3A_208 = vector.broadcast %jit3A_207 : i32 to vector<16xi32>
        %select_n3A_209 = arith.select %lt3A_206, %get3A_202, %broadcast_in_dim3A_208 : vector<16xi1>, vector<16xi32>
        %add3A_210 = arith.addi %add3A_196, %select_n3A_209 : vector<16xi32>
        %mul3A_211 = arith.constant 16 : i32
        %mul3A_212 = arith.muli %add3A_70, %mul3A_211 : i32
        %add3A_213 = arith.constant 2560 : i32
        %add3A_214 = arith.addi %add3A_213, %mul3A_212 : i32
        %get3A_215 = arith.index_cast %add3A_214 : i32 to index
        %get3A_216 = tpu.vector_load %arg15[%get3A_215] {strides = array<i32>} : memref<4096xi32, #tpu.memory_space<vmem>>, vector<16xi32>,
        %add3A_217 = arith.addi %add3A_203, %get3A_216 : vector<16xi32>
        %broadcast_in_dim3A_218 = arith.constant 10 : i32
        %broadcast_in_dim3A_219 = vector.broadcast %broadcast_in_dim3A_218 : i32 to vector<16xi32>
        %lt3A_220 = arith.cmpi slt, %broadcast_in_dim3A_219, %add3A_46 : vector<16xi32>
        %jit3A_221 = arith.constant 0 : i32
        %broadcast_in_dim3A_222 = vector.broadcast %jit3A_221 : i32 to vector<16xi32>
        %select_n3A_223 = arith.select %lt3A_220, %get3A_216, %broadcast_in_dim3A_222 : vector<16xi1>, vector<16xi32>
        %add3A_224 = arith.addi %add3A_210, %select_n3A_223 : vector<16xi32>
        %mul3A_225 = arith.constant 16 : i32
        %mul3A_226 = arith.muli %add3A_70, %mul3A_225 : i32
        %add3A_227 = arith.constant 2816 : i32
        %add3A_228 = arith.addi %add3A_227, %mul3A_226 : i32
        %get3A_229 = arith.index_cast %add3A_228 : i32 to index
        %get3A_230 = tpu.vector_load %arg15[%get3A_229] {strides = array<i32>} : memref<4096xi32, #tpu.memory_space<vmem>>, vector<16xi32>,
        %add3A_231 = arith.addi %add3A_217, %get3A_230 : vector<16xi32>
        %broadcast_in_dim3A_232 = arith.constant 11 : i32
        %broadcast_in_dim3A_233 = vector.broadcast %broadcast_in_dim3A_232 : i32 to vector<16xi32>
        %lt3A_234 = arith.cmpi slt, %broadcast_in_dim3A_233, %add3A_46 : vector<16xi32>
        %jit3A_235 = arith.constant 0 : i32
        %broadcast_in_dim3A_236 = vector.broadcast %jit3A_235 : i32 to vector<16xi32>
        %select_n3A_237 = arith.select %lt3A_234, %get3A_230, %broadcast_in_dim3A_236 : vector<16xi1>, vector<16xi32>
        %add3A_238 = arith.addi %add3A_224, %select_n3A_237 : vector<16xi32>
        %mul3A_239 = arith.constant 16 : i32
        %mul3A_240 = arith.muli %add3A_70, %mul3A_239 : i32
        %add3A_241 = arith.constant 3072 : i32
        %add3A_242 = arith.addi %add3A_241, %mul3A_240 : i32
        %get3A_243 = arith.index_cast %add3A_242 : i32 to index
        %get3A_244 = tpu.vector_load %arg15[%get3A_243] {strides = array<i32>} : memref<4096xi32, #tpu.memory_space<vmem>>, vector<16xi32>,
        %add3A_245 = arith.addi %add3A_231, %get3A_244 : vector<16xi32>
        %broadcast_in_dim3A_246 = arith.constant 12 : i32
        %broadcast_in_dim3A_247 = vector.broadcast %broadcast_in_dim3A_246 : i32 to vector<16xi32>
        %lt3A_248 = arith.cmpi slt, %broadcast_in_dim3A_247, %add3A_46 : vector<16xi32>
        %jit3A_249 = arith.constant 0 : i32
        %broadcast_in_dim3A_250 = vector.broadcast %jit3A_249 : i32 to vector<16xi32>
        %select_n3A_251 = arith.select %lt3A_248, %get3A_244, %broadcast_in_dim3A_250 : vector<16xi1>, vector<16xi32>
        %add3A_252 = arith.addi %add3A_238, %select_n3A_251 : vector<16xi32>
        %mul3A_253 = arith.constant 16 : i32
        %mul3A_254 = arith.muli %add3A_70, %mul3A_253 : i32
        %add3A_255 = arith.constant 3328 : i32
        %add3A_256 = arith.addi %add3A_255, %mul3A_254 : i32
        %get3A_257 = arith.index_cast %add3A_256 : i32 to index
        %get3A_258 = tpu.vector_load %arg15[%get3A_257] {strides = array<i32>} : memref<4096xi32, #tpu.memory_space<vmem>>, vector<16xi32>,
        %add3A_259 = arith.addi %add3A_245, %get3A_258 : vector<16xi32>
        %broadcast_in_dim3A_260 = arith.constant 13 : i32
        %broadcast_in_dim3A_261 = vector.broadcast %broadcast_in_dim3A_260 : i32 to vector<16xi32>
        %lt3A_262 = arith.cmpi slt, %broadcast_in_dim3A_261, %add3A_46 : vector<16xi32>
        %jit3A_263 = arith.constant 0 : i32
        %broadcast_in_dim3A_264 = vector.broadcast %jit3A_263 : i32 to vector<16xi32>
        %select_n3A_265 = arith.select %lt3A_262, %get3A_258, %broadcast_in_dim3A_264 : vector<16xi1>, vector<16xi32>
        %add3A_266 = arith.addi %add3A_252, %select_n3A_265 : vector<16xi32>
        %mul3A_267 = arith.constant 16 : i32
        %mul3A_268 = arith.muli %add3A_70, %mul3A_267 : i32
        %add3A_269 = arith.constant 3584 : i32
        %add3A_270 = arith.addi %add3A_269, %mul3A_268 : i32
        %get3A_271 = arith.index_cast %add3A_270 : i32 to index
        %get3A_272 = tpu.vector_load %arg15[%get3A_271] {strides = array<i32>} : memref<4096xi32, #tpu.memory_space<vmem>>, vector<16xi32>,
        %add3A_273 = arith.addi %add3A_259, %get3A_272 : vector<16xi32>
        %broadcast_in_dim3A_274 = arith.constant 14 : i32
        %broadcast_in_dim3A_275 = vector.broadcast %broadcast_in_dim3A_274 : i32 to vector<16xi32>
        %lt3A_276 = arith.cmpi slt, %broadcast_in_dim3A_275, %add3A_46 : vector<16xi32>
        %jit3A_277 = arith.constant 0 : i32
        %broadcast_in_dim3A_278 = vector.broadcast %jit3A_277 : i32 to vector<16xi32>
        %select_n3A_279 = arith.select %lt3A_276, %get3A_272, %broadcast_in_dim3A_278 : vector<16xi1>, vector<16xi32>
        %add3A_280 = arith.addi %add3A_266, %select_n3A_279 : vector<16xi32>
        %mul3A_281 = arith.constant 16 : i32
        %mul3A_282 = arith.muli %add3A_70, %mul3A_281 : i32
        %add3A_283 = arith.constant 3840 : i32
        %add3A_284 = arith.addi %add3A_283, %mul3A_282 : i32
        %get3A_285 = arith.index_cast %add3A_284 : i32 to index
        %get3A_286 = tpu.vector_load %arg15[%get3A_285] {strides = array<i32>} : memref<4096xi32, #tpu.memory_space<vmem>>, vector<16xi32>,
        %add3A_287 = arith.addi %add3A_273, %get3A_286 : vector<16xi32>
        %broadcast_in_dim3A_288 = arith.constant 15 : i32
        %broadcast_in_dim3A_289 = vector.broadcast %broadcast_in_dim3A_288 : i32 to vector<16xi32>
        %lt3A_290 = arith.cmpi slt, %broadcast_in_dim3A_289, %add3A_46 : vector<16xi32>
        %jit3A_291 = arith.constant 0 : i32
        %broadcast_in_dim3A_292 = vector.broadcast %jit3A_291 : i32 to vector<16xi32>
        %select_n3A_293 = arith.select %lt3A_290, %get3A_286, %broadcast_in_dim3A_292 : vector<16xi1>, vector<16xi32>
        %add3A_294 = arith.addi %add3A_280, %select_n3A_293 : vector<16xi32>
        %broadcast_in_dim3A_295 = arith.constant true
        %broadcast_in_dim3A_296 = vector.broadcast %broadcast_in_dim3A_295 : i1 to vector<16xi1>
        %masked_cumsum3A = tpu.scan <sum>, %add3A_287 masked %broadcast_in_dim3A_296 : vector<16xi32>, vector<16xi1> -> vector<16xi32>
        %sub3A = arith.subi %masked_cumsum3A, %add3A_287 : vector<16xi32>
        %add3A_297 = arith.addi %sub3A, %scan3A_66 : vector<16xi32>
        %add3A_298 = arith.addi %add3A_297, %add3A_294 : vector<16xi32>
        %mul3A_299 = arith.constant 16 : i32
        %mul3A_300 = arith.muli %add3A_70, %mul3A_299 : i32
        %swap3A = arith.index_cast %mul3A_300 : i32 to index
        %swap3A_301 = tpu.vector_load %arg13[%swap3A] {strides = array<i32>} : memref<256xi32, #tpu.memory_space<vmem>>, vector<16xi32>,
        tpu.vector_store %arg13[%swap3A], %add3A_298 {strides = array<i32>} : memref<256xi32, #tpu.memory_space<vmem>>, vector<16xi32>,
        %swap3A_302 = arith.constant 0 : index
        %swap3A_303 = tpu.vector_load %arg16[%swap3A_302] {strides = array<i32>} : memref<16xi32, #tpu.memory_space<vmem>>, vector<16xi32>,
        tpu.vector_store %arg16[%swap3A_302], %masked_cumsum3A {strides = array<i32>} : memref<16xi32, #tpu.memory_space<vmem>>, vector<16xi32>,
        %broadcast_in_dim3A_304 = arith.constant 15 : i32
        %broadcast_in_dim3A_305 = vector.broadcast %broadcast_in_dim3A_304 : i32 to vector<16xi32>
        %gather3A = tpu.vector_load_idx %arg16[%broadcast_in_dim3A_305] : memref<16xi32, #tpu.memory_space<vmem>>[vector<16xi32>], vector<16xi32>,
        %add3A_306 = arith.addi %scan3A_66, %gather3A : vector<16xi32>
        scf.yield %add3A_306 : vector<16xi32>
      }
      %scan3A_53 = arith.constant 16 : i32
      %scan3A_54 = arith.constant 0 : i32
      %scan3A_55 = arith.constant 256 : i32
      %scan3A_56 = arith.addi %scan3A_54, %scan3A_55 : i32
      %scan3A_57 = arith.constant 1 : i32
      scf.for %scan3A_65 = %scan3A_54 to %scan3A_56 step %scan3A_57  : i32 {
        %mul3A_66 = arith.constant 1 : i32
        %mul3A_67 = arith.muli %scan3A_65, %mul3A_66 : i32
        %add3A_68 = arith.constant 0 : i32
        %add3A_69 = arith.addi %add3A_68, %mul3A_67 : i32
        %mul3A_70 = arith.constant 16 : i32
        %mul3A_71 = arith.muli %add3A_69, %mul3A_70 : i32
        %get3A = arith.index_cast %mul3A_71 : i32 to index
        %get3A_72 = tpu.vector_load %arg11[%get3A] {strides = array<i32>} : memref<4096xi32, #tpu.memory_space<vmem>>, vector<16xi32>,
        %broadcast_in_dim3A_73 = arith.constant true
        %broadcast_in_dim3A_74 = vector.broadcast %broadcast_in_dim3A_73 : i1 to vector<16xi1>
        %masked_cumsum3A = tpu.scan <sum>, %get3A_72 masked %broadcast_in_dim3A_74 : vector<16xi32>, vector<16xi1> -> vector<16xi32>
        %broadcast_in_dim3A_75 = arith.constant 0 : i32
        %broadcast_in_dim3A_76 = vector.broadcast %broadcast_in_dim3A_75 : i32 to vector<16xi32>
        %add3A_77 = vector.broadcast %add3A_69 : i32 to vector<16xi32>
        %add3A_78 = arith.addi %broadcast_in_dim3A_76, %add3A_77 : vector<16xi32>
        %gather3A = tpu.vector_load_idx %arg13[%add3A_78] : memref<256xi32, #tpu.memory_space<vmem>>[vector<16xi32>], vector<16xi32>,
        %sub3A = arith.subi %masked_cumsum3A, %get3A_72 : vector<16xi32>
        %add3A_79 = arith.addi %sub3A, %gather3A : vector<16xi32>
        %mul3A_80 = arith.constant 16 : i32
        %mul3A_81 = arith.muli %add3A_69, %mul3A_80 : i32
        %swap3A = arith.index_cast %mul3A_81 : i32 to index
        %swap3A_82 = tpu.vector_load %arg12[%swap3A] {strides = array<i32>} : memref<4096xi32, #tpu.memory_space<vmem>>, vector<16xi32>,
        tpu.vector_store %arg12[%swap3A], %add3A_79 {strides = array<i32>} : memref<4096xi32, #tpu.memory_space<vmem>>, vector<16xi32>,
      }
      %scan3A_58 = arith.constant 256 : i32
      %mul3A = arith.constant 6272 : i32
      %mul3A_59 = arith.muli %arg1, %mul3A : i32
      "tpu.region"() ({
        %run_scoped3A = tpu.sem_alloc : memref<!tpu.dma_semaphore, #tpu.memory_space<semaphore_mem>>
        %dma_start3A = tpu.memref_slice %arg18[%mul3A_59] : memref<100352xi32, #tpu.memory_space<vmem_shared>> -> memref<6272xi32, #tpu.memory_space<vmem_shared>>
        %dma_start3A_65 = tpu.memref_slice %arg18[%mul3A_59] : memref<100352xi32, #tpu.memory_space<vmem_shared>> -> memref<6272xi32, #tpu.memory_space<vmem_shared>>
        tpu.enqueue_dma source(%dma_start3A_65 : memref<6272xi32, #tpu.memory_space<vmem_shared>>) target(%arg8 : memref<6272xi32, #tpu.memory_space<vmem>>) target_semaphore(%run_scoped3A : memref<!tpu.dma_semaphore, #tpu.memory_space<semaphore_mem>>)
        %dma_wait3A = tpu.memref_slice %arg18[%mul3A_59] : memref<100352xi32, #tpu.memory_space<vmem_shared>> -> memref<6272xi32, #tpu.memory_space<vmem_shared>>
        %dma_wait3A_66 = tpu.memref_slice %arg18[%mul3A_59] : memref<100352xi32, #tpu.memory_space<vmem_shared>> -> memref<6272xi32, #tpu.memory_space<vmem_shared>>
        tpu.wait_dma2 semaphore(%run_scoped3A : memref<!tpu.dma_semaphore, #tpu.memory_space<semaphore_mem>>) src(%dma_wait3A_66 : memref<6272xi32, #tpu.memory_space<vmem_shared>>) dst(%arg8 : memref<6272xi32, #tpu.memory_space<vmem>>)
        tpu.yield
      }) : () -> ()
      %scan3A_60 = arith.constant 0 : i32
      %scan3A_61 = arith.constant 392 : i32
      %scan3A_62 = arith.addi %scan3A_60, %scan3A_61 : i32
      %scan3A_63 = arith.constant 1 : i32
      scf.for %scan3A_65 = %scan3A_60 to %scan3A_62 step %scan3A_63  : i32 {
        %mul3A_66 = arith.constant 1 : i32
        %mul3A_67 = arith.muli %scan3A_65, %mul3A_66 : i32
        %add3A_68 = arith.constant 0 : i32
        %add3A_69 = arith.addi %add3A_68, %mul3A_67 : i32
        %mul3A_70 = arith.constant 392 : i32
        %mul3A_71 = vector.broadcast %mul3A_70 : i32 to vector<16xi32>
        %mul3A_72 = arith.muli %iota3A, %mul3A_71 : vector<16xi32>
        %add3A_73 = vector.broadcast %add3A_69 : i32 to vector<16xi32>
        %add3A_74 = arith.addi %mul3A_72, %add3A_73 : vector<16xi32>
        %gather3A = tpu.vector_load_idx %arg7[%add3A_74] : memref<6272xi32, #tpu.memory_space<vmem>>[vector<16xi32>], vector<16xi32>,
        %shift_right_logical3A = arith.shrui %gather3A, %broadcast_in_dim3A_2 : vector<16xi32>
        %and3A = arith.constant 255 : i32
        %and3A_75 = vector.broadcast %and3A : i32 to vector<16xi32>
        %and3A_76 = arith.andi %shift_right_logical3A, %and3A_75 : vector<16xi32>
        %mul3A_77 = arith.constant 16 : i32
        %mul3A_78 = vector.broadcast %mul3A_77 : i32 to vector<16xi32>
        %mul3A_79 = arith.muli %and3A_76, %mul3A_78 : vector<16xi32>
        %add3A_80 = arith.addi %mul3A_79, %iota3A : vector<16xi32>
        %gather3A_81 = tpu.vector_load_idx %arg12[%add3A_80] : memref<4096xi32, #tpu.memory_space<vmem>>[vector<16xi32>], vector<16xi32>,
        %add3A_82 = arith.constant 1 : i32
        %add3A_83 = vector.broadcast %add3A_82 : i32 to vector<16xi32>
        %add3A_84 = arith.addi %gather3A_81, %add3A_83 : vector<16xi32>
        tpu.vector_store_idx %arg12[%add3A_80], %add3A_84 : memref<4096xi32, #tpu.memory_space<vmem>>[vector<16xi32>], vector<16xi32>,
        tpu.vector_store_idx %arg9[%add3A_74], %gather3A_81 : memref<6272xi32, #tpu.memory_space<vmem>>[vector<16xi32>], vector<16xi32>,
      }
      %scan3A_64 = arith.constant 392 : i32
      "tpu.region"() ({
        %run_scoped3A = tpu.sem_alloc : memref<!tpu.dma_semaphore, #tpu.memory_space<semaphore_mem>>
        %dma_start3A = arith.constant 0 : i32
        %dma_start3A_65 = tpu.memref_slice %arg19[%dma_start3A] : memref<100352xi32, #tpu.memory_space<vmem_shared>> -> memref<100352xi32, #tpu.memory_space<vmem_shared>>
        tpu.enqueue_indirect_dma source(%arg7 : memref<6272xi32, #tpu.memory_space<vmem>>) target(%dma_start3A_65 : memref<100352xi32, #tpu.memory_space<vmem_shared>>) offsets(%arg9 : memref<6272xi32, #tpu.memory_space<vmem>>) semaphore(%run_scoped3A : memref<!tpu.dma_semaphore, #tpu.memory_space<semaphore_mem>>)
        %dma_wait3A = arith.constant 0 : i32
        %dma_wait3A_66 = tpu.memref_slice %arg19[%dma_wait3A] : memref<100352xi32, #tpu.memory_space<vmem_shared>> -> memref<100352xi32, #tpu.memory_space<vmem_shared>>
        tpu.wait_indirect_dma semaphore(%run_scoped3A : memref<!tpu.dma_semaphore, #tpu.memory_space<semaphore_mem>>) src(%arg7 : memref<6272xi32, #tpu.memory_space<vmem>>) dst(%dma_wait3A_66 : memref<100352xi32, #tpu.memory_space<vmem_shared>>)
        tpu.yield
      }) : () -> ()
      "tpu.region"() ({
        %run_scoped3A = tpu.sem_alloc : memref<!tpu.dma_semaphore, #tpu.memory_space<semaphore_mem>>
        %dma_start3A = arith.constant 0 : i32
        %dma_start3A_65 = tpu.memref_slice %arg20[%dma_start3A] : memref<100352xi32, #tpu.memory_space<vmem_shared>> -> memref<100352xi32, #tpu.memory_space<vmem_shared>>
        tpu.enqueue_indirect_dma source(%arg8 : memref<6272xi32, #tpu.memory_space<vmem>>) target(%dma_start3A_65 : memref<100352xi32, #tpu.memory_space<vmem_shared>>) offsets(%arg9 : memref<6272xi32, #tpu.memory_space<vmem>>) semaphore(%run_scoped3A : memref<!tpu.dma_semaphore, #tpu.memory_space<semaphore_mem>>)
        %dma_wait3A = arith.constant 0 : i32
        %dma_wait3A_66 = tpu.memref_slice %arg20[%dma_wait3A] : memref<100352xi32, #tpu.memory_space<vmem_shared>> -> memref<100352xi32, #tpu.memory_space<vmem_shared>>
        tpu.wait_indirect_dma semaphore(%run_scoped3A : memref<!tpu.dma_semaphore, #tpu.memory_space<semaphore_mem>>) src(%arg8 : memref<6272xi32, #tpu.memory_space<vmem>>) dst(%dma_wait3A_66 : memref<100352xi32, #tpu.memory_space<vmem_shared>>)
        tpu.yield
      }) : () -> ()
    } else {
    }
    %barrier3A_10 = arith.constant 0 : index
    tpu.barrier barrier_id(%barrier3A_10)
    %broadcast_in_dim3A_11 = arith.constant 8 : i32
    %broadcast_in_dim3A_12 = vector.broadcast %broadcast_in_dim3A_11 : i32 to vector<16xi32>
    %convert_element_type3A_13 = arith.extui %eq3A_0 : i1 to i32
    %cond3A_14 = arith.constant 0 : i32
    %cond3A_15 = arith.cmpi ne, %convert_element_type3A_13, %cond3A_14 : i32
    scf.if %cond3A_15 {
      %mul3A = arith.constant 6272 : i32
      %mul3A_44 = arith.muli %arg1, %mul3A : i32
      "tpu.region"() ({
        %run_scoped3A = tpu.sem_alloc : memref<!tpu.dma_semaphore, #tpu.memory_space<semaphore_mem>>
        %dma_start3A = tpu.memref_slice %arg19[%mul3A_44] : memref<100352xi32, #tpu.memory_space<vmem_shared>> -> memref<6272xi32, #tpu.memory_space<vmem_shared>>
        %dma_start3A_61 = tpu.memref_slice %arg19[%mul3A_44] : memref<100352xi32, #tpu.memory_space<vmem_shared>> -> memref<6272xi32, #tpu.memory_space<vmem_shared>>
        tpu.enqueue_dma source(%dma_start3A_61 : memref<6272xi32, #tpu.memory_space<vmem_shared>>) target(%arg7 : memref<6272xi32, #tpu.memory_space<vmem>>) target_semaphore(%run_scoped3A : memref<!tpu.dma_semaphore, #tpu.memory_space<semaphore_mem>>)
        %dma_wait3A = tpu.memref_slice %arg19[%mul3A_44] : memref<100352xi32, #tpu.memory_space<vmem_shared>> -> memref<6272xi32, #tpu.memory_space<vmem_shared>>
        %dma_wait3A_62 = tpu.memref_slice %arg19[%mul3A_44] : memref<100352xi32, #tpu.memory_space<vmem_shared>> -> memref<6272xi32, #tpu.memory_space<vmem_shared>>
        tpu.wait_dma2 semaphore(%run_scoped3A : memref<!tpu.dma_semaphore, #tpu.memory_space<semaphore_mem>>) src(%dma_wait3A_62 : memref<6272xi32, #tpu.memory_space<vmem_shared>>) dst(%arg7 : memref<6272xi32, #tpu.memory_space<vmem>>)
        tpu.yield
      }) : () -> ()
      %scan3A = arith.constant 0 : i32
      %scan3A_45 = arith.constant 256 : i32
      %scan3A_46 = arith.addi %scan3A, %scan3A_45 : i32
      %scan3A_47 = arith.constant 1 : i32
      scf.for %scan3A_61 = %scan3A to %scan3A_46 step %scan3A_47  : i32 {
        %mul3A_62 = arith.constant 1 : i32
        %mul3A_63 = arith.muli %scan3A_61, %mul3A_62 : i32
        %add3A = arith.constant 0 : i32
        %add3A_64 = arith.addi %add3A, %mul3A_63 : i32
        %broadcast_in_dim3A_65 = arith.constant 0 : i32
        %broadcast_in_dim3A_66 = vector.broadcast %broadcast_in_dim3A_65 : i32 to vector<16xi32>
        %mul3A_67 = arith.constant 16 : i32
        %mul3A_68 = arith.muli %add3A_64, %mul3A_67 : i32
        %swap3A = arith.index_cast %mul3A_68 : i32 to index
        %swap3A_69 = tpu.vector_load %arg11[%swap3A] {strides = array<i32>} : memref<4096xi32, #tpu.memory_space<vmem>>, vector<16xi32>,
        tpu.vector_store %arg11[%swap3A], %broadcast_in_dim3A_66 {strides = array<i32>} : memref<4096xi32, #tpu.memory_space<vmem>>, vector<16xi32>,
      }
      %scan3A_48 = arith.constant 256 : i32
      %scan3A_49 = arith.constant 0 : i32
      %scan3A_50 = arith.constant 392 : i32
      %scan3A_51 = arith.addi %scan3A_49, %scan3A_50 : i32
      %scan3A_52 = arith.constant 1 : i32
      scf.for %scan3A_61 = %scan3A_49 to %scan3A_51 step %scan3A_52  : i32 {
        %mul3A_62 = arith.constant 1 : i32
        %mul3A_63 = arith.muli %scan3A_61, %mul3A_62 : i32
        %add3A = arith.constant 0 : i32
        %add3A_64 = arith.addi %add3A, %mul3A_63 : i32
        %mul3A_65 = arith.constant 392 : i32
        %mul3A_66 = vector.broadcast %mul3A_65 : i32 to vector<16xi32>
        %mul3A_67 = arith.muli %iota3A, %mul3A_66 : vector<16xi32>
        %add3A_68 = vector.broadcast %add3A_64 : i32 to vector<16xi32>
        %add3A_69 = arith.addi %mul3A_67, %add3A_68 : vector<16xi32>
        %gather3A = tpu.vector_load_idx %arg7[%add3A_69] : memref<6272xi32, #tpu.memory_space<vmem>>[vector<16xi32>], vector<16xi32>,
        %shift_right_logical3A = arith.shrui %gather3A, %broadcast_in_dim3A_12 : vector<16xi32>
        %and3A = arith.constant 255 : i32
        %and3A_70 = vector.broadcast %and3A : i32 to vector<16xi32>
        %and3A_71 = arith.andi %shift_right_logical3A, %and3A_70 : vector<16xi32>
        %mul3A_72 = arith.constant 16 : i32
        %mul3A_73 = vector.broadcast %mul3A_72 : i32 to vector<16xi32>
        %mul3A_74 = arith.muli %and3A_71, %mul3A_73 : vector<16xi32>
        %add3A_75 = arith.addi %mul3A_74, %iota3A : vector<16xi32>
        %gather3A_76 = tpu.vector_load_idx %arg11[%add3A_75] : memref<4096xi32, #tpu.memory_space<vmem>>[vector<16xi32>], vector<16xi32>,
        %add3A_77 = arith.constant 1 : i32
        %add3A_78 = vector.broadcast %add3A_77 : i32 to vector<16xi32>
        %add3A_79 = arith.addi %gather3A_76, %add3A_78 : vector<16xi32>
        tpu.vector_store_idx %arg11[%add3A_75], %add3A_79 : memref<4096xi32, #tpu.memory_space<vmem>>[vector<16xi32>], vector<16xi32>,
      }
      %scan3A_53 = arith.constant 392 : i32
      %scan3A_54 = arith.constant 0 : i32
      %scan3A_55 = arith.constant 16 : i32
      %scan3A_56 = arith.addi %scan3A_54, %scan3A_55 : i32
      %scan3A_57 = arith.constant 1 : i32
      scf.for %scan3A_61 = %scan3A_54 to %scan3A_56 step %scan3A_57  : i32 {
        %mul3A_62 = arith.constant 1 : i32
        %mul3A_63 = arith.muli %scan3A_61, %mul3A_62 : i32
        %add3A = arith.constant 0 : i32
        %add3A_64 = arith.addi %add3A, %mul3A_63 : i32
        %broadcast_in_dim3A_65 = arith.constant 0 : i32
        %broadcast_in_dim3A_66 = vector.broadcast %broadcast_in_dim3A_65 : i32 to vector<16xi32>
        %mul3A_67 = arith.constant 256 : i32
        %mul3A_68 = arith.muli %add3A_64, %mul3A_67 : i32
        %mul3A_69 = arith.constant 16 : i32
        %mul3A_70 = vector.broadcast %mul3A_69 : i32 to vector<16xi32>
        %mul3A_71 = arith.muli %iota3A, %mul3A_70 : vector<16xi32>
        %add3A_72 = vector.broadcast %mul3A_68 : i32 to vector<16xi32>
        %add3A_73 = arith.addi %add3A_72, %mul3A_71 : vector<16xi32>
        %add3A_74 = arith.constant 0 : i32
        %add3A_75 = vector.broadcast %add3A_74 : i32 to vector<16xi32>
        %add3A_76 = arith.addi %add3A_73, %add3A_75 : vector<16xi32>
        %gather3A = tpu.vector_load_idx %arg11[%add3A_76] : memref<4096xi32, #tpu.memory_space<vmem>>[vector<16xi32>], vector<16xi32>,
        %add3A_77 = arith.addi %broadcast_in_dim3A_66, %gather3A : vector<16xi32>
        %mul3A_78 = arith.constant 256 : i32
        %mul3A_79 = arith.muli %add3A_64, %mul3A_78 : i32
        %mul3A_80 = arith.constant 16 : i32
        %mul3A_81 = vector.broadcast %mul3A_80 : i32 to vector<16xi32>
        %mul3A_82 = arith.muli %iota3A, %mul3A_81 : vector<16xi32>
        %add3A_83 = vector.broadcast %mul3A_79 : i32 to vector<16xi32>
        %add3A_84 = arith.addi %add3A_83, %mul3A_82 : vector<16xi32>
        %add3A_85 = arith.constant 1 : i32
        %add3A_86 = vector.broadcast %add3A_85 : i32 to vector<16xi32>
        %add3A_87 = arith.addi %add3A_84, %add3A_86 : vector<16xi32>
        %gather3A_88 = tpu.vector_load_idx %arg11[%add3A_87] : memref<4096xi32, #tpu.memory_space<vmem>>[vector<16xi32>], vector<16xi32>,
        %add3A_89 = arith.addi %add3A_77, %gather3A_88 : vector<16xi32>
        %mul3A_90 = arith.constant 256 : i32
        %mul3A_91 = arith.muli %add3A_64, %mul3A_90 : i32
        %mul3A_92 = arith.constant 16 : i32
        %mul3A_93 = vector.broadcast %mul3A_92 : i32 to vector<16xi32>
        %mul3A_94 = arith.muli %iota3A, %mul3A_93 : vector<16xi32>
        %add3A_95 = vector.broadcast %mul3A_91 : i32 to vector<16xi32>
        %add3A_96 = arith.addi %add3A_95, %mul3A_94 : vector<16xi32>
        %add3A_97 = arith.constant 2 : i32
        %add3A_98 = vector.broadcast %add3A_97 : i32 to vector<16xi32>
        %add3A_99 = arith.addi %add3A_96, %add3A_98 : vector<16xi32>
        %gather3A_100 = tpu.vector_load_idx %arg11[%add3A_99] : memref<4096xi32, #tpu.memory_space<vmem>>[vector<16xi32>], vector<16xi32>,
        %add3A_101 = arith.addi %add3A_89, %gather3A_100 : vector<16xi32>
        %mul3A_102 = arith.constant 256 : i32
        %mul3A_103 = arith.muli %add3A_64, %mul3A_102 : i32
        %mul3A_104 = arith.constant 16 : i32
        %mul3A_105 = vector.broadcast %mul3A_104 : i32 to vector<16xi32>
        %mul3A_106 = arith.muli %iota3A, %mul3A_105 : vector<16xi32>
        %add3A_107 = vector.broadcast %mul3A_103 : i32 to vector<16xi32>
        %add3A_108 = arith.addi %add3A_107, %mul3A_106 : vector<16xi32>
        %add3A_109 = arith.constant 3 : i32
        %add3A_110 = vector.broadcast %add3A_109 : i32 to vector<16xi32>
        %add3A_111 = arith.addi %add3A_108, %add3A_110 : vector<16xi32>
        %gather3A_112 = tpu.vector_load_idx %arg11[%add3A_111] : memref<4096xi32, #tpu.memory_space<vmem>>[vector<16xi32>], vector<16xi32>,
        %add3A_113 = arith.addi %add3A_101, %gather3A_112 : vector<16xi32>
        %mul3A_114 = arith.constant 256 : i32
        %mul3A_115 = arith.muli %add3A_64, %mul3A_114 : i32
        %mul3A_116 = arith.constant 16 : i32
        %mul3A_117 = vector.broadcast %mul3A_116 : i32 to vector<16xi32>
        %mul3A_118 = arith.muli %iota3A, %mul3A_117 : vector<16xi32>
        %add3A_119 = vector.broadcast %mul3A_115 : i32 to vector<16xi32>
        %add3A_120 = arith.addi %add3A_119, %mul3A_118 : vector<16xi32>
        %add3A_121 = arith.constant 4 : i32
        %add3A_122 = vector.broadcast %add3A_121 : i32 to vector<16xi32>
        %add3A_123 = arith.addi %add3A_120, %add3A_122 : vector<16xi32>
        %gather3A_124 = tpu.vector_load_idx %arg11[%add3A_123] : memref<4096xi32, #tpu.memory_space<vmem>>[vector<16xi32>], vector<16xi32>,
        %add3A_125 = arith.addi %add3A_113, %gather3A_124 : vector<16xi32>
        %mul3A_126 = arith.constant 256 : i32
        %mul3A_127 = arith.muli %add3A_64, %mul3A_126 : i32
        %mul3A_128 = arith.constant 16 : i32
        %mul3A_129 = vector.broadcast %mul3A_128 : i32 to vector<16xi32>
        %mul3A_130 = arith.muli %iota3A, %mul3A_129 : vector<16xi32>
        %add3A_131 = vector.broadcast %mul3A_127 : i32 to vector<16xi32>
        %add3A_132 = arith.addi %add3A_131, %mul3A_130 : vector<16xi32>
        %add3A_133 = arith.constant 5 : i32
        %add3A_134 = vector.broadcast %add3A_133 : i32 to vector<16xi32>
        %add3A_135 = arith.addi %add3A_132, %add3A_134 : vector<16xi32>
        %gather3A_136 = tpu.vector_load_idx %arg11[%add3A_135] : memref<4096xi32, #tpu.memory_space<vmem>>[vector<16xi32>], vector<16xi32>,
        %add3A_137 = arith.addi %add3A_125, %gather3A_136 : vector<16xi32>
        %mul3A_138 = arith.constant 256 : i32
        %mul3A_139 = arith.muli %add3A_64, %mul3A_138 : i32
        %mul3A_140 = arith.constant 16 : i32
        %mul3A_141 = vector.broadcast %mul3A_140 : i32 to vector<16xi32>
        %mul3A_142 = arith.muli %iota3A, %mul3A_141 : vector<16xi32>
        %add3A_143 = vector.broadcast %mul3A_139 : i32 to vector<16xi32>
        %add3A_144 = arith.addi %add3A_143, %mul3A_142 : vector<16xi32>
        %add3A_145 = arith.constant 6 : i32
        %add3A_146 = vector.broadcast %add3A_145 : i32 to vector<16xi32>
        %add3A_147 = arith.addi %add3A_144, %add3A_146 : vector<16xi32>
        %gather3A_148 = tpu.vector_load_idx %arg11[%add3A_147] : memref<4096xi32, #tpu.memory_space<vmem>>[vector<16xi32>], vector<16xi32>,
        %add3A_149 = arith.addi %add3A_137, %gather3A_148 : vector<16xi32>
        %mul3A_150 = arith.constant 256 : i32
        %mul3A_151 = arith.muli %add3A_64, %mul3A_150 : i32
        %mul3A_152 = arith.constant 16 : i32
        %mul3A_153 = vector.broadcast %mul3A_152 : i32 to vector<16xi32>
        %mul3A_154 = arith.muli %iota3A, %mul3A_153 : vector<16xi32>
        %add3A_155 = vector.broadcast %mul3A_151 : i32 to vector<16xi32>
        %add3A_156 = arith.addi %add3A_155, %mul3A_154 : vector<16xi32>
        %add3A_157 = arith.constant 7 : i32
        %add3A_158 = vector.broadcast %add3A_157 : i32 to vector<16xi32>
        %add3A_159 = arith.addi %add3A_156, %add3A_158 : vector<16xi32>
        %gather3A_160 = tpu.vector_load_idx %arg11[%add3A_159] : memref<4096xi32, #tpu.memory_space<vmem>>[vector<16xi32>], vector<16xi32>,
        %add3A_161 = arith.addi %add3A_149, %gather3A_160 : vector<16xi32>
        %mul3A_162 = arith.constant 256 : i32
        %mul3A_163 = arith.muli %add3A_64, %mul3A_162 : i32
        %mul3A_164 = arith.constant 16 : i32
        %mul3A_165 = vector.broadcast %mul3A_164 : i32 to vector<16xi32>
        %mul3A_166 = arith.muli %iota3A, %mul3A_165 : vector<16xi32>
        %add3A_167 = vector.broadcast %mul3A_163 : i32 to vector<16xi32>
        %add3A_168 = arith.addi %add3A_167, %mul3A_166 : vector<16xi32>
        %add3A_169 = arith.constant 8 : i32
        %add3A_170 = vector.broadcast %add3A_169 : i32 to vector<16xi32>
        %add3A_171 = arith.addi %add3A_168, %add3A_170 : vector<16xi32>
        %gather3A_172 = tpu.vector_load_idx %arg11[%add3A_171] : memref<4096xi32, #tpu.memory_space<vmem>>[vector<16xi32>], vector<16xi32>,
        %add3A_173 = arith.addi %add3A_161, %gather3A_172 : vector<16xi32>
        %mul3A_174 = arith.constant 256 : i32
        %mul3A_175 = arith.muli %add3A_64, %mul3A_174 : i32
        %mul3A_176 = arith.constant 16 : i32
        %mul3A_177 = vector.broadcast %mul3A_176 : i32 to vector<16xi32>
        %mul3A_178 = arith.muli %iota3A, %mul3A_177 : vector<16xi32>
        %add3A_179 = vector.broadcast %mul3A_175 : i32 to vector<16xi32>
        %add3A_180 = arith.addi %add3A_179, %mul3A_178 : vector<16xi32>
        %add3A_181 = arith.constant 9 : i32
        %add3A_182 = vector.broadcast %add3A_181 : i32 to vector<16xi32>
        %add3A_183 = arith.addi %add3A_180, %add3A_182 : vector<16xi32>
        %gather3A_184 = tpu.vector_load_idx %arg11[%add3A_183] : memref<4096xi32, #tpu.memory_space<vmem>>[vector<16xi32>], vector<16xi32>,
        %add3A_185 = arith.addi %add3A_173, %gather3A_184 : vector<16xi32>
        %mul3A_186 = arith.constant 256 : i32
        %mul3A_187 = arith.muli %add3A_64, %mul3A_186 : i32
        %mul3A_188 = arith.constant 16 : i32
        %mul3A_189 = vector.broadcast %mul3A_188 : i32 to vector<16xi32>
        %mul3A_190 = arith.muli %iota3A, %mul3A_189 : vector<16xi32>
        %add3A_191 = vector.broadcast %mul3A_187 : i32 to vector<16xi32>
        %add3A_192 = arith.addi %add3A_191, %mul3A_190 : vector<16xi32>
        %add3A_193 = arith.constant 10 : i32
        %add3A_194 = vector.broadcast %add3A_193 : i32 to vector<16xi32>
        %add3A_195 = arith.addi %add3A_192, %add3A_194 : vector<16xi32>
        %gather3A_196 = tpu.vector_load_idx %arg11[%add3A_195] : memref<4096xi32, #tpu.memory_space<vmem>>[vector<16xi32>], vector<16xi32>,
        %add3A_197 = arith.addi %add3A_185, %gather3A_196 : vector<16xi32>
        %mul3A_198 = arith.constant 256 : i32
        %mul3A_199 = arith.muli %add3A_64, %mul3A_198 : i32
        %mul3A_200 = arith.constant 16 : i32
        %mul3A_201 = vector.broadcast %mul3A_200 : i32 to vector<16xi32>
        %mul3A_202 = arith.muli %iota3A, %mul3A_201 : vector<16xi32>
        %add3A_203 = vector.broadcast %mul3A_199 : i32 to vector<16xi32>
        %add3A_204 = arith.addi %add3A_203, %mul3A_202 : vector<16xi32>
        %add3A_205 = arith.constant 11 : i32
        %add3A_206 = vector.broadcast %add3A_205 : i32 to vector<16xi32>
        %add3A_207 = arith.addi %add3A_204, %add3A_206 : vector<16xi32>
        %gather3A_208 = tpu.vector_load_idx %arg11[%add3A_207] : memref<4096xi32, #tpu.memory_space<vmem>>[vector<16xi32>], vector<16xi32>,
        %add3A_209 = arith.addi %add3A_197, %gather3A_208 : vector<16xi32>
        %mul3A_210 = arith.constant 256 : i32
        %mul3A_211 = arith.muli %add3A_64, %mul3A_210 : i32
        %mul3A_212 = arith.constant 16 : i32
        %mul3A_213 = vector.broadcast %mul3A_212 : i32 to vector<16xi32>
        %mul3A_214 = arith.muli %iota3A, %mul3A_213 : vector<16xi32>
        %add3A_215 = vector.broadcast %mul3A_211 : i32 to vector<16xi32>
        %add3A_216 = arith.addi %add3A_215, %mul3A_214 : vector<16xi32>
        %add3A_217 = arith.constant 12 : i32
        %add3A_218 = vector.broadcast %add3A_217 : i32 to vector<16xi32>
        %add3A_219 = arith.addi %add3A_216, %add3A_218 : vector<16xi32>
        %gather3A_220 = tpu.vector_load_idx %arg11[%add3A_219] : memref<4096xi32, #tpu.memory_space<vmem>>[vector<16xi32>], vector<16xi32>,
        %add3A_221 = arith.addi %add3A_209, %gather3A_220 : vector<16xi32>
        %mul3A_222 = arith.constant 256 : i32
        %mul3A_223 = arith.muli %add3A_64, %mul3A_222 : i32
        %mul3A_224 = arith.constant 16 : i32
        %mul3A_225 = vector.broadcast %mul3A_224 : i32 to vector<16xi32>
        %mul3A_226 = arith.muli %iota3A, %mul3A_225 : vector<16xi32>
        %add3A_227 = vector.broadcast %mul3A_223 : i32 to vector<16xi32>
        %add3A_228 = arith.addi %add3A_227, %mul3A_226 : vector<16xi32>
        %add3A_229 = arith.constant 13 : i32
        %add3A_230 = vector.broadcast %add3A_229 : i32 to vector<16xi32>
        %add3A_231 = arith.addi %add3A_228, %add3A_230 : vector<16xi32>
        %gather3A_232 = tpu.vector_load_idx %arg11[%add3A_231] : memref<4096xi32, #tpu.memory_space<vmem>>[vector<16xi32>], vector<16xi32>,
        %add3A_233 = arith.addi %add3A_221, %gather3A_232 : vector<16xi32>
        %mul3A_234 = arith.constant 256 : i32
        %mul3A_235 = arith.muli %add3A_64, %mul3A_234 : i32
        %mul3A_236 = arith.constant 16 : i32
        %mul3A_237 = vector.broadcast %mul3A_236 : i32 to vector<16xi32>
        %mul3A_238 = arith.muli %iota3A, %mul3A_237 : vector<16xi32>
        %add3A_239 = vector.broadcast %mul3A_235 : i32 to vector<16xi32>
        %add3A_240 = arith.addi %add3A_239, %mul3A_238 : vector<16xi32>
        %add3A_241 = arith.constant 14 : i32
        %add3A_242 = vector.broadcast %add3A_241 : i32 to vector<16xi32>
        %add3A_243 = arith.addi %add3A_240, %add3A_242 : vector<16xi32>
        %gather3A_244 = tpu.vector_load_idx %arg11[%add3A_243] : memref<4096xi32, #tpu.memory_space<vmem>>[vector<16xi32>], vector<16xi32>,
        %add3A_245 = arith.addi %add3A_233, %gather3A_244 : vector<16xi32>
        %mul3A_246 = arith.constant 256 : i32
        %mul3A_247 = arith.muli %add3A_64, %mul3A_246 : i32
        %mul3A_248 = arith.constant 16 : i32
        %mul3A_249 = vector.broadcast %mul3A_248 : i32 to vector<16xi32>
        %mul3A_250 = arith.muli %iota3A, %mul3A_249 : vector<16xi32>
        %add3A_251 = vector.broadcast %mul3A_247 : i32 to vector<16xi32>
        %add3A_252 = arith.addi %add3A_251, %mul3A_250 : vector<16xi32>
        %add3A_253 = arith.constant 15 : i32
        %add3A_254 = vector.broadcast %add3A_253 : i32 to vector<16xi32>
        %add3A_255 = arith.addi %add3A_252, %add3A_254 : vector<16xi32>
        %gather3A_256 = tpu.vector_load_idx %arg11[%add3A_255] : memref<4096xi32, #tpu.memory_space<vmem>>[vector<16xi32>], vector<16xi32>,
        %add3A_257 = arith.addi %add3A_245, %gather3A_256 : vector<16xi32>
        %mul3A_258 = arith.constant 16 : i32
        %mul3A_259 = arith.muli %add3A_64, %mul3A_258 : i32
        %swap3A = arith.index_cast %mul3A_259 : i32 to index
        %swap3A_260 = tpu.vector_load %arg14[%swap3A] {strides = array<i32>} : memref<256xi32, #tpu.memory_space<vmem>>, vector<16xi32>,
        tpu.vector_store %arg14[%swap3A], %add3A_257 {strides = array<i32>} : memref<256xi32, #tpu.memory_space<vmem>>, vector<16xi32>,
      }
      %scan3A_58 = arith.constant 16 : i32
      %mul3A_59 = arith.constant 256 : i32
      %mul3A_60 = arith.muli %arg1, %mul3A_59 : i32
      "tpu.region"() ({
        %run_scoped3A = tpu.sem_alloc : memref<!tpu.dma_semaphore, #tpu.memory_space<semaphore_mem>>
        %dma_start3A = tpu.memref_slice %arg24[%mul3A_60] : memref<4096xi32, #tpu.memory_space<vmem_shared>> -> memref<256xi32, #tpu.memory_space<vmem_shared>>
        %dma_start3A_61 = tpu.memref_slice %arg24[%mul3A_60] : memref<4096xi32, #tpu.memory_space<vmem_shared>> -> memref<256xi32, #tpu.memory_space<vmem_shared>>
        tpu.enqueue_dma source(%arg14 : memref<256xi32, #tpu.memory_space<vmem>>) target(%dma_start3A_61 : memref<256xi32, #tpu.memory_space<vmem_shared>>) target_semaphore(%run_scoped3A : memref<!tpu.dma_semaphore, #tpu.memory_space<semaphore_mem>>)
        %dma_wait3A = tpu.memref_slice %arg24[%mul3A_60] : memref<4096xi32, #tpu.memory_space<vmem_shared>> -> memref<256xi32, #tpu.memory_space<vmem_shared>>
        %dma_wait3A_62 = tpu.memref_slice %arg24[%mul3A_60] : memref<4096xi32, #tpu.memory_space<vmem_shared>> -> memref<256xi32, #tpu.memory_space<vmem_shared>>
        tpu.wait_dma2 semaphore(%run_scoped3A : memref<!tpu.dma_semaphore, #tpu.memory_space<semaphore_mem>>) src(%arg14 : memref<256xi32, #tpu.memory_space<vmem>>) dst(%dma_wait3A_62 : memref<256xi32, #tpu.memory_space<vmem_shared>>)
        tpu.yield
      }) : () -> ()
    } else {
    }
    %barrier3A_16 = arith.constant 0 : index
    tpu.barrier barrier_id(%barrier3A_16)
    %convert_element_type3A_17 = arith.extui %eq3A_0 : i1 to i32
    %cond3A_18 = arith.constant 0 : i32
    %cond3A_19 = arith.cmpi ne, %convert_element_type3A_17, %cond3A_18 : i32
    scf.if %cond3A_19 {
      "tpu.region"() ({
        %run_scoped3A = tpu.sem_alloc : memref<!tpu.dma_semaphore, #tpu.memory_space<semaphore_mem>>
        tpu.enqueue_dma source(%arg24 : memref<4096xi32, #tpu.memory_space<vmem_shared>>) target(%arg15 : memref<4096xi32, #tpu.memory_space<vmem>>) target_semaphore(%run_scoped3A : memref<!tpu.dma_semaphore, #tpu.memory_space<semaphore_mem>>)
        tpu.wait_dma2 semaphore(%run_scoped3A : memref<!tpu.dma_semaphore, #tpu.memory_space<semaphore_mem>>) src(%arg24 : memref<4096xi32, #tpu.memory_space<vmem_shared>>) dst(%arg15 : memref<4096xi32, #tpu.memory_space<vmem>>)
        tpu.yield
      }) : () -> ()
      %broadcast_in_dim3A_44 = arith.constant 0 : i32
      %broadcast_in_dim3A_45 = vector.broadcast %broadcast_in_dim3A_44 : i32 to vector<16xi32>
      %add3A = vector.broadcast %arg1 : i32 to vector<16xi32>
      %add3A_46 = arith.addi %broadcast_in_dim3A_45, %add3A : vector<16xi32>
      %broadcast_in_dim3A_47 = arith.constant 0 : i32
      %broadcast_in_dim3A_48 = vector.broadcast %broadcast_in_dim3A_47 : i32 to vector<16xi32>
      %scan3A = arith.constant 0 : i32
      %scan3A_49 = arith.constant 16 : i32
      %scan3A_50 = arith.addi %scan3A, %scan3A_49 : i32
      %scan3A_51 = arith.constant 1 : i32
      %scan3A_52 = scf.for %scan3A_65 = %scan3A to %scan3A_50 step %scan3A_51 iter_args(%scan3A_66 = %broadcast_in_dim3A_48) -> (vector<16xi32>)  : i32 {
        %mul3A_67 = arith.constant 1 : i32
        %mul3A_68 = arith.muli %scan3A_65, %mul3A_67 : i32
        %add3A_69 = arith.constant 0 : i32
        %add3A_70 = arith.addi %add3A_69, %mul3A_68 : i32
        %broadcast_in_dim3A_71 = arith.constant 0 : i32
        %broadcast_in_dim3A_72 = vector.broadcast %broadcast_in_dim3A_71 : i32 to vector<16xi32>
        %broadcast_in_dim3A_73 = arith.constant 0 : i32
        %broadcast_in_dim3A_74 = vector.broadcast %broadcast_in_dim3A_73 : i32 to vector<16xi32>
        %mul3A_75 = arith.constant 16 : i32
        %mul3A_76 = arith.muli %add3A_70, %mul3A_75 : i32
        %add3A_77 = arith.constant 0 : i32
        %add3A_78 = arith.addi %add3A_77, %mul3A_76 : i32
        %get3A = arith.index_cast %add3A_78 : i32 to index
        %get3A_79 = tpu.vector_load %arg15[%get3A] {strides = array<i32>} : memref<4096xi32, #tpu.memory_space<vmem>>, vector<16xi32>,
        %add3A_80 = arith.addi %broadcast_in_dim3A_72, %get3A_79 : vector<16xi32>
        %broadcast_in_dim3A_81 = arith.constant 0 : i32
        %broadcast_in_dim3A_82 = vector.broadcast %broadcast_in_dim3A_81 : i32 to vector<16xi32>
        %lt3A = arith.cmpi slt, %broadcast_in_dim3A_82, %add3A_46 : vector<16xi32>
        %jit3A = arith.constant 0 : i32
        %broadcast_in_dim3A_83 = vector.broadcast %jit3A : i32 to vector<16xi32>
        %select_n3A = arith.select %lt3A, %get3A_79, %broadcast_in_dim3A_83 : vector<16xi1>, vector<16xi32>
        %add3A_84 = arith.addi %broadcast_in_dim3A_74, %select_n3A : vector<16xi32>
        %mul3A_85 = arith.constant 16 : i32
        %mul3A_86 = arith.muli %add3A_70, %mul3A_85 : i32
        %add3A_87 = arith.constant 256 : i32
        %add3A_88 = arith.addi %add3A_87, %mul3A_86 : i32
        %get3A_89 = arith.index_cast %add3A_88 : i32 to index
        %get3A_90 = tpu.vector_load %arg15[%get3A_89] {strides = array<i32>} : memref<4096xi32, #tpu.memory_space<vmem>>, vector<16xi32>,
        %add3A_91 = arith.addi %add3A_80, %get3A_90 : vector<16xi32>
        %broadcast_in_dim3A_92 = arith.constant 1 : i32
        %broadcast_in_dim3A_93 = vector.broadcast %broadcast_in_dim3A_92 : i32 to vector<16xi32>
        %lt3A_94 = arith.cmpi slt, %broadcast_in_dim3A_93, %add3A_46 : vector<16xi32>
        %jit3A_95 = arith.constant 0 : i32
        %broadcast_in_dim3A_96 = vector.broadcast %jit3A_95 : i32 to vector<16xi32>
        %select_n3A_97 = arith.select %lt3A_94, %get3A_90, %broadcast_in_dim3A_96 : vector<16xi1>, vector<16xi32>
        %add3A_98 = arith.addi %add3A_84, %select_n3A_97 : vector<16xi32>
        %mul3A_99 = arith.constant 16 : i32
        %mul3A_100 = arith.muli %add3A_70, %mul3A_99 : i32
        %add3A_101 = arith.constant 512 : i32
        %add3A_102 = arith.addi %add3A_101, %mul3A_100 : i32
        %get3A_103 = arith.index_cast %add3A_102 : i32 to index
        %get3A_104 = tpu.vector_load %arg15[%get3A_103] {strides = array<i32>} : memref<4096xi32, #tpu.memory_space<vmem>>, vector<16xi32>,
        %add3A_105 = arith.addi %add3A_91, %get3A_104 : vector<16xi32>
        %broadcast_in_dim3A_106 = arith.constant 2 : i32
        %broadcast_in_dim3A_107 = vector.broadcast %broadcast_in_dim3A_106 : i32 to vector<16xi32>
        %lt3A_108 = arith.cmpi slt, %broadcast_in_dim3A_107, %add3A_46 : vector<16xi32>
        %jit3A_109 = arith.constant 0 : i32
        %broadcast_in_dim3A_110 = vector.broadcast %jit3A_109 : i32 to vector<16xi32>
        %select_n3A_111 = arith.select %lt3A_108, %get3A_104, %broadcast_in_dim3A_110 : vector<16xi1>, vector<16xi32>
        %add3A_112 = arith.addi %add3A_98, %select_n3A_111 : vector<16xi32>
        %mul3A_113 = arith.constant 16 : i32
        %mul3A_114 = arith.muli %add3A_70, %mul3A_113 : i32
        %add3A_115 = arith.constant 768 : i32
        %add3A_116 = arith.addi %add3A_115, %mul3A_114 : i32
        %get3A_117 = arith.index_cast %add3A_116 : i32 to index
        %get3A_118 = tpu.vector_load %arg15[%get3A_117] {strides = array<i32>} : memref<4096xi32, #tpu.memory_space<vmem>>, vector<16xi32>,
        %add3A_119 = arith.addi %add3A_105, %get3A_118 : vector<16xi32>
        %broadcast_in_dim3A_120 = arith.constant 3 : i32
        %broadcast_in_dim3A_121 = vector.broadcast %broadcast_in_dim3A_120 : i32 to vector<16xi32>
        %lt3A_122 = arith.cmpi slt, %broadcast_in_dim3A_121, %add3A_46 : vector<16xi32>
        %jit3A_123 = arith.constant 0 : i32
        %broadcast_in_dim3A_124 = vector.broadcast %jit3A_123 : i32 to vector<16xi32>
        %select_n3A_125 = arith.select %lt3A_122, %get3A_118, %broadcast_in_dim3A_124 : vector<16xi1>, vector<16xi32>
        %add3A_126 = arith.addi %add3A_112, %select_n3A_125 : vector<16xi32>
        %mul3A_127 = arith.constant 16 : i32
        %mul3A_128 = arith.muli %add3A_70, %mul3A_127 : i32
        %add3A_129 = arith.constant 1024 : i32
        %add3A_130 = arith.addi %add3A_129, %mul3A_128 : i32
        %get3A_131 = arith.index_cast %add3A_130 : i32 to index
        %get3A_132 = tpu.vector_load %arg15[%get3A_131] {strides = array<i32>} : memref<4096xi32, #tpu.memory_space<vmem>>, vector<16xi32>,
        %add3A_133 = arith.addi %add3A_119, %get3A_132 : vector<16xi32>
        %broadcast_in_dim3A_134 = arith.constant 4 : i32
        %broadcast_in_dim3A_135 = vector.broadcast %broadcast_in_dim3A_134 : i32 to vector<16xi32>
        %lt3A_136 = arith.cmpi slt, %broadcast_in_dim3A_135, %add3A_46 : vector<16xi32>
        %jit3A_137 = arith.constant 0 : i32
        %broadcast_in_dim3A_138 = vector.broadcast %jit3A_137 : i32 to vector<16xi32>
        %select_n3A_139 = arith.select %lt3A_136, %get3A_132, %broadcast_in_dim3A_138 : vector<16xi1>, vector<16xi32>
        %add3A_140 = arith.addi %add3A_126, %select_n3A_139 : vector<16xi32>
        %mul3A_141 = arith.constant 16 : i32
        %mul3A_142 = arith.muli %add3A_70, %mul3A_141 : i32
        %add3A_143 = arith.constant 1280 : i32
        %add3A_144 = arith.addi %add3A_143, %mul3A_142 : i32
        %get3A_145 = arith.index_cast %add3A_144 : i32 to index
        %get3A_146 = tpu.vector_load %arg15[%get3A_145] {strides = array<i32>} : memref<4096xi32, #tpu.memory_space<vmem>>, vector<16xi32>,
        %add3A_147 = arith.addi %add3A_133, %get3A_146 : vector<16xi32>
        %broadcast_in_dim3A_148 = arith.constant 5 : i32
        %broadcast_in_dim3A_149 = vector.broadcast %broadcast_in_dim3A_148 : i32 to vector<16xi32>
        %lt3A_150 = arith.cmpi slt, %broadcast_in_dim3A_149, %add3A_46 : vector<16xi32>
        %jit3A_151 = arith.constant 0 : i32
        %broadcast_in_dim3A_152 = vector.broadcast %jit3A_151 : i32 to vector<16xi32>
        %select_n3A_153 = arith.select %lt3A_150, %get3A_146, %broadcast_in_dim3A_152 : vector<16xi1>, vector<16xi32>
        %add3A_154 = arith.addi %add3A_140, %select_n3A_153 : vector<16xi32>
        %mul3A_155 = arith.constant 16 : i32
        %mul3A_156 = arith.muli %add3A_70, %mul3A_155 : i32
        %add3A_157 = arith.constant 1536 : i32
        %add3A_158 = arith.addi %add3A_157, %mul3A_156 : i32
        %get3A_159 = arith.index_cast %add3A_158 : i32 to index
        %get3A_160 = tpu.vector_load %arg15[%get3A_159] {strides = array<i32>} : memref<4096xi32, #tpu.memory_space<vmem>>, vector<16xi32>,
        %add3A_161 = arith.addi %add3A_147, %get3A_160 : vector<16xi32>
        %broadcast_in_dim3A_162 = arith.constant 6 : i32
        %broadcast_in_dim3A_163 = vector.broadcast %broadcast_in_dim3A_162 : i32 to vector<16xi32>
        %lt3A_164 = arith.cmpi slt, %broadcast_in_dim3A_163, %add3A_46 : vector<16xi32>
        %jit3A_165 = arith.constant 0 : i32
        %broadcast_in_dim3A_166 = vector.broadcast %jit3A_165 : i32 to vector<16xi32>
        %select_n3A_167 = arith.select %lt3A_164, %get3A_160, %broadcast_in_dim3A_166 : vector<16xi1>, vector<16xi32>
        %add3A_168 = arith.addi %add3A_154, %select_n3A_167 : vector<16xi32>
        %mul3A_169 = arith.constant 16 : i32
        %mul3A_170 = arith.muli %add3A_70, %mul3A_169 : i32
        %add3A_171 = arith.constant 1792 : i32
        %add3A_172 = arith.addi %add3A_171, %mul3A_170 : i32
        %get3A_173 = arith.index_cast %add3A_172 : i32 to index
        %get3A_174 = tpu.vector_load %arg15[%get3A_173] {strides = array<i32>} : memref<4096xi32, #tpu.memory_space<vmem>>, vector<16xi32>,
        %add3A_175 = arith.addi %add3A_161, %get3A_174 : vector<16xi32>
        %broadcast_in_dim3A_176 = arith.constant 7 : i32
        %broadcast_in_dim3A_177 = vector.broadcast %broadcast_in_dim3A_176 : i32 to vector<16xi32>
        %lt3A_178 = arith.cmpi slt, %broadcast_in_dim3A_177, %add3A_46 : vector<16xi32>
        %jit3A_179 = arith.constant 0 : i32
        %broadcast_in_dim3A_180 = vector.broadcast %jit3A_179 : i32 to vector<16xi32>
        %select_n3A_181 = arith.select %lt3A_178, %get3A_174, %broadcast_in_dim3A_180 : vector<16xi1>, vector<16xi32>
        %add3A_182 = arith.addi %add3A_168, %select_n3A_181 : vector<16xi32>
        %mul3A_183 = arith.constant 16 : i32
        %mul3A_184 = arith.muli %add3A_70, %mul3A_183 : i32
        %add3A_185 = arith.constant 2048 : i32
        %add3A_186 = arith.addi %add3A_185, %mul3A_184 : i32
        %get3A_187 = arith.index_cast %add3A_186 : i32 to index
        %get3A_188 = tpu.vector_load %arg15[%get3A_187] {strides = array<i32>} : memref<4096xi32, #tpu.memory_space<vmem>>, vector<16xi32>,
        %add3A_189 = arith.addi %add3A_175, %get3A_188 : vector<16xi32>
        %broadcast_in_dim3A_190 = arith.constant 8 : i32
        %broadcast_in_dim3A_191 = vector.broadcast %broadcast_in_dim3A_190 : i32 to vector<16xi32>
        %lt3A_192 = arith.cmpi slt, %broadcast_in_dim3A_191, %add3A_46 : vector<16xi32>
        %jit3A_193 = arith.constant 0 : i32
        %broadcast_in_dim3A_194 = vector.broadcast %jit3A_193 : i32 to vector<16xi32>
        %select_n3A_195 = arith.select %lt3A_192, %get3A_188, %broadcast_in_dim3A_194 : vector<16xi1>, vector<16xi32>
        %add3A_196 = arith.addi %add3A_182, %select_n3A_195 : vector<16xi32>
        %mul3A_197 = arith.constant 16 : i32
        %mul3A_198 = arith.muli %add3A_70, %mul3A_197 : i32
        %add3A_199 = arith.constant 2304 : i32
        %add3A_200 = arith.addi %add3A_199, %mul3A_198 : i32
        %get3A_201 = arith.index_cast %add3A_200 : i32 to index
        %get3A_202 = tpu.vector_load %arg15[%get3A_201] {strides = array<i32>} : memref<4096xi32, #tpu.memory_space<vmem>>, vector<16xi32>,
        %add3A_203 = arith.addi %add3A_189, %get3A_202 : vector<16xi32>
        %broadcast_in_dim3A_204 = arith.constant 9 : i32
        %broadcast_in_dim3A_205 = vector.broadcast %broadcast_in_dim3A_204 : i32 to vector<16xi32>
        %lt3A_206 = arith.cmpi slt, %broadcast_in_dim3A_205, %add3A_46 : vector<16xi32>
        %jit3A_207 = arith.constant 0 : i32
        %broadcast_in_dim3A_208 = vector.broadcast %jit3A_207 : i32 to vector<16xi32>
        %select_n3A_209 = arith.select %lt3A_206, %get3A_202, %broadcast_in_dim3A_208 : vector<16xi1>, vector<16xi32>
        %add3A_210 = arith.addi %add3A_196, %select_n3A_209 : vector<16xi32>
        %mul3A_211 = arith.constant 16 : i32
        %mul3A_212 = arith.muli %add3A_70, %mul3A_211 : i32
        %add3A_213 = arith.constant 2560 : i32
        %add3A_214 = arith.addi %add3A_213, %mul3A_212 : i32
        %get3A_215 = arith.index_cast %add3A_214 : i32 to index
        %get3A_216 = tpu.vector_load %arg15[%get3A_215] {strides = array<i32>} : memref<4096xi32, #tpu.memory_space<vmem>>, vector<16xi32>,
        %add3A_217 = arith.addi %add3A_203, %get3A_216 : vector<16xi32>
        %broadcast_in_dim3A_218 = arith.constant 10 : i32
        %broadcast_in_dim3A_219 = vector.broadcast %broadcast_in_dim3A_218 : i32 to vector<16xi32>
        %lt3A_220 = arith.cmpi slt, %broadcast_in_dim3A_219, %add3A_46 : vector<16xi32>
        %jit3A_221 = arith.constant 0 : i32
        %broadcast_in_dim3A_222 = vector.broadcast %jit3A_221 : i32 to vector<16xi32>
        %select_n3A_223 = arith.select %lt3A_220, %get3A_216, %broadcast_in_dim3A_222 : vector<16xi1>, vector<16xi32>
        %add3A_224 = arith.addi %add3A_210, %select_n3A_223 : vector<16xi32>
        %mul3A_225 = arith.constant 16 : i32
        %mul3A_226 = arith.muli %add3A_70, %mul3A_225 : i32
        %add3A_227 = arith.constant 2816 : i32
        %add3A_228 = arith.addi %add3A_227, %mul3A_226 : i32
        %get3A_229 = arith.index_cast %add3A_228 : i32 to index
        %get3A_230 = tpu.vector_load %arg15[%get3A_229] {strides = array<i32>} : memref<4096xi32, #tpu.memory_space<vmem>>, vector<16xi32>,
        %add3A_231 = arith.addi %add3A_217, %get3A_230 : vector<16xi32>
        %broadcast_in_dim3A_232 = arith.constant 11 : i32
        %broadcast_in_dim3A_233 = vector.broadcast %broadcast_in_dim3A_232 : i32 to vector<16xi32>
        %lt3A_234 = arith.cmpi slt, %broadcast_in_dim3A_233, %add3A_46 : vector<16xi32>
        %jit3A_235 = arith.constant 0 : i32
        %broadcast_in_dim3A_236 = vector.broadcast %jit3A_235 : i32 to vector<16xi32>
        %select_n3A_237 = arith.select %lt3A_234, %get3A_230, %broadcast_in_dim3A_236 : vector<16xi1>, vector<16xi32>
        %add3A_238 = arith.addi %add3A_224, %select_n3A_237 : vector<16xi32>
        %mul3A_239 = arith.constant 16 : i32
        %mul3A_240 = arith.muli %add3A_70, %mul3A_239 : i32
        %add3A_241 = arith.constant 3072 : i32
        %add3A_242 = arith.addi %add3A_241, %mul3A_240 : i32
        %get3A_243 = arith.index_cast %add3A_242 : i32 to index
        %get3A_244 = tpu.vector_load %arg15[%get3A_243] {strides = array<i32>} : memref<4096xi32, #tpu.memory_space<vmem>>, vector<16xi32>,
        %add3A_245 = arith.addi %add3A_231, %get3A_244 : vector<16xi32>
        %broadcast_in_dim3A_246 = arith.constant 12 : i32
        %broadcast_in_dim3A_247 = vector.broadcast %broadcast_in_dim3A_246 : i32 to vector<16xi32>
        %lt3A_248 = arith.cmpi slt, %broadcast_in_dim3A_247, %add3A_46 : vector<16xi32>
        %jit3A_249 = arith.constant 0 : i32
        %broadcast_in_dim3A_250 = vector.broadcast %jit3A_249 : i32 to vector<16xi32>
        %select_n3A_251 = arith.select %lt3A_248, %get3A_244, %broadcast_in_dim3A_250 : vector<16xi1>, vector<16xi32>
        %add3A_252 = arith.addi %add3A_238, %select_n3A_251 : vector<16xi32>
        %mul3A_253 = arith.constant 16 : i32
        %mul3A_254 = arith.muli %add3A_70, %mul3A_253 : i32
        %add3A_255 = arith.constant 3328 : i32
        %add3A_256 = arith.addi %add3A_255, %mul3A_254 : i32
        %get3A_257 = arith.index_cast %add3A_256 : i32 to index
        %get3A_258 = tpu.vector_load %arg15[%get3A_257] {strides = array<i32>} : memref<4096xi32, #tpu.memory_space<vmem>>, vector<16xi32>,
        %add3A_259 = arith.addi %add3A_245, %get3A_258 : vector<16xi32>
        %broadcast_in_dim3A_260 = arith.constant 13 : i32
        %broadcast_in_dim3A_261 = vector.broadcast %broadcast_in_dim3A_260 : i32 to vector<16xi32>
        %lt3A_262 = arith.cmpi slt, %broadcast_in_dim3A_261, %add3A_46 : vector<16xi32>
        %jit3A_263 = arith.constant 0 : i32
        %broadcast_in_dim3A_264 = vector.broadcast %jit3A_263 : i32 to vector<16xi32>
        %select_n3A_265 = arith.select %lt3A_262, %get3A_258, %broadcast_in_dim3A_264 : vector<16xi1>, vector<16xi32>
        %add3A_266 = arith.addi %add3A_252, %select_n3A_265 : vector<16xi32>
        %mul3A_267 = arith.constant 16 : i32
        %mul3A_268 = arith.muli %add3A_70, %mul3A_267 : i32
        %add3A_269 = arith.constant 3584 : i32
        %add3A_270 = arith.addi %add3A_269, %mul3A_268 : i32
        %get3A_271 = arith.index_cast %add3A_270 : i32 to index
        %get3A_272 = tpu.vector_load %arg15[%get3A_271] {strides = array<i32>} : memref<4096xi32, #tpu.memory_space<vmem>>, vector<16xi32>,
        %add3A_273 = arith.addi %add3A_259, %get3A_272 : vector<16xi32>
        %broadcast_in_dim3A_274 = arith.constant 14 : i32
        %broadcast_in_dim3A_275 = vector.broadcast %broadcast_in_dim3A_274 : i32 to vector<16xi32>
        %lt3A_276 = arith.cmpi slt, %broadcast_in_dim3A_275, %add3A_46 : vector<16xi32>
        %jit3A_277 = arith.constant 0 : i32
        %broadcast_in_dim3A_278 = vector.broadcast %jit3A_277 : i32 to vector<16xi32>
        %select_n3A_279 = arith.select %lt3A_276, %get3A_272, %broadcast_in_dim3A_278 : vector<16xi1>, vector<16xi32>
        %add3A_280 = arith.addi %add3A_266, %select_n3A_279 : vector<16xi32>
        %mul3A_281 = arith.constant 16 : i32
        %mul3A_282 = arith.muli %add3A_70, %mul3A_281 : i32
        %add3A_283 = arith.constant 3840 : i32
        %add3A_284 = arith.addi %add3A_283, %mul3A_282 : i32
        %get3A_285 = arith.index_cast %add3A_284 : i32 to index
        %get3A_286 = tpu.vector_load %arg15[%get3A_285] {strides = array<i32>} : memref<4096xi32, #tpu.memory_space<vmem>>, vector<16xi32>,
        %add3A_287 = arith.addi %add3A_273, %get3A_286 : vector<16xi32>
        %broadcast_in_dim3A_288 = arith.constant 15 : i32
        %broadcast_in_dim3A_289 = vector.broadcast %broadcast_in_dim3A_288 : i32 to vector<16xi32>
        %lt3A_290 = arith.cmpi slt, %broadcast_in_dim3A_289, %add3A_46 : vector<16xi32>
        %jit3A_291 = arith.constant 0 : i32
        %broadcast_in_dim3A_292 = vector.broadcast %jit3A_291 : i32 to vector<16xi32>
        %select_n3A_293 = arith.select %lt3A_290, %get3A_286, %broadcast_in_dim3A_292 : vector<16xi1>, vector<16xi32>
        %add3A_294 = arith.addi %add3A_280, %select_n3A_293 : vector<16xi32>
        %broadcast_in_dim3A_295 = arith.constant true
        %broadcast_in_dim3A_296 = vector.broadcast %broadcast_in_dim3A_295 : i1 to vector<16xi1>
        %masked_cumsum3A = tpu.scan <sum>, %add3A_287 masked %broadcast_in_dim3A_296 : vector<16xi32>, vector<16xi1> -> vector<16xi32>
        %sub3A = arith.subi %masked_cumsum3A, %add3A_287 : vector<16xi32>
        %add3A_297 = arith.addi %sub3A, %scan3A_66 : vector<16xi32>
        %add3A_298 = arith.addi %add3A_297, %add3A_294 : vector<16xi32>
        %mul3A_299 = arith.constant 16 : i32
        %mul3A_300 = arith.muli %add3A_70, %mul3A_299 : i32
        %swap3A = arith.index_cast %mul3A_300 : i32 to index
        %swap3A_301 = tpu.vector_load %arg13[%swap3A] {strides = array<i32>} : memref<256xi32, #tpu.memory_space<vmem>>, vector<16xi32>,
        tpu.vector_store %arg13[%swap3A], %add3A_298 {strides = array<i32>} : memref<256xi32, #tpu.memory_space<vmem>>, vector<16xi32>,
        %swap3A_302 = arith.constant 0 : index
        %swap3A_303 = tpu.vector_load %arg16[%swap3A_302] {strides = array<i32>} : memref<16xi32, #tpu.memory_space<vmem>>, vector<16xi32>,
        tpu.vector_store %arg16[%swap3A_302], %masked_cumsum3A {strides = array<i32>} : memref<16xi32, #tpu.memory_space<vmem>>, vector<16xi32>,
        %broadcast_in_dim3A_304 = arith.constant 15 : i32
        %broadcast_in_dim3A_305 = vector.broadcast %broadcast_in_dim3A_304 : i32 to vector<16xi32>
        %gather3A = tpu.vector_load_idx %arg16[%broadcast_in_dim3A_305] : memref<16xi32, #tpu.memory_space<vmem>>[vector<16xi32>], vector<16xi32>,
        %add3A_306 = arith.addi %scan3A_66, %gather3A : vector<16xi32>
        scf.yield %add3A_306 : vector<16xi32>
      }
      %scan3A_53 = arith.constant 16 : i32
      %scan3A_54 = arith.constant 0 : i32
      %scan3A_55 = arith.constant 256 : i32
      %scan3A_56 = arith.addi %scan3A_54, %scan3A_55 : i32
      %scan3A_57 = arith.constant 1 : i32
      scf.for %scan3A_65 = %scan3A_54 to %scan3A_56 step %scan3A_57  : i32 {
        %mul3A_66 = arith.constant 1 : i32
        %mul3A_67 = arith.muli %scan3A_65, %mul3A_66 : i32
        %add3A_68 = arith.constant 0 : i32
        %add3A_69 = arith.addi %add3A_68, %mul3A_67 : i32
        %mul3A_70 = arith.constant 16 : i32
        %mul3A_71 = arith.muli %add3A_69, %mul3A_70 : i32
        %get3A = arith.index_cast %mul3A_71 : i32 to index
        %get3A_72 = tpu.vector_load %arg11[%get3A] {strides = array<i32>} : memref<4096xi32, #tpu.memory_space<vmem>>, vector<16xi32>,
        %broadcast_in_dim3A_73 = arith.constant true
        %broadcast_in_dim3A_74 = vector.broadcast %broadcast_in_dim3A_73 : i1 to vector<16xi1>
        %masked_cumsum3A = tpu.scan <sum>, %get3A_72 masked %broadcast_in_dim3A_74 : vector<16xi32>, vector<16xi1> -> vector<16xi32>
        %broadcast_in_dim3A_75 = arith.constant 0 : i32
        %broadcast_in_dim3A_76 = vector.broadcast %broadcast_in_dim3A_75 : i32 to vector<16xi32>
        %add3A_77 = vector.broadcast %add3A_69 : i32 to vector<16xi32>
        %add3A_78 = arith.addi %broadcast_in_dim3A_76, %add3A_77 : vector<16xi32>
        %gather3A = tpu.vector_load_idx %arg13[%add3A_78] : memref<256xi32, #tpu.memory_space<vmem>>[vector<16xi32>], vector<16xi32>,
        %sub3A = arith.subi %masked_cumsum3A, %get3A_72 : vector<16xi32>
        %add3A_79 = arith.addi %sub3A, %gather3A : vector<16xi32>
        %mul3A_80 = arith.constant 16 : i32
        %mul3A_81 = arith.muli %add3A_69, %mul3A_80 : i32
        %swap3A = arith.index_cast %mul3A_81 : i32 to index
        %swap3A_82 = tpu.vector_load %arg12[%swap3A] {strides = array<i32>} : memref<4096xi32, #tpu.memory_space<vmem>>, vector<16xi32>,
        tpu.vector_store %arg12[%swap3A], %add3A_79 {strides = array<i32>} : memref<4096xi32, #tpu.memory_space<vmem>>, vector<16xi32>,
      }
      %scan3A_58 = arith.constant 256 : i32
      %mul3A = arith.constant 6272 : i32
      %mul3A_59 = arith.muli %arg1, %mul3A : i32
      "tpu.region"() ({
        %run_scoped3A = tpu.sem_alloc : memref<!tpu.dma_semaphore, #tpu.memory_space<semaphore_mem>>
        %dma_start3A = tpu.memref_slice %arg20[%mul3A_59] : memref<100352xi32, #tpu.memory_space<vmem_shared>> -> memref<6272xi32, #tpu.memory_space<vmem_shared>>
        %dma_start3A_65 = tpu.memref_slice %arg20[%mul3A_59] : memref<100352xi32, #tpu.memory_space<vmem_shared>> -> memref<6272xi32, #tpu.memory_space<vmem_shared>>
        tpu.enqueue_dma source(%dma_start3A_65 : memref<6272xi32, #tpu.memory_space<vmem_shared>>) target(%arg8 : memref<6272xi32, #tpu.memory_space<vmem>>) target_semaphore(%run_scoped3A : memref<!tpu.dma_semaphore, #tpu.memory_space<semaphore_mem>>)
        %dma_wait3A = tpu.memref_slice %arg20[%mul3A_59] : memref<100352xi32, #tpu.memory_space<vmem_shared>> -> memref<6272xi32, #tpu.memory_space<vmem_shared>>
        %dma_wait3A_66 = tpu.memref_slice %arg20[%mul3A_59] : memref<100352xi32, #tpu.memory_space<vmem_shared>> -> memref<6272xi32, #tpu.memory_space<vmem_shared>>
        tpu.wait_dma2 semaphore(%run_scoped3A : memref<!tpu.dma_semaphore, #tpu.memory_space<semaphore_mem>>) src(%dma_wait3A_66 : memref<6272xi32, #tpu.memory_space<vmem_shared>>) dst(%arg8 : memref<6272xi32, #tpu.memory_space<vmem>>)
        tpu.yield
      }) : () -> ()
      %scan3A_60 = arith.constant 0 : i32
      %scan3A_61 = arith.constant 392 : i32
      %scan3A_62 = arith.addi %scan3A_60, %scan3A_61 : i32
      %scan3A_63 = arith.constant 1 : i32
      scf.for %scan3A_65 = %scan3A_60 to %scan3A_62 step %scan3A_63  : i32 {
        %mul3A_66 = arith.constant 1 : i32
        %mul3A_67 = arith.muli %scan3A_65, %mul3A_66 : i32
        %add3A_68 = arith.constant 0 : i32
        %add3A_69 = arith.addi %add3A_68, %mul3A_67 : i32
        %mul3A_70 = arith.constant 392 : i32
        %mul3A_71 = vector.broadcast %mul3A_70 : i32 to vector<16xi32>
        %mul3A_72 = arith.muli %iota3A, %mul3A_71 : vector<16xi32>
        %add3A_73 = vector.broadcast %add3A_69 : i32 to vector<16xi32>
        %add3A_74 = arith.addi %mul3A_72, %add3A_73 : vector<16xi32>
        %gather3A = tpu.vector_load_idx %arg7[%add3A_74] : memref<6272xi32, #tpu.memory_space<vmem>>[vector<16xi32>], vector<16xi32>,
        %shift_right_logical3A = arith.shrui %gather3A, %broadcast_in_dim3A_12 : vector<16xi32>
        %and3A = arith.constant 255 : i32
        %and3A_75 = vector.broadcast %and3A : i32 to vector<16xi32>
        %and3A_76 = arith.andi %shift_right_logical3A, %and3A_75 : vector<16xi32>
        %mul3A_77 = arith.constant 16 : i32
        %mul3A_78 = vector.broadcast %mul3A_77 : i32 to vector<16xi32>
        %mul3A_79 = arith.muli %and3A_76, %mul3A_78 : vector<16xi32>
        %add3A_80 = arith.addi %mul3A_79, %iota3A : vector<16xi32>
        %gather3A_81 = tpu.vector_load_idx %arg12[%add3A_80] : memref<4096xi32, #tpu.memory_space<vmem>>[vector<16xi32>], vector<16xi32>,
        %add3A_82 = arith.constant 1 : i32
        %add3A_83 = vector.broadcast %add3A_82 : i32 to vector<16xi32>
        %add3A_84 = arith.addi %gather3A_81, %add3A_83 : vector<16xi32>
        tpu.vector_store_idx %arg12[%add3A_80], %add3A_84 : memref<4096xi32, #tpu.memory_space<vmem>>[vector<16xi32>], vector<16xi32>,
        tpu.vector_store_idx %arg9[%add3A_74], %gather3A_81 : memref<6272xi32, #tpu.memory_space<vmem>>[vector<16xi32>], vector<16xi32>,
      }
      %scan3A_64 = arith.constant 392 : i32
      "tpu.region"() ({
        %run_scoped3A = tpu.sem_alloc : memref<!tpu.dma_semaphore, #tpu.memory_space<semaphore_mem>>
        %dma_start3A = arith.constant 0 : i32
        %dma_start3A_65 = tpu.memref_slice %arg17[%dma_start3A] : memref<100352xi32, #tpu.memory_space<vmem_shared>> -> memref<100352xi32, #tpu.memory_space<vmem_shared>>
        tpu.enqueue_indirect_dma source(%arg7 : memref<6272xi32, #tpu.memory_space<vmem>>) target(%dma_start3A_65 : memref<100352xi32, #tpu.memory_space<vmem_shared>>) offsets(%arg9 : memref<6272xi32, #tpu.memory_space<vmem>>) semaphore(%run_scoped3A : memref<!tpu.dma_semaphore, #tpu.memory_space<semaphore_mem>>)
        %dma_wait3A = arith.constant 0 : i32
        %dma_wait3A_66 = tpu.memref_slice %arg17[%dma_wait3A] : memref<100352xi32, #tpu.memory_space<vmem_shared>> -> memref<100352xi32, #tpu.memory_space<vmem_shared>>
        tpu.wait_indirect_dma semaphore(%run_scoped3A : memref<!tpu.dma_semaphore, #tpu.memory_space<semaphore_mem>>) src(%arg7 : memref<6272xi32, #tpu.memory_space<vmem>>) dst(%dma_wait3A_66 : memref<100352xi32, #tpu.memory_space<vmem_shared>>)
        tpu.yield
      }) : () -> ()
      "tpu.region"() ({
        %run_scoped3A = tpu.sem_alloc : memref<!tpu.dma_semaphore, #tpu.memory_space<semaphore_mem>>
        %dma_start3A = arith.constant 0 : i32
        %dma_start3A_65 = tpu.memref_slice %arg18[%dma_start3A] : memref<100352xi32, #tpu.memory_space<vmem_shared>> -> memref<100352xi32, #tpu.memory_space<vmem_shared>>
        tpu.enqueue_indirect_dma source(%arg8 : memref<6272xi32, #tpu.memory_space<vmem>>) target(%dma_start3A_65 : memref<100352xi32, #tpu.memory_space<vmem_shared>>) offsets(%arg9 : memref<6272xi32, #tpu.memory_space<vmem>>) semaphore(%run_scoped3A : memref<!tpu.dma_semaphore, #tpu.memory_space<semaphore_mem>>)
        %dma_wait3A = arith.constant 0 : i32
        %dma_wait3A_66 = tpu.memref_slice %arg18[%dma_wait3A] : memref<100352xi32, #tpu.memory_space<vmem_shared>> -> memref<100352xi32, #tpu.memory_space<vmem_shared>>
        tpu.wait_indirect_dma semaphore(%run_scoped3A : memref<!tpu.dma_semaphore, #tpu.memory_space<semaphore_mem>>) src(%arg8 : memref<6272xi32, #tpu.memory_space<vmem>>) dst(%dma_wait3A_66 : memref<100352xi32, #tpu.memory_space<vmem_shared>>)
        tpu.yield
      }) : () -> ()
    } else {
    }
    %barrier3A_20 = arith.constant 0 : index
    tpu.barrier barrier_id(%barrier3A_20)
    %broadcast_in_dim3A_21 = arith.constant 16 : i32
    %broadcast_in_dim3A_22 = vector.broadcast %broadcast_in_dim3A_21 : i32 to vector<16xi32>
    %convert_element_type3A_23 = arith.extui %eq3A_0 : i1 to i32
    %cond3A_24 = arith.constant 0 : i32
    %cond3A_25 = arith.cmpi ne, %convert_element_type3A_23, %cond3A_24 : i32
    scf.if %cond3A_25 {
      %mul3A = arith.constant 6272 : i32
      %mul3A_44 = arith.muli %arg1, %mul3A : i32
      "tpu.region"() ({
        %run_scoped3A = tpu.sem_alloc : memref<!tpu.dma_semaphore, #tpu.memory_space<semaphore_mem>>
        %dma_start3A = tpu.memref_slice %arg17[%mul3A_44] : memref<100352xi32, #tpu.memory_space<vmem_shared>> -> memref<6272xi32, #tpu.memory_space<vmem_shared>>
        %dma_start3A_61 = tpu.memref_slice %arg17[%mul3A_44] : memref<100352xi32, #tpu.memory_space<vmem_shared>> -> memref<6272xi32, #tpu.memory_space<vmem_shared>>
        tpu.enqueue_dma source(%dma_start3A_61 : memref<6272xi32, #tpu.memory_space<vmem_shared>>) target(%arg7 : memref<6272xi32, #tpu.memory_space<vmem>>) target_semaphore(%run_scoped3A : memref<!tpu.dma_semaphore, #tpu.memory_space<semaphore_mem>>)
        %dma_wait3A = tpu.memref_slice %arg17[%mul3A_44] : memref<100352xi32, #tpu.memory_space<vmem_shared>> -> memref<6272xi32, #tpu.memory_space<vmem_shared>>
        %dma_wait3A_62 = tpu.memref_slice %arg17[%mul3A_44] : memref<100352xi32, #tpu.memory_space<vmem_shared>> -> memref<6272xi32, #tpu.memory_space<vmem_shared>>
        tpu.wait_dma2 semaphore(%run_scoped3A : memref<!tpu.dma_semaphore, #tpu.memory_space<semaphore_mem>>) src(%dma_wait3A_62 : memref<6272xi32, #tpu.memory_space<vmem_shared>>) dst(%arg7 : memref<6272xi32, #tpu.memory_space<vmem>>)
        tpu.yield
      }) : () -> ()
      %scan3A = arith.constant 0 : i32
      %scan3A_45 = arith.constant 256 : i32
      %scan3A_46 = arith.addi %scan3A, %scan3A_45 : i32
      %scan3A_47 = arith.constant 1 : i32
      scf.for %scan3A_61 = %scan3A to %scan3A_46 step %scan3A_47  : i32 {
        %mul3A_62 = arith.constant 1 : i32
        %mul3A_63 = arith.muli %scan3A_61, %mul3A_62 : i32
        %add3A = arith.constant 0 : i32
        %add3A_64 = arith.addi %add3A, %mul3A_63 : i32
        %broadcast_in_dim3A_65 = arith.constant 0 : i32
        %broadcast_in_dim3A_66 = vector.broadcast %broadcast_in_dim3A_65 : i32 to vector<16xi32>
        %mul3A_67 = arith.constant 16 : i32
        %mul3A_68 = arith.muli %add3A_64, %mul3A_67 : i32
        %swap3A = arith.index_cast %mul3A_68 : i32 to index
        %swap3A_69 = tpu.vector_load %arg11[%swap3A] {strides = array<i32>} : memref<4096xi32, #tpu.memory_space<vmem>>, vector<16xi32>,
        tpu.vector_store %arg11[%swap3A], %broadcast_in_dim3A_66 {strides = array<i32>} : memref<4096xi32, #tpu.memory_space<vmem>>, vector<16xi32>,
      }
      %scan3A_48 = arith.constant 256 : i32
      %scan3A_49 = arith.constant 0 : i32
      %scan3A_50 = arith.constant 392 : i32
      %scan3A_51 = arith.addi %scan3A_49, %scan3A_50 : i32
      %scan3A_52 = arith.constant 1 : i32
      scf.for %scan3A_61 = %scan3A_49 to %scan3A_51 step %scan3A_52  : i32 {
        %mul3A_62 = arith.constant 1 : i32
        %mul3A_63 = arith.muli %scan3A_61, %mul3A_62 : i32
        %add3A = arith.constant 0 : i32
        %add3A_64 = arith.addi %add3A, %mul3A_63 : i32
        %mul3A_65 = arith.constant 392 : i32
        %mul3A_66 = vector.broadcast %mul3A_65 : i32 to vector<16xi32>
        %mul3A_67 = arith.muli %iota3A, %mul3A_66 : vector<16xi32>
        %add3A_68 = vector.broadcast %add3A_64 : i32 to vector<16xi32>
        %add3A_69 = arith.addi %mul3A_67, %add3A_68 : vector<16xi32>
        %gather3A = tpu.vector_load_idx %arg7[%add3A_69] : memref<6272xi32, #tpu.memory_space<vmem>>[vector<16xi32>], vector<16xi32>,
        %shift_right_logical3A = arith.shrui %gather3A, %broadcast_in_dim3A_22 : vector<16xi32>
        %and3A = arith.constant 255 : i32
        %and3A_70 = vector.broadcast %and3A : i32 to vector<16xi32>
        %and3A_71 = arith.andi %shift_right_logical3A, %and3A_70 : vector<16xi32>
        %mul3A_72 = arith.constant 16 : i32
        %mul3A_73 = vector.broadcast %mul3A_72 : i32 to vector<16xi32>
        %mul3A_74 = arith.muli %and3A_71, %mul3A_73 : vector<16xi32>
        %add3A_75 = arith.addi %mul3A_74, %iota3A : vector<16xi32>
        %gather3A_76 = tpu.vector_load_idx %arg11[%add3A_75] : memref<4096xi32, #tpu.memory_space<vmem>>[vector<16xi32>], vector<16xi32>,
        %add3A_77 = arith.constant 1 : i32
        %add3A_78 = vector.broadcast %add3A_77 : i32 to vector<16xi32>
        %add3A_79 = arith.addi %gather3A_76, %add3A_78 : vector<16xi32>
        tpu.vector_store_idx %arg11[%add3A_75], %add3A_79 : memref<4096xi32, #tpu.memory_space<vmem>>[vector<16xi32>], vector<16xi32>,
      }
      %scan3A_53 = arith.constant 392 : i32
      %scan3A_54 = arith.constant 0 : i32
      %scan3A_55 = arith.constant 16 : i32
      %scan3A_56 = arith.addi %scan3A_54, %scan3A_55 : i32
      %scan3A_57 = arith.constant 1 : i32
      scf.for %scan3A_61 = %scan3A_54 to %scan3A_56 step %scan3A_57  : i32 {
        %mul3A_62 = arith.constant 1 : i32
        %mul3A_63 = arith.muli %scan3A_61, %mul3A_62 : i32
        %add3A = arith.constant 0 : i32
        %add3A_64 = arith.addi %add3A, %mul3A_63 : i32
        %broadcast_in_dim3A_65 = arith.constant 0 : i32
        %broadcast_in_dim3A_66 = vector.broadcast %broadcast_in_dim3A_65 : i32 to vector<16xi32>
        %mul3A_67 = arith.constant 256 : i32
        %mul3A_68 = arith.muli %add3A_64, %mul3A_67 : i32
        %mul3A_69 = arith.constant 16 : i32
        %mul3A_70 = vector.broadcast %mul3A_69 : i32 to vector<16xi32>
        %mul3A_71 = arith.muli %iota3A, %mul3A_70 : vector<16xi32>
        %add3A_72 = vector.broadcast %mul3A_68 : i32 to vector<16xi32>
        %add3A_73 = arith.addi %add3A_72, %mul3A_71 : vector<16xi32>
        %add3A_74 = arith.constant 0 : i32
        %add3A_75 = vector.broadcast %add3A_74 : i32 to vector<16xi32>
        %add3A_76 = arith.addi %add3A_73, %add3A_75 : vector<16xi32>
        %gather3A = tpu.vector_load_idx %arg11[%add3A_76] : memref<4096xi32, #tpu.memory_space<vmem>>[vector<16xi32>], vector<16xi32>,
        %add3A_77 = arith.addi %broadcast_in_dim3A_66, %gather3A : vector<16xi32>
        %mul3A_78 = arith.constant 256 : i32
        %mul3A_79 = arith.muli %add3A_64, %mul3A_78 : i32
        %mul3A_80 = arith.constant 16 : i32
        %mul3A_81 = vector.broadcast %mul3A_80 : i32 to vector<16xi32>
        %mul3A_82 = arith.muli %iota3A, %mul3A_81 : vector<16xi32>
        %add3A_83 = vector.broadcast %mul3A_79 : i32 to vector<16xi32>
        %add3A_84 = arith.addi %add3A_83, %mul3A_82 : vector<16xi32>
        %add3A_85 = arith.constant 1 : i32
        %add3A_86 = vector.broadcast %add3A_85 : i32 to vector<16xi32>
        %add3A_87 = arith.addi %add3A_84, %add3A_86 : vector<16xi32>
        %gather3A_88 = tpu.vector_load_idx %arg11[%add3A_87] : memref<4096xi32, #tpu.memory_space<vmem>>[vector<16xi32>], vector<16xi32>,
        %add3A_89 = arith.addi %add3A_77, %gather3A_88 : vector<16xi32>
        %mul3A_90 = arith.constant 256 : i32
        %mul3A_91 = arith.muli %add3A_64, %mul3A_90 : i32
        %mul3A_92 = arith.constant 16 : i32
        %mul3A_93 = vector.broadcast %mul3A_92 : i32 to vector<16xi32>
        %mul3A_94 = arith.muli %iota3A, %mul3A_93 : vector<16xi32>
        %add3A_95 = vector.broadcast %mul3A_91 : i32 to vector<16xi32>
        %add3A_96 = arith.addi %add3A_95, %mul3A_94 : vector<16xi32>
        %add3A_97 = arith.constant 2 : i32
        %add3A_98 = vector.broadcast %add3A_97 : i32 to vector<16xi32>
        %add3A_99 = arith.addi %add3A_96, %add3A_98 : vector<16xi32>
        %gather3A_100 = tpu.vector_load_idx %arg11[%add3A_99] : memref<4096xi32, #tpu.memory_space<vmem>>[vector<16xi32>], vector<16xi32>,
        %add3A_101 = arith.addi %add3A_89, %gather3A_100 : vector<16xi32>
        %mul3A_102 = arith.constant 256 : i32
        %mul3A_103 = arith.muli %add3A_64, %mul3A_102 : i32
        %mul3A_104 = arith.constant 16 : i32
        %mul3A_105 = vector.broadcast %mul3A_104 : i32 to vector<16xi32>
        %mul3A_106 = arith.muli %iota3A, %mul3A_105 : vector<16xi32>
        %add3A_107 = vector.broadcast %mul3A_103 : i32 to vector<16xi32>
        %add3A_108 = arith.addi %add3A_107, %mul3A_106 : vector<16xi32>
        %add3A_109 = arith.constant 3 : i32
        %add3A_110 = vector.broadcast %add3A_109 : i32 to vector<16xi32>
        %add3A_111 = arith.addi %add3A_108, %add3A_110 : vector<16xi32>
        %gather3A_112 = tpu.vector_load_idx %arg11[%add3A_111] : memref<4096xi32, #tpu.memory_space<vmem>>[vector<16xi32>], vector<16xi32>,
        %add3A_113 = arith.addi %add3A_101, %gather3A_112 : vector<16xi32>
        %mul3A_114 = arith.constant 256 : i32
        %mul3A_115 = arith.muli %add3A_64, %mul3A_114 : i32
        %mul3A_116 = arith.constant 16 : i32
        %mul3A_117 = vector.broadcast %mul3A_116 : i32 to vector<16xi32>
        %mul3A_118 = arith.muli %iota3A, %mul3A_117 : vector<16xi32>
        %add3A_119 = vector.broadcast %mul3A_115 : i32 to vector<16xi32>
        %add3A_120 = arith.addi %add3A_119, %mul3A_118 : vector<16xi32>
        %add3A_121 = arith.constant 4 : i32
        %add3A_122 = vector.broadcast %add3A_121 : i32 to vector<16xi32>
        %add3A_123 = arith.addi %add3A_120, %add3A_122 : vector<16xi32>
        %gather3A_124 = tpu.vector_load_idx %arg11[%add3A_123] : memref<4096xi32, #tpu.memory_space<vmem>>[vector<16xi32>], vector<16xi32>,
        %add3A_125 = arith.addi %add3A_113, %gather3A_124 : vector<16xi32>
        %mul3A_126 = arith.constant 256 : i32
        %mul3A_127 = arith.muli %add3A_64, %mul3A_126 : i32
        %mul3A_128 = arith.constant 16 : i32
        %mul3A_129 = vector.broadcast %mul3A_128 : i32 to vector<16xi32>
        %mul3A_130 = arith.muli %iota3A, %mul3A_129 : vector<16xi32>
        %add3A_131 = vector.broadcast %mul3A_127 : i32 to vector<16xi32>
        %add3A_132 = arith.addi %add3A_131, %mul3A_130 : vector<16xi32>
        %add3A_133 = arith.constant 5 : i32
        %add3A_134 = vector.broadcast %add3A_133 : i32 to vector<16xi32>
        %add3A_135 = arith.addi %add3A_132, %add3A_134 : vector<16xi32>
        %gather3A_136 = tpu.vector_load_idx %arg11[%add3A_135] : memref<4096xi32, #tpu.memory_space<vmem>>[vector<16xi32>], vector<16xi32>,
        %add3A_137 = arith.addi %add3A_125, %gather3A_136 : vector<16xi32>
        %mul3A_138 = arith.constant 256 : i32
        %mul3A_139 = arith.muli %add3A_64, %mul3A_138 : i32
        %mul3A_140 = arith.constant 16 : i32
        %mul3A_141 = vector.broadcast %mul3A_140 : i32 to vector<16xi32>
        %mul3A_142 = arith.muli %iota3A, %mul3A_141 : vector<16xi32>
        %add3A_143 = vector.broadcast %mul3A_139 : i32 to vector<16xi32>
        %add3A_144 = arith.addi %add3A_143, %mul3A_142 : vector<16xi32>
        %add3A_145 = arith.constant 6 : i32
        %add3A_146 = vector.broadcast %add3A_145 : i32 to vector<16xi32>
        %add3A_147 = arith.addi %add3A_144, %add3A_146 : vector<16xi32>
        %gather3A_148 = tpu.vector_load_idx %arg11[%add3A_147] : memref<4096xi32, #tpu.memory_space<vmem>>[vector<16xi32>], vector<16xi32>,
        %add3A_149 = arith.addi %add3A_137, %gather3A_148 : vector<16xi32>
        %mul3A_150 = arith.constant 256 : i32
        %mul3A_151 = arith.muli %add3A_64, %mul3A_150 : i32
        %mul3A_152 = arith.constant 16 : i32
        %mul3A_153 = vector.broadcast %mul3A_152 : i32 to vector<16xi32>
        %mul3A_154 = arith.muli %iota3A, %mul3A_153 : vector<16xi32>
        %add3A_155 = vector.broadcast %mul3A_151 : i32 to vector<16xi32>
        %add3A_156 = arith.addi %add3A_155, %mul3A_154 : vector<16xi32>
        %add3A_157 = arith.constant 7 : i32
        %add3A_158 = vector.broadcast %add3A_157 : i32 to vector<16xi32>
        %add3A_159 = arith.addi %add3A_156, %add3A_158 : vector<16xi32>
        %gather3A_160 = tpu.vector_load_idx %arg11[%add3A_159] : memref<4096xi32, #tpu.memory_space<vmem>>[vector<16xi32>], vector<16xi32>,
        %add3A_161 = arith.addi %add3A_149, %gather3A_160 : vector<16xi32>
        %mul3A_162 = arith.constant 256 : i32
        %mul3A_163 = arith.muli %add3A_64, %mul3A_162 : i32
        %mul3A_164 = arith.constant 16 : i32
        %mul3A_165 = vector.broadcast %mul3A_164 : i32 to vector<16xi32>
        %mul3A_166 = arith.muli %iota3A, %mul3A_165 : vector<16xi32>
        %add3A_167 = vector.broadcast %mul3A_163 : i32 to vector<16xi32>
        %add3A_168 = arith.addi %add3A_167, %mul3A_166 : vector<16xi32>
        %add3A_169 = arith.constant 8 : i32
        %add3A_170 = vector.broadcast %add3A_169 : i32 to vector<16xi32>
        %add3A_171 = arith.addi %add3A_168, %add3A_170 : vector<16xi32>
        %gather3A_172 = tpu.vector_load_idx %arg11[%add3A_171] : memref<4096xi32, #tpu.memory_space<vmem>>[vector<16xi32>], vector<16xi32>,
        %add3A_173 = arith.addi %add3A_161, %gather3A_172 : vector<16xi32>
        %mul3A_174 = arith.constant 256 : i32
        %mul3A_175 = arith.muli %add3A_64, %mul3A_174 : i32
        %mul3A_176 = arith.constant 16 : i32
        %mul3A_177 = vector.broadcast %mul3A_176 : i32 to vector<16xi32>
        %mul3A_178 = arith.muli %iota3A, %mul3A_177 : vector<16xi32>
        %add3A_179 = vector.broadcast %mul3A_175 : i32 to vector<16xi32>
        %add3A_180 = arith.addi %add3A_179, %mul3A_178 : vector<16xi32>
        %add3A_181 = arith.constant 9 : i32
        %add3A_182 = vector.broadcast %add3A_181 : i32 to vector<16xi32>
        %add3A_183 = arith.addi %add3A_180, %add3A_182 : vector<16xi32>
        %gather3A_184 = tpu.vector_load_idx %arg11[%add3A_183] : memref<4096xi32, #tpu.memory_space<vmem>>[vector<16xi32>], vector<16xi32>,
        %add3A_185 = arith.addi %add3A_173, %gather3A_184 : vector<16xi32>
        %mul3A_186 = arith.constant 256 : i32
        %mul3A_187 = arith.muli %add3A_64, %mul3A_186 : i32
        %mul3A_188 = arith.constant 16 : i32
        %mul3A_189 = vector.broadcast %mul3A_188 : i32 to vector<16xi32>
        %mul3A_190 = arith.muli %iota3A, %mul3A_189 : vector<16xi32>
        %add3A_191 = vector.broadcast %mul3A_187 : i32 to vector<16xi32>
        %add3A_192 = arith.addi %add3A_191, %mul3A_190 : vector<16xi32>
        %add3A_193 = arith.constant 10 : i32
        %add3A_194 = vector.broadcast %add3A_193 : i32 to vector<16xi32>
        %add3A_195 = arith.addi %add3A_192, %add3A_194 : vector<16xi32>
        %gather3A_196 = tpu.vector_load_idx %arg11[%add3A_195] : memref<4096xi32, #tpu.memory_space<vmem>>[vector<16xi32>], vector<16xi32>,
        %add3A_197 = arith.addi %add3A_185, %gather3A_196 : vector<16xi32>
        %mul3A_198 = arith.constant 256 : i32
        %mul3A_199 = arith.muli %add3A_64, %mul3A_198 : i32
        %mul3A_200 = arith.constant 16 : i32
        %mul3A_201 = vector.broadcast %mul3A_200 : i32 to vector<16xi32>
        %mul3A_202 = arith.muli %iota3A, %mul3A_201 : vector<16xi32>
        %add3A_203 = vector.broadcast %mul3A_199 : i32 to vector<16xi32>
        %add3A_204 = arith.addi %add3A_203, %mul3A_202 : vector<16xi32>
        %add3A_205 = arith.constant 11 : i32
        %add3A_206 = vector.broadcast %add3A_205 : i32 to vector<16xi32>
        %add3A_207 = arith.addi %add3A_204, %add3A_206 : vector<16xi32>
        %gather3A_208 = tpu.vector_load_idx %arg11[%add3A_207] : memref<4096xi32, #tpu.memory_space<vmem>>[vector<16xi32>], vector<16xi32>,
        %add3A_209 = arith.addi %add3A_197, %gather3A_208 : vector<16xi32>
        %mul3A_210 = arith.constant 256 : i32
        %mul3A_211 = arith.muli %add3A_64, %mul3A_210 : i32
        %mul3A_212 = arith.constant 16 : i32
        %mul3A_213 = vector.broadcast %mul3A_212 : i32 to vector<16xi32>
        %mul3A_214 = arith.muli %iota3A, %mul3A_213 : vector<16xi32>
        %add3A_215 = vector.broadcast %mul3A_211 : i32 to vector<16xi32>
        %add3A_216 = arith.addi %add3A_215, %mul3A_214 : vector<16xi32>
        %add3A_217 = arith.constant 12 : i32
        %add3A_218 = vector.broadcast %add3A_217 : i32 to vector<16xi32>
        %add3A_219 = arith.addi %add3A_216, %add3A_218 : vector<16xi32>
        %gather3A_220 = tpu.vector_load_idx %arg11[%add3A_219] : memref<4096xi32, #tpu.memory_space<vmem>>[vector<16xi32>], vector<16xi32>,
        %add3A_221 = arith.addi %add3A_209, %gather3A_220 : vector<16xi32>
        %mul3A_222 = arith.constant 256 : i32
        %mul3A_223 = arith.muli %add3A_64, %mul3A_222 : i32
        %mul3A_224 = arith.constant 16 : i32
        %mul3A_225 = vector.broadcast %mul3A_224 : i32 to vector<16xi32>
        %mul3A_226 = arith.muli %iota3A, %mul3A_225 : vector<16xi32>
        %add3A_227 = vector.broadcast %mul3A_223 : i32 to vector<16xi32>
        %add3A_228 = arith.addi %add3A_227, %mul3A_226 : vector<16xi32>
        %add3A_229 = arith.constant 13 : i32
        %add3A_230 = vector.broadcast %add3A_229 : i32 to vector<16xi32>
        %add3A_231 = arith.addi %add3A_228, %add3A_230 : vector<16xi32>
        %gather3A_232 = tpu.vector_load_idx %arg11[%add3A_231] : memref<4096xi32, #tpu.memory_space<vmem>>[vector<16xi32>], vector<16xi32>,
        %add3A_233 = arith.addi %add3A_221, %gather3A_232 : vector<16xi32>
        %mul3A_234 = arith.constant 256 : i32
        %mul3A_235 = arith.muli %add3A_64, %mul3A_234 : i32
        %mul3A_236 = arith.constant 16 : i32
        %mul3A_237 = vector.broadcast %mul3A_236 : i32 to vector<16xi32>
        %mul3A_238 = arith.muli %iota3A, %mul3A_237 : vector<16xi32>
        %add3A_239 = vector.broadcast %mul3A_235 : i32 to vector<16xi32>
        %add3A_240 = arith.addi %add3A_239, %mul3A_238 : vector<16xi32>
        %add3A_241 = arith.constant 14 : i32
        %add3A_242 = vector.broadcast %add3A_241 : i32 to vector<16xi32>
        %add3A_243 = arith.addi %add3A_240, %add3A_242 : vector<16xi32>
        %gather3A_244 = tpu.vector_load_idx %arg11[%add3A_243] : memref<4096xi32, #tpu.memory_space<vmem>>[vector<16xi32>], vector<16xi32>,
        %add3A_245 = arith.addi %add3A_233, %gather3A_244 : vector<16xi32>
        %mul3A_246 = arith.constant 256 : i32
        %mul3A_247 = arith.muli %add3A_64, %mul3A_246 : i32
        %mul3A_248 = arith.constant 16 : i32
        %mul3A_249 = vector.broadcast %mul3A_248 : i32 to vector<16xi32>
        %mul3A_250 = arith.muli %iota3A, %mul3A_249 : vector<16xi32>
        %add3A_251 = vector.broadcast %mul3A_247 : i32 to vector<16xi32>
        %add3A_252 = arith.addi %add3A_251, %mul3A_250 : vector<16xi32>
        %add3A_253 = arith.constant 15 : i32
        %add3A_254 = vector.broadcast %add3A_253 : i32 to vector<16xi32>
        %add3A_255 = arith.addi %add3A_252, %add3A_254 : vector<16xi32>
        %gather3A_256 = tpu.vector_load_idx %arg11[%add3A_255] : memref<4096xi32, #tpu.memory_space<vmem>>[vector<16xi32>], vector<16xi32>,
        %add3A_257 = arith.addi %add3A_245, %gather3A_256 : vector<16xi32>
        %mul3A_258 = arith.constant 16 : i32
        %mul3A_259 = arith.muli %add3A_64, %mul3A_258 : i32
        %swap3A = arith.index_cast %mul3A_259 : i32 to index
        %swap3A_260 = tpu.vector_load %arg14[%swap3A] {strides = array<i32>} : memref<256xi32, #tpu.memory_space<vmem>>, vector<16xi32>,
        tpu.vector_store %arg14[%swap3A], %add3A_257 {strides = array<i32>} : memref<256xi32, #tpu.memory_space<vmem>>, vector<16xi32>,
      }
      %scan3A_58 = arith.constant 16 : i32
      %mul3A_59 = arith.constant 256 : i32
      %mul3A_60 = arith.muli %arg1, %mul3A_59 : i32
      "tpu.region"() ({
        %run_scoped3A = tpu.sem_alloc : memref<!tpu.dma_semaphore, #tpu.memory_space<semaphore_mem>>
        %dma_start3A = tpu.memref_slice %arg24[%mul3A_60] : memref<4096xi32, #tpu.memory_space<vmem_shared>> -> memref<256xi32, #tpu.memory_space<vmem_shared>>
        %dma_start3A_61 = tpu.memref_slice %arg24[%mul3A_60] : memref<4096xi32, #tpu.memory_space<vmem_shared>> -> memref<256xi32, #tpu.memory_space<vmem_shared>>
        tpu.enqueue_dma source(%arg14 : memref<256xi32, #tpu.memory_space<vmem>>) target(%dma_start3A_61 : memref<256xi32, #tpu.memory_space<vmem_shared>>) target_semaphore(%run_scoped3A : memref<!tpu.dma_semaphore, #tpu.memory_space<semaphore_mem>>)
        %dma_wait3A = tpu.memref_slice %arg24[%mul3A_60] : memref<4096xi32, #tpu.memory_space<vmem_shared>> -> memref<256xi32, #tpu.memory_space<vmem_shared>>
        %dma_wait3A_62 = tpu.memref_slice %arg24[%mul3A_60] : memref<4096xi32, #tpu.memory_space<vmem_shared>> -> memref<256xi32, #tpu.memory_space<vmem_shared>>
        tpu.wait_dma2 semaphore(%run_scoped3A : memref<!tpu.dma_semaphore, #tpu.memory_space<semaphore_mem>>) src(%arg14 : memref<256xi32, #tpu.memory_space<vmem>>) dst(%dma_wait3A_62 : memref<256xi32, #tpu.memory_space<vmem_shared>>)
        tpu.yield
      }) : () -> ()
    } else {
    }
    %barrier3A_26 = arith.constant 0 : index
    tpu.barrier barrier_id(%barrier3A_26)
    %convert_element_type3A_27 = arith.extui %eq3A_0 : i1 to i32
    %cond3A_28 = arith.constant 0 : i32
    %cond3A_29 = arith.cmpi ne, %convert_element_type3A_27, %cond3A_28 : i32
    scf.if %cond3A_29 {
      "tpu.region"() ({
        %run_scoped3A = tpu.sem_alloc : memref<!tpu.dma_semaphore, #tpu.memory_space<semaphore_mem>>
        tpu.enqueue_dma source(%arg24 : memref<4096xi32, #tpu.memory_space<vmem_shared>>) target(%arg15 : memref<4096xi32, #tpu.memory_space<vmem>>) target_semaphore(%run_scoped3A : memref<!tpu.dma_semaphore, #tpu.memory_space<semaphore_mem>>)
        tpu.wait_dma2 semaphore(%run_scoped3A : memref<!tpu.dma_semaphore, #tpu.memory_space<semaphore_mem>>) src(%arg24 : memref<4096xi32, #tpu.memory_space<vmem_shared>>) dst(%arg15 : memref<4096xi32, #tpu.memory_space<vmem>>)
        tpu.yield
      }) : () -> ()
      %broadcast_in_dim3A_44 = arith.constant 0 : i32
      %broadcast_in_dim3A_45 = vector.broadcast %broadcast_in_dim3A_44 : i32 to vector<16xi32>
      %add3A = vector.broadcast %arg1 : i32 to vector<16xi32>
      %add3A_46 = arith.addi %broadcast_in_dim3A_45, %add3A : vector<16xi32>
      %broadcast_in_dim3A_47 = arith.constant 0 : i32
      %broadcast_in_dim3A_48 = vector.broadcast %broadcast_in_dim3A_47 : i32 to vector<16xi32>
      %scan3A = arith.constant 0 : i32
      %scan3A_49 = arith.constant 16 : i32
      %scan3A_50 = arith.addi %scan3A, %scan3A_49 : i32
      %scan3A_51 = arith.constant 1 : i32
      %scan3A_52 = scf.for %scan3A_65 = %scan3A to %scan3A_50 step %scan3A_51 iter_args(%scan3A_66 = %broadcast_in_dim3A_48) -> (vector<16xi32>)  : i32 {
        %mul3A_67 = arith.constant 1 : i32
        %mul3A_68 = arith.muli %scan3A_65, %mul3A_67 : i32
        %add3A_69 = arith.constant 0 : i32
        %add3A_70 = arith.addi %add3A_69, %mul3A_68 : i32
        %broadcast_in_dim3A_71 = arith.constant 0 : i32
        %broadcast_in_dim3A_72 = vector.broadcast %broadcast_in_dim3A_71 : i32 to vector<16xi32>
        %broadcast_in_dim3A_73 = arith.constant 0 : i32
        %broadcast_in_dim3A_74 = vector.broadcast %broadcast_in_dim3A_73 : i32 to vector<16xi32>
        %mul3A_75 = arith.constant 16 : i32
        %mul3A_76 = arith.muli %add3A_70, %mul3A_75 : i32
        %add3A_77 = arith.constant 0 : i32
        %add3A_78 = arith.addi %add3A_77, %mul3A_76 : i32
        %get3A = arith.index_cast %add3A_78 : i32 to index
        %get3A_79 = tpu.vector_load %arg15[%get3A] {strides = array<i32>} : memref<4096xi32, #tpu.memory_space<vmem>>, vector<16xi32>,
        %add3A_80 = arith.addi %broadcast_in_dim3A_72, %get3A_79 : vector<16xi32>
        %broadcast_in_dim3A_81 = arith.constant 0 : i32
        %broadcast_in_dim3A_82 = vector.broadcast %broadcast_in_dim3A_81 : i32 to vector<16xi32>
        %lt3A = arith.cmpi slt, %broadcast_in_dim3A_82, %add3A_46 : vector<16xi32>
        %jit3A = arith.constant 0 : i32
        %broadcast_in_dim3A_83 = vector.broadcast %jit3A : i32 to vector<16xi32>
        %select_n3A = arith.select %lt3A, %get3A_79, %broadcast_in_dim3A_83 : vector<16xi1>, vector<16xi32>
        %add3A_84 = arith.addi %broadcast_in_dim3A_74, %select_n3A : vector<16xi32>
        %mul3A_85 = arith.constant 16 : i32
        %mul3A_86 = arith.muli %add3A_70, %mul3A_85 : i32
        %add3A_87 = arith.constant 256 : i32
        %add3A_88 = arith.addi %add3A_87, %mul3A_86 : i32
        %get3A_89 = arith.index_cast %add3A_88 : i32 to index
        %get3A_90 = tpu.vector_load %arg15[%get3A_89] {strides = array<i32>} : memref<4096xi32, #tpu.memory_space<vmem>>, vector<16xi32>,
        %add3A_91 = arith.addi %add3A_80, %get3A_90 : vector<16xi32>
        %broadcast_in_dim3A_92 = arith.constant 1 : i32
        %broadcast_in_dim3A_93 = vector.broadcast %broadcast_in_dim3A_92 : i32 to vector<16xi32>
        %lt3A_94 = arith.cmpi slt, %broadcast_in_dim3A_93, %add3A_46 : vector<16xi32>
        %jit3A_95 = arith.constant 0 : i32
        %broadcast_in_dim3A_96 = vector.broadcast %jit3A_95 : i32 to vector<16xi32>
        %select_n3A_97 = arith.select %lt3A_94, %get3A_90, %broadcast_in_dim3A_96 : vector<16xi1>, vector<16xi32>
        %add3A_98 = arith.addi %add3A_84, %select_n3A_97 : vector<16xi32>
        %mul3A_99 = arith.constant 16 : i32
        %mul3A_100 = arith.muli %add3A_70, %mul3A_99 : i32
        %add3A_101 = arith.constant 512 : i32
        %add3A_102 = arith.addi %add3A_101, %mul3A_100 : i32
        %get3A_103 = arith.index_cast %add3A_102 : i32 to index
        %get3A_104 = tpu.vector_load %arg15[%get3A_103] {strides = array<i32>} : memref<4096xi32, #tpu.memory_space<vmem>>, vector<16xi32>,
        %add3A_105 = arith.addi %add3A_91, %get3A_104 : vector<16xi32>
        %broadcast_in_dim3A_106 = arith.constant 2 : i32
        %broadcast_in_dim3A_107 = vector.broadcast %broadcast_in_dim3A_106 : i32 to vector<16xi32>
        %lt3A_108 = arith.cmpi slt, %broadcast_in_dim3A_107, %add3A_46 : vector<16xi32>
        %jit3A_109 = arith.constant 0 : i32
        %broadcast_in_dim3A_110 = vector.broadcast %jit3A_109 : i32 to vector<16xi32>
        %select_n3A_111 = arith.select %lt3A_108, %get3A_104, %broadcast_in_dim3A_110 : vector<16xi1>, vector<16xi32>
        %add3A_112 = arith.addi %add3A_98, %select_n3A_111 : vector<16xi32>
        %mul3A_113 = arith.constant 16 : i32
        %mul3A_114 = arith.muli %add3A_70, %mul3A_113 : i32
        %add3A_115 = arith.constant 768 : i32
        %add3A_116 = arith.addi %add3A_115, %mul3A_114 : i32
        %get3A_117 = arith.index_cast %add3A_116 : i32 to index
        %get3A_118 = tpu.vector_load %arg15[%get3A_117] {strides = array<i32>} : memref<4096xi32, #tpu.memory_space<vmem>>, vector<16xi32>,
        %add3A_119 = arith.addi %add3A_105, %get3A_118 : vector<16xi32>
        %broadcast_in_dim3A_120 = arith.constant 3 : i32
        %broadcast_in_dim3A_121 = vector.broadcast %broadcast_in_dim3A_120 : i32 to vector<16xi32>
        %lt3A_122 = arith.cmpi slt, %broadcast_in_dim3A_121, %add3A_46 : vector<16xi32>
        %jit3A_123 = arith.constant 0 : i32
        %broadcast_in_dim3A_124 = vector.broadcast %jit3A_123 : i32 to vector<16xi32>
        %select_n3A_125 = arith.select %lt3A_122, %get3A_118, %broadcast_in_dim3A_124 : vector<16xi1>, vector<16xi32>
        %add3A_126 = arith.addi %add3A_112, %select_n3A_125 : vector<16xi32>
        %mul3A_127 = arith.constant 16 : i32
        %mul3A_128 = arith.muli %add3A_70, %mul3A_127 : i32
        %add3A_129 = arith.constant 1024 : i32
        %add3A_130 = arith.addi %add3A_129, %mul3A_128 : i32
        %get3A_131 = arith.index_cast %add3A_130 : i32 to index
        %get3A_132 = tpu.vector_load %arg15[%get3A_131] {strides = array<i32>} : memref<4096xi32, #tpu.memory_space<vmem>>, vector<16xi32>,
        %add3A_133 = arith.addi %add3A_119, %get3A_132 : vector<16xi32>
        %broadcast_in_dim3A_134 = arith.constant 4 : i32
        %broadcast_in_dim3A_135 = vector.broadcast %broadcast_in_dim3A_134 : i32 to vector<16xi32>
        %lt3A_136 = arith.cmpi slt, %broadcast_in_dim3A_135, %add3A_46 : vector<16xi32>
        %jit3A_137 = arith.constant 0 : i32
        %broadcast_in_dim3A_138 = vector.broadcast %jit3A_137 : i32 to vector<16xi32>
        %select_n3A_139 = arith.select %lt3A_136, %get3A_132, %broadcast_in_dim3A_138 : vector<16xi1>, vector<16xi32>
        %add3A_140 = arith.addi %add3A_126, %select_n3A_139 : vector<16xi32>
        %mul3A_141 = arith.constant 16 : i32
        %mul3A_142 = arith.muli %add3A_70, %mul3A_141 : i32
        %add3A_143 = arith.constant 1280 : i32
        %add3A_144 = arith.addi %add3A_143, %mul3A_142 : i32
        %get3A_145 = arith.index_cast %add3A_144 : i32 to index
        %get3A_146 = tpu.vector_load %arg15[%get3A_145] {strides = array<i32>} : memref<4096xi32, #tpu.memory_space<vmem>>, vector<16xi32>,
        %add3A_147 = arith.addi %add3A_133, %get3A_146 : vector<16xi32>
        %broadcast_in_dim3A_148 = arith.constant 5 : i32
        %broadcast_in_dim3A_149 = vector.broadcast %broadcast_in_dim3A_148 : i32 to vector<16xi32>
        %lt3A_150 = arith.cmpi slt, %broadcast_in_dim3A_149, %add3A_46 : vector<16xi32>
        %jit3A_151 = arith.constant 0 : i32
        %broadcast_in_dim3A_152 = vector.broadcast %jit3A_151 : i32 to vector<16xi32>
        %select_n3A_153 = arith.select %lt3A_150, %get3A_146, %broadcast_in_dim3A_152 : vector<16xi1>, vector<16xi32>
        %add3A_154 = arith.addi %add3A_140, %select_n3A_153 : vector<16xi32>
        %mul3A_155 = arith.constant 16 : i32
        %mul3A_156 = arith.muli %add3A_70, %mul3A_155 : i32
        %add3A_157 = arith.constant 1536 : i32
        %add3A_158 = arith.addi %add3A_157, %mul3A_156 : i32
        %get3A_159 = arith.index_cast %add3A_158 : i32 to index
        %get3A_160 = tpu.vector_load %arg15[%get3A_159] {strides = array<i32>} : memref<4096xi32, #tpu.memory_space<vmem>>, vector<16xi32>,
        %add3A_161 = arith.addi %add3A_147, %get3A_160 : vector<16xi32>
        %broadcast_in_dim3A_162 = arith.constant 6 : i32
        %broadcast_in_dim3A_163 = vector.broadcast %broadcast_in_dim3A_162 : i32 to vector<16xi32>
        %lt3A_164 = arith.cmpi slt, %broadcast_in_dim3A_163, %add3A_46 : vector<16xi32>
        %jit3A_165 = arith.constant 0 : i32
        %broadcast_in_dim3A_166 = vector.broadcast %jit3A_165 : i32 to vector<16xi32>
        %select_n3A_167 = arith.select %lt3A_164, %get3A_160, %broadcast_in_dim3A_166 : vector<16xi1>, vector<16xi32>
        %add3A_168 = arith.addi %add3A_154, %select_n3A_167 : vector<16xi32>
        %mul3A_169 = arith.constant 16 : i32
        %mul3A_170 = arith.muli %add3A_70, %mul3A_169 : i32
        %add3A_171 = arith.constant 1792 : i32
        %add3A_172 = arith.addi %add3A_171, %mul3A_170 : i32
        %get3A_173 = arith.index_cast %add3A_172 : i32 to index
        %get3A_174 = tpu.vector_load %arg15[%get3A_173] {strides = array<i32>} : memref<4096xi32, #tpu.memory_space<vmem>>, vector<16xi32>,
        %add3A_175 = arith.addi %add3A_161, %get3A_174 : vector<16xi32>
        %broadcast_in_dim3A_176 = arith.constant 7 : i32
        %broadcast_in_dim3A_177 = vector.broadcast %broadcast_in_dim3A_176 : i32 to vector<16xi32>
        %lt3A_178 = arith.cmpi slt, %broadcast_in_dim3A_177, %add3A_46 : vector<16xi32>
        %jit3A_179 = arith.constant 0 : i32
        %broadcast_in_dim3A_180 = vector.broadcast %jit3A_179 : i32 to vector<16xi32>
        %select_n3A_181 = arith.select %lt3A_178, %get3A_174, %broadcast_in_dim3A_180 : vector<16xi1>, vector<16xi32>
        %add3A_182 = arith.addi %add3A_168, %select_n3A_181 : vector<16xi32>
        %mul3A_183 = arith.constant 16 : i32
        %mul3A_184 = arith.muli %add3A_70, %mul3A_183 : i32
        %add3A_185 = arith.constant 2048 : i32
        %add3A_186 = arith.addi %add3A_185, %mul3A_184 : i32
        %get3A_187 = arith.index_cast %add3A_186 : i32 to index
        %get3A_188 = tpu.vector_load %arg15[%get3A_187] {strides = array<i32>} : memref<4096xi32, #tpu.memory_space<vmem>>, vector<16xi32>,
        %add3A_189 = arith.addi %add3A_175, %get3A_188 : vector<16xi32>
        %broadcast_in_dim3A_190 = arith.constant 8 : i32
        %broadcast_in_dim3A_191 = vector.broadcast %broadcast_in_dim3A_190 : i32 to vector<16xi32>
        %lt3A_192 = arith.cmpi slt, %broadcast_in_dim3A_191, %add3A_46 : vector<16xi32>
        %jit3A_193 = arith.constant 0 : i32
        %broadcast_in_dim3A_194 = vector.broadcast %jit3A_193 : i32 to vector<16xi32>
        %select_n3A_195 = arith.select %lt3A_192, %get3A_188, %broadcast_in_dim3A_194 : vector<16xi1>, vector<16xi32>
        %add3A_196 = arith.addi %add3A_182, %select_n3A_195 : vector<16xi32>
        %mul3A_197 = arith.constant 16 : i32
        %mul3A_198 = arith.muli %add3A_70, %mul3A_197 : i32
        %add3A_199 = arith.constant 2304 : i32
        %add3A_200 = arith.addi %add3A_199, %mul3A_198 : i32
        %get3A_201 = arith.index_cast %add3A_200 : i32 to index
        %get3A_202 = tpu.vector_load %arg15[%get3A_201] {strides = array<i32>} : memref<4096xi32, #tpu.memory_space<vmem>>, vector<16xi32>,
        %add3A_203 = arith.addi %add3A_189, %get3A_202 : vector<16xi32>
        %broadcast_in_dim3A_204 = arith.constant 9 : i32
        %broadcast_in_dim3A_205 = vector.broadcast %broadcast_in_dim3A_204 : i32 to vector<16xi32>
        %lt3A_206 = arith.cmpi slt, %broadcast_in_dim3A_205, %add3A_46 : vector<16xi32>
        %jit3A_207 = arith.constant 0 : i32
        %broadcast_in_dim3A_208 = vector.broadcast %jit3A_207 : i32 to vector<16xi32>
        %select_n3A_209 = arith.select %lt3A_206, %get3A_202, %broadcast_in_dim3A_208 : vector<16xi1>, vector<16xi32>
        %add3A_210 = arith.addi %add3A_196, %select_n3A_209 : vector<16xi32>
        %mul3A_211 = arith.constant 16 : i32
        %mul3A_212 = arith.muli %add3A_70, %mul3A_211 : i32
        %add3A_213 = arith.constant 2560 : i32
        %add3A_214 = arith.addi %add3A_213, %mul3A_212 : i32
        %get3A_215 = arith.index_cast %add3A_214 : i32 to index
        %get3A_216 = tpu.vector_load %arg15[%get3A_215] {strides = array<i32>} : memref<4096xi32, #tpu.memory_space<vmem>>, vector<16xi32>,
        %add3A_217 = arith.addi %add3A_203, %get3A_216 : vector<16xi32>
        %broadcast_in_dim3A_218 = arith.constant 10 : i32
        %broadcast_in_dim3A_219 = vector.broadcast %broadcast_in_dim3A_218 : i32 to vector<16xi32>
        %lt3A_220 = arith.cmpi slt, %broadcast_in_dim3A_219, %add3A_46 : vector<16xi32>
        %jit3A_221 = arith.constant 0 : i32
        %broadcast_in_dim3A_222 = vector.broadcast %jit3A_221 : i32 to vector<16xi32>
        %select_n3A_223 = arith.select %lt3A_220, %get3A_216, %broadcast_in_dim3A_222 : vector<16xi1>, vector<16xi32>
        %add3A_224 = arith.addi %add3A_210, %select_n3A_223 : vector<16xi32>
        %mul3A_225 = arith.constant 16 : i32
        %mul3A_226 = arith.muli %add3A_70, %mul3A_225 : i32
        %add3A_227 = arith.constant 2816 : i32
        %add3A_228 = arith.addi %add3A_227, %mul3A_226 : i32
        %get3A_229 = arith.index_cast %add3A_228 : i32 to index
        %get3A_230 = tpu.vector_load %arg15[%get3A_229] {strides = array<i32>} : memref<4096xi32, #tpu.memory_space<vmem>>, vector<16xi32>,
        %add3A_231 = arith.addi %add3A_217, %get3A_230 : vector<16xi32>
        %broadcast_in_dim3A_232 = arith.constant 11 : i32
        %broadcast_in_dim3A_233 = vector.broadcast %broadcast_in_dim3A_232 : i32 to vector<16xi32>
        %lt3A_234 = arith.cmpi slt, %broadcast_in_dim3A_233, %add3A_46 : vector<16xi32>
        %jit3A_235 = arith.constant 0 : i32
        %broadcast_in_dim3A_236 = vector.broadcast %jit3A_235 : i32 to vector<16xi32>
        %select_n3A_237 = arith.select %lt3A_234, %get3A_230, %broadcast_in_dim3A_236 : vector<16xi1>, vector<16xi32>
        %add3A_238 = arith.addi %add3A_224, %select_n3A_237 : vector<16xi32>
        %mul3A_239 = arith.constant 16 : i32
        %mul3A_240 = arith.muli %add3A_70, %mul3A_239 : i32
        %add3A_241 = arith.constant 3072 : i32
        %add3A_242 = arith.addi %add3A_241, %mul3A_240 : i32
        %get3A_243 = arith.index_cast %add3A_242 : i32 to index
        %get3A_244 = tpu.vector_load %arg15[%get3A_243] {strides = array<i32>} : memref<4096xi32, #tpu.memory_space<vmem>>, vector<16xi32>,
        %add3A_245 = arith.addi %add3A_231, %get3A_244 : vector<16xi32>
        %broadcast_in_dim3A_246 = arith.constant 12 : i32
        %broadcast_in_dim3A_247 = vector.broadcast %broadcast_in_dim3A_246 : i32 to vector<16xi32>
        %lt3A_248 = arith.cmpi slt, %broadcast_in_dim3A_247, %add3A_46 : vector<16xi32>
        %jit3A_249 = arith.constant 0 : i32
        %broadcast_in_dim3A_250 = vector.broadcast %jit3A_249 : i32 to vector<16xi32>
        %select_n3A_251 = arith.select %lt3A_248, %get3A_244, %broadcast_in_dim3A_250 : vector<16xi1>, vector<16xi32>
        %add3A_252 = arith.addi %add3A_238, %select_n3A_251 : vector<16xi32>
        %mul3A_253 = arith.constant 16 : i32
        %mul3A_254 = arith.muli %add3A_70, %mul3A_253 : i32
        %add3A_255 = arith.constant 3328 : i32
        %add3A_256 = arith.addi %add3A_255, %mul3A_254 : i32
        %get3A_257 = arith.index_cast %add3A_256 : i32 to index
        %get3A_258 = tpu.vector_load %arg15[%get3A_257] {strides = array<i32>} : memref<4096xi32, #tpu.memory_space<vmem>>, vector<16xi32>,
        %add3A_259 = arith.addi %add3A_245, %get3A_258 : vector<16xi32>
        %broadcast_in_dim3A_260 = arith.constant 13 : i32
        %broadcast_in_dim3A_261 = vector.broadcast %broadcast_in_dim3A_260 : i32 to vector<16xi32>
        %lt3A_262 = arith.cmpi slt, %broadcast_in_dim3A_261, %add3A_46 : vector<16xi32>
        %jit3A_263 = arith.constant 0 : i32
        %broadcast_in_dim3A_264 = vector.broadcast %jit3A_263 : i32 to vector<16xi32>
        %select_n3A_265 = arith.select %lt3A_262, %get3A_258, %broadcast_in_dim3A_264 : vector<16xi1>, vector<16xi32>
        %add3A_266 = arith.addi %add3A_252, %select_n3A_265 : vector<16xi32>
        %mul3A_267 = arith.constant 16 : i32
        %mul3A_268 = arith.muli %add3A_70, %mul3A_267 : i32
        %add3A_269 = arith.constant 3584 : i32
        %add3A_270 = arith.addi %add3A_269, %mul3A_268 : i32
        %get3A_271 = arith.index_cast %add3A_270 : i32 to index
        %get3A_272 = tpu.vector_load %arg15[%get3A_271] {strides = array<i32>} : memref<4096xi32, #tpu.memory_space<vmem>>, vector<16xi32>,
        %add3A_273 = arith.addi %add3A_259, %get3A_272 : vector<16xi32>
        %broadcast_in_dim3A_274 = arith.constant 14 : i32
        %broadcast_in_dim3A_275 = vector.broadcast %broadcast_in_dim3A_274 : i32 to vector<16xi32>
        %lt3A_276 = arith.cmpi slt, %broadcast_in_dim3A_275, %add3A_46 : vector<16xi32>
        %jit3A_277 = arith.constant 0 : i32
        %broadcast_in_dim3A_278 = vector.broadcast %jit3A_277 : i32 to vector<16xi32>
        %select_n3A_279 = arith.select %lt3A_276, %get3A_272, %broadcast_in_dim3A_278 : vector<16xi1>, vector<16xi32>
        %add3A_280 = arith.addi %add3A_266, %select_n3A_279 : vector<16xi32>
        %mul3A_281 = arith.constant 16 : i32
        %mul3A_282 = arith.muli %add3A_70, %mul3A_281 : i32
        %add3A_283 = arith.constant 3840 : i32
        %add3A_284 = arith.addi %add3A_283, %mul3A_282 : i32
        %get3A_285 = arith.index_cast %add3A_284 : i32 to index
        %get3A_286 = tpu.vector_load %arg15[%get3A_285] {strides = array<i32>} : memref<4096xi32, #tpu.memory_space<vmem>>, vector<16xi32>,
        %add3A_287 = arith.addi %add3A_273, %get3A_286 : vector<16xi32>
        %broadcast_in_dim3A_288 = arith.constant 15 : i32
        %broadcast_in_dim3A_289 = vector.broadcast %broadcast_in_dim3A_288 : i32 to vector<16xi32>
        %lt3A_290 = arith.cmpi slt, %broadcast_in_dim3A_289, %add3A_46 : vector<16xi32>
        %jit3A_291 = arith.constant 0 : i32
        %broadcast_in_dim3A_292 = vector.broadcast %jit3A_291 : i32 to vector<16xi32>
        %select_n3A_293 = arith.select %lt3A_290, %get3A_286, %broadcast_in_dim3A_292 : vector<16xi1>, vector<16xi32>
        %add3A_294 = arith.addi %add3A_280, %select_n3A_293 : vector<16xi32>
        %broadcast_in_dim3A_295 = arith.constant true
        %broadcast_in_dim3A_296 = vector.broadcast %broadcast_in_dim3A_295 : i1 to vector<16xi1>
        %masked_cumsum3A = tpu.scan <sum>, %add3A_287 masked %broadcast_in_dim3A_296 : vector<16xi32>, vector<16xi1> -> vector<16xi32>
        %sub3A = arith.subi %masked_cumsum3A, %add3A_287 : vector<16xi32>
        %add3A_297 = arith.addi %sub3A, %scan3A_66 : vector<16xi32>
        %add3A_298 = arith.addi %add3A_297, %add3A_294 : vector<16xi32>
        %mul3A_299 = arith.constant 16 : i32
        %mul3A_300 = arith.muli %add3A_70, %mul3A_299 : i32
        %swap3A = arith.index_cast %mul3A_300 : i32 to index
        %swap3A_301 = tpu.vector_load %arg13[%swap3A] {strides = array<i32>} : memref<256xi32, #tpu.memory_space<vmem>>, vector<16xi32>,
        tpu.vector_store %arg13[%swap3A], %add3A_298 {strides = array<i32>} : memref<256xi32, #tpu.memory_space<vmem>>, vector<16xi32>,
        %swap3A_302 = arith.constant 0 : index
        %swap3A_303 = tpu.vector_load %arg16[%swap3A_302] {strides = array<i32>} : memref<16xi32, #tpu.memory_space<vmem>>, vector<16xi32>,
        tpu.vector_store %arg16[%swap3A_302], %masked_cumsum3A {strides = array<i32>} : memref<16xi32, #tpu.memory_space<vmem>>, vector<16xi32>,
        %broadcast_in_dim3A_304 = arith.constant 15 : i32
        %broadcast_in_dim3A_305 = vector.broadcast %broadcast_in_dim3A_304 : i32 to vector<16xi32>
        %gather3A = tpu.vector_load_idx %arg16[%broadcast_in_dim3A_305] : memref<16xi32, #tpu.memory_space<vmem>>[vector<16xi32>], vector<16xi32>,
        %add3A_306 = arith.addi %scan3A_66, %gather3A : vector<16xi32>
        scf.yield %add3A_306 : vector<16xi32>
      }
      %scan3A_53 = arith.constant 16 : i32
      %scan3A_54 = arith.constant 0 : i32
      %scan3A_55 = arith.constant 256 : i32
      %scan3A_56 = arith.addi %scan3A_54, %scan3A_55 : i32
      %scan3A_57 = arith.constant 1 : i32
      scf.for %scan3A_65 = %scan3A_54 to %scan3A_56 step %scan3A_57  : i32 {
        %mul3A_66 = arith.constant 1 : i32
        %mul3A_67 = arith.muli %scan3A_65, %mul3A_66 : i32
        %add3A_68 = arith.constant 0 : i32
        %add3A_69 = arith.addi %add3A_68, %mul3A_67 : i32
        %mul3A_70 = arith.constant 16 : i32
        %mul3A_71 = arith.muli %add3A_69, %mul3A_70 : i32
        %get3A = arith.index_cast %mul3A_71 : i32 to index
        %get3A_72 = tpu.vector_load %arg11[%get3A] {strides = array<i32>} : memref<4096xi32, #tpu.memory_space<vmem>>, vector<16xi32>,
        %broadcast_in_dim3A_73 = arith.constant true
        %broadcast_in_dim3A_74 = vector.broadcast %broadcast_in_dim3A_73 : i1 to vector<16xi1>
        %masked_cumsum3A = tpu.scan <sum>, %get3A_72 masked %broadcast_in_dim3A_74 : vector<16xi32>, vector<16xi1> -> vector<16xi32>
        %broadcast_in_dim3A_75 = arith.constant 0 : i32
        %broadcast_in_dim3A_76 = vector.broadcast %broadcast_in_dim3A_75 : i32 to vector<16xi32>
        %add3A_77 = vector.broadcast %add3A_69 : i32 to vector<16xi32>
        %add3A_78 = arith.addi %broadcast_in_dim3A_76, %add3A_77 : vector<16xi32>
        %gather3A = tpu.vector_load_idx %arg13[%add3A_78] : memref<256xi32, #tpu.memory_space<vmem>>[vector<16xi32>], vector<16xi32>,
        %sub3A = arith.subi %masked_cumsum3A, %get3A_72 : vector<16xi32>
        %add3A_79 = arith.addi %sub3A, %gather3A : vector<16xi32>
        %mul3A_80 = arith.constant 16 : i32
        %mul3A_81 = arith.muli %add3A_69, %mul3A_80 : i32
        %swap3A = arith.index_cast %mul3A_81 : i32 to index
        %swap3A_82 = tpu.vector_load %arg12[%swap3A] {strides = array<i32>} : memref<4096xi32, #tpu.memory_space<vmem>>, vector<16xi32>,
        tpu.vector_store %arg12[%swap3A], %add3A_79 {strides = array<i32>} : memref<4096xi32, #tpu.memory_space<vmem>>, vector<16xi32>,
      }
      %scan3A_58 = arith.constant 256 : i32
      %mul3A = arith.constant 6272 : i32
      %mul3A_59 = arith.muli %arg1, %mul3A : i32
      "tpu.region"() ({
        %run_scoped3A = tpu.sem_alloc : memref<!tpu.dma_semaphore, #tpu.memory_space<semaphore_mem>>
        %dma_start3A = tpu.memref_slice %arg18[%mul3A_59] : memref<100352xi32, #tpu.memory_space<vmem_shared>> -> memref<6272xi32, #tpu.memory_space<vmem_shared>>
        %dma_start3A_65 = tpu.memref_slice %arg18[%mul3A_59] : memref<100352xi32, #tpu.memory_space<vmem_shared>> -> memref<6272xi32, #tpu.memory_space<vmem_shared>>
        tpu.enqueue_dma source(%dma_start3A_65 : memref<6272xi32, #tpu.memory_space<vmem_shared>>) target(%arg8 : memref<6272xi32, #tpu.memory_space<vmem>>) target_semaphore(%run_scoped3A : memref<!tpu.dma_semaphore, #tpu.memory_space<semaphore_mem>>)
        %dma_wait3A = tpu.memref_slice %arg18[%mul3A_59] : memref<100352xi32, #tpu.memory_space<vmem_shared>> -> memref<6272xi32, #tpu.memory_space<vmem_shared>>
        %dma_wait3A_66 = tpu.memref_slice %arg18[%mul3A_59] : memref<100352xi32, #tpu.memory_space<vmem_shared>> -> memref<6272xi32, #tpu.memory_space<vmem_shared>>
        tpu.wait_dma2 semaphore(%run_scoped3A : memref<!tpu.dma_semaphore, #tpu.memory_space<semaphore_mem>>) src(%dma_wait3A_66 : memref<6272xi32, #tpu.memory_space<vmem_shared>>) dst(%arg8 : memref<6272xi32, #tpu.memory_space<vmem>>)
        tpu.yield
      }) : () -> ()
      %scan3A_60 = arith.constant 0 : i32
      %scan3A_61 = arith.constant 392 : i32
      %scan3A_62 = arith.addi %scan3A_60, %scan3A_61 : i32
      %scan3A_63 = arith.constant 1 : i32
      scf.for %scan3A_65 = %scan3A_60 to %scan3A_62 step %scan3A_63  : i32 {
        %mul3A_66 = arith.constant 1 : i32
        %mul3A_67 = arith.muli %scan3A_65, %mul3A_66 : i32
        %add3A_68 = arith.constant 0 : i32
        %add3A_69 = arith.addi %add3A_68, %mul3A_67 : i32
        %mul3A_70 = arith.constant 392 : i32
        %mul3A_71 = vector.broadcast %mul3A_70 : i32 to vector<16xi32>
        %mul3A_72 = arith.muli %iota3A, %mul3A_71 : vector<16xi32>
        %add3A_73 = vector.broadcast %add3A_69 : i32 to vector<16xi32>
        %add3A_74 = arith.addi %mul3A_72, %add3A_73 : vector<16xi32>
        %gather3A = tpu.vector_load_idx %arg7[%add3A_74] : memref<6272xi32, #tpu.memory_space<vmem>>[vector<16xi32>], vector<16xi32>,
        %shift_right_logical3A = arith.shrui %gather3A, %broadcast_in_dim3A_22 : vector<16xi32>
        %and3A = arith.constant 255 : i32
        %and3A_75 = vector.broadcast %and3A : i32 to vector<16xi32>
        %and3A_76 = arith.andi %shift_right_logical3A, %and3A_75 : vector<16xi32>
        %mul3A_77 = arith.constant 16 : i32
        %mul3A_78 = vector.broadcast %mul3A_77 : i32 to vector<16xi32>
        %mul3A_79 = arith.muli %and3A_76, %mul3A_78 : vector<16xi32>
        %add3A_80 = arith.addi %mul3A_79, %iota3A : vector<16xi32>
        %gather3A_81 = tpu.vector_load_idx %arg12[%add3A_80] : memref<4096xi32, #tpu.memory_space<vmem>>[vector<16xi32>], vector<16xi32>,
        %add3A_82 = arith.constant 1 : i32
        %add3A_83 = vector.broadcast %add3A_82 : i32 to vector<16xi32>
        %add3A_84 = arith.addi %gather3A_81, %add3A_83 : vector<16xi32>
        tpu.vector_store_idx %arg12[%add3A_80], %add3A_84 : memref<4096xi32, #tpu.memory_space<vmem>>[vector<16xi32>], vector<16xi32>,
        tpu.vector_store_idx %arg9[%add3A_74], %gather3A_81 : memref<6272xi32, #tpu.memory_space<vmem>>[vector<16xi32>], vector<16xi32>,
      }
      %scan3A_64 = arith.constant 392 : i32
      "tpu.region"() ({
        %run_scoped3A = tpu.sem_alloc : memref<!tpu.dma_semaphore, #tpu.memory_space<semaphore_mem>>
        %dma_start3A = arith.constant 0 : i32
        %dma_start3A_65 = tpu.memref_slice %arg19[%dma_start3A] : memref<100352xi32, #tpu.memory_space<vmem_shared>> -> memref<100352xi32, #tpu.memory_space<vmem_shared>>
        tpu.enqueue_indirect_dma source(%arg7 : memref<6272xi32, #tpu.memory_space<vmem>>) target(%dma_start3A_65 : memref<100352xi32, #tpu.memory_space<vmem_shared>>) offsets(%arg9 : memref<6272xi32, #tpu.memory_space<vmem>>) semaphore(%run_scoped3A : memref<!tpu.dma_semaphore, #tpu.memory_space<semaphore_mem>>)
        %dma_wait3A = arith.constant 0 : i32
        %dma_wait3A_66 = tpu.memref_slice %arg19[%dma_wait3A] : memref<100352xi32, #tpu.memory_space<vmem_shared>> -> memref<100352xi32, #tpu.memory_space<vmem_shared>>
        tpu.wait_indirect_dma semaphore(%run_scoped3A : memref<!tpu.dma_semaphore, #tpu.memory_space<semaphore_mem>>) src(%arg7 : memref<6272xi32, #tpu.memory_space<vmem>>) dst(%dma_wait3A_66 : memref<100352xi32, #tpu.memory_space<vmem_shared>>)
        tpu.yield
      }) : () -> ()
      "tpu.region"() ({
        %run_scoped3A = tpu.sem_alloc : memref<!tpu.dma_semaphore, #tpu.memory_space<semaphore_mem>>
        %dma_start3A = arith.constant 0 : i32
        %dma_start3A_65 = tpu.memref_slice %arg20[%dma_start3A] : memref<100352xi32, #tpu.memory_space<vmem_shared>> -> memref<100352xi32, #tpu.memory_space<vmem_shared>>
        tpu.enqueue_indirect_dma source(%arg8 : memref<6272xi32, #tpu.memory_space<vmem>>) target(%dma_start3A_65 : memref<100352xi32, #tpu.memory_space<vmem_shared>>) offsets(%arg9 : memref<6272xi32, #tpu.memory_space<vmem>>) semaphore(%run_scoped3A : memref<!tpu.dma_semaphore, #tpu.memory_space<semaphore_mem>>)
        %dma_wait3A = arith.constant 0 : i32
        %dma_wait3A_66 = tpu.memref_slice %arg20[%dma_wait3A] : memref<100352xi32, #tpu.memory_space<vmem_shared>> -> memref<100352xi32, #tpu.memory_space<vmem_shared>>
        tpu.wait_indirect_dma semaphore(%run_scoped3A : memref<!tpu.dma_semaphore, #tpu.memory_space<semaphore_mem>>) src(%arg8 : memref<6272xi32, #tpu.memory_space<vmem>>) dst(%dma_wait3A_66 : memref<100352xi32, #tpu.memory_space<vmem_shared>>)
        tpu.yield
      }) : () -> ()
    } else {
    }
    %barrier3A_30 = arith.constant 0 : index
    tpu.barrier barrier_id(%barrier3A_30)
    %broadcast_in_dim3A_31 = arith.constant 24 : i32
    %broadcast_in_dim3A_32 = vector.broadcast %broadcast_in_dim3A_31 : i32 to vector<16xi32>
    %convert_element_type3A_33 = arith.extui %eq3A_0 : i1 to i32
    %cond3A_34 = arith.constant 0 : i32
    %cond3A_35 = arith.cmpi ne, %convert_element_type3A_33, %cond3A_34 : i32
    scf.if %cond3A_35 {
      %mul3A = arith.constant 6272 : i32
      %mul3A_44 = arith.muli %arg1, %mul3A : i32
      "tpu.region"() ({
        %run_scoped3A = tpu.sem_alloc : memref<!tpu.dma_semaphore, #tpu.memory_space<semaphore_mem>>
        %dma_start3A = tpu.memref_slice %arg19[%mul3A_44] : memref<100352xi32, #tpu.memory_space<vmem_shared>> -> memref<6272xi32, #tpu.memory_space<vmem_shared>>
        %dma_start3A_61 = tpu.memref_slice %arg19[%mul3A_44] : memref<100352xi32, #tpu.memory_space<vmem_shared>> -> memref<6272xi32, #tpu.memory_space<vmem_shared>>
        tpu.enqueue_dma source(%dma_start3A_61 : memref<6272xi32, #tpu.memory_space<vmem_shared>>) target(%arg7 : memref<6272xi32, #tpu.memory_space<vmem>>) target_semaphore(%run_scoped3A : memref<!tpu.dma_semaphore, #tpu.memory_space<semaphore_mem>>)
        %dma_wait3A = tpu.memref_slice %arg19[%mul3A_44] : memref<100352xi32, #tpu.memory_space<vmem_shared>> -> memref<6272xi32, #tpu.memory_space<vmem_shared>>
        %dma_wait3A_62 = tpu.memref_slice %arg19[%mul3A_44] : memref<100352xi32, #tpu.memory_space<vmem_shared>> -> memref<6272xi32, #tpu.memory_space<vmem_shared>>
        tpu.wait_dma2 semaphore(%run_scoped3A : memref<!tpu.dma_semaphore, #tpu.memory_space<semaphore_mem>>) src(%dma_wait3A_62 : memref<6272xi32, #tpu.memory_space<vmem_shared>>) dst(%arg7 : memref<6272xi32, #tpu.memory_space<vmem>>)
        tpu.yield
      }) : () -> ()
      %scan3A = arith.constant 0 : i32
      %scan3A_45 = arith.constant 256 : i32
      %scan3A_46 = arith.addi %scan3A, %scan3A_45 : i32
      %scan3A_47 = arith.constant 1 : i32
      scf.for %scan3A_61 = %scan3A to %scan3A_46 step %scan3A_47  : i32 {
        %mul3A_62 = arith.constant 1 : i32
        %mul3A_63 = arith.muli %scan3A_61, %mul3A_62 : i32
        %add3A = arith.constant 0 : i32
        %add3A_64 = arith.addi %add3A, %mul3A_63 : i32
        %broadcast_in_dim3A_65 = arith.constant 0 : i32
        %broadcast_in_dim3A_66 = vector.broadcast %broadcast_in_dim3A_65 : i32 to vector<16xi32>
        %mul3A_67 = arith.constant 16 : i32
        %mul3A_68 = arith.muli %add3A_64, %mul3A_67 : i32
        %swap3A = arith.index_cast %mul3A_68 : i32 to index
        %swap3A_69 = tpu.vector_load %arg11[%swap3A] {strides = array<i32>} : memref<4096xi32, #tpu.memory_space<vmem>>, vector<16xi32>,
        tpu.vector_store %arg11[%swap3A], %broadcast_in_dim3A_66 {strides = array<i32>} : memref<4096xi32, #tpu.memory_space<vmem>>, vector<16xi32>,
      }
      %scan3A_48 = arith.constant 256 : i32
      %scan3A_49 = arith.constant 0 : i32
      %scan3A_50 = arith.constant 392 : i32
      %scan3A_51 = arith.addi %scan3A_49, %scan3A_50 : i32
      %scan3A_52 = arith.constant 1 : i32
      scf.for %scan3A_61 = %scan3A_49 to %scan3A_51 step %scan3A_52  : i32 {
        %mul3A_62 = arith.constant 1 : i32
        %mul3A_63 = arith.muli %scan3A_61, %mul3A_62 : i32
        %add3A = arith.constant 0 : i32
        %add3A_64 = arith.addi %add3A, %mul3A_63 : i32
        %mul3A_65 = arith.constant 392 : i32
        %mul3A_66 = vector.broadcast %mul3A_65 : i32 to vector<16xi32>
        %mul3A_67 = arith.muli %iota3A, %mul3A_66 : vector<16xi32>
        %add3A_68 = vector.broadcast %add3A_64 : i32 to vector<16xi32>
        %add3A_69 = arith.addi %mul3A_67, %add3A_68 : vector<16xi32>
        %gather3A = tpu.vector_load_idx %arg7[%add3A_69] : memref<6272xi32, #tpu.memory_space<vmem>>[vector<16xi32>], vector<16xi32>,
        %shift_right_logical3A = arith.shrui %gather3A, %broadcast_in_dim3A_32 : vector<16xi32>
        %and3A = arith.constant 255 : i32
        %and3A_70 = vector.broadcast %and3A : i32 to vector<16xi32>
        %and3A_71 = arith.andi %shift_right_logical3A, %and3A_70 : vector<16xi32>
        %mul3A_72 = arith.constant 16 : i32
        %mul3A_73 = vector.broadcast %mul3A_72 : i32 to vector<16xi32>
        %mul3A_74 = arith.muli %and3A_71, %mul3A_73 : vector<16xi32>
        %add3A_75 = arith.addi %mul3A_74, %iota3A : vector<16xi32>
        %gather3A_76 = tpu.vector_load_idx %arg11[%add3A_75] : memref<4096xi32, #tpu.memory_space<vmem>>[vector<16xi32>], vector<16xi32>,
        %add3A_77 = arith.constant 1 : i32
        %add3A_78 = vector.broadcast %add3A_77 : i32 to vector<16xi32>
        %add3A_79 = arith.addi %gather3A_76, %add3A_78 : vector<16xi32>
        tpu.vector_store_idx %arg11[%add3A_75], %add3A_79 : memref<4096xi32, #tpu.memory_space<vmem>>[vector<16xi32>], vector<16xi32>,
      }
      %scan3A_53 = arith.constant 392 : i32
      %scan3A_54 = arith.constant 0 : i32
      %scan3A_55 = arith.constant 16 : i32
      %scan3A_56 = arith.addi %scan3A_54, %scan3A_55 : i32
      %scan3A_57 = arith.constant 1 : i32
      scf.for %scan3A_61 = %scan3A_54 to %scan3A_56 step %scan3A_57  : i32 {
        %mul3A_62 = arith.constant 1 : i32
        %mul3A_63 = arith.muli %scan3A_61, %mul3A_62 : i32
        %add3A = arith.constant 0 : i32
        %add3A_64 = arith.addi %add3A, %mul3A_63 : i32
        %broadcast_in_dim3A_65 = arith.constant 0 : i32
        %broadcast_in_dim3A_66 = vector.broadcast %broadcast_in_dim3A_65 : i32 to vector<16xi32>
        %mul3A_67 = arith.constant 256 : i32
        %mul3A_68 = arith.muli %add3A_64, %mul3A_67 : i32
        %mul3A_69 = arith.constant 16 : i32
        %mul3A_70 = vector.broadcast %mul3A_69 : i32 to vector<16xi32>
        %mul3A_71 = arith.muli %iota3A, %mul3A_70 : vector<16xi32>
        %add3A_72 = vector.broadcast %mul3A_68 : i32 to vector<16xi32>
        %add3A_73 = arith.addi %add3A_72, %mul3A_71 : vector<16xi32>
        %add3A_74 = arith.constant 0 : i32
        %add3A_75 = vector.broadcast %add3A_74 : i32 to vector<16xi32>
        %add3A_76 = arith.addi %add3A_73, %add3A_75 : vector<16xi32>
        %gather3A = tpu.vector_load_idx %arg11[%add3A_76] : memref<4096xi32, #tpu.memory_space<vmem>>[vector<16xi32>], vector<16xi32>,
        %add3A_77 = arith.addi %broadcast_in_dim3A_66, %gather3A : vector<16xi32>
        %mul3A_78 = arith.constant 256 : i32
        %mul3A_79 = arith.muli %add3A_64, %mul3A_78 : i32
        %mul3A_80 = arith.constant 16 : i32
        %mul3A_81 = vector.broadcast %mul3A_80 : i32 to vector<16xi32>
        %mul3A_82 = arith.muli %iota3A, %mul3A_81 : vector<16xi32>
        %add3A_83 = vector.broadcast %mul3A_79 : i32 to vector<16xi32>
        %add3A_84 = arith.addi %add3A_83, %mul3A_82 : vector<16xi32>
        %add3A_85 = arith.constant 1 : i32
        %add3A_86 = vector.broadcast %add3A_85 : i32 to vector<16xi32>
        %add3A_87 = arith.addi %add3A_84, %add3A_86 : vector<16xi32>
        %gather3A_88 = tpu.vector_load_idx %arg11[%add3A_87] : memref<4096xi32, #tpu.memory_space<vmem>>[vector<16xi32>], vector<16xi32>,
        %add3A_89 = arith.addi %add3A_77, %gather3A_88 : vector<16xi32>
        %mul3A_90 = arith.constant 256 : i32
        %mul3A_91 = arith.muli %add3A_64, %mul3A_90 : i32
        %mul3A_92 = arith.constant 16 : i32
        %mul3A_93 = vector.broadcast %mul3A_92 : i32 to vector<16xi32>
        %mul3A_94 = arith.muli %iota3A, %mul3A_93 : vector<16xi32>
        %add3A_95 = vector.broadcast %mul3A_91 : i32 to vector<16xi32>
        %add3A_96 = arith.addi %add3A_95, %mul3A_94 : vector<16xi32>
        %add3A_97 = arith.constant 2 : i32
        %add3A_98 = vector.broadcast %add3A_97 : i32 to vector<16xi32>
        %add3A_99 = arith.addi %add3A_96, %add3A_98 : vector<16xi32>
        %gather3A_100 = tpu.vector_load_idx %arg11[%add3A_99] : memref<4096xi32, #tpu.memory_space<vmem>>[vector<16xi32>], vector<16xi32>,
        %add3A_101 = arith.addi %add3A_89, %gather3A_100 : vector<16xi32>
        %mul3A_102 = arith.constant 256 : i32
        %mul3A_103 = arith.muli %add3A_64, %mul3A_102 : i32
        %mul3A_104 = arith.constant 16 : i32
        %mul3A_105 = vector.broadcast %mul3A_104 : i32 to vector<16xi32>
        %mul3A_106 = arith.muli %iota3A, %mul3A_105 : vector<16xi32>
        %add3A_107 = vector.broadcast %mul3A_103 : i32 to vector<16xi32>
        %add3A_108 = arith.addi %add3A_107, %mul3A_106 : vector<16xi32>
        %add3A_109 = arith.constant 3 : i32
        %add3A_110 = vector.broadcast %add3A_109 : i32 to vector<16xi32>
        %add3A_111 = arith.addi %add3A_108, %add3A_110 : vector<16xi32>
        %gather3A_112 = tpu.vector_load_idx %arg11[%add3A_111] : memref<4096xi32, #tpu.memory_space<vmem>>[vector<16xi32>], vector<16xi32>,
        %add3A_113 = arith.addi %add3A_101, %gather3A_112 : vector<16xi32>
        %mul3A_114 = arith.constant 256 : i32
        %mul3A_115 = arith.muli %add3A_64, %mul3A_114 : i32
        %mul3A_116 = arith.constant 16 : i32
        %mul3A_117 = vector.broadcast %mul3A_116 : i32 to vector<16xi32>
        %mul3A_118 = arith.muli %iota3A, %mul3A_117 : vector<16xi32>
        %add3A_119 = vector.broadcast %mul3A_115 : i32 to vector<16xi32>
        %add3A_120 = arith.addi %add3A_119, %mul3A_118 : vector<16xi32>
        %add3A_121 = arith.constant 4 : i32
        %add3A_122 = vector.broadcast %add3A_121 : i32 to vector<16xi32>
        %add3A_123 = arith.addi %add3A_120, %add3A_122 : vector<16xi32>
        %gather3A_124 = tpu.vector_load_idx %arg11[%add3A_123] : memref<4096xi32, #tpu.memory_space<vmem>>[vector<16xi32>], vector<16xi32>,
        %add3A_125 = arith.addi %add3A_113, %gather3A_124 : vector<16xi32>
        %mul3A_126 = arith.constant 256 : i32
        %mul3A_127 = arith.muli %add3A_64, %mul3A_126 : i32
        %mul3A_128 = arith.constant 16 : i32
        %mul3A_129 = vector.broadcast %mul3A_128 : i32 to vector<16xi32>
        %mul3A_130 = arith.muli %iota3A, %mul3A_129 : vector<16xi32>
        %add3A_131 = vector.broadcast %mul3A_127 : i32 to vector<16xi32>
        %add3A_132 = arith.addi %add3A_131, %mul3A_130 : vector<16xi32>
        %add3A_133 = arith.constant 5 : i32
        %add3A_134 = vector.broadcast %add3A_133 : i32 to vector<16xi32>
        %add3A_135 = arith.addi %add3A_132, %add3A_134 : vector<16xi32>
        %gather3A_136 = tpu.vector_load_idx %arg11[%add3A_135] : memref<4096xi32, #tpu.memory_space<vmem>>[vector<16xi32>], vector<16xi32>,
        %add3A_137 = arith.addi %add3A_125, %gather3A_136 : vector<16xi32>
        %mul3A_138 = arith.constant 256 : i32
        %mul3A_139 = arith.muli %add3A_64, %mul3A_138 : i32
        %mul3A_140 = arith.constant 16 : i32
        %mul3A_141 = vector.broadcast %mul3A_140 : i32 to vector<16xi32>
        %mul3A_142 = arith.muli %iota3A, %mul3A_141 : vector<16xi32>
        %add3A_143 = vector.broadcast %mul3A_139 : i32 to vector<16xi32>
        %add3A_144 = arith.addi %add3A_143, %mul3A_142 : vector<16xi32>
        %add3A_145 = arith.constant 6 : i32
        %add3A_146 = vector.broadcast %add3A_145 : i32 to vector<16xi32>
        %add3A_147 = arith.addi %add3A_144, %add3A_146 : vector<16xi32>
        %gather3A_148 = tpu.vector_load_idx %arg11[%add3A_147] : memref<4096xi32, #tpu.memory_space<vmem>>[vector<16xi32>], vector<16xi32>,
        %add3A_149 = arith.addi %add3A_137, %gather3A_148 : vector<16xi32>
        %mul3A_150 = arith.constant 256 : i32
        %mul3A_151 = arith.muli %add3A_64, %mul3A_150 : i32
        %mul3A_152 = arith.constant 16 : i32
        %mul3A_153 = vector.broadcast %mul3A_152 : i32 to vector<16xi32>
        %mul3A_154 = arith.muli %iota3A, %mul3A_153 : vector<16xi32>
        %add3A_155 = vector.broadcast %mul3A_151 : i32 to vector<16xi32>
        %add3A_156 = arith.addi %add3A_155, %mul3A_154 : vector<16xi32>
        %add3A_157 = arith.constant 7 : i32
        %add3A_158 = vector.broadcast %add3A_157 : i32 to vector<16xi32>
        %add3A_159 = arith.addi %add3A_156, %add3A_158 : vector<16xi32>
        %gather3A_160 = tpu.vector_load_idx %arg11[%add3A_159] : memref<4096xi32, #tpu.memory_space<vmem>>[vector<16xi32>], vector<16xi32>,
        %add3A_161 = arith.addi %add3A_149, %gather3A_160 : vector<16xi32>
        %mul3A_162 = arith.constant 256 : i32
        %mul3A_163 = arith.muli %add3A_64, %mul3A_162 : i32
        %mul3A_164 = arith.constant 16 : i32
        %mul3A_165 = vector.broadcast %mul3A_164 : i32 to vector<16xi32>
        %mul3A_166 = arith.muli %iota3A, %mul3A_165 : vector<16xi32>
        %add3A_167 = vector.broadcast %mul3A_163 : i32 to vector<16xi32>
        %add3A_168 = arith.addi %add3A_167, %mul3A_166 : vector<16xi32>
        %add3A_169 = arith.constant 8 : i32
        %add3A_170 = vector.broadcast %add3A_169 : i32 to vector<16xi32>
        %add3A_171 = arith.addi %add3A_168, %add3A_170 : vector<16xi32>
        %gather3A_172 = tpu.vector_load_idx %arg11[%add3A_171] : memref<4096xi32, #tpu.memory_space<vmem>>[vector<16xi32>], vector<16xi32>,
        %add3A_173 = arith.addi %add3A_161, %gather3A_172 : vector<16xi32>
        %mul3A_174 = arith.constant 256 : i32
        %mul3A_175 = arith.muli %add3A_64, %mul3A_174 : i32
        %mul3A_176 = arith.constant 16 : i32
        %mul3A_177 = vector.broadcast %mul3A_176 : i32 to vector<16xi32>
        %mul3A_178 = arith.muli %iota3A, %mul3A_177 : vector<16xi32>
        %add3A_179 = vector.broadcast %mul3A_175 : i32 to vector<16xi32>
        %add3A_180 = arith.addi %add3A_179, %mul3A_178 : vector<16xi32>
        %add3A_181 = arith.constant 9 : i32
        %add3A_182 = vector.broadcast %add3A_181 : i32 to vector<16xi32>
        %add3A_183 = arith.addi %add3A_180, %add3A_182 : vector<16xi32>
        %gather3A_184 = tpu.vector_load_idx %arg11[%add3A_183] : memref<4096xi32, #tpu.memory_space<vmem>>[vector<16xi32>], vector<16xi32>,
        %add3A_185 = arith.addi %add3A_173, %gather3A_184 : vector<16xi32>
        %mul3A_186 = arith.constant 256 : i32
        %mul3A_187 = arith.muli %add3A_64, %mul3A_186 : i32
        %mul3A_188 = arith.constant 16 : i32
        %mul3A_189 = vector.broadcast %mul3A_188 : i32 to vector<16xi32>
        %mul3A_190 = arith.muli %iota3A, %mul3A_189 : vector<16xi32>
        %add3A_191 = vector.broadcast %mul3A_187 : i32 to vector<16xi32>
        %add3A_192 = arith.addi %add3A_191, %mul3A_190 : vector<16xi32>
        %add3A_193 = arith.constant 10 : i32
        %add3A_194 = vector.broadcast %add3A_193 : i32 to vector<16xi32>
        %add3A_195 = arith.addi %add3A_192, %add3A_194 : vector<16xi32>
        %gather3A_196 = tpu.vector_load_idx %arg11[%add3A_195] : memref<4096xi32, #tpu.memory_space<vmem>>[vector<16xi32>], vector<16xi32>,
        %add3A_197 = arith.addi %add3A_185, %gather3A_196 : vector<16xi32>
        %mul3A_198 = arith.constant 256 : i32
        %mul3A_199 = arith.muli %add3A_64, %mul3A_198 : i32
        %mul3A_200 = arith.constant 16 : i32
        %mul3A_201 = vector.broadcast %mul3A_200 : i32 to vector<16xi32>
        %mul3A_202 = arith.muli %iota3A, %mul3A_201 : vector<16xi32>
        %add3A_203 = vector.broadcast %mul3A_199 : i32 to vector<16xi32>
        %add3A_204 = arith.addi %add3A_203, %mul3A_202 : vector<16xi32>
        %add3A_205 = arith.constant 11 : i32
        %add3A_206 = vector.broadcast %add3A_205 : i32 to vector<16xi32>
        %add3A_207 = arith.addi %add3A_204, %add3A_206 : vector<16xi32>
        %gather3A_208 = tpu.vector_load_idx %arg11[%add3A_207] : memref<4096xi32, #tpu.memory_space<vmem>>[vector<16xi32>], vector<16xi32>,
        %add3A_209 = arith.addi %add3A_197, %gather3A_208 : vector<16xi32>
        %mul3A_210 = arith.constant 256 : i32
        %mul3A_211 = arith.muli %add3A_64, %mul3A_210 : i32
        %mul3A_212 = arith.constant 16 : i32
        %mul3A_213 = vector.broadcast %mul3A_212 : i32 to vector<16xi32>
        %mul3A_214 = arith.muli %iota3A, %mul3A_213 : vector<16xi32>
        %add3A_215 = vector.broadcast %mul3A_211 : i32 to vector<16xi32>
        %add3A_216 = arith.addi %add3A_215, %mul3A_214 : vector<16xi32>
        %add3A_217 = arith.constant 12 : i32
        %add3A_218 = vector.broadcast %add3A_217 : i32 to vector<16xi32>
        %add3A_219 = arith.addi %add3A_216, %add3A_218 : vector<16xi32>
        %gather3A_220 = tpu.vector_load_idx %arg11[%add3A_219] : memref<4096xi32, #tpu.memory_space<vmem>>[vector<16xi32>], vector<16xi32>,
        %add3A_221 = arith.addi %add3A_209, %gather3A_220 : vector<16xi32>
        %mul3A_222 = arith.constant 256 : i32
        %mul3A_223 = arith.muli %add3A_64, %mul3A_222 : i32
        %mul3A_224 = arith.constant 16 : i32
        %mul3A_225 = vector.broadcast %mul3A_224 : i32 to vector<16xi32>
        %mul3A_226 = arith.muli %iota3A, %mul3A_225 : vector<16xi32>
        %add3A_227 = vector.broadcast %mul3A_223 : i32 to vector<16xi32>
        %add3A_228 = arith.addi %add3A_227, %mul3A_226 : vector<16xi32>
        %add3A_229 = arith.constant 13 : i32
        %add3A_230 = vector.broadcast %add3A_229 : i32 to vector<16xi32>
        %add3A_231 = arith.addi %add3A_228, %add3A_230 : vector<16xi32>
        %gather3A_232 = tpu.vector_load_idx %arg11[%add3A_231] : memref<4096xi32, #tpu.memory_space<vmem>>[vector<16xi32>], vector<16xi32>,
        %add3A_233 = arith.addi %add3A_221, %gather3A_232 : vector<16xi32>
        %mul3A_234 = arith.constant 256 : i32
        %mul3A_235 = arith.muli %add3A_64, %mul3A_234 : i32
        %mul3A_236 = arith.constant 16 : i32
        %mul3A_237 = vector.broadcast %mul3A_236 : i32 to vector<16xi32>
        %mul3A_238 = arith.muli %iota3A, %mul3A_237 : vector<16xi32>
        %add3A_239 = vector.broadcast %mul3A_235 : i32 to vector<16xi32>
        %add3A_240 = arith.addi %add3A_239, %mul3A_238 : vector<16xi32>
        %add3A_241 = arith.constant 14 : i32
        %add3A_242 = vector.broadcast %add3A_241 : i32 to vector<16xi32>
        %add3A_243 = arith.addi %add3A_240, %add3A_242 : vector<16xi32>
        %gather3A_244 = tpu.vector_load_idx %arg11[%add3A_243] : memref<4096xi32, #tpu.memory_space<vmem>>[vector<16xi32>], vector<16xi32>,
        %add3A_245 = arith.addi %add3A_233, %gather3A_244 : vector<16xi32>
        %mul3A_246 = arith.constant 256 : i32
        %mul3A_247 = arith.muli %add3A_64, %mul3A_246 : i32
        %mul3A_248 = arith.constant 16 : i32
        %mul3A_249 = vector.broadcast %mul3A_248 : i32 to vector<16xi32>
        %mul3A_250 = arith.muli %iota3A, %mul3A_249 : vector<16xi32>
        %add3A_251 = vector.broadcast %mul3A_247 : i32 to vector<16xi32>
        %add3A_252 = arith.addi %add3A_251, %mul3A_250 : vector<16xi32>
        %add3A_253 = arith.constant 15 : i32
        %add3A_254 = vector.broadcast %add3A_253 : i32 to vector<16xi32>
        %add3A_255 = arith.addi %add3A_252, %add3A_254 : vector<16xi32>
        %gather3A_256 = tpu.vector_load_idx %arg11[%add3A_255] : memref<4096xi32, #tpu.memory_space<vmem>>[vector<16xi32>], vector<16xi32>,
        %add3A_257 = arith.addi %add3A_245, %gather3A_256 : vector<16xi32>
        %mul3A_258 = arith.constant 16 : i32
        %mul3A_259 = arith.muli %add3A_64, %mul3A_258 : i32
        %swap3A = arith.index_cast %mul3A_259 : i32 to index
        %swap3A_260 = tpu.vector_load %arg14[%swap3A] {strides = array<i32>} : memref<256xi32, #tpu.memory_space<vmem>>, vector<16xi32>,
        tpu.vector_store %arg14[%swap3A], %add3A_257 {strides = array<i32>} : memref<256xi32, #tpu.memory_space<vmem>>, vector<16xi32>,
      }
      %scan3A_58 = arith.constant 16 : i32
      %mul3A_59 = arith.constant 256 : i32
      %mul3A_60 = arith.muli %arg1, %mul3A_59 : i32
      "tpu.region"() ({
        %run_scoped3A = tpu.sem_alloc : memref<!tpu.dma_semaphore, #tpu.memory_space<semaphore_mem>>
        %dma_start3A = tpu.memref_slice %arg24[%mul3A_60] : memref<4096xi32, #tpu.memory_space<vmem_shared>> -> memref<256xi32, #tpu.memory_space<vmem_shared>>
        %dma_start3A_61 = tpu.memref_slice %arg24[%mul3A_60] : memref<4096xi32, #tpu.memory_space<vmem_shared>> -> memref<256xi32, #tpu.memory_space<vmem_shared>>
        tpu.enqueue_dma source(%arg14 : memref<256xi32, #tpu.memory_space<vmem>>) target(%dma_start3A_61 : memref<256xi32, #tpu.memory_space<vmem_shared>>) target_semaphore(%run_scoped3A : memref<!tpu.dma_semaphore, #tpu.memory_space<semaphore_mem>>)
        %dma_wait3A = tpu.memref_slice %arg24[%mul3A_60] : memref<4096xi32, #tpu.memory_space<vmem_shared>> -> memref<256xi32, #tpu.memory_space<vmem_shared>>
        %dma_wait3A_62 = tpu.memref_slice %arg24[%mul3A_60] : memref<4096xi32, #tpu.memory_space<vmem_shared>> -> memref<256xi32, #tpu.memory_space<vmem_shared>>
        tpu.wait_dma2 semaphore(%run_scoped3A : memref<!tpu.dma_semaphore, #tpu.memory_space<semaphore_mem>>) src(%arg14 : memref<256xi32, #tpu.memory_space<vmem>>) dst(%dma_wait3A_62 : memref<256xi32, #tpu.memory_space<vmem_shared>>)
        tpu.yield
      }) : () -> ()
    } else {
    }
    %barrier3A_36 = arith.constant 0 : index
    tpu.barrier barrier_id(%barrier3A_36)
    %convert_element_type3A_37 = arith.extui %eq3A_0 : i1 to i32
    %cond3A_38 = arith.constant 0 : i32
    %cond3A_39 = arith.cmpi ne, %convert_element_type3A_37, %cond3A_38 : i32
    scf.if %cond3A_39 {
      "tpu.region"() ({
        %run_scoped3A = tpu.sem_alloc : memref<!tpu.dma_semaphore, #tpu.memory_space<semaphore_mem>>
        tpu.enqueue_dma source(%arg24 : memref<4096xi32, #tpu.memory_space<vmem_shared>>) target(%arg15 : memref<4096xi32, #tpu.memory_space<vmem>>) target_semaphore(%run_scoped3A : memref<!tpu.dma_semaphore, #tpu.memory_space<semaphore_mem>>)
        tpu.wait_dma2 semaphore(%run_scoped3A : memref<!tpu.dma_semaphore, #tpu.memory_space<semaphore_mem>>) src(%arg24 : memref<4096xi32, #tpu.memory_space<vmem_shared>>) dst(%arg15 : memref<4096xi32, #tpu.memory_space<vmem>>)
        tpu.yield
      }) : () -> ()
      %broadcast_in_dim3A_44 = arith.constant 0 : i32
      %broadcast_in_dim3A_45 = vector.broadcast %broadcast_in_dim3A_44 : i32 to vector<16xi32>
      %add3A = vector.broadcast %arg1 : i32 to vector<16xi32>
      %add3A_46 = arith.addi %broadcast_in_dim3A_45, %add3A : vector<16xi32>
      %broadcast_in_dim3A_47 = arith.constant 0 : i32
      %broadcast_in_dim3A_48 = vector.broadcast %broadcast_in_dim3A_47 : i32 to vector<16xi32>
      %scan3A = arith.constant 0 : i32
      %scan3A_49 = arith.constant 16 : i32
      %scan3A_50 = arith.addi %scan3A, %scan3A_49 : i32
      %scan3A_51 = arith.constant 1 : i32
      %scan3A_52 = scf.for %scan3A_70 = %scan3A to %scan3A_50 step %scan3A_51 iter_args(%scan3A_71 = %broadcast_in_dim3A_48) -> (vector<16xi32>)  : i32 {
        %mul3A_72 = arith.constant 1 : i32
        %mul3A_73 = arith.muli %scan3A_70, %mul3A_72 : i32
        %add3A_74 = arith.constant 0 : i32
        %add3A_75 = arith.addi %add3A_74, %mul3A_73 : i32
        %broadcast_in_dim3A_76 = arith.constant 0 : i32
        %broadcast_in_dim3A_77 = vector.broadcast %broadcast_in_dim3A_76 : i32 to vector<16xi32>
        %broadcast_in_dim3A_78 = arith.constant 0 : i32
        %broadcast_in_dim3A_79 = vector.broadcast %broadcast_in_dim3A_78 : i32 to vector<16xi32>
        %mul3A_80 = arith.constant 16 : i32
        %mul3A_81 = arith.muli %add3A_75, %mul3A_80 : i32
        %add3A_82 = arith.constant 0 : i32
        %add3A_83 = arith.addi %add3A_82, %mul3A_81 : i32
        %get3A = arith.index_cast %add3A_83 : i32 to index
        %get3A_84 = tpu.vector_load %arg15[%get3A] {strides = array<i32>} : memref<4096xi32, #tpu.memory_space<vmem>>, vector<16xi32>,
        %add3A_85 = arith.addi %broadcast_in_dim3A_77, %get3A_84 : vector<16xi32>
        %broadcast_in_dim3A_86 = arith.constant 0 : i32
        %broadcast_in_dim3A_87 = vector.broadcast %broadcast_in_dim3A_86 : i32 to vector<16xi32>
        %lt3A = arith.cmpi slt, %broadcast_in_dim3A_87, %add3A_46 : vector<16xi32>
        %jit3A = arith.constant 0 : i32
        %broadcast_in_dim3A_88 = vector.broadcast %jit3A : i32 to vector<16xi32>
        %select_n3A = arith.select %lt3A, %get3A_84, %broadcast_in_dim3A_88 : vector<16xi1>, vector<16xi32>
        %add3A_89 = arith.addi %broadcast_in_dim3A_79, %select_n3A : vector<16xi32>
        %mul3A_90 = arith.constant 16 : i32
        %mul3A_91 = arith.muli %add3A_75, %mul3A_90 : i32
        %add3A_92 = arith.constant 256 : i32
        %add3A_93 = arith.addi %add3A_92, %mul3A_91 : i32
        %get3A_94 = arith.index_cast %add3A_93 : i32 to index
        %get3A_95 = tpu.vector_load %arg15[%get3A_94] {strides = array<i32>} : memref<4096xi32, #tpu.memory_space<vmem>>, vector<16xi32>,
        %add3A_96 = arith.addi %add3A_85, %get3A_95 : vector<16xi32>
        %broadcast_in_dim3A_97 = arith.constant 1 : i32
        %broadcast_in_dim3A_98 = vector.broadcast %broadcast_in_dim3A_97 : i32 to vector<16xi32>
        %lt3A_99 = arith.cmpi slt, %broadcast_in_dim3A_98, %add3A_46 : vector<16xi32>
        %jit3A_100 = arith.constant 0 : i32
        %broadcast_in_dim3A_101 = vector.broadcast %jit3A_100 : i32 to vector<16xi32>
        %select_n3A_102 = arith.select %lt3A_99, %get3A_95, %broadcast_in_dim3A_101 : vector<16xi1>, vector<16xi32>
        %add3A_103 = arith.addi %add3A_89, %select_n3A_102 : vector<16xi32>
        %mul3A_104 = arith.constant 16 : i32
        %mul3A_105 = arith.muli %add3A_75, %mul3A_104 : i32
        %add3A_106 = arith.constant 512 : i32
        %add3A_107 = arith.addi %add3A_106, %mul3A_105 : i32
        %get3A_108 = arith.index_cast %add3A_107 : i32 to index
        %get3A_109 = tpu.vector_load %arg15[%get3A_108] {strides = array<i32>} : memref<4096xi32, #tpu.memory_space<vmem>>, vector<16xi32>,
        %add3A_110 = arith.addi %add3A_96, %get3A_109 : vector<16xi32>
        %broadcast_in_dim3A_111 = arith.constant 2 : i32
        %broadcast_in_dim3A_112 = vector.broadcast %broadcast_in_dim3A_111 : i32 to vector<16xi32>
        %lt3A_113 = arith.cmpi slt, %broadcast_in_dim3A_112, %add3A_46 : vector<16xi32>
        %jit3A_114 = arith.constant 0 : i32
        %broadcast_in_dim3A_115 = vector.broadcast %jit3A_114 : i32 to vector<16xi32>
        %select_n3A_116 = arith.select %lt3A_113, %get3A_109, %broadcast_in_dim3A_115 : vector<16xi1>, vector<16xi32>
        %add3A_117 = arith.addi %add3A_103, %select_n3A_116 : vector<16xi32>
        %mul3A_118 = arith.constant 16 : i32
        %mul3A_119 = arith.muli %add3A_75, %mul3A_118 : i32
        %add3A_120 = arith.constant 768 : i32
        %add3A_121 = arith.addi %add3A_120, %mul3A_119 : i32
        %get3A_122 = arith.index_cast %add3A_121 : i32 to index
        %get3A_123 = tpu.vector_load %arg15[%get3A_122] {strides = array<i32>} : memref<4096xi32, #tpu.memory_space<vmem>>, vector<16xi32>,
        %add3A_124 = arith.addi %add3A_110, %get3A_123 : vector<16xi32>
        %broadcast_in_dim3A_125 = arith.constant 3 : i32
        %broadcast_in_dim3A_126 = vector.broadcast %broadcast_in_dim3A_125 : i32 to vector<16xi32>
        %lt3A_127 = arith.cmpi slt, %broadcast_in_dim3A_126, %add3A_46 : vector<16xi32>
        %jit3A_128 = arith.constant 0 : i32
        %broadcast_in_dim3A_129 = vector.broadcast %jit3A_128 : i32 to vector<16xi32>
        %select_n3A_130 = arith.select %lt3A_127, %get3A_123, %broadcast_in_dim3A_129 : vector<16xi1>, vector<16xi32>
        %add3A_131 = arith.addi %add3A_117, %select_n3A_130 : vector<16xi32>
        %mul3A_132 = arith.constant 16 : i32
        %mul3A_133 = arith.muli %add3A_75, %mul3A_132 : i32
        %add3A_134 = arith.constant 1024 : i32
        %add3A_135 = arith.addi %add3A_134, %mul3A_133 : i32
        %get3A_136 = arith.index_cast %add3A_135 : i32 to index
        %get3A_137 = tpu.vector_load %arg15[%get3A_136] {strides = array<i32>} : memref<4096xi32, #tpu.memory_space<vmem>>, vector<16xi32>,
        %add3A_138 = arith.addi %add3A_124, %get3A_137 : vector<16xi32>
        %broadcast_in_dim3A_139 = arith.constant 4 : i32
        %broadcast_in_dim3A_140 = vector.broadcast %broadcast_in_dim3A_139 : i32 to vector<16xi32>
        %lt3A_141 = arith.cmpi slt, %broadcast_in_dim3A_140, %add3A_46 : vector<16xi32>
        %jit3A_142 = arith.constant 0 : i32
        %broadcast_in_dim3A_143 = vector.broadcast %jit3A_142 : i32 to vector<16xi32>
        %select_n3A_144 = arith.select %lt3A_141, %get3A_137, %broadcast_in_dim3A_143 : vector<16xi1>, vector<16xi32>
        %add3A_145 = arith.addi %add3A_131, %select_n3A_144 : vector<16xi32>
        %mul3A_146 = arith.constant 16 : i32
        %mul3A_147 = arith.muli %add3A_75, %mul3A_146 : i32
        %add3A_148 = arith.constant 1280 : i32
        %add3A_149 = arith.addi %add3A_148, %mul3A_147 : i32
        %get3A_150 = arith.index_cast %add3A_149 : i32 to index
        %get3A_151 = tpu.vector_load %arg15[%get3A_150] {strides = array<i32>} : memref<4096xi32, #tpu.memory_space<vmem>>, vector<16xi32>,
        %add3A_152 = arith.addi %add3A_138, %get3A_151 : vector<16xi32>
        %broadcast_in_dim3A_153 = arith.constant 5 : i32
        %broadcast_in_dim3A_154 = vector.broadcast %broadcast_in_dim3A_153 : i32 to vector<16xi32>
        %lt3A_155 = arith.cmpi slt, %broadcast_in_dim3A_154, %add3A_46 : vector<16xi32>
        %jit3A_156 = arith.constant 0 : i32
        %broadcast_in_dim3A_157 = vector.broadcast %jit3A_156 : i32 to vector<16xi32>
        %select_n3A_158 = arith.select %lt3A_155, %get3A_151, %broadcast_in_dim3A_157 : vector<16xi1>, vector<16xi32>
        %add3A_159 = arith.addi %add3A_145, %select_n3A_158 : vector<16xi32>
        %mul3A_160 = arith.constant 16 : i32
        %mul3A_161 = arith.muli %add3A_75, %mul3A_160 : i32
        %add3A_162 = arith.constant 1536 : i32
        %add3A_163 = arith.addi %add3A_162, %mul3A_161 : i32
        %get3A_164 = arith.index_cast %add3A_163 : i32 to index
        %get3A_165 = tpu.vector_load %arg15[%get3A_164] {strides = array<i32>} : memref<4096xi32, #tpu.memory_space<vmem>>, vector<16xi32>,
        %add3A_166 = arith.addi %add3A_152, %get3A_165 : vector<16xi32>
        %broadcast_in_dim3A_167 = arith.constant 6 : i32
        %broadcast_in_dim3A_168 = vector.broadcast %broadcast_in_dim3A_167 : i32 to vector<16xi32>
        %lt3A_169 = arith.cmpi slt, %broadcast_in_dim3A_168, %add3A_46 : vector<16xi32>
        %jit3A_170 = arith.constant 0 : i32
        %broadcast_in_dim3A_171 = vector.broadcast %jit3A_170 : i32 to vector<16xi32>
        %select_n3A_172 = arith.select %lt3A_169, %get3A_165, %broadcast_in_dim3A_171 : vector<16xi1>, vector<16xi32>
        %add3A_173 = arith.addi %add3A_159, %select_n3A_172 : vector<16xi32>
        %mul3A_174 = arith.constant 16 : i32
        %mul3A_175 = arith.muli %add3A_75, %mul3A_174 : i32
        %add3A_176 = arith.constant 1792 : i32
        %add3A_177 = arith.addi %add3A_176, %mul3A_175 : i32
        %get3A_178 = arith.index_cast %add3A_177 : i32 to index
        %get3A_179 = tpu.vector_load %arg15[%get3A_178] {strides = array<i32>} : memref<4096xi32, #tpu.memory_space<vmem>>, vector<16xi32>,
        %add3A_180 = arith.addi %add3A_166, %get3A_179 : vector<16xi32>
        %broadcast_in_dim3A_181 = arith.constant 7 : i32
        %broadcast_in_dim3A_182 = vector.broadcast %broadcast_in_dim3A_181 : i32 to vector<16xi32>
        %lt3A_183 = arith.cmpi slt, %broadcast_in_dim3A_182, %add3A_46 : vector<16xi32>
        %jit3A_184 = arith.constant 0 : i32
        %broadcast_in_dim3A_185 = vector.broadcast %jit3A_184 : i32 to vector<16xi32>
        %select_n3A_186 = arith.select %lt3A_183, %get3A_179, %broadcast_in_dim3A_185 : vector<16xi1>, vector<16xi32>
        %add3A_187 = arith.addi %add3A_173, %select_n3A_186 : vector<16xi32>
        %mul3A_188 = arith.constant 16 : i32
        %mul3A_189 = arith.muli %add3A_75, %mul3A_188 : i32
        %add3A_190 = arith.constant 2048 : i32
        %add3A_191 = arith.addi %add3A_190, %mul3A_189 : i32
        %get3A_192 = arith.index_cast %add3A_191 : i32 to index
        %get3A_193 = tpu.vector_load %arg15[%get3A_192] {strides = array<i32>} : memref<4096xi32, #tpu.memory_space<vmem>>, vector<16xi32>,
        %add3A_194 = arith.addi %add3A_180, %get3A_193 : vector<16xi32>
        %broadcast_in_dim3A_195 = arith.constant 8 : i32
        %broadcast_in_dim3A_196 = vector.broadcast %broadcast_in_dim3A_195 : i32 to vector<16xi32>
        %lt3A_197 = arith.cmpi slt, %broadcast_in_dim3A_196, %add3A_46 : vector<16xi32>
        %jit3A_198 = arith.constant 0 : i32
        %broadcast_in_dim3A_199 = vector.broadcast %jit3A_198 : i32 to vector<16xi32>
        %select_n3A_200 = arith.select %lt3A_197, %get3A_193, %broadcast_in_dim3A_199 : vector<16xi1>, vector<16xi32>
        %add3A_201 = arith.addi %add3A_187, %select_n3A_200 : vector<16xi32>
        %mul3A_202 = arith.constant 16 : i32
        %mul3A_203 = arith.muli %add3A_75, %mul3A_202 : i32
        %add3A_204 = arith.constant 2304 : i32
        %add3A_205 = arith.addi %add3A_204, %mul3A_203 : i32
        %get3A_206 = arith.index_cast %add3A_205 : i32 to index
        %get3A_207 = tpu.vector_load %arg15[%get3A_206] {strides = array<i32>} : memref<4096xi32, #tpu.memory_space<vmem>>, vector<16xi32>,
        %add3A_208 = arith.addi %add3A_194, %get3A_207 : vector<16xi32>
        %broadcast_in_dim3A_209 = arith.constant 9 : i32
        %broadcast_in_dim3A_210 = vector.broadcast %broadcast_in_dim3A_209 : i32 to vector<16xi32>
        %lt3A_211 = arith.cmpi slt, %broadcast_in_dim3A_210, %add3A_46 : vector<16xi32>
        %jit3A_212 = arith.constant 0 : i32
        %broadcast_in_dim3A_213 = vector.broadcast %jit3A_212 : i32 to vector<16xi32>
        %select_n3A_214 = arith.select %lt3A_211, %get3A_207, %broadcast_in_dim3A_213 : vector<16xi1>, vector<16xi32>
        %add3A_215 = arith.addi %add3A_201, %select_n3A_214 : vector<16xi32>
        %mul3A_216 = arith.constant 16 : i32
        %mul3A_217 = arith.muli %add3A_75, %mul3A_216 : i32
        %add3A_218 = arith.constant 2560 : i32
        %add3A_219 = arith.addi %add3A_218, %mul3A_217 : i32
        %get3A_220 = arith.index_cast %add3A_219 : i32 to index
        %get3A_221 = tpu.vector_load %arg15[%get3A_220] {strides = array<i32>} : memref<4096xi32, #tpu.memory_space<vmem>>, vector<16xi32>,
        %add3A_222 = arith.addi %add3A_208, %get3A_221 : vector<16xi32>
        %broadcast_in_dim3A_223 = arith.constant 10 : i32
        %broadcast_in_dim3A_224 = vector.broadcast %broadcast_in_dim3A_223 : i32 to vector<16xi32>
        %lt3A_225 = arith.cmpi slt, %broadcast_in_dim3A_224, %add3A_46 : vector<16xi32>
        %jit3A_226 = arith.constant 0 : i32
        %broadcast_in_dim3A_227 = vector.broadcast %jit3A_226 : i32 to vector<16xi32>
        %select_n3A_228 = arith.select %lt3A_225, %get3A_221, %broadcast_in_dim3A_227 : vector<16xi1>, vector<16xi32>
        %add3A_229 = arith.addi %add3A_215, %select_n3A_228 : vector<16xi32>
        %mul3A_230 = arith.constant 16 : i32
        %mul3A_231 = arith.muli %add3A_75, %mul3A_230 : i32
        %add3A_232 = arith.constant 2816 : i32
        %add3A_233 = arith.addi %add3A_232, %mul3A_231 : i32
        %get3A_234 = arith.index_cast %add3A_233 : i32 to index
        %get3A_235 = tpu.vector_load %arg15[%get3A_234] {strides = array<i32>} : memref<4096xi32, #tpu.memory_space<vmem>>, vector<16xi32>,
        %add3A_236 = arith.addi %add3A_222, %get3A_235 : vector<16xi32>
        %broadcast_in_dim3A_237 = arith.constant 11 : i32
        %broadcast_in_dim3A_238 = vector.broadcast %broadcast_in_dim3A_237 : i32 to vector<16xi32>
        %lt3A_239 = arith.cmpi slt, %broadcast_in_dim3A_238, %add3A_46 : vector<16xi32>
        %jit3A_240 = arith.constant 0 : i32
        %broadcast_in_dim3A_241 = vector.broadcast %jit3A_240 : i32 to vector<16xi32>
        %select_n3A_242 = arith.select %lt3A_239, %get3A_235, %broadcast_in_dim3A_241 : vector<16xi1>, vector<16xi32>
        %add3A_243 = arith.addi %add3A_229, %select_n3A_242 : vector<16xi32>
        %mul3A_244 = arith.constant 16 : i32
        %mul3A_245 = arith.muli %add3A_75, %mul3A_244 : i32
        %add3A_246 = arith.constant 3072 : i32
        %add3A_247 = arith.addi %add3A_246, %mul3A_245 : i32
        %get3A_248 = arith.index_cast %add3A_247 : i32 to index
        %get3A_249 = tpu.vector_load %arg15[%get3A_248] {strides = array<i32>} : memref<4096xi32, #tpu.memory_space<vmem>>, vector<16xi32>,
        %add3A_250 = arith.addi %add3A_236, %get3A_249 : vector<16xi32>
        %broadcast_in_dim3A_251 = arith.constant 12 : i32
        %broadcast_in_dim3A_252 = vector.broadcast %broadcast_in_dim3A_251 : i32 to vector<16xi32>
        %lt3A_253 = arith.cmpi slt, %broadcast_in_dim3A_252, %add3A_46 : vector<16xi32>
        %jit3A_254 = arith.constant 0 : i32
        %broadcast_in_dim3A_255 = vector.broadcast %jit3A_254 : i32 to vector<16xi32>
        %select_n3A_256 = arith.select %lt3A_253, %get3A_249, %broadcast_in_dim3A_255 : vector<16xi1>, vector<16xi32>
        %add3A_257 = arith.addi %add3A_243, %select_n3A_256 : vector<16xi32>
        %mul3A_258 = arith.constant 16 : i32
        %mul3A_259 = arith.muli %add3A_75, %mul3A_258 : i32
        %add3A_260 = arith.constant 3328 : i32
        %add3A_261 = arith.addi %add3A_260, %mul3A_259 : i32
        %get3A_262 = arith.index_cast %add3A_261 : i32 to index
        %get3A_263 = tpu.vector_load %arg15[%get3A_262] {strides = array<i32>} : memref<4096xi32, #tpu.memory_space<vmem>>, vector<16xi32>,
        %add3A_264 = arith.addi %add3A_250, %get3A_263 : vector<16xi32>
        %broadcast_in_dim3A_265 = arith.constant 13 : i32
        %broadcast_in_dim3A_266 = vector.broadcast %broadcast_in_dim3A_265 : i32 to vector<16xi32>
        %lt3A_267 = arith.cmpi slt, %broadcast_in_dim3A_266, %add3A_46 : vector<16xi32>
        %jit3A_268 = arith.constant 0 : i32
        %broadcast_in_dim3A_269 = vector.broadcast %jit3A_268 : i32 to vector<16xi32>
        %select_n3A_270 = arith.select %lt3A_267, %get3A_263, %broadcast_in_dim3A_269 : vector<16xi1>, vector<16xi32>
        %add3A_271 = arith.addi %add3A_257, %select_n3A_270 : vector<16xi32>
        %mul3A_272 = arith.constant 16 : i32
        %mul3A_273 = arith.muli %add3A_75, %mul3A_272 : i32
        %add3A_274 = arith.constant 3584 : i32
        %add3A_275 = arith.addi %add3A_274, %mul3A_273 : i32
        %get3A_276 = arith.index_cast %add3A_275 : i32 to index
        %get3A_277 = tpu.vector_load %arg15[%get3A_276] {strides = array<i32>} : memref<4096xi32, #tpu.memory_space<vmem>>, vector<16xi32>,
        %add3A_278 = arith.addi %add3A_264, %get3A_277 : vector<16xi32>
        %broadcast_in_dim3A_279 = arith.constant 14 : i32
        %broadcast_in_dim3A_280 = vector.broadcast %broadcast_in_dim3A_279 : i32 to vector<16xi32>
        %lt3A_281 = arith.cmpi slt, %broadcast_in_dim3A_280, %add3A_46 : vector<16xi32>
        %jit3A_282 = arith.constant 0 : i32
        %broadcast_in_dim3A_283 = vector.broadcast %jit3A_282 : i32 to vector<16xi32>
        %select_n3A_284 = arith.select %lt3A_281, %get3A_277, %broadcast_in_dim3A_283 : vector<16xi1>, vector<16xi32>
        %add3A_285 = arith.addi %add3A_271, %select_n3A_284 : vector<16xi32>
        %mul3A_286 = arith.constant 16 : i32
        %mul3A_287 = arith.muli %add3A_75, %mul3A_286 : i32
        %add3A_288 = arith.constant 3840 : i32
        %add3A_289 = arith.addi %add3A_288, %mul3A_287 : i32
        %get3A_290 = arith.index_cast %add3A_289 : i32 to index
        %get3A_291 = tpu.vector_load %arg15[%get3A_290] {strides = array<i32>} : memref<4096xi32, #tpu.memory_space<vmem>>, vector<16xi32>,
        %add3A_292 = arith.addi %add3A_278, %get3A_291 : vector<16xi32>
        %broadcast_in_dim3A_293 = arith.constant 15 : i32
        %broadcast_in_dim3A_294 = vector.broadcast %broadcast_in_dim3A_293 : i32 to vector<16xi32>
        %lt3A_295 = arith.cmpi slt, %broadcast_in_dim3A_294, %add3A_46 : vector<16xi32>
        %jit3A_296 = arith.constant 0 : i32
        %broadcast_in_dim3A_297 = vector.broadcast %jit3A_296 : i32 to vector<16xi32>
        %select_n3A_298 = arith.select %lt3A_295, %get3A_291, %broadcast_in_dim3A_297 : vector<16xi1>, vector<16xi32>
        %add3A_299 = arith.addi %add3A_285, %select_n3A_298 : vector<16xi32>
        %broadcast_in_dim3A_300 = arith.constant true
        %broadcast_in_dim3A_301 = vector.broadcast %broadcast_in_dim3A_300 : i1 to vector<16xi1>
        %masked_cumsum3A = tpu.scan <sum>, %add3A_292 masked %broadcast_in_dim3A_301 : vector<16xi32>, vector<16xi1> -> vector<16xi32>
        %sub3A = arith.subi %masked_cumsum3A, %add3A_292 : vector<16xi32>
        %add3A_302 = arith.addi %sub3A, %scan3A_71 : vector<16xi32>
        %add3A_303 = arith.addi %add3A_302, %add3A_299 : vector<16xi32>
        %mul3A_304 = arith.constant 16 : i32
        %mul3A_305 = arith.muli %add3A_75, %mul3A_304 : i32
        %swap3A = arith.index_cast %mul3A_305 : i32 to index
        %swap3A_306 = tpu.vector_load %arg13[%swap3A] {strides = array<i32>} : memref<256xi32, #tpu.memory_space<vmem>>, vector<16xi32>,
        tpu.vector_store %arg13[%swap3A], %add3A_303 {strides = array<i32>} : memref<256xi32, #tpu.memory_space<vmem>>, vector<16xi32>,
        %swap3A_307 = arith.constant 0 : index
        %swap3A_308 = tpu.vector_load %arg16[%swap3A_307] {strides = array<i32>} : memref<16xi32, #tpu.memory_space<vmem>>, vector<16xi32>,
        tpu.vector_store %arg16[%swap3A_307], %masked_cumsum3A {strides = array<i32>} : memref<16xi32, #tpu.memory_space<vmem>>, vector<16xi32>,
        %broadcast_in_dim3A_309 = arith.constant 15 : i32
        %broadcast_in_dim3A_310 = vector.broadcast %broadcast_in_dim3A_309 : i32 to vector<16xi32>
        %gather3A = tpu.vector_load_idx %arg16[%broadcast_in_dim3A_310] : memref<16xi32, #tpu.memory_space<vmem>>[vector<16xi32>], vector<16xi32>,
        %add3A_311 = arith.addi %scan3A_71, %gather3A : vector<16xi32>
        scf.yield %add3A_311 : vector<16xi32>
      }
      %scan3A_53 = arith.constant 16 : i32
      %scan3A_54 = arith.constant 0 : i32
      %scan3A_55 = arith.constant 256 : i32
      %scan3A_56 = arith.addi %scan3A_54, %scan3A_55 : i32
      %scan3A_57 = arith.constant 1 : i32
      scf.for %scan3A_70 = %scan3A_54 to %scan3A_56 step %scan3A_57  : i32 {
        %mul3A_71 = arith.constant 1 : i32
        %mul3A_72 = arith.muli %scan3A_70, %mul3A_71 : i32
        %add3A_73 = arith.constant 0 : i32
        %add3A_74 = arith.addi %add3A_73, %mul3A_72 : i32
        %mul3A_75 = arith.constant 16 : i32
        %mul3A_76 = arith.muli %add3A_74, %mul3A_75 : i32
        %get3A = arith.index_cast %mul3A_76 : i32 to index
        %get3A_77 = tpu.vector_load %arg11[%get3A] {strides = array<i32>} : memref<4096xi32, #tpu.memory_space<vmem>>, vector<16xi32>,
        %broadcast_in_dim3A_78 = arith.constant true
        %broadcast_in_dim3A_79 = vector.broadcast %broadcast_in_dim3A_78 : i1 to vector<16xi1>
        %masked_cumsum3A = tpu.scan <sum>, %get3A_77 masked %broadcast_in_dim3A_79 : vector<16xi32>, vector<16xi1> -> vector<16xi32>
        %broadcast_in_dim3A_80 = arith.constant 0 : i32
        %broadcast_in_dim3A_81 = vector.broadcast %broadcast_in_dim3A_80 : i32 to vector<16xi32>
        %add3A_82 = vector.broadcast %add3A_74 : i32 to vector<16xi32>
        %add3A_83 = arith.addi %broadcast_in_dim3A_81, %add3A_82 : vector<16xi32>
        %gather3A = tpu.vector_load_idx %arg13[%add3A_83] : memref<256xi32, #tpu.memory_space<vmem>>[vector<16xi32>], vector<16xi32>,
        %sub3A = arith.subi %masked_cumsum3A, %get3A_77 : vector<16xi32>
        %add3A_84 = arith.addi %sub3A, %gather3A : vector<16xi32>
        %mul3A_85 = arith.constant 16 : i32
        %mul3A_86 = arith.muli %add3A_74, %mul3A_85 : i32
        %swap3A = arith.index_cast %mul3A_86 : i32 to index
        %swap3A_87 = tpu.vector_load %arg12[%swap3A] {strides = array<i32>} : memref<4096xi32, #tpu.memory_space<vmem>>, vector<16xi32>,
        tpu.vector_store %arg12[%swap3A], %add3A_84 {strides = array<i32>} : memref<4096xi32, #tpu.memory_space<vmem>>, vector<16xi32>,
      }
      %scan3A_58 = arith.constant 256 : i32
      %mul3A = arith.constant 6272 : i32
      %mul3A_59 = arith.muli %arg1, %mul3A : i32
      "tpu.region"() ({
        %run_scoped3A = tpu.sem_alloc : memref<!tpu.dma_semaphore, #tpu.memory_space<semaphore_mem>>
        %dma_start3A = tpu.memref_slice %arg20[%mul3A_59] : memref<100352xi32, #tpu.memory_space<vmem_shared>> -> memref<6272xi32, #tpu.memory_space<vmem_shared>>
        %dma_start3A_70 = tpu.memref_slice %arg20[%mul3A_59] : memref<100352xi32, #tpu.memory_space<vmem_shared>> -> memref<6272xi32, #tpu.memory_space<vmem_shared>>
        tpu.enqueue_dma source(%dma_start3A_70 : memref<6272xi32, #tpu.memory_space<vmem_shared>>) target(%arg8 : memref<6272xi32, #tpu.memory_space<vmem>>) target_semaphore(%run_scoped3A : memref<!tpu.dma_semaphore, #tpu.memory_space<semaphore_mem>>)
        %dma_wait3A = tpu.memref_slice %arg20[%mul3A_59] : memref<100352xi32, #tpu.memory_space<vmem_shared>> -> memref<6272xi32, #tpu.memory_space<vmem_shared>>
        %dma_wait3A_71 = tpu.memref_slice %arg20[%mul3A_59] : memref<100352xi32, #tpu.memory_space<vmem_shared>> -> memref<6272xi32, #tpu.memory_space<vmem_shared>>
        tpu.wait_dma2 semaphore(%run_scoped3A : memref<!tpu.dma_semaphore, #tpu.memory_space<semaphore_mem>>) src(%dma_wait3A_71 : memref<6272xi32, #tpu.memory_space<vmem_shared>>) dst(%arg8 : memref<6272xi32, #tpu.memory_space<vmem>>)
        tpu.yield
      }) : () -> ()
      %scan3A_60 = arith.constant 0 : i32
      %scan3A_61 = arith.constant 392 : i32
      %scan3A_62 = arith.addi %scan3A_60, %scan3A_61 : i32
      %scan3A_63 = arith.constant 1 : i32
      scf.for %scan3A_70 = %scan3A_60 to %scan3A_62 step %scan3A_63  : i32 {
        %mul3A_71 = arith.constant 1 : i32
        %mul3A_72 = arith.muli %scan3A_70, %mul3A_71 : i32
        %add3A_73 = arith.constant 0 : i32
        %add3A_74 = arith.addi %add3A_73, %mul3A_72 : i32
        %mul3A_75 = arith.constant 392 : i32
        %mul3A_76 = vector.broadcast %mul3A_75 : i32 to vector<16xi32>
        %mul3A_77 = arith.muli %iota3A, %mul3A_76 : vector<16xi32>
        %add3A_78 = vector.broadcast %add3A_74 : i32 to vector<16xi32>
        %add3A_79 = arith.addi %mul3A_77, %add3A_78 : vector<16xi32>
        %gather3A = tpu.vector_load_idx %arg7[%add3A_79] : memref<6272xi32, #tpu.memory_space<vmem>>[vector<16xi32>], vector<16xi32>,
        %shift_right_logical3A = arith.shrui %gather3A, %broadcast_in_dim3A_32 : vector<16xi32>
        %and3A = arith.constant 255 : i32
        %and3A_80 = vector.broadcast %and3A : i32 to vector<16xi32>
        %and3A_81 = arith.andi %shift_right_logical3A, %and3A_80 : vector<16xi32>
        %mul3A_82 = arith.constant 16 : i32
        %mul3A_83 = vector.broadcast %mul3A_82 : i32 to vector<16xi32>
        %mul3A_84 = arith.muli %and3A_81, %mul3A_83 : vector<16xi32>
        %add3A_85 = arith.addi %mul3A_84, %iota3A : vector<16xi32>
        %gather3A_86 = tpu.vector_load_idx %arg12[%add3A_85] : memref<4096xi32, #tpu.memory_space<vmem>>[vector<16xi32>], vector<16xi32>,
        %add3A_87 = arith.constant 1 : i32
        %add3A_88 = vector.broadcast %add3A_87 : i32 to vector<16xi32>
        %add3A_89 = arith.addi %gather3A_86, %add3A_88 : vector<16xi32>
        tpu.vector_store_idx %arg12[%add3A_85], %add3A_89 : memref<4096xi32, #tpu.memory_space<vmem>>[vector<16xi32>], vector<16xi32>,
        tpu.vector_store_idx %arg9[%add3A_79], %gather3A_86 : memref<6272xi32, #tpu.memory_space<vmem>>[vector<16xi32>], vector<16xi32>,
      }
      %scan3A_64 = arith.constant 392 : i32
      %scan3A_65 = arith.constant 0 : i32
      %scan3A_66 = arith.constant 392 : i32
      %scan3A_67 = arith.addi %scan3A_65, %scan3A_66 : i32
      %scan3A_68 = arith.constant 1 : i32
      scf.for %scan3A_70 = %scan3A_65 to %scan3A_67 step %scan3A_68  : i32 {
        %mul3A_71 = arith.constant 1 : i32
        %mul3A_72 = arith.muli %scan3A_70, %mul3A_71 : i32
        %add3A_73 = arith.constant 0 : i32
        %add3A_74 = arith.addi %add3A_73, %mul3A_72 : i32
        %mul3A_75 = arith.constant 16 : i32
        %mul3A_76 = arith.muli %add3A_74, %mul3A_75 : i32
        %get3A = arith.index_cast %mul3A_76 : i32 to index
        %get3A_77 = tpu.vector_load %arg9[%get3A] {strides = array<i32>} : memref<6272xi32, #tpu.memory_space<vmem>>, vector<16xi32>,
        %lt3A = arith.constant 50000 : i32
        %lt3A_78 = vector.broadcast %lt3A : i32 to vector<16xi32>
        %lt3A_79 = arith.cmpi slt, %get3A_77, %lt3A_78 : vector<16xi32>
        %jit3A = arith.constant -1 : i32
        %broadcast_in_dim3A_80 = vector.broadcast %jit3A : i32 to vector<16xi32>
        %select_n3A = arith.select %lt3A_79, %get3A_77, %broadcast_in_dim3A_80 : vector<16xi1>, vector<16xi32>
        %swap3A = arith.index_cast %mul3A_76 : i32 to index
        %swap3A_81 = tpu.vector_load %arg10[%swap3A] {strides = array<i32>} : memref<6272xi32, #tpu.memory_space<vmem>>, vector<16xi32>,
        tpu.vector_store %arg10[%swap3A], %select_n3A {strides = array<i32>} : memref<6272xi32, #tpu.memory_space<vmem>>, vector<16xi32>,
      }
      %scan3A_69 = arith.constant 392 : i32
      "tpu.region"() ({
        %run_scoped3A = tpu.sem_alloc : memref<!tpu.dma_semaphore, #tpu.memory_space<semaphore_mem>>
        %dma_start3A = arith.constant 0 : i32
        %dma_start3A_70 = tpu.memref_slice %arg21[%dma_start3A] : memref<100352xi32, #tpu.memory_space<vmem_shared>> -> memref<100352xi32, #tpu.memory_space<vmem_shared>>
        tpu.enqueue_indirect_dma source(%arg10 : memref<6272xi32, #tpu.memory_space<vmem>>) target(%dma_start3A_70 : memref<100352xi32, #tpu.memory_space<vmem_shared>>) offsets(%arg8 : memref<6272xi32, #tpu.memory_space<vmem>>) semaphore(%run_scoped3A : memref<!tpu.dma_semaphore, #tpu.memory_space<semaphore_mem>>)
        %dma_wait3A = arith.constant 0 : i32
        %dma_wait3A_71 = tpu.memref_slice %arg21[%dma_wait3A] : memref<100352xi32, #tpu.memory_space<vmem_shared>> -> memref<100352xi32, #tpu.memory_space<vmem_shared>>
        tpu.wait_indirect_dma semaphore(%run_scoped3A : memref<!tpu.dma_semaphore, #tpu.memory_space<semaphore_mem>>) src(%arg10 : memref<6272xi32, #tpu.memory_space<vmem>>) dst(%dma_wait3A_71 : memref<100352xi32, #tpu.memory_space<vmem_shared>>)
        tpu.yield
      }) : () -> ()
      "tpu.region"() ({
        %run_scoped3A = tpu.sem_alloc : memref<!tpu.dma_semaphore, #tpu.memory_space<semaphore_mem>>
        %dma_start3A = arith.constant 0 : i32
        %dma_start3A_70 = tpu.memref_slice %arg22[%dma_start3A] : memref<100352xi32, #tpu.memory_space<vmem_shared>> -> memref<100352xi32, #tpu.memory_space<vmem_shared>>
        tpu.enqueue_indirect_dma source(%arg8 : memref<6272xi32, #tpu.memory_space<vmem>>) target(%dma_start3A_70 : memref<100352xi32, #tpu.memory_space<vmem_shared>>) offsets(%arg9 : memref<6272xi32, #tpu.memory_space<vmem>>) semaphore(%run_scoped3A : memref<!tpu.dma_semaphore, #tpu.memory_space<semaphore_mem>>)
        %dma_wait3A = arith.constant 0 : i32
        %dma_wait3A_71 = tpu.memref_slice %arg22[%dma_wait3A] : memref<100352xi32, #tpu.memory_space<vmem_shared>> -> memref<100352xi32, #tpu.memory_space<vmem_shared>>
        tpu.wait_indirect_dma semaphore(%run_scoped3A : memref<!tpu.dma_semaphore, #tpu.memory_space<semaphore_mem>>) src(%arg8 : memref<6272xi32, #tpu.memory_space<vmem>>) dst(%dma_wait3A_71 : memref<100352xi32, #tpu.memory_space<vmem_shared>>)
        tpu.yield
      }) : () -> ()
      "tpu.region"() ({
        %run_scoped3A = tpu.sem_alloc : memref<!tpu.dma_semaphore, #tpu.memory_space<semaphore_mem>>
        %dma_start3A = arith.constant 0 : i32
        %dma_start3A_70 = tpu.memref_slice %arg23[%dma_start3A] : memref<100352xi32, #tpu.memory_space<vmem_shared>> -> memref<100352xi32, #tpu.memory_space<vmem_shared>>
        tpu.enqueue_indirect_dma source(%arg7 : memref<6272xi32, #tpu.memory_space<vmem>>) target(%dma_start3A_70 : memref<100352xi32, #tpu.memory_space<vmem_shared>>) offsets(%arg9 : memref<6272xi32, #tpu.memory_space<vmem>>) semaphore(%run_scoped3A : memref<!tpu.dma_semaphore, #tpu.memory_space<semaphore_mem>>)
        %dma_wait3A = arith.constant 0 : i32
        %dma_wait3A_71 = tpu.memref_slice %arg23[%dma_wait3A] : memref<100352xi32, #tpu.memory_space<vmem_shared>> -> memref<100352xi32, #tpu.memory_space<vmem_shared>>
        tpu.wait_indirect_dma semaphore(%run_scoped3A : memref<!tpu.dma_semaphore, #tpu.memory_space<semaphore_mem>>) src(%arg7 : memref<6272xi32, #tpu.memory_space<vmem>>) dst(%dma_wait3A_71 : memref<100352xi32, #tpu.memory_space<vmem_shared>>)
        tpu.yield
      }) : () -> ()
    } else {
    }
    %barrier3A_40 = arith.constant 0 : index
    tpu.barrier barrier_id(%barrier3A_40)
    %convert_element_type3A_41 = arith.extui %eq3A_0 : i1 to i32
    %cond3A_42 = arith.constant 0 : i32
    %cond3A_43 = arith.cmpi ne, %convert_element_type3A_41, %cond3A_42 : i32
    scf.if %cond3A_43 {
      %mul3A = arith.constant 6272 : i32
      %mul3A_44 = arith.muli %arg1, %mul3A : i32
      "tpu.region"() ({
        %run_scoped3A = tpu.sem_alloc : memref<!tpu.dma_semaphore, #tpu.memory_space<semaphore_mem>>
        %dma_start3A = tpu.memref_slice %arg3[%mul3A_44] : memref<100352xi32, #tpu.memory_space<hbm>> -> memref<6272xi32, #tpu.memory_space<hbm>>
        %dma_start3A_45 = tpu.memref_slice %arg21[%mul3A_44] : memref<100352xi32, #tpu.memory_space<vmem_shared>> -> memref<6272xi32, #tpu.memory_space<vmem_shared>>
        tpu.enqueue_dma source(%dma_start3A_45 : memref<6272xi32, #tpu.memory_space<vmem_shared>>) target(%dma_start3A : memref<6272xi32, #tpu.memory_space<hbm>>) target_semaphore(%run_scoped3A : memref<!tpu.dma_semaphore, #tpu.memory_space<semaphore_mem>>)
        %dma_wait3A = tpu.memref_slice %arg3[%mul3A_44] : memref<100352xi32, #tpu.memory_space<hbm>> -> memref<6272xi32, #tpu.memory_space<hbm>>
        %dma_wait3A_46 = tpu.memref_slice %arg21[%mul3A_44] : memref<100352xi32, #tpu.memory_space<vmem_shared>> -> memref<6272xi32, #tpu.memory_space<vmem_shared>>
        tpu.wait_dma2 semaphore(%run_scoped3A : memref<!tpu.dma_semaphore, #tpu.memory_space<semaphore_mem>>) src(%dma_wait3A_46 : memref<6272xi32, #tpu.memory_space<vmem_shared>>) dst(%dma_wait3A : memref<6272xi32, #tpu.memory_space<hbm>>)
        tpu.yield
      }) : () -> ()
      "tpu.region"() ({
        %run_scoped3A = tpu.sem_alloc : memref<!tpu.dma_semaphore, #tpu.memory_space<semaphore_mem>>
        %dma_start3A = tpu.memref_slice %arg4[%mul3A_44] : memref<100352xi32, #tpu.memory_space<hbm>> -> memref<6272xi32, #tpu.memory_space<hbm>>
        %dma_start3A_45 = tpu.memref_slice %arg22[%mul3A_44] : memref<100352xi32, #tpu.memory_space<vmem_shared>> -> memref<6272xi32, #tpu.memory_space<vmem_shared>>
        tpu.enqueue_dma source(%dma_start3A_45 : memref<6272xi32, #tpu.memory_space<vmem_shared>>) target(%dma_start3A : memref<6272xi32, #tpu.memory_space<hbm>>) target_semaphore(%run_scoped3A : memref<!tpu.dma_semaphore, #tpu.memory_space<semaphore_mem>>)
        %dma_wait3A = tpu.memref_slice %arg4[%mul3A_44] : memref<100352xi32, #tpu.memory_space<hbm>> -> memref<6272xi32, #tpu.memory_space<hbm>>
        %dma_wait3A_46 = tpu.memref_slice %arg22[%mul3A_44] : memref<100352xi32, #tpu.memory_space<vmem_shared>> -> memref<6272xi32, #tpu.memory_space<vmem_shared>>
        tpu.wait_dma2 semaphore(%run_scoped3A : memref<!tpu.dma_semaphore, #tpu.memory_space<semaphore_mem>>) src(%dma_wait3A_46 : memref<6272xi32, #tpu.memory_space<vmem_shared>>) dst(%dma_wait3A : memref<6272xi32, #tpu.memory_space<hbm>>)
        tpu.yield
      }) : () -> ()
      "tpu.region"() ({
        %run_scoped3A = tpu.sem_alloc : memref<!tpu.dma_semaphore, #tpu.memory_space<semaphore_mem>>
        %dma_start3A = tpu.memref_slice %arg5[%mul3A_44] : memref<100352xi32, #tpu.memory_space<hbm>> -> memref<6272xi32, #tpu.memory_space<hbm>>
        %dma_start3A_45 = tpu.memref_slice %arg23[%mul3A_44] : memref<100352xi32, #tpu.memory_space<vmem_shared>> -> memref<6272xi32, #tpu.memory_space<vmem_shared>>
        tpu.enqueue_dma source(%dma_start3A_45 : memref<6272xi32, #tpu.memory_space<vmem_shared>>) target(%dma_start3A : memref<6272xi32, #tpu.memory_space<hbm>>) target_semaphore(%run_scoped3A : memref<!tpu.dma_semaphore, #tpu.memory_space<semaphore_mem>>)
        %dma_wait3A = tpu.memref_slice %arg5[%mul3A_44] : memref<100352xi32, #tpu.memory_space<hbm>> -> memref<6272xi32, #tpu.memory_space<hbm>>
        %dma_wait3A_46 = tpu.memref_slice %arg23[%mul3A_44] : memref<100352xi32, #tpu.memory_space<vmem_shared>> -> memref<6272xi32, #tpu.memory_space<vmem_shared>>
        tpu.wait_dma2 semaphore(%run_scoped3A : memref<!tpu.dma_semaphore, #tpu.memory_space<semaphore_mem>>) src(%dma_wait3A_46 : memref<6272xi32, #tpu.memory_space<vmem_shared>>) dst(%dma_wait3A : memref<6272xi32, #tpu.memory_space<hbm>>)
        tpu.yield
      }) : () -> ()
    } else {
    }
    return
  }
}

#map = affine_map<(d0, d1) -> (0)>
#map1 = affine_map<(d0, d1) -> (0, 0)>
module attributes {stable_mosaic.version = 14 : i64} {
  func.func @k(%arg0: i32, %arg1: i32, %arg2: memref<300000xf32, #tpu.memory_space<hbm>>, %arg3: memref<100352xi32, #tpu.memory_space<hbm>>, %arg4: memref<100352xi32, #tpu.memory_space<hbm>>, %arg5: memref<100352xi32, #tpu.memory_space<hbm>>, %arg6: memref<2x6400000xi32, #tpu.memory_space<hbm>>, %arg7: memref<150144xf32, #tpu.memory_space<hbm>>, %arg8: memref<2x6400000xi32, #tpu.memory_space<hbm>>, %arg9: memref<100352xi32, #tpu.memory_space<vmem>>, %arg10: memref<2x2048xi32, #tpu.memory_space<vmem>>, %arg11: memref<2x2048xi32, #tpu.memory_space<vmem>>, %arg12: memref<2x2048xi32, #tpu.memory_space<vmem>>, %arg13: memref<2x2048xi32, #tpu.memory_space<vmem>>, %arg14: memref<128xi32, #tpu.memory_space<vmem>>, %arg15: memref<128xi32, #tpu.memory_space<vmem>>, %arg16: memref<128xi32, #tpu.memory_space<vmem>>, %arg17: memref<384xf32, #tpu.memory_space<vmem>>, %arg18: memref<384xf32, #tpu.memory_space<vmem>>, %arg19: memref<!tpu.dma_semaphore, #tpu.memory_space<semaphore_mem>>, %arg20: memref<!tpu.dma_semaphore, #tpu.memory_space<semaphore_mem>>, %arg21: memref<!tpu.dma_semaphore, #tpu.memory_space<semaphore_mem>>, %arg22: memref<!tpu.dma_semaphore, #tpu.memory_space<semaphore_mem>>) attributes {dimension_semantics = [#tpu.dimension_semantics<core_parallel>, #tpu.dimension_semantics<subcore_parallel>], iteration_bounds = array<i64: 2, 16>, scalar_prefetch = 0 : i64, scratch_operands = 14 : i64, tpu.core_type = #tpu.core_type<sc_vector_subcore>, window_params = [{transform_indices = #map}, {transform_indices = #map}, {transform_indices = #map}, {transform_indices = #map}, {transform_indices = #map1}, {transform_indices = #map}, {transform_indices = #map1}]} {
    %mul3A = arith.constant 2 : i32
    %mul3A_0 = arith.muli %arg1, %mul3A : i32
    %add3A = arith.addi %mul3A_0, %arg0 : i32
    %iota3A = tpu.iota {dimensions = array<i32: 0>} : vector<16xi32>
    %scan3A = arith.constant 0 : i32
    %scan3A_1 = arith.constant 13 : i32
    %scan3A_2 = arith.addi %scan3A, %scan3A_1 : i32
    %scan3A_3 = arith.constant 1 : i32
    scf.for %scan3A_62 = %scan3A to %scan3A_2 step %scan3A_3  : i32 {
      %mul3A_63 = arith.constant 1 : i32
      %mul3A_64 = arith.muli %scan3A_62, %mul3A_63 : i32
      %add3A_65 = arith.constant 0 : i32
      %add3A_66 = arith.addi %add3A_65, %mul3A_64 : i32
      %mul3A_67 = arith.constant 32 : i32
      %mul3A_68 = arith.muli %add3A_66, %mul3A_67 : i32
      %add3A_69 = arith.addi %add3A, %mul3A_68 : i32
      %lt3A_70 = arith.constant 391 : i32
      %lt3A_71 = arith.cmpi slt, %add3A_69, %lt3A_70 : i32
      %convert_element_type3A_72 = arith.extui %lt3A_71 : i1 to i32
      %cond3A_73 = arith.constant 0 : i32
      %cond3A_74 = arith.cmpi ne, %convert_element_type3A_72, %cond3A_73 : i32
      scf.if %cond3A_74 {
        %mul3A_75 = arith.constant 128 : i32
        %mul3A_76 = arith.muli %add3A_69, %mul3A_75 : i32
        "tpu.region"() ({
          %run_scoped3A = tpu.sem_alloc : memref<!tpu.dma_semaphore, #tpu.memory_space<semaphore_mem>>
          %dma_start3A_99 = tpu.memref_slice %arg4[%mul3A_76] : memref<100352xi32, #tpu.memory_space<hbm>> -> memref<128xi32, #tpu.memory_space<hbm>>
          %dma_start3A_100 = tpu.memref_slice %arg4[%mul3A_76] : memref<100352xi32, #tpu.memory_space<hbm>> -> memref<128xi32, #tpu.memory_space<hbm>>
          tpu.enqueue_dma source(%dma_start3A_100 : memref<128xi32, #tpu.memory_space<hbm>>) target(%arg14 : memref<128xi32, #tpu.memory_space<vmem>>) target_semaphore(%run_scoped3A : memref<!tpu.dma_semaphore, #tpu.memory_space<semaphore_mem>>)
          %dma_wait3A_101 = tpu.memref_slice %arg4[%mul3A_76] : memref<100352xi32, #tpu.memory_space<hbm>> -> memref<128xi32, #tpu.memory_space<hbm>>
          %dma_wait3A_102 = tpu.memref_slice %arg4[%mul3A_76] : memref<100352xi32, #tpu.memory_space<hbm>> -> memref<128xi32, #tpu.memory_space<hbm>>
          tpu.wait_dma2 semaphore(%run_scoped3A : memref<!tpu.dma_semaphore, #tpu.memory_space<semaphore_mem>>) src(%dma_wait3A_102 : memref<128xi32, #tpu.memory_space<hbm>>) dst(%arg14 : memref<128xi32, #tpu.memory_space<vmem>>)
          tpu.yield
        }) : () -> ()
        "tpu.region"() ({
          %run_scoped3A = tpu.sem_alloc : memref<!tpu.dma_semaphore, #tpu.memory_space<semaphore_mem>>
          %dma_start3A_99 = tpu.memref_slice %arg5[%mul3A_76] : memref<100352xi32, #tpu.memory_space<hbm>> -> memref<128xi32, #tpu.memory_space<hbm>>
          %dma_start3A_100 = tpu.memref_slice %arg5[%mul3A_76] : memref<100352xi32, #tpu.memory_space<hbm>> -> memref<128xi32, #tpu.memory_space<hbm>>
          tpu.enqueue_dma source(%dma_start3A_100 : memref<128xi32, #tpu.memory_space<hbm>>) target(%arg15 : memref<128xi32, #tpu.memory_space<vmem>>) target_semaphore(%run_scoped3A : memref<!tpu.dma_semaphore, #tpu.memory_space<semaphore_mem>>)
          %dma_wait3A_101 = tpu.memref_slice %arg5[%mul3A_76] : memref<100352xi32, #tpu.memory_space<hbm>> -> memref<128xi32, #tpu.memory_space<hbm>>
          %dma_wait3A_102 = tpu.memref_slice %arg5[%mul3A_76] : memref<100352xi32, #tpu.memory_space<hbm>> -> memref<128xi32, #tpu.memory_space<hbm>>
          tpu.wait_dma2 semaphore(%run_scoped3A : memref<!tpu.dma_semaphore, #tpu.memory_space<semaphore_mem>>) src(%dma_wait3A_102 : memref<128xi32, #tpu.memory_space<hbm>>) dst(%arg15 : memref<128xi32, #tpu.memory_space<vmem>>)
          tpu.yield
        }) : () -> ()
        %scan3A_77 = arith.constant 0 : i32
        %scan3A_78 = arith.constant 8 : i32
        %scan3A_79 = arith.addi %scan3A_77, %scan3A_78 : i32
        %scan3A_80 = arith.constant 1 : i32
        scf.for %scan3A_99 = %scan3A_77 to %scan3A_79 step %scan3A_80  : i32 {
          %mul3A_100 = arith.constant 1 : i32
          %mul3A_101 = arith.muli %scan3A_99, %mul3A_100 : i32
          %add3A_102 = arith.constant 0 : i32
          %add3A_103 = arith.addi %add3A_102, %mul3A_101 : i32
          %mul3A_104 = arith.constant 16 : i32
          %mul3A_105 = arith.muli %add3A_103, %mul3A_104 : i32
          %get3A = arith.index_cast %mul3A_105 : i32 to index
          %get3A_106 = tpu.vector_load %arg14[%get3A] {strides = array<i32>} : memref<128xi32, #tpu.memory_space<vmem>>, vector<16xi32>,
          %mul3A_107 = arith.constant 3 : i32
          %mul3A_108 = vector.broadcast %mul3A_107 : i32 to vector<16xi32>
          %mul3A_109 = arith.muli %get3A_106, %mul3A_108 : vector<16xi32>
          %add3A_110 = arith.constant 0 : i32
          %add3A_111 = vector.broadcast %add3A_110 : i32 to vector<16xi32>
          %add3A_112 = arith.addi %mul3A_109, %add3A_111 : vector<16xi32>
          %swap3A = arith.index_cast %mul3A_105 : i32 to index
          %swap3A_113 = tpu.vector_load %arg16[%swap3A] {strides = array<i32>} : memref<128xi32, #tpu.memory_space<vmem>>, vector<16xi32>,
          tpu.vector_store %arg16[%swap3A], %add3A_112 {strides = array<i32>} : memref<128xi32, #tpu.memory_space<vmem>>, vector<16xi32>,
        }
        %scan3A_81 = arith.constant 8 : i32
        "tpu.region"() ({
          %run_scoped3A = tpu.sem_alloc : memref<!tpu.dma_semaphore, #tpu.memory_space<semaphore_mem>>
          %dma_start3A_99 = arith.constant 0 : i32
          %dma_start3A_100 = tpu.memref_slice %arg17[%dma_start3A_99] : memref<384xf32, #tpu.memory_space<vmem>> -> memref<128xf32, #tpu.memory_space<vmem>>
          %dma_start3A_101 = arith.constant 0 : i32
          %dma_start3A_102 = tpu.memref_slice %arg2[%dma_start3A_101] : memref<300000xf32, #tpu.memory_space<hbm>> -> memref<300000xf32, #tpu.memory_space<hbm>>
          tpu.enqueue_indirect_dma source(%dma_start3A_102 : memref<300000xf32, #tpu.memory_space<hbm>>) target(%dma_start3A_100 : memref<128xf32, #tpu.memory_space<vmem>>) offsets(%arg16 : memref<128xi32, #tpu.memory_space<vmem>>) semaphore(%run_scoped3A : memref<!tpu.dma_semaphore, #tpu.memory_space<semaphore_mem>>)
          %dma_wait3A_103 = arith.constant 0 : i32
          %dma_wait3A_104 = tpu.memref_slice %arg17[%dma_wait3A_103] : memref<384xf32, #tpu.memory_space<vmem>> -> memref<128xf32, #tpu.memory_space<vmem>>
          %dma_wait3A_105 = arith.constant 0 : i32
          %dma_wait3A_106 = tpu.memref_slice %arg2[%dma_wait3A_105] : memref<300000xf32, #tpu.memory_space<hbm>> -> memref<300000xf32, #tpu.memory_space<hbm>>
          tpu.wait_indirect_dma semaphore(%run_scoped3A : memref<!tpu.dma_semaphore, #tpu.memory_space<semaphore_mem>>) src(%dma_wait3A_106 : memref<300000xf32, #tpu.memory_space<hbm>>) dst(%dma_wait3A_104 : memref<128xf32, #tpu.memory_space<vmem>>)
          tpu.yield
        }) : () -> ()
        %scan3A_82 = arith.constant 0 : i32
        %scan3A_83 = arith.constant 8 : i32
        %scan3A_84 = arith.addi %scan3A_82, %scan3A_83 : i32
        %scan3A_85 = arith.constant 1 : i32
        scf.for %scan3A_99 = %scan3A_82 to %scan3A_84 step %scan3A_85  : i32 {
          %mul3A_100 = arith.constant 1 : i32
          %mul3A_101 = arith.muli %scan3A_99, %mul3A_100 : i32
          %add3A_102 = arith.constant 0 : i32
          %add3A_103 = arith.addi %add3A_102, %mul3A_101 : i32
          %mul3A_104 = arith.constant 16 : i32
          %mul3A_105 = arith.muli %add3A_103, %mul3A_104 : i32
          %get3A = arith.index_cast %mul3A_105 : i32 to index
          %get3A_106 = tpu.vector_load %arg14[%get3A] {strides = array<i32>} : memref<128xi32, #tpu.memory_space<vmem>>, vector<16xi32>,
          %mul3A_107 = arith.constant 3 : i32
          %mul3A_108 = vector.broadcast %mul3A_107 : i32 to vector<16xi32>
          %mul3A_109 = arith.muli %get3A_106, %mul3A_108 : vector<16xi32>
          %add3A_110 = arith.constant 1 : i32
          %add3A_111 = vector.broadcast %add3A_110 : i32 to vector<16xi32>
          %add3A_112 = arith.addi %mul3A_109, %add3A_111 : vector<16xi32>
          %swap3A = arith.index_cast %mul3A_105 : i32 to index
          %swap3A_113 = tpu.vector_load %arg16[%swap3A] {strides = array<i32>} : memref<128xi32, #tpu.memory_space<vmem>>, vector<16xi32>,
          tpu.vector_store %arg16[%swap3A], %add3A_112 {strides = array<i32>} : memref<128xi32, #tpu.memory_space<vmem>>, vector<16xi32>,
        }
        %scan3A_86 = arith.constant 8 : i32
        "tpu.region"() ({
          %run_scoped3A = tpu.sem_alloc : memref<!tpu.dma_semaphore, #tpu.memory_space<semaphore_mem>>
          %dma_start3A_99 = arith.constant 128 : i32
          %dma_start3A_100 = tpu.memref_slice %arg17[%dma_start3A_99] : memref<384xf32, #tpu.memory_space<vmem>> -> memref<128xf32, #tpu.memory_space<vmem>>
          %dma_start3A_101 = arith.constant 0 : i32
          %dma_start3A_102 = tpu.memref_slice %arg2[%dma_start3A_101] : memref<300000xf32, #tpu.memory_space<hbm>> -> memref<300000xf32, #tpu.memory_space<hbm>>
          tpu.enqueue_indirect_dma source(%dma_start3A_102 : memref<300000xf32, #tpu.memory_space<hbm>>) target(%dma_start3A_100 : memref<128xf32, #tpu.memory_space<vmem>>) offsets(%arg16 : memref<128xi32, #tpu.memory_space<vmem>>) semaphore(%run_scoped3A : memref<!tpu.dma_semaphore, #tpu.memory_space<semaphore_mem>>)
          %dma_wait3A_103 = arith.constant 128 : i32
          %dma_wait3A_104 = tpu.memref_slice %arg17[%dma_wait3A_103] : memref<384xf32, #tpu.memory_space<vmem>> -> memref<128xf32, #tpu.memory_space<vmem>>
          %dma_wait3A_105 = arith.constant 0 : i32
          %dma_wait3A_106 = tpu.memref_slice %arg2[%dma_wait3A_105] : memref<300000xf32, #tpu.memory_space<hbm>> -> memref<300000xf32, #tpu.memory_space<hbm>>
          tpu.wait_indirect_dma semaphore(%run_scoped3A : memref<!tpu.dma_semaphore, #tpu.memory_space<semaphore_mem>>) src(%dma_wait3A_106 : memref<300000xf32, #tpu.memory_space<hbm>>) dst(%dma_wait3A_104 : memref<128xf32, #tpu.memory_space<vmem>>)
          tpu.yield
        }) : () -> ()
        %scan3A_87 = arith.constant 0 : i32
        %scan3A_88 = arith.constant 8 : i32
        %scan3A_89 = arith.addi %scan3A_87, %scan3A_88 : i32
        %scan3A_90 = arith.constant 1 : i32
        scf.for %scan3A_99 = %scan3A_87 to %scan3A_89 step %scan3A_90  : i32 {
          %mul3A_100 = arith.constant 1 : i32
          %mul3A_101 = arith.muli %scan3A_99, %mul3A_100 : i32
          %add3A_102 = arith.constant 0 : i32
          %add3A_103 = arith.addi %add3A_102, %mul3A_101 : i32
          %mul3A_104 = arith.constant 16 : i32
          %mul3A_105 = arith.muli %add3A_103, %mul3A_104 : i32
          %get3A = arith.index_cast %mul3A_105 : i32 to index
          %get3A_106 = tpu.vector_load %arg14[%get3A] {strides = array<i32>} : memref<128xi32, #tpu.memory_space<vmem>>, vector<16xi32>,
          %mul3A_107 = arith.constant 3 : i32
          %mul3A_108 = vector.broadcast %mul3A_107 : i32 to vector<16xi32>
          %mul3A_109 = arith.muli %get3A_106, %mul3A_108 : vector<16xi32>
          %add3A_110 = arith.constant 2 : i32
          %add3A_111 = vector.broadcast %add3A_110 : i32 to vector<16xi32>
          %add3A_112 = arith.addi %mul3A_109, %add3A_111 : vector<16xi32>
          %swap3A = arith.index_cast %mul3A_105 : i32 to index
          %swap3A_113 = tpu.vector_load %arg16[%swap3A] {strides = array<i32>} : memref<128xi32, #tpu.memory_space<vmem>>, vector<16xi32>,
          tpu.vector_store %arg16[%swap3A], %add3A_112 {strides = array<i32>} : memref<128xi32, #tpu.memory_space<vmem>>, vector<16xi32>,
        }
        %scan3A_91 = arith.constant 8 : i32
        "tpu.region"() ({
          %run_scoped3A = tpu.sem_alloc : memref<!tpu.dma_semaphore, #tpu.memory_space<semaphore_mem>>
          %dma_start3A_99 = arith.constant 256 : i32
          %dma_start3A_100 = tpu.memref_slice %arg17[%dma_start3A_99] : memref<384xf32, #tpu.memory_space<vmem>> -> memref<128xf32, #tpu.memory_space<vmem>>
          %dma_start3A_101 = arith.constant 0 : i32
          %dma_start3A_102 = tpu.memref_slice %arg2[%dma_start3A_101] : memref<300000xf32, #tpu.memory_space<hbm>> -> memref<300000xf32, #tpu.memory_space<hbm>>
          tpu.enqueue_indirect_dma source(%dma_start3A_102 : memref<300000xf32, #tpu.memory_space<hbm>>) target(%dma_start3A_100 : memref<128xf32, #tpu.memory_space<vmem>>) offsets(%arg16 : memref<128xi32, #tpu.memory_space<vmem>>) semaphore(%run_scoped3A : memref<!tpu.dma_semaphore, #tpu.memory_space<semaphore_mem>>)
          %dma_wait3A_103 = arith.constant 256 : i32
          %dma_wait3A_104 = tpu.memref_slice %arg17[%dma_wait3A_103] : memref<384xf32, #tpu.memory_space<vmem>> -> memref<128xf32, #tpu.memory_space<vmem>>
          %dma_wait3A_105 = arith.constant 0 : i32
          %dma_wait3A_106 = tpu.memref_slice %arg2[%dma_wait3A_105] : memref<300000xf32, #tpu.memory_space<hbm>> -> memref<300000xf32, #tpu.memory_space<hbm>>
          tpu.wait_indirect_dma semaphore(%run_scoped3A : memref<!tpu.dma_semaphore, #tpu.memory_space<semaphore_mem>>) src(%dma_wait3A_106 : memref<300000xf32, #tpu.memory_space<hbm>>) dst(%dma_wait3A_104 : memref<128xf32, #tpu.memory_space<vmem>>)
          tpu.yield
        }) : () -> ()
        %scan3A_92 = arith.constant 0 : i32
        %scan3A_93 = arith.constant 24 : i32
        %scan3A_94 = arith.addi %scan3A_92, %scan3A_93 : i32
        %scan3A_95 = arith.constant 1 : i32
        scf.for %scan3A_99 = %scan3A_92 to %scan3A_94 step %scan3A_95  : i32 {
          %mul3A_100 = arith.constant 1 : i32
          %mul3A_101 = arith.muli %scan3A_99, %mul3A_100 : i32
          %add3A_102 = arith.constant 0 : i32
          %add3A_103 = arith.addi %add3A_102, %mul3A_101 : i32
          %mul3A_104 = arith.constant 16 : i32
          %mul3A_105 = arith.muli %add3A_103, %mul3A_104 : i32
          %add3A_106 = vector.broadcast %mul3A_105 : i32 to vector<16xi32>
          %add3A_107 = arith.addi %iota3A, %add3A_106 : vector<16xi32>
          %jit3A = arith.constant 3 : i32
          %div3A = vector.broadcast %jit3A : i32 to vector<16xi32>
          %div3A_108 = arith.divsi %add3A_107, %div3A : vector<16xi32>
          %sign3A = arith.constant 0 : i32
          %sign3A_109 = vector.broadcast %sign3A : i32 to vector<16xi32>
          %sign3A_110 = arith.cmpi sgt, %add3A_107, %sign3A_109 : vector<16xi32>
          %sign3A_111 = arith.extui %sign3A_110 : vector<16xi1> to vector<16xi32>
          %sign3A_112 = arith.constant 0 : i32
          %sign3A_113 = vector.broadcast %sign3A_112 : i32 to vector<16xi32>
          %sign3A_114 = arith.cmpi slt, %add3A_107, %sign3A_113 : vector<16xi32>
          %sign3A_115 = arith.extui %sign3A_114 : vector<16xi1> to vector<16xi32>
          %sign3A_116 = arith.subi %sign3A_111, %sign3A_115 : vector<16xi32>
          %sign3A_117 = arith.constant 0 : i32
          %sign3A_118 = arith.cmpi sgt, %jit3A, %sign3A_117 : i32
          %sign3A_119 = arith.extui %sign3A_118 : i1 to i32
          %sign3A_120 = arith.constant 0 : i32
          %sign3A_121 = arith.cmpi slt, %jit3A, %sign3A_120 : i32
          %sign3A_122 = arith.extui %sign3A_121 : i1 to i32
          %sign3A_123 = arith.subi %sign3A_119, %sign3A_122 : i32
          %ne3A = vector.broadcast %sign3A_123 : i32 to vector<16xi32>
          %ne3A_124 = arith.cmpi ne, %sign3A_116, %ne3A : vector<16xi32>
          %rem3A = vector.broadcast %jit3A : i32 to vector<16xi32>
          %rem3A_125 = arith.remsi %add3A_107, %rem3A : vector<16xi32>
          %ne3A_126 = arith.constant 0 : i32
          %ne3A_127 = vector.broadcast %ne3A_126 : i32 to vector<16xi32>
          %ne3A_128 = arith.cmpi ne, %rem3A_125, %ne3A_127 : vector<16xi32>
          %and3A = arith.andi %ne3A_124, %ne3A_128 : vector<16xi1>
          %sub3A_129 = arith.constant 1 : i32
          %sub3A_130 = vector.broadcast %sub3A_129 : i32 to vector<16xi32>
          %sub3A_131 = arith.subi %div3A_108, %sub3A_130 : vector<16xi32>
          %select_n3A = arith.select %and3A, %sub3A_131, %div3A_108 : vector<16xi1>, vector<16xi32>
          %mul3A_132 = arith.constant 3 : i32
          %mul3A_133 = vector.broadcast %mul3A_132 : i32 to vector<16xi32>
          %mul3A_134 = arith.muli %select_n3A, %mul3A_133 : vector<16xi32>
          %sub3A_135 = arith.subi %add3A_107, %mul3A_134 : vector<16xi32>
          %gather3A = tpu.vector_load_idx %arg15[%select_n3A] : memref<128xi32, #tpu.memory_space<vmem>>[vector<16xi32>], vector<16xi32>,
          %lt3A_136 = arith.constant 0 : i32
          %lt3A_137 = vector.broadcast %lt3A_136 : i32 to vector<16xi32>
          %lt3A_138 = arith.cmpi slt, %gather3A, %lt3A_137 : vector<16xi32>
          %not3A = arith.constant dense<-1> : vector<16xi32>
          %not3A_139 = arith.xori %gather3A, %not3A : vector<16xi32>
          %and3A_140 = arith.constant 2147483647 : i32
          %and3A_141 = vector.broadcast %and3A_140 : i32 to vector<16xi32>
          %and3A_142 = arith.andi %not3A_139, %and3A_141 : vector<16xi32>
          %select_n3A_143 = arith.select %lt3A_138, %gather3A, %and3A_142 : vector<16xi1>, vector<16xi32>
          %bitcast3A = vector.bitcast %select_n3A_143 : vector<16xi32> to vector<16xf32>
          %mul3A_144 = arith.constant 128 : i32
          %mul3A_145 = vector.broadcast %mul3A_144 : i32 to vector<16xi32>
          %mul3A_146 = arith.muli %sub3A_135, %mul3A_145 : vector<16xi32>
          %add3A_147 = arith.addi %mul3A_146, %select_n3A : vector<16xi32>
          %gather3A_148 = tpu.vector_load_idx %arg17[%add3A_147] : memref<384xf32, #tpu.memory_space<vmem>>[vector<16xi32>], vector<16xf32>,
          %mul3A_149 = arith.mulf %gather3A_148, %bitcast3A : vector<16xf32>
          %mul3A_150 = arith.constant 16 : i32
          %mul3A_151 = arith.muli %add3A_103, %mul3A_150 : i32
          %swap3A = arith.index_cast %mul3A_151 : i32 to index
          %swap3A_152 = tpu.vector_load %arg18[%swap3A] {strides = array<i32>} : memref<384xf32, #tpu.memory_space<vmem>>, vector<16xf32>,
          tpu.vector_store %arg18[%swap3A], %mul3A_149 {strides = array<i32>} : memref<384xf32, #tpu.memory_space<vmem>>, vector<16xf32>,
        }
        %scan3A_96 = arith.constant 24 : i32
        %mul3A_97 = arith.constant 3 : i32
        %mul3A_98 = arith.muli %mul3A_76, %mul3A_97 : i32
        "tpu.region"() ({
          %run_scoped3A = tpu.sem_alloc : memref<!tpu.dma_semaphore, #tpu.memory_space<semaphore_mem>>
          %dma_start3A_99 = tpu.memref_slice %arg7[%mul3A_98] : memref<150144xf32, #tpu.memory_space<hbm>> -> memref<384xf32, #tpu.memory_space<hbm>>
          %dma_start3A_100 = tpu.memref_slice %arg7[%mul3A_98] : memref<150144xf32, #tpu.memory_space<hbm>> -> memref<384xf32, #tpu.memory_space<hbm>>
          tpu.enqueue_dma source(%arg18 : memref<384xf32, #tpu.memory_space<vmem>>) target(%dma_start3A_100 : memref<384xf32, #tpu.memory_space<hbm>>) target_semaphore(%run_scoped3A : memref<!tpu.dma_semaphore, #tpu.memory_space<semaphore_mem>>)
          %dma_wait3A_101 = tpu.memref_slice %arg7[%mul3A_98] : memref<150144xf32, #tpu.memory_space<hbm>> -> memref<384xf32, #tpu.memory_space<hbm>>
          %dma_wait3A_102 = tpu.memref_slice %arg7[%mul3A_98] : memref<150144xf32, #tpu.memory_space<hbm>> -> memref<384xf32, #tpu.memory_space<hbm>>
          tpu.wait_dma2 semaphore(%run_scoped3A : memref<!tpu.dma_semaphore, #tpu.memory_space<semaphore_mem>>) src(%arg18 : memref<384xf32, #tpu.memory_space<vmem>>) dst(%dma_wait3A_102 : memref<384xf32, #tpu.memory_space<hbm>>)
          tpu.yield
        }) : () -> ()
      } else {
      }
    }
    %scan3A_4 = arith.constant 13 : i32
    "tpu.region"() ({
      %run_scoped3A = tpu.sem_alloc : memref<!tpu.dma_semaphore, #tpu.memory_space<semaphore_mem>>
      tpu.enqueue_dma source(%arg3 : memref<100352xi32, #tpu.memory_space<hbm>>) target(%arg9 : memref<100352xi32, #tpu.memory_space<vmem>>) target_semaphore(%run_scoped3A : memref<!tpu.dma_semaphore, #tpu.memory_space<semaphore_mem>>)
      tpu.wait_dma2 semaphore(%run_scoped3A : memref<!tpu.dma_semaphore, #tpu.memory_space<semaphore_mem>>) src(%arg3 : memref<100352xi32, #tpu.memory_space<hbm>>) dst(%arg9 : memref<100352xi32, #tpu.memory_space<vmem>>)
      tpu.yield
    }) : () -> ()
    %add3A_5 = arith.constant 0 : i32
    %add3A_6 = arith.addi %add3A, %add3A_5 : i32
    %mul3A_7 = arith.constant 2048 : i32
    %mul3A_8 = arith.muli %add3A_6, %mul3A_7 : i32
    %dma_start3A = arith.constant 0 : i32
    %dma_start3A_9 = tpu.memref_slice %arg6[%dma_start3A, %mul3A_8] : memref<2x6400000xi32, #tpu.memory_space<hbm>> -> memref<2x2048xi32, #tpu.memory_space<hbm>>
    %dma_start3A_10 = arith.constant 0 : i32
    %dma_start3A_11 = tpu.memref_slice %arg6[%dma_start3A_10, %mul3A_8] : memref<2x6400000xi32, #tpu.memory_space<hbm>> -> memref<2x2048xi32, #tpu.memory_space<hbm>>
    tpu.enqueue_dma source(%dma_start3A_11 : memref<2x2048xi32, #tpu.memory_space<hbm>>) target(%arg10 : memref<2x2048xi32, #tpu.memory_space<vmem>>) target_semaphore(%arg19 : memref<!tpu.dma_semaphore, #tpu.memory_space<semaphore_mem>>)
    %add3A_12 = arith.constant 32 : i32
    %add3A_13 = arith.addi %add3A, %add3A_12 : i32
    %mul3A_14 = arith.constant 2048 : i32
    %mul3A_15 = arith.muli %add3A_13, %mul3A_14 : i32
    %dma_start3A_16 = arith.constant 0 : i32
    %dma_start3A_17 = tpu.memref_slice %arg6[%dma_start3A_16, %mul3A_15] : memref<2x6400000xi32, #tpu.memory_space<hbm>> -> memref<2x2048xi32, #tpu.memory_space<hbm>>
    %dma_start3A_18 = arith.constant 0 : i32
    %dma_start3A_19 = tpu.memref_slice %arg6[%dma_start3A_18, %mul3A_15] : memref<2x6400000xi32, #tpu.memory_space<hbm>> -> memref<2x2048xi32, #tpu.memory_space<hbm>>
    tpu.enqueue_dma source(%dma_start3A_19 : memref<2x2048xi32, #tpu.memory_space<hbm>>) target(%arg12 : memref<2x2048xi32, #tpu.memory_space<vmem>>) target_semaphore(%arg20 : memref<!tpu.dma_semaphore, #tpu.memory_space<semaphore_mem>>)
    %scan3A_20 = arith.constant 0 : i32
    %scan3A_21 = arith.constant 48 : i32
    %scan3A_22 = arith.addi %scan3A_20, %scan3A_21 : i32
    %scan3A_23 = arith.constant 1 : i32
    scf.for %scan3A_62 = %scan3A_20 to %scan3A_22 step %scan3A_23  : i32 {
      %mul3A_63 = arith.constant 1 : i32
      %mul3A_64 = arith.muli %scan3A_62, %mul3A_63 : i32
      %add3A_65 = arith.constant 0 : i32
      %add3A_66 = arith.addi %add3A_65, %mul3A_64 : i32
      %mul3A_67 = arith.constant 2 : i32
      %mul3A_68 = arith.muli %add3A_66, %mul3A_67 : i32
      %add3A_69 = arith.constant 0 : i32
      %add3A_70 = arith.addi %mul3A_68, %add3A_69 : i32
      %mul3A_71 = arith.constant 32 : i32
      %mul3A_72 = arith.muli %add3A_70, %mul3A_71 : i32
      %add3A_73 = arith.addi %add3A, %mul3A_72 : i32
      %mul3A_74 = arith.constant 2048 : i32
      %mul3A_75 = arith.muli %add3A_73, %mul3A_74 : i32
      %dma_wait3A_76 = arith.constant 0 : i32
      %dma_wait3A_77 = tpu.memref_slice %arg6[%dma_wait3A_76, %mul3A_75] : memref<2x6400000xi32, #tpu.memory_space<hbm>> -> memref<2x2048xi32, #tpu.memory_space<hbm>>
      %dma_wait3A_78 = arith.constant 0 : i32
      %dma_wait3A_79 = tpu.memref_slice %arg6[%dma_wait3A_78, %mul3A_75] : memref<2x6400000xi32, #tpu.memory_space<hbm>> -> memref<2x2048xi32, #tpu.memory_space<hbm>>
      tpu.wait_dma2 semaphore(%arg19 : memref<!tpu.dma_semaphore, #tpu.memory_space<semaphore_mem>>) src(%dma_wait3A_79 : memref<2x2048xi32, #tpu.memory_space<hbm>>) dst(%arg10 : memref<2x2048xi32, #tpu.memory_space<vmem>>)
      %gt3A = arith.constant 0 : i32
      %gt3A_80 = arith.cmpi sgt, %add3A_66, %gt3A : i32
      %convert_element_type3A_81 = arith.extui %gt3A_80 : i1 to i32
      %cond3A_82 = arith.constant 0 : i32
      %cond3A_83 = arith.cmpi ne, %convert_element_type3A_81, %cond3A_82 : i32
      scf.if %cond3A_83 {
        %sub3A_138 = arith.constant 64 : i32
        %sub3A_139 = arith.subi %add3A_73, %sub3A_138 : i32
        %mul3A_140 = arith.constant 2048 : i32
        %mul3A_141 = arith.muli %sub3A_139, %mul3A_140 : i32
        %dma_wait3A_142 = arith.constant 0 : i32
        %dma_wait3A_143 = tpu.memref_slice %arg8[%dma_wait3A_142, %mul3A_141] : memref<2x6400000xi32, #tpu.memory_space<hbm>> -> memref<2x2048xi32, #tpu.memory_space<hbm>>
        %dma_wait3A_144 = arith.constant 0 : i32
        %dma_wait3A_145 = tpu.memref_slice %arg8[%dma_wait3A_144, %mul3A_141] : memref<2x6400000xi32, #tpu.memory_space<hbm>> -> memref<2x2048xi32, #tpu.memory_space<hbm>>
        tpu.wait_dma2 semaphore(%arg21 : memref<!tpu.dma_semaphore, #tpu.memory_space<semaphore_mem>>) src(%arg11 : memref<2x2048xi32, #tpu.memory_space<vmem>>) dst(%dma_wait3A_145 : memref<2x2048xi32, #tpu.memory_space<hbm>>)
      } else {
      }
      %scan3A_84 = arith.constant 0 : i32
      %scan3A_85 = arith.constant 128 : i32
      %scan3A_86 = arith.addi %scan3A_84, %scan3A_85 : i32
      %scan3A_87 = arith.constant 1 : i32
      scf.for %scan3A_138 = %scan3A_84 to %scan3A_86 step %scan3A_87  : i32 {
        %mul3A_139 = arith.constant 1 : i32
        %mul3A_140 = arith.muli %scan3A_138, %mul3A_139 : i32
        %add3A_141 = arith.constant 0 : i32
        %add3A_142 = arith.addi %add3A_141, %mul3A_140 : i32
        %mul3A_143 = arith.constant 16 : i32
        %mul3A_144 = arith.muli %add3A_142, %mul3A_143 : i32
        %get3A = arith.constant 0 : i32
        %get3A_145 = arith.index_cast %get3A : i32 to index
        %get3A_146 = arith.index_cast %mul3A_144 : i32 to index
        %get3A_147 = tpu.vector_load %arg10[%get3A_145, %get3A_146] {strides = array<i32>} : memref<2x2048xi32, #tpu.memory_space<vmem>>, vector<16xi32>,
        %get3A_148 = arith.constant 1 : i32
        %get3A_149 = arith.index_cast %get3A_148 : i32 to index
        %get3A_150 = arith.index_cast %mul3A_144 : i32 to index
        %get3A_151 = tpu.vector_load %arg10[%get3A_149, %get3A_150] {strides = array<i32>} : memref<2x2048xi32, #tpu.memory_space<vmem>>, vector<16xi32>,
        %gather3A = tpu.vector_load_idx %arg9[%get3A_147] : memref<100352xi32, #tpu.memory_space<vmem>>[vector<16xi32>], vector<16xi32>,
        %gather3A_152 = tpu.vector_load_idx %arg9[%get3A_151] : memref<100352xi32, #tpu.memory_space<vmem>>[vector<16xi32>], vector<16xi32>,
        %ge3A = arith.constant 0 : i32
        %ge3A_153 = vector.broadcast %ge3A : i32 to vector<16xi32>
        %ge3A_154 = arith.cmpi sge, %gather3A, %ge3A_153 : vector<16xi32>
        %ge3A_155 = arith.constant 0 : i32
        %ge3A_156 = vector.broadcast %ge3A_155 : i32 to vector<16xi32>
        %ge3A_157 = arith.cmpi sge, %gather3A_152, %ge3A_156 : vector<16xi32>
        %and3A = arith.andi %ge3A_154, %ge3A_157 : vector<16xi1>
        %broadcast_in_dim3A = arith.constant -1 : i32
        %broadcast_in_dim3A_158 = vector.broadcast %broadcast_in_dim3A : i32 to vector<16xi32>
        %select_n3A = arith.select %and3A, %gather3A, %broadcast_in_dim3A_158 : vector<16xi1>, vector<16xi32>
        %swap3A = arith.constant 0 : i32
        %swap3A_159 = arith.index_cast %swap3A : i32 to index
        %swap3A_160 = arith.index_cast %mul3A_144 : i32 to index
        %swap3A_161 = tpu.vector_load %arg11[%swap3A_159, %swap3A_160] {strides = array<i32>} : memref<2x2048xi32, #tpu.memory_space<vmem>>, vector<16xi32>,
        tpu.vector_store %arg11[%swap3A_159, %swap3A_160], %select_n3A {strides = array<i32>} : memref<2x2048xi32, #tpu.memory_space<vmem>>, vector<16xi32>,
        %select_n3A_162 = arith.select %and3A, %gather3A_152, %broadcast_in_dim3A_158 : vector<16xi1>, vector<16xi32>
        %swap3A_163 = arith.constant 1 : i32
        %swap3A_164 = arith.index_cast %swap3A_163 : i32 to index
        %swap3A_165 = arith.index_cast %mul3A_144 : i32 to index
        %swap3A_166 = tpu.vector_load %arg11[%swap3A_164, %swap3A_165] {strides = array<i32>} : memref<2x2048xi32, #tpu.memory_space<vmem>>, vector<16xi32>,
        tpu.vector_store %arg11[%swap3A_164, %swap3A_165], %select_n3A_162 {strides = array<i32>} : memref<2x2048xi32, #tpu.memory_space<vmem>>, vector<16xi32>,
      }
      %scan3A_88 = arith.constant 128 : i32
      %mul3A_89 = arith.constant 2048 : i32
      %mul3A_90 = arith.muli %add3A_73, %mul3A_89 : i32
      %dma_start3A_91 = arith.constant 0 : i32
      %dma_start3A_92 = tpu.memref_slice %arg8[%dma_start3A_91, %mul3A_90] : memref<2x6400000xi32, #tpu.memory_space<hbm>> -> memref<2x2048xi32, #tpu.memory_space<hbm>>
      %dma_start3A_93 = arith.constant 0 : i32
      %dma_start3A_94 = tpu.memref_slice %arg8[%dma_start3A_93, %mul3A_90] : memref<2x6400000xi32, #tpu.memory_space<hbm>> -> memref<2x2048xi32, #tpu.memory_space<hbm>>
      tpu.enqueue_dma source(%arg11 : memref<2x2048xi32, #tpu.memory_space<vmem>>) target(%dma_start3A_94 : memref<2x2048xi32, #tpu.memory_space<hbm>>) target_semaphore(%arg21 : memref<!tpu.dma_semaphore, #tpu.memory_space<semaphore_mem>>)
      %add3A_95 = arith.constant 64 : i32
      %add3A_96 = arith.addi %add3A_73, %add3A_95 : i32
      %lt3A_97 = arith.constant 3125 : i32
      %lt3A_98 = arith.cmpi slt, %add3A_96, %lt3A_97 : i32
      %convert_element_type3A_99 = arith.extui %lt3A_98 : i1 to i32
      %cond3A_100 = arith.constant 0 : i32
      %cond3A_101 = arith.cmpi ne, %convert_element_type3A_99, %cond3A_100 : i32
      scf.if %cond3A_101 {
        %add3A_138 = arith.constant 64 : i32
        %add3A_139 = arith.addi %add3A_73, %add3A_138 : i32
        %mul3A_140 = arith.constant 2048 : i32
        %mul3A_141 = arith.muli %add3A_139, %mul3A_140 : i32
        %dma_start3A_142 = arith.constant 0 : i32
        %dma_start3A_143 = tpu.memref_slice %arg6[%dma_start3A_142, %mul3A_141] : memref<2x6400000xi32, #tpu.memory_space<hbm>> -> memref<2x2048xi32, #tpu.memory_space<hbm>>
        %dma_start3A_144 = arith.constant 0 : i32
        %dma_start3A_145 = tpu.memref_slice %arg6[%dma_start3A_144, %mul3A_141] : memref<2x6400000xi32, #tpu.memory_space<hbm>> -> memref<2x2048xi32, #tpu.memory_space<hbm>>
        tpu.enqueue_dma source(%dma_start3A_145 : memref<2x2048xi32, #tpu.memory_space<hbm>>) target(%arg10 : memref<2x2048xi32, #tpu.memory_space<vmem>>) target_semaphore(%arg19 : memref<!tpu.dma_semaphore, #tpu.memory_space<semaphore_mem>>)
      } else {
      }
      %mul3A_102 = arith.constant 2 : i32
      %mul3A_103 = arith.muli %add3A_66, %mul3A_102 : i32
      %add3A_104 = arith.constant 1 : i32
      %add3A_105 = arith.addi %mul3A_103, %add3A_104 : i32
      %mul3A_106 = arith.constant 32 : i32
      %mul3A_107 = arith.muli %add3A_105, %mul3A_106 : i32
      %add3A_108 = arith.addi %add3A, %mul3A_107 : i32
      %mul3A_109 = arith.constant 2048 : i32
      %mul3A_110 = arith.muli %add3A_108, %mul3A_109 : i32
      %dma_wait3A_111 = arith.constant 0 : i32
      %dma_wait3A_112 = tpu.memref_slice %arg6[%dma_wait3A_111, %mul3A_110] : memref<2x6400000xi32, #tpu.memory_space<hbm>> -> memref<2x2048xi32, #tpu.memory_space<hbm>>
      %dma_wait3A_113 = arith.constant 0 : i32
      %dma_wait3A_114 = tpu.memref_slice %arg6[%dma_wait3A_113, %mul3A_110] : memref<2x6400000xi32, #tpu.memory_space<hbm>> -> memref<2x2048xi32, #tpu.memory_space<hbm>>
      tpu.wait_dma2 semaphore(%arg20 : memref<!tpu.dma_semaphore, #tpu.memory_space<semaphore_mem>>) src(%dma_wait3A_114 : memref<2x2048xi32, #tpu.memory_space<hbm>>) dst(%arg12 : memref<2x2048xi32, #tpu.memory_space<vmem>>)
      %gt3A_115 = arith.constant 0 : i32
      %gt3A_116 = arith.cmpi sgt, %add3A_66, %gt3A_115 : i32
      %convert_element_type3A_117 = arith.extui %gt3A_116 : i1 to i32
      %cond3A_118 = arith.constant 0 : i32
      %cond3A_119 = arith.cmpi ne, %convert_element_type3A_117, %cond3A_118 : i32
      scf.if %cond3A_119 {
        %sub3A_138 = arith.constant 64 : i32
        %sub3A_139 = arith.subi %add3A_108, %sub3A_138 : i32
        %mul3A_140 = arith.constant 2048 : i32
        %mul3A_141 = arith.muli %sub3A_139, %mul3A_140 : i32
        %dma_wait3A_142 = arith.constant 0 : i32
        %dma_wait3A_143 = tpu.memref_slice %arg8[%dma_wait3A_142, %mul3A_141] : memref<2x6400000xi32, #tpu.memory_space<hbm>> -> memref<2x2048xi32, #tpu.memory_space<hbm>>
        %dma_wait3A_144 = arith.constant 0 : i32
        %dma_wait3A_145 = tpu.memref_slice %arg8[%dma_wait3A_144, %mul3A_141] : memref<2x6400000xi32, #tpu.memory_space<hbm>> -> memref<2x2048xi32, #tpu.memory_space<hbm>>
        tpu.wait_dma2 semaphore(%arg22 : memref<!tpu.dma_semaphore, #tpu.memory_space<semaphore_mem>>) src(%arg13 : memref<2x2048xi32, #tpu.memory_space<vmem>>) dst(%dma_wait3A_145 : memref<2x2048xi32, #tpu.memory_space<hbm>>)
      } else {
      }
      %scan3A_120 = arith.constant 0 : i32
      %scan3A_121 = arith.constant 128 : i32
      %scan3A_122 = arith.addi %scan3A_120, %scan3A_121 : i32
      %scan3A_123 = arith.constant 1 : i32
      scf.for %scan3A_138 = %scan3A_120 to %scan3A_122 step %scan3A_123  : i32 {
        %mul3A_139 = arith.constant 1 : i32
        %mul3A_140 = arith.muli %scan3A_138, %mul3A_139 : i32
        %add3A_141 = arith.constant 0 : i32
        %add3A_142 = arith.addi %add3A_141, %mul3A_140 : i32
        %mul3A_143 = arith.constant 16 : i32
        %mul3A_144 = arith.muli %add3A_142, %mul3A_143 : i32
        %get3A = arith.constant 0 : i32
        %get3A_145 = arith.index_cast %get3A : i32 to index
        %get3A_146 = arith.index_cast %mul3A_144 : i32 to index
        %get3A_147 = tpu.vector_load %arg12[%get3A_145, %get3A_146] {strides = array<i32>} : memref<2x2048xi32, #tpu.memory_space<vmem>>, vector<16xi32>,
        %get3A_148 = arith.constant 1 : i32
        %get3A_149 = arith.index_cast %get3A_148 : i32 to index
        %get3A_150 = arith.index_cast %mul3A_144 : i32 to index
        %get3A_151 = tpu.vector_load %arg12[%get3A_149, %get3A_150] {strides = array<i32>} : memref<2x2048xi32, #tpu.memory_space<vmem>>, vector<16xi32>,
        %gather3A = tpu.vector_load_idx %arg9[%get3A_147] : memref<100352xi32, #tpu.memory_space<vmem>>[vector<16xi32>], vector<16xi32>,
        %gather3A_152 = tpu.vector_load_idx %arg9[%get3A_151] : memref<100352xi32, #tpu.memory_space<vmem>>[vector<16xi32>], vector<16xi32>,
        %ge3A = arith.constant 0 : i32
        %ge3A_153 = vector.broadcast %ge3A : i32 to vector<16xi32>
        %ge3A_154 = arith.cmpi sge, %gather3A, %ge3A_153 : vector<16xi32>
        %ge3A_155 = arith.constant 0 : i32
        %ge3A_156 = vector.broadcast %ge3A_155 : i32 to vector<16xi32>
        %ge3A_157 = arith.cmpi sge, %gather3A_152, %ge3A_156 : vector<16xi32>
        %and3A = arith.andi %ge3A_154, %ge3A_157 : vector<16xi1>
        %broadcast_in_dim3A = arith.constant -1 : i32
        %broadcast_in_dim3A_158 = vector.broadcast %broadcast_in_dim3A : i32 to vector<16xi32>
        %select_n3A = arith.select %and3A, %gather3A, %broadcast_in_dim3A_158 : vector<16xi1>, vector<16xi32>
        %swap3A = arith.constant 0 : i32
        %swap3A_159 = arith.index_cast %swap3A : i32 to index
        %swap3A_160 = arith.index_cast %mul3A_144 : i32 to index
        %swap3A_161 = tpu.vector_load %arg13[%swap3A_159, %swap3A_160] {strides = array<i32>} : memref<2x2048xi32, #tpu.memory_space<vmem>>, vector<16xi32>,
        tpu.vector_store %arg13[%swap3A_159, %swap3A_160], %select_n3A {strides = array<i32>} : memref<2x2048xi32, #tpu.memory_space<vmem>>, vector<16xi32>,
        %select_n3A_162 = arith.select %and3A, %gather3A_152, %broadcast_in_dim3A_158 : vector<16xi1>, vector<16xi32>
        %swap3A_163 = arith.constant 1 : i32
        %swap3A_164 = arith.index_cast %swap3A_163 : i32 to index
        %swap3A_165 = arith.index_cast %mul3A_144 : i32 to index
        %swap3A_166 = tpu.vector_load %arg13[%swap3A_164, %swap3A_165] {strides = array<i32>} : memref<2x2048xi32, #tpu.memory_space<vmem>>, vector<16xi32>,
        tpu.vector_store %arg13[%swap3A_164, %swap3A_165], %select_n3A_162 {strides = array<i32>} : memref<2x2048xi32, #tpu.memory_space<vmem>>, vector<16xi32>,
      }
      %scan3A_124 = arith.constant 128 : i32
      %mul3A_125 = arith.constant 2048 : i32
      %mul3A_126 = arith.muli %add3A_108, %mul3A_125 : i32
      %dma_start3A_127 = arith.constant 0 : i32
      %dma_start3A_128 = tpu.memref_slice %arg8[%dma_start3A_127, %mul3A_126] : memref<2x6400000xi32, #tpu.memory_space<hbm>> -> memref<2x2048xi32, #tpu.memory_space<hbm>>
      %dma_start3A_129 = arith.constant 0 : i32
      %dma_start3A_130 = tpu.memref_slice %arg8[%dma_start3A_129, %mul3A_126] : memref<2x6400000xi32, #tpu.memory_space<hbm>> -> memref<2x2048xi32, #tpu.memory_space<hbm>>
      tpu.enqueue_dma source(%arg13 : memref<2x2048xi32, #tpu.memory_space<vmem>>) target(%dma_start3A_130 : memref<2x2048xi32, #tpu.memory_space<hbm>>) target_semaphore(%arg22 : memref<!tpu.dma_semaphore, #tpu.memory_space<semaphore_mem>>)
      %add3A_131 = arith.constant 64 : i32
      %add3A_132 = arith.addi %add3A_108, %add3A_131 : i32
      %lt3A_133 = arith.constant 3125 : i32
      %lt3A_134 = arith.cmpi slt, %add3A_132, %lt3A_133 : i32
      %convert_element_type3A_135 = arith.extui %lt3A_134 : i1 to i32
      %cond3A_136 = arith.constant 0 : i32
      %cond3A_137 = arith.cmpi ne, %convert_element_type3A_135, %cond3A_136 : i32
      scf.if %cond3A_137 {
        %add3A_138 = arith.constant 64 : i32
        %add3A_139 = arith.addi %add3A_108, %add3A_138 : i32
        %mul3A_140 = arith.constant 2048 : i32
        %mul3A_141 = arith.muli %add3A_139, %mul3A_140 : i32
        %dma_start3A_142 = arith.constant 0 : i32
        %dma_start3A_143 = tpu.memref_slice %arg6[%dma_start3A_142, %mul3A_141] : memref<2x6400000xi32, #tpu.memory_space<hbm>> -> memref<2x2048xi32, #tpu.memory_space<hbm>>
        %dma_start3A_144 = arith.constant 0 : i32
        %dma_start3A_145 = tpu.memref_slice %arg6[%dma_start3A_144, %mul3A_141] : memref<2x6400000xi32, #tpu.memory_space<hbm>> -> memref<2x2048xi32, #tpu.memory_space<hbm>>
        tpu.enqueue_dma source(%dma_start3A_145 : memref<2x2048xi32, #tpu.memory_space<hbm>>) target(%arg12 : memref<2x2048xi32, #tpu.memory_space<vmem>>) target_semaphore(%arg20 : memref<!tpu.dma_semaphore, #tpu.memory_space<semaphore_mem>>)
      } else {
      }
    }
    %scan3A_24 = arith.constant 48 : i32
    %add3A_25 = arith.constant 3072 : i32
    %add3A_26 = arith.addi %add3A, %add3A_25 : i32
    %add3A_27 = arith.constant 3104 : i32
    %add3A_28 = arith.addi %add3A, %add3A_27 : i32
    %lt3A = arith.constant 3125 : i32
    %lt3A_29 = arith.cmpi slt, %add3A_26, %lt3A : i32
    %lt3A_30 = arith.constant 3125 : i32
    %lt3A_31 = arith.cmpi slt, %add3A_28, %lt3A_30 : i32
    %convert_element_type3A = arith.extui %lt3A_29 : i1 to i32
    %cond3A = arith.constant 0 : i32
    %cond3A_32 = arith.cmpi ne, %convert_element_type3A, %cond3A : i32
    scf.if %cond3A_32 {
      %mul3A_62 = arith.constant 2048 : i32
      %mul3A_63 = arith.muli %add3A_26, %mul3A_62 : i32
      %dma_wait3A_64 = arith.constant 0 : i32
      %dma_wait3A_65 = tpu.memref_slice %arg6[%dma_wait3A_64, %mul3A_63] : memref<2x6400000xi32, #tpu.memory_space<hbm>> -> memref<2x2048xi32, #tpu.memory_space<hbm>>
      %dma_wait3A_66 = arith.constant 0 : i32
      %dma_wait3A_67 = tpu.memref_slice %arg6[%dma_wait3A_66, %mul3A_63] : memref<2x6400000xi32, #tpu.memory_space<hbm>> -> memref<2x2048xi32, #tpu.memory_space<hbm>>
      tpu.wait_dma2 semaphore(%arg19 : memref<!tpu.dma_semaphore, #tpu.memory_space<semaphore_mem>>) src(%dma_wait3A_67 : memref<2x2048xi32, #tpu.memory_space<hbm>>) dst(%arg10 : memref<2x2048xi32, #tpu.memory_space<vmem>>)
    } else {
    }
    %sub3A = arith.constant 64 : i32
    %sub3A_33 = arith.subi %add3A_26, %sub3A : i32
    %mul3A_34 = arith.constant 2048 : i32
    %mul3A_35 = arith.muli %sub3A_33, %mul3A_34 : i32
    %dma_wait3A = arith.constant 0 : i32
    %dma_wait3A_36 = tpu.memref_slice %arg8[%dma_wait3A, %mul3A_35] : memref<2x6400000xi32, #tpu.memory_space<hbm>> -> memref<2x2048xi32, #tpu.memory_space<hbm>>
    %dma_wait3A_37 = arith.constant 0 : i32
    %dma_wait3A_38 = tpu.memref_slice %arg8[%dma_wait3A_37, %mul3A_35] : memref<2x6400000xi32, #tpu.memory_space<hbm>> -> memref<2x2048xi32, #tpu.memory_space<hbm>>
    tpu.wait_dma2 semaphore(%arg21 : memref<!tpu.dma_semaphore, #tpu.memory_space<semaphore_mem>>) src(%arg11 : memref<2x2048xi32, #tpu.memory_space<vmem>>) dst(%dma_wait3A_38 : memref<2x2048xi32, #tpu.memory_space<hbm>>)
    %convert_element_type3A_39 = arith.extui %lt3A_29 : i1 to i32
    %cond3A_40 = arith.constant 0 : i32
    %cond3A_41 = arith.cmpi ne, %convert_element_type3A_39, %cond3A_40 : i32
    scf.if %cond3A_41 {
      %scan3A_62 = arith.constant 0 : i32
      %scan3A_63 = arith.constant 128 : i32
      %scan3A_64 = arith.addi %scan3A_62, %scan3A_63 : i32
      %scan3A_65 = arith.constant 1 : i32
      scf.for %scan3A_73 = %scan3A_62 to %scan3A_64 step %scan3A_65  : i32 {
        %mul3A_74 = arith.constant 1 : i32
        %mul3A_75 = arith.muli %scan3A_73, %mul3A_74 : i32
        %add3A_76 = arith.constant 0 : i32
        %add3A_77 = arith.addi %add3A_76, %mul3A_75 : i32
        %mul3A_78 = arith.constant 16 : i32
        %mul3A_79 = arith.muli %add3A_77, %mul3A_78 : i32
        %get3A = arith.constant 0 : i32
        %get3A_80 = arith.index_cast %get3A : i32 to index
        %get3A_81 = arith.index_cast %mul3A_79 : i32 to index
        %get3A_82 = tpu.vector_load %arg10[%get3A_80, %get3A_81] {strides = array<i32>} : memref<2x2048xi32, #tpu.memory_space<vmem>>, vector<16xi32>,
        %get3A_83 = arith.constant 1 : i32
        %get3A_84 = arith.index_cast %get3A_83 : i32 to index
        %get3A_85 = arith.index_cast %mul3A_79 : i32 to index
        %get3A_86 = tpu.vector_load %arg10[%get3A_84, %get3A_85] {strides = array<i32>} : memref<2x2048xi32, #tpu.memory_space<vmem>>, vector<16xi32>,
        %gather3A = tpu.vector_load_idx %arg9[%get3A_82] : memref<100352xi32, #tpu.memory_space<vmem>>[vector<16xi32>], vector<16xi32>,
        %gather3A_87 = tpu.vector_load_idx %arg9[%get3A_86] : memref<100352xi32, #tpu.memory_space<vmem>>[vector<16xi32>], vector<16xi32>,
        %ge3A = arith.constant 0 : i32
        %ge3A_88 = vector.broadcast %ge3A : i32 to vector<16xi32>
        %ge3A_89 = arith.cmpi sge, %gather3A, %ge3A_88 : vector<16xi32>
        %ge3A_90 = arith.constant 0 : i32
        %ge3A_91 = vector.broadcast %ge3A_90 : i32 to vector<16xi32>
        %ge3A_92 = arith.cmpi sge, %gather3A_87, %ge3A_91 : vector<16xi32>
        %and3A = arith.andi %ge3A_89, %ge3A_92 : vector<16xi1>
        %broadcast_in_dim3A = arith.constant -1 : i32
        %broadcast_in_dim3A_93 = vector.broadcast %broadcast_in_dim3A : i32 to vector<16xi32>
        %select_n3A = arith.select %and3A, %gather3A, %broadcast_in_dim3A_93 : vector<16xi1>, vector<16xi32>
        %swap3A = arith.constant 0 : i32
        %swap3A_94 = arith.index_cast %swap3A : i32 to index
        %swap3A_95 = arith.index_cast %mul3A_79 : i32 to index
        %swap3A_96 = tpu.vector_load %arg11[%swap3A_94, %swap3A_95] {strides = array<i32>} : memref<2x2048xi32, #tpu.memory_space<vmem>>, vector<16xi32>,
        tpu.vector_store %arg11[%swap3A_94, %swap3A_95], %select_n3A {strides = array<i32>} : memref<2x2048xi32, #tpu.memory_space<vmem>>, vector<16xi32>,
        %select_n3A_97 = arith.select %and3A, %gather3A_87, %broadcast_in_dim3A_93 : vector<16xi1>, vector<16xi32>
        %swap3A_98 = arith.constant 1 : i32
        %swap3A_99 = arith.index_cast %swap3A_98 : i32 to index
        %swap3A_100 = arith.index_cast %mul3A_79 : i32 to index
        %swap3A_101 = tpu.vector_load %arg11[%swap3A_99, %swap3A_100] {strides = array<i32>} : memref<2x2048xi32, #tpu.memory_space<vmem>>, vector<16xi32>,
        tpu.vector_store %arg11[%swap3A_99, %swap3A_100], %select_n3A_97 {strides = array<i32>} : memref<2x2048xi32, #tpu.memory_space<vmem>>, vector<16xi32>,
      }
      %scan3A_66 = arith.constant 128 : i32
      %mul3A_67 = arith.constant 2048 : i32
      %mul3A_68 = arith.muli %add3A_26, %mul3A_67 : i32
      %dma_start3A_69 = arith.constant 0 : i32
      %dma_start3A_70 = tpu.memref_slice %arg8[%dma_start3A_69, %mul3A_68] : memref<2x6400000xi32, #tpu.memory_space<hbm>> -> memref<2x2048xi32, #tpu.memory_space<hbm>>
      %dma_start3A_71 = arith.constant 0 : i32
      %dma_start3A_72 = tpu.memref_slice %arg8[%dma_start3A_71, %mul3A_68] : memref<2x6400000xi32, #tpu.memory_space<hbm>> -> memref<2x2048xi32, #tpu.memory_space<hbm>>
      tpu.enqueue_dma source(%arg11 : memref<2x2048xi32, #tpu.memory_space<vmem>>) target(%dma_start3A_72 : memref<2x2048xi32, #tpu.memory_space<hbm>>) target_semaphore(%arg21 : memref<!tpu.dma_semaphore, #tpu.memory_space<semaphore_mem>>)
    } else {
    }
    %convert_element_type3A_42 = arith.extui %lt3A_31 : i1 to i32
    %cond3A_43 = arith.constant 0 : i32
    %cond3A_44 = arith.cmpi ne, %convert_element_type3A_42, %cond3A_43 : i32
    scf.if %cond3A_44 {
      %mul3A_62 = arith.constant 2048 : i32
      %mul3A_63 = arith.muli %add3A_28, %mul3A_62 : i32
      %dma_wait3A_64 = arith.constant 0 : i32
      %dma_wait3A_65 = tpu.memref_slice %arg6[%dma_wait3A_64, %mul3A_63] : memref<2x6400000xi32, #tpu.memory_space<hbm>> -> memref<2x2048xi32, #tpu.memory_space<hbm>>
      %dma_wait3A_66 = arith.constant 0 : i32
      %dma_wait3A_67 = tpu.memref_slice %arg6[%dma_wait3A_66, %mul3A_63] : memref<2x6400000xi32, #tpu.memory_space<hbm>> -> memref<2x2048xi32, #tpu.memory_space<hbm>>
      tpu.wait_dma2 semaphore(%arg20 : memref<!tpu.dma_semaphore, #tpu.memory_space<semaphore_mem>>) src(%dma_wait3A_67 : memref<2x2048xi32, #tpu.memory_space<hbm>>) dst(%arg12 : memref<2x2048xi32, #tpu.memory_space<vmem>>)
    } else {
    }
    %sub3A_45 = arith.constant 64 : i32
    %sub3A_46 = arith.subi %add3A_28, %sub3A_45 : i32
    %mul3A_47 = arith.constant 2048 : i32
    %mul3A_48 = arith.muli %sub3A_46, %mul3A_47 : i32
    %dma_wait3A_49 = arith.constant 0 : i32
    %dma_wait3A_50 = tpu.memref_slice %arg8[%dma_wait3A_49, %mul3A_48] : memref<2x6400000xi32, #tpu.memory_space<hbm>> -> memref<2x2048xi32, #tpu.memory_space<hbm>>
    %dma_wait3A_51 = arith.constant 0 : i32
    %dma_wait3A_52 = tpu.memref_slice %arg8[%dma_wait3A_51, %mul3A_48] : memref<2x6400000xi32, #tpu.memory_space<hbm>> -> memref<2x2048xi32, #tpu.memory_space<hbm>>
    tpu.wait_dma2 semaphore(%arg22 : memref<!tpu.dma_semaphore, #tpu.memory_space<semaphore_mem>>) src(%arg13 : memref<2x2048xi32, #tpu.memory_space<vmem>>) dst(%dma_wait3A_52 : memref<2x2048xi32, #tpu.memory_space<hbm>>)
    %convert_element_type3A_53 = arith.extui %lt3A_31 : i1 to i32
    %cond3A_54 = arith.constant 0 : i32
    %cond3A_55 = arith.cmpi ne, %convert_element_type3A_53, %cond3A_54 : i32
    scf.if %cond3A_55 {
      %scan3A_62 = arith.constant 0 : i32
      %scan3A_63 = arith.constant 128 : i32
      %scan3A_64 = arith.addi %scan3A_62, %scan3A_63 : i32
      %scan3A_65 = arith.constant 1 : i32
      scf.for %scan3A_73 = %scan3A_62 to %scan3A_64 step %scan3A_65  : i32 {
        %mul3A_74 = arith.constant 1 : i32
        %mul3A_75 = arith.muli %scan3A_73, %mul3A_74 : i32
        %add3A_76 = arith.constant 0 : i32
        %add3A_77 = arith.addi %add3A_76, %mul3A_75 : i32
        %mul3A_78 = arith.constant 16 : i32
        %mul3A_79 = arith.muli %add3A_77, %mul3A_78 : i32
        %get3A = arith.constant 0 : i32
        %get3A_80 = arith.index_cast %get3A : i32 to index
        %get3A_81 = arith.index_cast %mul3A_79 : i32 to index
        %get3A_82 = tpu.vector_load %arg12[%get3A_80, %get3A_81] {strides = array<i32>} : memref<2x2048xi32, #tpu.memory_space<vmem>>, vector<16xi32>,
        %get3A_83 = arith.constant 1 : i32
        %get3A_84 = arith.index_cast %get3A_83 : i32 to index
        %get3A_85 = arith.index_cast %mul3A_79 : i32 to index
        %get3A_86 = tpu.vector_load %arg12[%get3A_84, %get3A_85] {strides = array<i32>} : memref<2x2048xi32, #tpu.memory_space<vmem>>, vector<16xi32>,
        %gather3A = tpu.vector_load_idx %arg9[%get3A_82] : memref<100352xi32, #tpu.memory_space<vmem>>[vector<16xi32>], vector<16xi32>,
        %gather3A_87 = tpu.vector_load_idx %arg9[%get3A_86] : memref<100352xi32, #tpu.memory_space<vmem>>[vector<16xi32>], vector<16xi32>,
        %ge3A = arith.constant 0 : i32
        %ge3A_88 = vector.broadcast %ge3A : i32 to vector<16xi32>
        %ge3A_89 = arith.cmpi sge, %gather3A, %ge3A_88 : vector<16xi32>
        %ge3A_90 = arith.constant 0 : i32
        %ge3A_91 = vector.broadcast %ge3A_90 : i32 to vector<16xi32>
        %ge3A_92 = arith.cmpi sge, %gather3A_87, %ge3A_91 : vector<16xi32>
        %and3A = arith.andi %ge3A_89, %ge3A_92 : vector<16xi1>
        %broadcast_in_dim3A = arith.constant -1 : i32
        %broadcast_in_dim3A_93 = vector.broadcast %broadcast_in_dim3A : i32 to vector<16xi32>
        %select_n3A = arith.select %and3A, %gather3A, %broadcast_in_dim3A_93 : vector<16xi1>, vector<16xi32>
        %swap3A = arith.constant 0 : i32
        %swap3A_94 = arith.index_cast %swap3A : i32 to index
        %swap3A_95 = arith.index_cast %mul3A_79 : i32 to index
        %swap3A_96 = tpu.vector_load %arg13[%swap3A_94, %swap3A_95] {strides = array<i32>} : memref<2x2048xi32, #tpu.memory_space<vmem>>, vector<16xi32>,
        tpu.vector_store %arg13[%swap3A_94, %swap3A_95], %select_n3A {strides = array<i32>} : memref<2x2048xi32, #tpu.memory_space<vmem>>, vector<16xi32>,
        %select_n3A_97 = arith.select %and3A, %gather3A_87, %broadcast_in_dim3A_93 : vector<16xi1>, vector<16xi32>
        %swap3A_98 = arith.constant 1 : i32
        %swap3A_99 = arith.index_cast %swap3A_98 : i32 to index
        %swap3A_100 = arith.index_cast %mul3A_79 : i32 to index
        %swap3A_101 = tpu.vector_load %arg13[%swap3A_99, %swap3A_100] {strides = array<i32>} : memref<2x2048xi32, #tpu.memory_space<vmem>>, vector<16xi32>,
        tpu.vector_store %arg13[%swap3A_99, %swap3A_100], %select_n3A_97 {strides = array<i32>} : memref<2x2048xi32, #tpu.memory_space<vmem>>, vector<16xi32>,
      }
      %scan3A_66 = arith.constant 128 : i32
      %mul3A_67 = arith.constant 2048 : i32
      %mul3A_68 = arith.muli %add3A_28, %mul3A_67 : i32
      %dma_start3A_69 = arith.constant 0 : i32
      %dma_start3A_70 = tpu.memref_slice %arg8[%dma_start3A_69, %mul3A_68] : memref<2x6400000xi32, #tpu.memory_space<hbm>> -> memref<2x2048xi32, #tpu.memory_space<hbm>>
      %dma_start3A_71 = arith.constant 0 : i32
      %dma_start3A_72 = tpu.memref_slice %arg8[%dma_start3A_71, %mul3A_68] : memref<2x6400000xi32, #tpu.memory_space<hbm>> -> memref<2x2048xi32, #tpu.memory_space<hbm>>
      tpu.enqueue_dma source(%arg13 : memref<2x2048xi32, #tpu.memory_space<vmem>>) target(%dma_start3A_72 : memref<2x2048xi32, #tpu.memory_space<hbm>>) target_semaphore(%arg22 : memref<!tpu.dma_semaphore, #tpu.memory_space<semaphore_mem>>)
    } else {
    }
    %convert_element_type3A_56 = arith.extui %lt3A_29 : i1 to i32
    %cond3A_57 = arith.constant 0 : i32
    %cond3A_58 = arith.cmpi ne, %convert_element_type3A_56, %cond3A_57 : i32
    scf.if %cond3A_58 {
      %mul3A_62 = arith.constant 2048 : i32
      %mul3A_63 = arith.muli %add3A_26, %mul3A_62 : i32
      %dma_wait3A_64 = arith.constant 0 : i32
      %dma_wait3A_65 = tpu.memref_slice %arg8[%dma_wait3A_64, %mul3A_63] : memref<2x6400000xi32, #tpu.memory_space<hbm>> -> memref<2x2048xi32, #tpu.memory_space<hbm>>
      %dma_wait3A_66 = arith.constant 0 : i32
      %dma_wait3A_67 = tpu.memref_slice %arg8[%dma_wait3A_66, %mul3A_63] : memref<2x6400000xi32, #tpu.memory_space<hbm>> -> memref<2x2048xi32, #tpu.memory_space<hbm>>
      tpu.wait_dma2 semaphore(%arg21 : memref<!tpu.dma_semaphore, #tpu.memory_space<semaphore_mem>>) src(%arg11 : memref<2x2048xi32, #tpu.memory_space<vmem>>) dst(%dma_wait3A_67 : memref<2x2048xi32, #tpu.memory_space<hbm>>)
    } else {
    }
    %convert_element_type3A_59 = arith.extui %lt3A_31 : i1 to i32
    %cond3A_60 = arith.constant 0 : i32
    %cond3A_61 = arith.cmpi ne, %convert_element_type3A_59, %cond3A_60 : i32
    scf.if %cond3A_61 {
      %mul3A_62 = arith.constant 2048 : i32
      %mul3A_63 = arith.muli %add3A_28, %mul3A_62 : i32
      %dma_wait3A_64 = arith.constant 0 : i32
      %dma_wait3A_65 = tpu.memref_slice %arg8[%dma_wait3A_64, %mul3A_63] : memref<2x6400000xi32, #tpu.memory_space<hbm>> -> memref<2x2048xi32, #tpu.memory_space<hbm>>
      %dma_wait3A_66 = arith.constant 0 : i32
      %dma_wait3A_67 = tpu.memref_slice %arg8[%dma_wait3A_66, %mul3A_63] : memref<2x6400000xi32, #tpu.memory_space<hbm>> -> memref<2x2048xi32, #tpu.memory_space<hbm>>
      tpu.wait_dma2 semaphore(%arg22 : memref<!tpu.dma_semaphore, #tpu.memory_space<semaphore_mem>>) src(%arg13 : memref<2x2048xi32, #tpu.memory_space<vmem>>) dst(%dma_wait3A_67 : memref<2x2048xi32, #tpu.memory_space<hbm>>)
    } else {
    }
    return
  }
}

</mosaic_0001>

<sc_bundles>
// kernel: kernel.4.cloned.1.call-start
scs
__scs_entry_jumppad:
0x0: {  	(pc) =	sbr.rel $0x88, $3  }
0x1: {  	(tag) =	ssettag $0x0;
	lr =	simm.s32 $0x1  }
0x2: {  	[smem:$0x3F9E] =	sst lr;
	_ =	strace $0xD0000000  }
0x3: {  	_ = 	snop  }
0x4: {  	_ = 	snop  }
0x5: {  	_ = 	snop  }
0x6: {  	_ = 	snop  }
0x7: {  	_ = 	snop  }
__scs_overlays_trampoline_lowered:
0x8: {  	[smem:$0x3FAD] =	sst s0  }
0x9: {  	[smem:$0x3FAE] =	sst s1  }
0xa: {  	[smem:$0x3FAF] =	sst s2  }
0xb: {  	[smem:$0x3FB0] =	sst s3  }
0xc: {  	[smem:$0x3FB1] =	sst s4  }
0xd: {  	[smem:$0x3FB2] =	sst s5  }
0xe: {  	[smem:$0x3FB3] =	sst s6  }
0xf: {  	[smem:$0x3FB4] =	sst s7  }
0x10: {  	[smem:$0x3FB5] =	sst s8  }
0x11: {  	[smem:$0x3FB6] =	sst s9;
	s0 =	simm.s32 @!p0 $0x0  }
0x12: {  	s1 =	sld [smem:$0x3F9C];
	s0 =	simm.s32 @p0 $0x1  }
0x13: {  	[smem:$0x3FB7] =	sst s0;
	s0 =	simm.s32 @!p1 $0x0  }
0x14: {  	s2 =	sld [smem:$0x3F9B];
	s0 =	simm.s32 @p1 $0x1  }
0x15: {  	[smem:$0x3FB8] =	sst s0;
	s0 =	simm.s32 @!p2 $0x0  }
0x16: {  	s3 =	sld [smem:$0x3FDB];
	s0 =	simm.s32 @p2 $0x1  }
0x17: {  	s4 =	simm.s32 $0x1BF5;
	[smem:$0x3FBA] =	sst s0  }
0x18: {  	s0 =	sld [smem:$0x3F9D];
	_ =	swait.ge [sflag:s4], $0x0  }
0x19: {  	s7 =	sld [smem:$0x3F9E]  }
0x1a: {  	s8 =	sadd.s32 $0xFFFFE003, lr  }
0x1b: {  	s9 =	sadd.s32 $0xFFFFFEF7, lr;
	s5 =	simm.s32 $0xFFFFFFFF;
	p2 =	slt.u32 s8, $0xFFFFF086  }
0x1c: {  	p1 =	slt.u32 s9, $0xF7A;
	s5 =	simm.s32 @!p2 $0x0  }
0x1d: {  	s5 =	simm.s32 @p1 $0x1;
	p0 =	seq.s32 s7, s2  }
0x1e: {  	s7 =	smul.u32 @!p0 $0xF7A, s2;
	p2 =	seq.s32 @!p0 s5, $0x0  }
0x1f: {  	s9 =	smul.u32 $0xF7A, s1;
	s8 =	simm.s32 @!p0 $0x1BF5;
	p2 =	por !p2, p0  }
0x20: {  	[sflag:s8] =	ssyncset.s32 @!p0 $0xFFFFF086;
	s6 =	sadd.s32 @!p0 s3, s7;
	s7 =	simm.s32 @!p0 $0x108  }
0x21: {  	s3 =	sadd.s32 s3, s9;
	s6 =	sadd.s32 @!p0 $0x88, s6;
	s7 =	simm.s32 @p2 $0x1082  }
0x22: {  	[simem:s7], [sflag:s8] =	dma.local @!p0 [hbm:s6], $0xF7A  }
0x23: {  	s9 =	sor.u32 $0xD0000000, s2;
	s6 =	simm.s32 $0x108;
	_ =	swait.ge @!p0 [sflag:s8], $0x0  }
0x24: {  	s3 =	sadd.s32 $0x88, s3;
	s6 =	simm.s32 @!p1 $0x1082;
	[sflag:s4] =	ssyncset.s32 $0xFFFFF086  }
0x25: {  	[simem:s6], [sflag:s4] =	dma.local [hbm:s3], $0xF7A  }
0x26: {  	[smem:$0x3F9E] =	sst s1;
	(tag) =	ssettag s2;
	_ =	strace s9  }
0x27: {  	s1 =	sld [smem:$0x3FAE]  }
0x28: {  	s2 =	sld [smem:$0x3FAF]  }
0x29: {  	s4 =	sld [smem:$0x3FB1]  }
0x2a: {  	p0 =	seq.s32 s5, $0x0;
	s5 =	sld [smem:$0x3FB2]  }
0x2b: {  	s6 =	sld [smem:$0x3FB3]  }
0x2c: {  	s7 =	sld [smem:$0x3FB4]  }
0x2d: {  	s3 =	simm.s32 $0x108;
	s8 =	sld [smem:$0x3FB5]  }
0x2e: {  	s3 =	simm.s32 @!p0 $0x1082;
	s9 =	sld [smem:$0x3FB6]  }
0x2f: {  	lr =	sadd.s32 s0, s3;
	s0 =	sld [smem:$0x3FAD]  }
0x30: {  	s3 =	sld [smem:$0x3FB0]  }
0x31: {  	[smem:$0x3FB9] =	sst s10  }
0x32: {  	s10 =	sld [smem:$0x3FB7];
	_ =	sdelay $0x3  }
0x33: {  	p0 =	seq.s32 s10, $0x1;
	s10 =	sld [smem:$0x3FB9];
	_ =	sdelay $0x3  }
0x34: {  	[smem:$0x3FB9] =	sst s10  }
0x35: {  	s10 =	sld [smem:$0x3FB8];
	_ =	sdelay $0x3  }
0x36: {  	p1 =	seq.s32 s10, $0x1;
	s10 =	sld [smem:$0x3FB9];
	_ =	sdelay $0x3  }
0x37: {  	[smem:$0x3FB9] =	sst s10  }
0x38: {  	s10 =	sld [smem:$0x3FBA]  }
0x39: {  	_ = 	snop;
	(pc) =	sbr.ind lr, $3  }
0x3a: {  	_ = 	snop  }
0x3b: {  	_ = 	snop  }
0x3c: {  	p2 =	seq.s32 s10, $0x1;
	s10 =	sld [smem:$0x3FB9]  }
0x3d: {  	_ =	shalt  }
0x3e: {  	_ =	shalt  }
0x3f: {  	_ =	shalt  }
0x40: {  	_ =	shalt  }
0x41: {  	_ =	shalt  }
0x42: {  	_ =	shalt  }
0x43: {  	_ =	shalt  }
0x44: {  	_ =	shalt  }
0x45: {  	_ =	shalt  }
0x46: {  	_ =	shalt  }
0x47: {  	_ =	shalt  }
0x48: {  	_ =	shalt  }
0x49: {  	_ =	shalt  }
0x4a: {  	_ =	shalt  }
0x4b: {  	_ =	shalt  }
0x4c: {  	_ =	shalt  }
0x4d: {  	_ =	shalt  }
0x4e: {  	_ =	shalt  }
0x4f: {  	_ =	shalt  }
0x50: {  	_ =	shalt  }
0x51: {  	_ =	shalt  }
0x52: {  	_ =	shalt  }
0x53: {  	_ =	shalt  }
0x54: {  	_ =	shalt  }
0x55: {  	_ =	shalt  }
0x56: {  	_ =	shalt  }
0x57: {  	_ =	shalt  }
0x58: {  	_ =	shalt  }
0x59: {  	_ =	shalt  }
0x5a: {  	_ =	shalt  }
0x5b: {  	_ =	shalt  }
0x5c: {  	_ =	shalt  }
0x5d: {  	_ =	shalt  }
0x5e: {  	_ =	shalt  }
0x5f: {  	_ =	shalt  }
0x60: {  	_ =	shalt  }
0x61: {  	_ =	shalt  }
0x62: {  	_ =	shalt  }
0x63: {  	_ =	shalt  }
0x64: {  	_ =	shalt  }
0x65: {  	_ =	shalt  }
0x66: {  	_ =	shalt  }
0x67: {  	_ =	shalt  }
0x68: {  	_ =	shalt  }
0x69: {  	_ =	shalt  }
0x6a: {  	_ =	shalt  }
0x6b: {  	_ =	shalt  }
0x6c: {  	_ =	shalt  }
0x6d: {  	_ =	shalt  }
0x6e: {  	_ =	shalt  }
0x6f: {  	_ =	shalt  }
0x70: {  	_ =	shalt  }
0x71: {  	_ =	shalt  }
0x72: {  	_ =	shalt  }
0x73: {  	_ =	shalt  }
0x74: {  	_ =	shalt  }
0x75: {  	_ =	shalt  }
0x76: {  	_ =	shalt  }
0x77: {  	_ =	shalt  }
0x78: {  	_ =	shalt  }
0x79: {  	_ =	shalt  }
0x7a: {  	_ =	shalt  }
0x7b: {  	_ =	shalt  }
0x7c: {  	_ =	shalt  }
0x7d: {  	_ =	shalt  }
0x7e: {  	_ =	shalt  }
0x7f: {  	_ =	shalt  }
0x80: {  	_ =	shalt  }
0x81: {  	_ =	shalt  }
0x82: {  	_ =	shalt  }
0x83: {  	_ =	shalt  }
0x84: {  	_ =	shalt  }
0x85: {  	_ =	shalt  }
0x86: {  	_ =	shalt  }
0x87: {  	_ =	shalt  }
.Lfunc_end0:
.L_simem_size_0:
called_computation_lowered:
.L_overlay_start_0:
0x88: {  	s2 =	sld [smem:$0x3FD9]  }
0x89: {  	s3 =	sld [smem:$0x3FFE];
	_ =	sdelay $0x1  }
0x8a: {  	s1 =	srdreg.scid  }
0x8b: {  	s0 =	sand.u32 $0x1, s1  }
0x8c: {  	s14 =	sshll.u32 s0, $0xA;
	s2 =	sadd.s32 s3, s2  }
0x8d: {  	s2 =	sadd.s32 s2, s14  }
0x8e: {  	[smem:$0x3FC5] =	sst s2  }
0x8f: {  	_ = 	snop  }
0x90: {  	s2 =	sld [smem:$0x3FD0];
	_ =	sdelay $0x2  }
0x91: {  	s15 =	simm.s32 $0xA;
	s4 =	simm.s32 $0x10  }
0x92: {  	[smem:s4], [sflag:s15] =	dma.local [hbm:s2], $0x1  }
0x93: {  	_ =	swait.eq [sflag:s15], $0x1  }
0x94: {  	[sflag:s15] =	ssyncset.done $0x0  }
0x95: {  	[sflag:s15] =	ssyncadd.s32 $0xFFFFFFFF  }
0x96: {  	s16 =	sld [smem:$0x10];
	(tm) =	ssettm $0x1  }
0x97: {  	s17 =	sld [smem:$0x3FFB];
	_ =	sdelay $0x3  }
0x98: {  	_ =	strace s17  }
0x99: {  	s3 =	sld [smem:$0x3FFC];
	_ =	sdelay $0x3  }
0x9a: {  	_ =	strace s3  }
0x9b: {  	s3 =	sld [smem:$0x3FFD];
	_ =	sdelay $0x3  }
0x9c: {  	_ =	strace s3  }
0x9d: {  	_ =	strace $0x8FFFFFFF  }
0x9e: {  	s18 =	sld [smem:$0x3FDB];
	_ =	sdelay $0x1  }
0x9f: {  	s19 =	simm.s32 $_scs_section_size  }
0xa0: {  	s5 =	simm.s32 $_size__tile_overlayer_lowered;
	s6 =	simm.s32 $_tile_overlayer_lowered  }
0xa1: {  	s22 =	simm.s32 $0x1BFF;
	s21 =	sshll.u32 s6, $0x1;
	s3 =	sadd.s32 s19, s18  }
0xa2: {  	s7 =	simm.s32 $0x0;
	s20 =	sshll.u32 s5, $0x1;
	s5 =	sadd.s32 s21, s3  }
0xa3: {  	[timem:s7], [sflag:s22] =	dma.local [hbm:s5], s20  }
0xa4: {  	_ =	swait.ge [sflag:s22], s20  }
0xa5: {  	s4 =	ssub.s32 $0x0, s20;
	[sflag:s22] =	ssyncset.done $0x0  }
0xa6: {  	[sflag:s22] =	ssyncadd.s32 s4;
	_ =	sdelay $0x1  }
0xa7: {  	s23 =	simm.s32 $0x1B8B  }
0xa8: {  	_ =	swait.ge [sflag:s23], $0x1  }
0xa9: {  	[sflag:s23] =	ssyncset.done $0x0  }
0xaa: {  	s25 =	simm.s32 $0x1B8E;
	s24 =	sld [smem:$0x3FFE];
	[sflag:s23] =	ssyncadd.s32 $0xFFFFFFFF  }
0xab: {  	s26 =	simm.s32 $execute0_lowered;
	[smem:$0x3FD2] =	sst s25  }
0xac: {  	s5 =	sshll.u32 s26, $0x1;
	_ =	strace $0x80000046;
	[dreg:$0x1] =	wrdreg $0xFFFFFFFF  }
0xad: {  	s28 =	simm.s32 $_size_execute0_lowered;
	s3 =	sadd.s32 s3, s5;
	[dreg:$0x0] =	wrdreg $0x0  }
0xae: {  	s5 =	sshll.u32 s28, $0x1;
	[dreg:$0x2] =	wrdreg s3  }
0xaf: {  	[dreg:$0x3] =	wrdreg s5  }
0xb0: {  	[dreg:$0x4] =	wrdreg $0xC0  }
0xb1: {  	_ =	task [dreg:s7], $0x5FFFF  }
0xb2: {  	[dreg:$0x1] =	wrdreg $0xFFFFFFFF  }
0xb3: {  	[dreg:$0x0] =	wrdreg $0x60  }
0xb4: {  	[dreg:$0x2] =	wrdreg s16  }
0xb5: {  	[dreg:$0x3] =	wrdreg s24  }
0xb6: {  	[dreg:$0x4] =	wrdreg $0xAD000  }
0xb7: {  	[dreg:$0x5] =	wrdreg $0xC5800  }
0xb8: {  	[dreg:$0x6] =	wrdreg $0x158800  }
0xb9: {  	[dreg:$0x7] =	wrdreg $0xDE000  }
0xba: {  	[dreg:$0x8] =	wrdreg $0xF6800  }
0xbb: {  	[dreg:$0x9] =	wrdreg $0x10F000  }
0xbc: {  	[dreg:$0xa] =	wrdreg $0x127800  }
0xbd: {  	[dreg:$0xb] =	wrdreg $0x140000  }
0xbe: {  	[dreg:$0xc] =	wrdreg $0x9  }
0xbf: {  	_ =	task.clear_ibuf [dreg:s7], $0xDFFFF;
	_ =	strace $0x90000046  }
0xc0: {  	s29 =	simm.s32 $0x9;
	_ =	strace $0x80000048  }
0xc1: {  	_ =	swait.ge [sflag:s29], $0x1  }
0xc2: {  	[sflag:s29] =	ssyncadd.s32 $0xFFFFFFFF  }
0xc3: {  	_ =	strace $0x90000048  }
0xc4: {  	_ =	sfence  }
0xc5: {  	s30 =	sld [smem:$0x0];
	_ =	sdelay $0x2  }
0xc6: {  	s31 =	sshll.u32 s1, $0xD;
	s1 =	sshrl.u32 s1, $0x2  }
0xc7: {  	s3 =	sand.u32 $0x4000, s31;
	s1 =	sadd.s32 s1, s30  }
0xc8: {  	s0 =	sor.u32 s3, s0;
	s1 =	sshll.u32 s1, $0x11  }
0xc9: {  	s0 =	sor.u32 s1, s0  }
0xca: {  	s0 =	sadd.s32 $0x8F2B, s0  }
0xcb: {  	[sflag:s0] =	ssyncadd.remote.s32 $0x1  }
0xcc: {  	_ =	sfence.sel $0xFFFF  }
0xcd: {  	[dreg:$0x0] =	wrdreg $0xFFFFFFFF;
	(pc) =	sbr.abs _section_cstart, $3  }
0xce: {  	[dreg:$0x1] =	wrdreg $0xFFFFFFFF  }
0xcf: {  	_ =	task.clear_ibuf [dreg:s7], $0x2FFFF;
	_ =	strace $0x9FFFFFFF  }
0xd0: {  	(tm) =	ssettm $0x7FFFFFFF  }
0xd1: {  	_ =	shalt  }
tec
execute0_lowered:
.L_overlay_start_1:
0x0: {  	(tag) =	ssettag $0x1  }
0x1: {  	s0 =	rddreg [dreg:$0x0]  }
0x2: {  	s1 =	rddreg [dreg:$0x1]  }
0x3: {  	s8 =	rddreg [dreg:$0x2]  }
0x4: {  	s9 =	rddreg [dreg:$0x3]  }
0x5: {  	s3 =	rddreg [dreg:$0x4]  }
0x6: {  	s12 =	rddreg [dreg:$0x5]  }
0x7: {  	s17 =	rddreg [dreg:$0x6]  }
0x8: {  	s20 =	rddreg [dreg:$0x7]  }
0x9: {  	s21 =	rddreg [dreg:$0x8]  }
0xa: {  	s22 =	rddreg [dreg:$0x9]  }
0xb: {  	s10 =	simm.s32 $0x0;
	s14 =	stileid.u32;
	s2 =	srdreg.scid  }
0xc: {  	v0 =	vlaneseq.u32;
	s28 =	simm.s32 $0x1;
	s29 =	simm.s32 $0x1880;
	s30 =	simm.s32 $0x3100  }
0xd: {  	v20 =	vimm.s32 $0xF;
	s31 =	simm.s32 $0x7A80;
	[smem:$0x7FF] =	sst s10;
	s11 =	smul.u32 $0x1880, s14;
	v2 =	vand.u32 $0x7, v0  }
0xe: {  	s2 =	sand.u32 $0x1, s2;
	v1 =	vmul.u32 $0x10, v0;
	v21 =	vmov s14;
	s7 =	smul.u32 $0x6200, s14;
	v3 =	vmul.u32 $0x188, v0;
	s19 =	sshll.u32 s14, $0x8  }
0xf: {  	_ =	strace $0x80000047;
	s4 =	ssub.s32 $0x2, s2;
	v4 =	vmul.u32 $0x10, v2;
	v2 =	vimm.s32 $0x0;
	s14 =	sadd.s32 s19, s3;
	vm0 =	veq.s32 v21, $0xF  }
0x10: {  	p0 =	sne.s32 s2, $0x0;
	vm1 =	vgt.u32 v21, $0xD;
	vm2 =	vgt.u32 v21, $0xC;
	vm3 =	vgt.u32 v21, $0xB;
	s2 =	simm.s32 $0x9B80;
	s5 =	sshrl.u32 s11, $0x3  }
0x11: {  	vm4 =	vgt.u32 v21, $0xA;
	vm5 =	vgt.u32 v21, $0x9;
	vm6 =	vgt.u32 v21, $0x8;
	s6 =	sshrl.u32 s4, $0x1;
	s13 =	sadd.s32 s11, s8;
	s23 =	sshrl.u32 s7, $0x2  }
0x12: {  	vm7 =	vgt.u32 v21, $0x7;
	vm8 =	vgt.u32 v21, $0x6;
	vm9 =	vgt.u32 v21, $0x5;
	s24 =	sadd.s32 s11, s20;
	s25 =	sadd.s32 s11, s21;
	s26 =	sadd.s32 s11, s22  }
0x13: {  	vm10 =	vgt.u32 v21, $0x4;
	vm11 =	vgt.u32 v21, $0x3;
	vm12 =	vgt.u32 v21, $0x2;
	s1 =	sadd.s32 s5, s1;
	s4 =	ssub.s32 s4, s6;
	s0 =	sadd.s32 s0, s5  }
0x14: {  	vm13 =	vgt.u32 v21, $0x1;
	vm14 =	veq.s32 v21, $0x0;
	v5 =	vor.u32 $0x1, v1;
	s15 =	sadd.s32 s23, s9;
	s16 =	sadd.s32 s23, s12;
	s17 =	sadd.s32 s23, s17  }
.Ltmp0:
0x15: {  	v6 =	vor.u32 $0x2, v1;
	v7 =	vor.u32 $0x3, v1;
	v8 =	vor.u32 $0x4, v1;
	s18 =	sadd.s32 s23, s8;
	s23 =	sshrl.u32 s24, $0x3;
	(pc) =	sbr.rel .LBB2_1-.Ltmp0, $4  }
0x16: {  	v9 =	vor.u32 $0x5, v1;
	v10 =	vor.u32 $0x6, v1;
	v11 =	vor.u32 $0x7, v1;
	s24 =	sshrl.u32 s25, $0x3;
	s25 =	sshrl.u32 s26, $0x3;
	s26 =	sadd.s32 s11, s9  }
0x17: {  	v12 =	vor.u32 $0x8, v1;
	v13 =	vor.u32 $0x9, v1;
	v14 =	vor.u32 $0xA, v1;
	s6 =	simm.s32 $0xAC80;
	s8 =	simm.s32 $0x9A80;
	s9 =	simm.s32 $0x8A80  }
0x18: {  	v15 =	vor.u32 $0xB, v1;
	v16 =	vor.u32 $0xC, v1;
	v17 =	vor.u32 $0xD, v1;
	[dreg:$0xb] =	wrdreg s0;
	s19 =	sadd.s32 $0xA00, s1;
	s20 =	sadd.s32 $0x3C00, s1  }
0x19: {  	v18 =	vor.u32 $0xE, v1;
	v19 =	vor.u32 $0xF, v1;
	v4 =	vor.u32 $0xFFFFFF80, v4;
	s21 =	sadd.s32 $0x6E00, s1;
	s22 =	smax.u32 s4, $0x1;
	s0 =	simm.s32 $0x4980  }
.LBB2_57:
0x1a: {  	[bflag:$0x0] =	sbarrier.arrive $0xFFFF  }
0x1b: {  	[bflag:$0x0] =	sbarrier.arrive $0xFFFF  }
0x1c: {  	[bflag:$0x0] =	sbarrier.arrive $0xFFFF  }
0x1d: {  	[bflag:$0x0] =	sbarrier.arrive $0xFFFF  }
0x1e: {  	[bflag:$0x0] =	sbarrier.arrive $0xFFFF  }
0x1f: {  	[bflag:$0x0] =	sbarrier.arrive $0xFFFF  }
0x20: {  	[bflag:$0x0] =	sbarrier.arrive $0xFFFF  }
0x21: {  	[bflag:$0x0] =	sbarrier.arrive $0xFFFF  }
0x22: {  	[bflag:$0x0] =	sbarrier.arrive $0xFFFF  }
.LBB2_55:
0x23: {  	s10 =	sadd.s32 $0x1, s10  }
0x24: {  	p1 =	sne.s32 s10, s22  }
.Ltmp1:
0x25: {  	_ = 	snop;
	(pc) =	sbr.rel @!p1 .LBB2_56-.Ltmp1, $1  }
0x26: {  	_ =	sdelay $0x3  }
.LBB2_1:
.Ltmp2:
0x27: {  	(pc) =	sbr.rel @p0 .LBB2_57-.Ltmp2, $1  }
0x28: {  	_ =	sdelay $0x3  }
0x29: {  	s1 =	simm.s32 $0x0;
	s4 =	rddreg [dreg:$0xb]  }
0x2a: {  	[tilespmem:s1], [sflag:$0x1] =	stream.linear.gather [hbm4b:s4+s1], $0x1880, $0x38;
	[tilespmem:$0x15980] =	vst v63  }
0x2b: {  	_ =	swait.ge [sflag:s28], $0x1880  }
0x2c: {  	[sflag:s28] =	ssyncset.done $0x0  }
0x2d: {  	s1 =	simm.s32 $0x0;
	[sflag:s28] =	ssyncadd.s32 $0xFFFFE780  }
0x2e: {  	v21 =	vld [tilespmem:s1+$0x0];
	_ =	sdelay $0x2  }
0x2f: {  	v22 =	vor.u32 s11, v0  }
0x30: {  	s5 =	sadd.s32 $0x10, s11;
	s4 =	simm.s32 $0x40;
	[tilespmem:s1+$0x3100] =	vst v22  }
.LBB2_3:
0x31: {  	s7 =	sshra.s32 s4, $0x2;
	v22 =	vor.u32 s5, v0;
	p1 =	sne.s32 s4, $0x61C0;
	s4 =	sadd.s32 $0x40, s4;
	vm15 =	vlt.s32 v21, $0x0;
	v23 =	vandn.u32 $0x7FFFFFFF, v21  }
.Ltmp3:
0x32: {  	[tilespmem:s7+$0x3100] =	vst v22;
	v22 =	vsel vm15, v21, v23;
	v21 =	vld [tilespmem:s7+$0x0];
	(pc) =	sbr.rel @p1 .LBB2_3-.Ltmp3, $2  }
0x33: {  	[tilespmem:s1+$0x1880] =	vst v22;
	s1 =	smov.u32 s7;
	_ =	sdelay $0x2  }
0x34: {  	s5 =	sadd.s32 $0x10, s5  }
0x35: {  	vm15 =	vlt.s32 v21, $0x0;
	v22 =	vandn.u32 $0x7FFFFFFF, v21  }
0x36: {  	v21 =	vsel vm15, v21, v22  }
0x37: {  	[tilespmem:s1+$0x1880] =	vst v21  }
0x38: {  	[spmem:s13] =	stream.linear.scatter [tilespmem:s29], [sflag:$0x1], $0x1880, $0x38;
	[tilespmem:$0x15980] =	vst v63  }
0x39: {  	_ =	swait.ge [sflag:s28], $0x1880  }
0x3a: {  	[sflag:s28] =	ssyncset.done $0x0  }
0x3b: {  	[sflag:s28] =	ssyncadd.s32 $0xFFFFE780  }
0x3c: {  	[spmem:s26] =	stream.linear.scatter [tilespmem:s30], [sflag:$0x1], $0x1880, $0x38;
	[tilespmem:$0x15980] =	vst v63  }
0x3d: {  	_ =	swait.ge [sflag:s28], $0x1880  }
0x3e: {  	[sflag:s28] =	ssyncset.done $0x0  }
0x3f: {  	[sflag:s28] =	ssyncadd.s32 $0xFFFFE780  }
0x40: {  	[bflag:$0x0] =	sbarrier.arrive $0xFFFF  }
0x41: {  	[tilespmem:s29], [sflag:$0x1] =	stream.linear.gather [spmem:s13], $0x1880, $0x38;
	[tilespmem:$0x15980] =	vst v63  }
0x42: {  	_ =	swait.ge [sflag:s28], $0x1880  }
0x43: {  	s4 =	simm.s32 $0x40;
	[sflag:s28] =	ssyncset.done $0x0  }
0x44: {  	s5 =	simm.s32 $0x0;
	s1 =	simm.s32 $0x0;
	[sflag:s28] =	ssyncadd.s32 $0xFFFFE780  }
.LBB2_5:
0x45: {  	p1 =	sne.s32 s4, $0x3FC0;
	[tilespmem:s5+$0x7A80] =	vst v2;
	s5 =	smov.u32 s4;
	s4 =	sadd.s32 $0x40, s4  }
.Ltmp4:
0x46: {  	(pc) =	sbr.rel @p1 .LBB2_5-.Ltmp4, $2  }
0x47: {  	_ =	sdelay $0x2  }
0x48: {  	s5 =	sshra.s32 s5, $0x2  }
0x49: {  	[tilespmem:s5+$0x7A80] =	vst v2  }
.LBB2_7:
0x4a: {  	v21 =	vadd.s32 s1, v3;
	_ =	sdelay $0x4  }
0x4b: {  	v21 =	vld.idx.msk [tilespmem:v21+s29+$0x0], $0xffff;
	_ =	sdelay $0x4  }
0x4c: {  	v21 =	vshll.u32 v21, $0x4  }
0x4d: {  	v21 =	vor.u32 v0, v21  }
0x4e: {  	v21 =	vand.u32 $0xFFF, v21;
	_ =	sdelay $0x4  }
0x4f: {  	v22 =	vld.idx.msk [tilespmem:v21+s31+$0x0], $0xffff  }
0x50: {  	p1 =	sne.s32 s1, $0x187  }
.Ltmp5:
0x51: {  	_ = 	snop;
	(pc) =	sbr.rel @p1 .LBB2_7-.Ltmp5, $3  }
0x52: {  	_ =	sdelay $0x1  }
0x53: {  	v22 =	vadd.s32 $0x1, v22  }
0x54: {  	s1 =	sadd.s32 $0x1, s1;
	[tilespmem:v21+s31+$0x0] =	vst.idx.msk $0xffff, v22  }
0x55: {  	s1 =	simm.s32 $0x0  }
0x56: {  	v21 =	vor.u32 s1, v1;
	v22 =	vor.u32 s1, v5  }
0x57: {  	v21 =	vand.u32 v4, v21  }
0x58: {  	v23 =	vor.u32 s1, v6  }
0x59: {  	v24 =	vor.u32 s1, v7  }
0x5a: {  	v25 =	vor.u32 s1, v8  }
0x5b: {  	v26 =	vor.u32 s1, v9;
	v22 =	vld.idx.msk [tilespmem:v22+s31+$0x0], $0xffff  }
0x5c: {  	v27 =	vor.u32 s1, v10;
	v21 =	vld.idx.msk [tilespmem:v21+s31+$0x0], $0xffff  }
0x5d: {  	v28 =	vor.u32 s1, v11;
	v23 =	vld.idx.msk [tilespmem:v23+s31+$0x0], $0xffff  }
0x5e: {  	v29 =	vor.u32 s1, v12;
	v24 =	vld.idx.msk [tilespmem:v24+s31+$0x0], $0xffff  }
0x5f: {  	v30 =	vor.u32 s1, v13;
	v25 =	vld.idx.msk [tilespmem:v25+s31+$0x0], $0xffff  }
0x60: {  	v31 =	vor.u32 s1, v14;
	v26 =	vld.idx.msk [tilespmem:v26+s31+$0x0], $0xffff  }
0x61: {  	v32 =	vor.u32 s1, v15;
	v27 =	vld.idx.msk [tilespmem:v27+s31+$0x0], $0xffff;
	v21 =	vadd.s32 v21, v22  }
0x62: {  	v52 =	vor.u32 s1, v16;
	v22 =	vld.idx.msk [tilespmem:v28+s31+$0x0], $0xffff;
	v21 =	vadd.s32 v23, v21  }
0x63: {  	v53 =	vor.u32 s1, v17;
	v23 =	vld.idx.msk [tilespmem:v29+s31+$0x0], $0xffff;
	v21 =	vadd.s32 v24, v21  }
0x64: {  	v54 =	vor.u32 s1, v18;
	v24 =	vld.idx.msk [tilespmem:v30+s31+$0x0], $0xffff;
	v21 =	vadd.s32 v25, v21  }
0x65: {  	v55 =	vor.u32 s1, v19;
	v25 =	vld.idx.msk [tilespmem:v31+s31+$0x0], $0xffff;
	v21 =	vadd.s32 v26, v21  }
0x66: {  	v26 =	vld.idx.msk [tilespmem:v32+s31+$0x0], $0xffff;
	v21 =	vadd.s32 v27, v21  }
0x67: {  	v27 =	vld.idx.msk [tilespmem:v52+s31+$0x0], $0xffff;
	v21 =	vadd.s32 v22, v21  }
0x68: {  	v22 =	vld.idx.msk [tilespmem:v53+s31+$0x0], $0xffff;
	v21 =	vadd.s32 v23, v21  }
0x69: {  	v23 =	vld.idx.msk [tilespmem:v54+s31+$0x0], $0xffff;
	v21 =	vadd.s32 v24, v21  }
0x6a: {  	v24 =	vld.idx.msk [tilespmem:v55+s31+$0x0], $0xffff;
	v21 =	vadd.s32 v25, v21  }
0x6b: {  	s4 =	simm.s32 $0x100;
	v21 =	vadd.s32 v26, v21  }
0x6c: {  	v25 =	vor.u32 s4, v1;
	v26 =	vor.u32 s4, v5;
	v21 =	vadd.s32 v27, v21  }
0x6d: {  	v25 =	vand.u32 v4, v25;
	v21 =	vadd.s32 v22, v21  }
0x6e: {  	v22 =	vor.u32 s4, v6;
	v21 =	vadd.s32 v23, v21  }
0x6f: {  	s1 =	simm.s32 $0x9B80;
	v23 =	vor.u32 s4, v7;
	v21 =	vadd.s32 v24, v21  }
0x70: {  	v24 =	vor.u32 s4, v8;
	[tilespmem:s1+$0x0] =	vst v21  }
0x71: {  	v21 =	vld.idx.msk [tilespmem:v26+s31+$0x0], $0xffff;
	v26 =	vor.u32 s4, v9  }
0x72: {  	v27 =	vor.u32 s4, v10;
	v25 =	vld.idx.msk [tilespmem:v25+s31+$0x0], $0xffff  }
0x73: {  	v56 =	vor.u32 s4, v11;
	v22 =	vld.idx.msk [tilespmem:v22+s31+$0x0], $0xffff  }
0x74: {  	v57 =	vor.u32 s4, v12;
	v23 =	vld.idx.msk [tilespmem:v23+s31+$0x0], $0xffff  }
0x75: {  	v58 =	vor.u32 s4, v13;
	v24 =	vld.idx.msk [tilespmem:v24+s31+$0x0], $0xffff  }
0x76: {  	v26 =	vld.idx.msk [tilespmem:v26+s31+$0x0], $0xffff  }
0x77: {  	v59 =	vor.u32 s4, v14;
	v27 =	vld.idx.msk [tilespmem:v27+s31+$0x0], $0xffff;
	v21 =	vadd.s32 v25, v21  }
0x78: {  	v60 =	vor.u32 s4, v15;
	v25 =	vld.idx.msk [tilespmem:v56+s31+$0x0], $0xffff;
	v21 =	vadd.s32 v22, v21  }
0x79: {  	v61 =	vor.u32 s4, v16;
	v22 =	vld.idx.msk [tilespmem:v57+s31+$0x0], $0xffff;
	v21 =	vadd.s32 v23, v21  }
0x7a: {  	v23 =	vld.idx.msk [tilespmem:v58+s31+$0x0], $0xffff;
	v21 =	vadd.s32 v24, v21;
	v24 =	vor.u32 s4, v17  }
0x7b: {  	v21 =	vadd.s32 v26, v21;
	v26 =	vor.u32 s4, v18  }
0x7c: {  	v62 =	vld.idx.msk [tilespmem:v59+s31+$0x0], $0xffff;
	v21 =	vadd.s32 v27, v21;
	v27 =	vor.u32 s4, v19  }
0x7d: {  	v63 =	vld.idx.msk [tilespmem:v60+s31+$0x0], $0xffff;
	v21 =	vadd.s32 v25, v21  }
0x7e: {  	v28 =	vld.idx.msk [tilespmem:v61+s31+$0x0], $0xffff;
	v21 =	vadd.s32 v22, v21  }
0x7f: {  	v22 =	vadd.s32 v23, v21;
	v21 =	vld.idx.msk [tilespmem:v24+s31+$0x0], $0xffff  }
0x80: {  	v23 =	vld.idx.msk [tilespmem:v26+s31+$0x0], $0xffff  }
0x81: {  	v22 =	vadd.s32 v62, v22;
	v24 =	vld.idx.msk [tilespmem:v27+s31+$0x0], $0xffff  }
0x82: {  	s7 =	simm.s32 $0x200;
	v26 =	vadd.s32 v63, v22  }
0x83: {  	s4 =	simm.s32 $0x300;
	v25 =	vor.u32 s7, v1;
	v22 =	vor.u32 s7, v5;
	v26 =	vadd.s32 v28, v26  }
.LBB2_9:
0x84: {  	p1 =	seq.s32 s4, $0xF00;
	v25 =	vand.u32 v4, v25;
	v21 =	vadd.s32 v21, v26  }
0x85: {  	v26 =	vor.u32 s7, v6;
	v21 =	vadd.s32 v23, v21  }
0x86: {  	s1 =	sadd.s32 $0x10, s1;
	v23 =	vor.u32 s7, v7;
	v21 =	vadd.s32 v24, v21  }
0x87: {  	v24 =	vor.u32 s7, v8;
	[tilespmem:s1+$0x0] =	vst v21  }
0x88: {  	v21 =	vld.idx.msk [tilespmem:v22+s31+$0x0], $0xffff;
	v22 =	vor.u32 s7, v9  }
0x89: {  	v27 =	vor.u32 s7, v10;
	v25 =	vld.idx.msk [tilespmem:v25+s31+$0x0], $0xffff  }
0x8a: {  	v28 =	vor.u32 s7, v11;
	v26 =	vld.idx.msk [tilespmem:v26+s31+$0x0], $0xffff  }
0x8b: {  	v29 =	vor.u32 s7, v12;
	v23 =	vld.idx.msk [tilespmem:v23+s31+$0x0], $0xffff  }
0x8c: {  	v30 =	vor.u32 s7, v13;
	v24 =	vld.idx.msk [tilespmem:v24+s31+$0x0], $0xffff  }
0x8d: {  	v31 =	vor.u32 s7, v14;
	v22 =	vld.idx.msk [tilespmem:v22+s31+$0x0], $0xffff  }
0x8e: {  	v32 =	vor.u32 s7, v15;
	v27 =	vld.idx.msk [tilespmem:v27+s31+$0x0], $0xffff  }
0x8f: {  	v21 =	vadd.s32 v25, v21;
	v25 =	vld.idx.msk [tilespmem:v28+s31+$0x0], $0xffff;
	v28 =	vor.u32 s7, v16  }
0x90: {  	v21 =	vadd.s32 v26, v21;
	v26 =	vld.idx.msk [tilespmem:v29+s31+$0x0], $0xffff;
	v29 =	vor.u32 s7, v17  }
0x91: {  	v21 =	vadd.s32 v23, v21;
	v23 =	vor.u32 s7, v18;
	v30 =	vld.idx.msk [tilespmem:v30+s31+$0x0], $0xffff  }
0x92: {  	v21 =	vadd.s32 v24, v21;
	v24 =	vor.u32 s7, v19;
	s7 =	smov.u32 s4;
	v31 =	vld.idx.msk [tilespmem:v31+s31+$0x0], $0xffff  }
0x93: {  	v21 =	vadd.s32 v22, v21;
	v22 =	vld.idx.msk [tilespmem:v32+s31+$0x0], $0xffff  }
0x94: {  	v21 =	vadd.s32 v27, v21;
	v27 =	vld.idx.msk [tilespmem:v28+s31+$0x0], $0xffff  }
0x95: {  	v25 =	vadd.s32 v25, v21;
	v21 =	vld.idx.msk [tilespmem:v29+s31+$0x0], $0xffff  }
.Ltmp6:
0x96: {  	v25 =	vadd.s32 v26, v25;
	v23 =	vld.idx.msk [tilespmem:v23+s31+$0x0], $0xffff;
	(pc) =	sbr.rel @!p1 .LBB2_9-.Ltmp6, $4  }
0x97: {  	v25 =	vadd.s32 v30, v25;
	v24 =	vld.idx.msk [tilespmem:v24+s31+$0x0], $0xffff  }
0x98: {  	v25 =	vadd.s32 v31, v25  }
0x99: {  	v26 =	vadd.s32 v22, v25  }
0x9a: {  	s4 =	sadd.s32 $0x100, s4;
	v25 =	vor.u32 s7, v1;
	v22 =	vor.u32 s7, v5;
	v26 =	vadd.s32 v27, v26  }
0x9b: {  	v25 =	vand.u32 v4, v25;
	v21 =	vadd.s32 v21, v26  }
0x9c: {  	v26 =	vor.u32 s7, v6;
	v21 =	vadd.s32 v23, v21  }
0x9d: {  	s1 =	sadd.s32 $0x10, s1;
	v23 =	vor.u32 s7, v7;
	v21 =	vadd.s32 v24, v21  }
0x9e: {  	v24 =	vor.u32 s7, v8;
	[tilespmem:s1+$0x0] =	vst v21  }
0x9f: {  	v21 =	vld.idx.msk [tilespmem:v22+s31+$0x0], $0xffff;
	v22 =	vor.u32 s7, v9  }
0xa0: {  	v27 =	vor.u32 s7, v10;
	v25 =	vld.idx.msk [tilespmem:v25+s31+$0x0], $0xffff  }
0xa1: {  	v28 =	vor.u32 s7, v11;
	v26 =	vld.idx.msk [tilespmem:v26+s31+$0x0], $0xffff  }
0xa2: {  	v29 =	vor.u32 s7, v12;
	v23 =	vld.idx.msk [tilespmem:v23+s31+$0x0], $0xffff  }
0xa3: {  	v30 =	vor.u32 s7, v13;
	v24 =	vld.idx.msk [tilespmem:v24+s31+$0x0], $0xffff  }
0xa4: {  	v31 =	vor.u32 s7, v14;
	v22 =	vld.idx.msk [tilespmem:v22+s31+$0x0], $0xffff  }
0xa5: {  	v32 =	vor.u32 s7, v15;
	v27 =	vld.idx.msk [tilespmem:v27+s31+$0x0], $0xffff;
	v21 =	vadd.s32 v25, v21  }
0xa6: {  	v54 =	vor.u32 s7, v16;
	v25 =	vld.idx.msk [tilespmem:v28+s31+$0x0], $0xffff;
	v21 =	vadd.s32 v26, v21  }
0xa7: {  	v55 =	vor.u32 s7, v17;
	v26 =	vld.idx.msk [tilespmem:v29+s31+$0x0], $0xffff;
	v21 =	vadd.s32 v23, v21  }
0xa8: {  	v56 =	vor.u32 s7, v18;
	v23 =	vld.idx.msk [tilespmem:v30+s31+$0x0], $0xffff;
	v21 =	vadd.s32 v24, v21  }
0xa9: {  	v57 =	vor.u32 s7, v19;
	v24 =	vld.idx.msk [tilespmem:v31+s31+$0x0], $0xffff;
	v21 =	vadd.s32 v22, v21  }
0xaa: {  	v22 =	vld.idx.msk [tilespmem:v32+s31+$0x0], $0xffff;
	v21 =	vadd.s32 v27, v21  }
0xab: {  	v27 =	vld.idx.msk [tilespmem:v54+s31+$0x0], $0xffff;
	v21 =	vadd.s32 v25, v21  }
0xac: {  	v25 =	vld.idx.msk [tilespmem:v55+s31+$0x0], $0xffff;
	v21 =	vadd.s32 v26, v21  }
0xad: {  	v26 =	vld.idx.msk [tilespmem:v56+s31+$0x0], $0xffff;
	v21 =	vadd.s32 v23, v21  }
0xae: {  	v23 =	vld.idx.msk [tilespmem:v57+s31+$0x0], $0xffff;
	v21 =	vadd.s32 v24, v21  }
0xaf: {  	v21 =	vadd.s32 v22, v21  }
0xb0: {  	v21 =	vadd.s32 v27, v21  }
0xb1: {  	v21 =	vadd.s32 v25, v21  }
0xb2: {  	v21 =	vadd.s32 v26, v21  }
0xb3: {  	s1 =	sadd.s32 $0x10, s1;
	v21 =	vadd.s32 v23, v21  }
0xb4: {  	[tilespmem:s1+$0x0] =	vst v21  }
0xb5: {  	[spmem:s14] =	stream.linear.scatter [tilespmem:s2], [sflag:$0x1], $0x100, $0x38;
	[tilespmem:$0x15980] =	vst v63  }
0xb6: {  	_ =	swait.ge [sflag:s28], $0x100  }
0xb7: {  	[sflag:s28] =	ssyncset.done $0x0  }
0xb8: {  	[sflag:s28] =	ssyncadd.s32 $0xFFFFFF00  }
0xb9: {  	s4 =	simm.s32 $0x9C80;
	[bflag:$0x0] =	sbarrier.arrive $0xFFFF  }
0xba: {  	[tilespmem:s4], [sflag:$0x1] =	stream.linear.gather [spmem:s3], $0x1000, $0x38;
	[tilespmem:$0x15980] =	vst v63  }
0xbb: {  	_ =	swait.ge [sflag:s28], $0x1000  }
0xbc: {  	s1 =	simm.s32 $0x0;
	[sflag:s28] =	ssyncset.done $0x0  }
0xbd: {  	s5 =	sand.u32 $0xF0, s1;
	[sflag:s28] =	ssyncadd.s32 $0xFFFFF000  }
0xbe: {  	v22 =	vld [tilespmem:s5+$0x9D80]  }
0xbf: {  	v23 =	vld [tilespmem:s4+$0x0]  }
0xc0: {  	v24 =	vld [tilespmem:s5+$0x9E80]  }
0xc1: {  	v25 =	vld [tilespmem:s5+$0x9F80]  }
0xc2: {  	v26 =	vld [tilespmem:s5+$0xA080]  }
0xc3: {  	v27 =	vld [tilespmem:s5+$0xA180]  }
0xc4: {  	v58 =	vld [tilespmem:s5+$0xA280];
	v21 =	vadd.s32 v23, v22  }
0xc5: {  	v59 =	vld [tilespmem:s5+$0xA380];
	v21 =	vadd.s32 v24, v21  }
0xc6: {  	v60 =	vld [tilespmem:s5+$0xA480];
	v21 =	vadd.s32 v25, v21  }
0xc7: {  	v61 =	vld [tilespmem:s5+$0xA580];
	v21 =	vadd.s32 v26, v21  }
0xc8: {  	v33 =	vld [tilespmem:s5+$0xA680];
	v62 =	vadd.s32 v27, v21  }
0xc9: {  	v34 =	vld [tilespmem:s5+$0xA780];
	v23 =	vsel vm14, $0x0, v23;
	v21 =	vimm.s32 $0x0;
	v32 =	vadd.s32 v58, v62  }
0xca: {  	v35 =	vld [tilespmem:s5+$0xA880];
	v22 =	vnsel vm13, $0x0, v22;
	v23 =	vadd.s32 v21, v23;
	v32 =	vadd.s32 v59, v32  }
0xcb: {  	v36 =	vld [tilespmem:s5+$0xA980];
	v24 =	vnsel vm12, $0x0, v24;
	v22 =	vadd.s32 v22, v23;
	v32 =	vadd.s32 v60, v32  }
0xcc: {  	v63 =	vld [tilespmem:s5+$0xAA80];
	v23 =	vnsel vm11, $0x0, v25;
	v22 =	vadd.s32 v24, v22;
	v25 =	vadd.s32 v61, v32  }
0xcd: {  	v24 =	vnsel vm10, $0x0, v26;
	v26 =	vld [tilespmem:s5+$0xAB80];
	v22 =	vadd.s32 v23, v22;
	v25 =	vadd.s32 v33, v25  }
0xce: {  	v23 =	vnsel vm9, $0x0, v27;
	v22 =	vadd.s32 v24, v22;
	v25 =	vadd.s32 v34, v25  }
0xcf: {  	v24 =	vnsel vm8, $0x0, v58;
	v22 =	vadd.s32 v23, v22;
	v25 =	vadd.s32 v35, v25  }
0xd0: {  	v23 =	vnsel vm7, $0x0, v59;
	v22 =	vadd.s32 v24, v22;
	v25 =	vadd.s32 v36, v25  }
0xd1: {  	v24 =	vnsel vm6, $0x0, v60;
	v22 =	vadd.s32 v23, v22;
	v25 =	vadd.s32 v63, v25  }
0xd2: {  	v23 =	vnsel vm5, $0x0, v61;
	v22 =	vadd.s32 v24, v22;
	v25 =	vadd.s32 v26, v25  }
0xd3: {  	v24 =	vnsel vm4, $0x0, v33;
	v22 =	vadd.s32 v23, v22;
	(xrf0) =	vadd.scan.msk.s32 $0xffff, v25  }
0xd4: {  	v23 =	vnsel vm3, $0x0, v34;
	v22 =	vadd.s32 v24, v22  }
0xd5: {  	v24 =	vnsel vm2, $0x0, v35;
	v22 =	vadd.s32 v23, v22  }
0xd6: {  	v23 =	vnsel vm1, $0x0, v36;
	v22 =	vadd.s32 v24, v22  }
0xd7: {  	v24 =	vnsel vm0, $0x0, v63;
	v22 =	vadd.s32 v23, v22  }
0xd8: {  	v22 =	vadd.s32 v24, v22  }
0xd9: {  	v22 =	vsub.s32 v22, v25;
	v23, _, _ =	vpop (xrf0)  }
0xda: {  	s7 =	simm.s32 $0x9A80;
	v22 =	vadd.s32 v23, v22  }
0xdb: {  	[tilespmem:s7+$0x0] =	vst v22  }
0xdc: {  	s12 =	simm.s32 $0x10;
	[tilespmem:$0xAC80] =	vst v23  }
0xdd: {  	s12 =	sand.u32 $0xF0, s12;
	v24 =	vld.idx.msk [tilespmem:v20+s6+$0x0], $0xffff  }
0xde: {  	s4 =	simm.s32 $0x9C90;
	v22 =	vld [tilespmem:s12+$0x9D80]  }
0xdf: {  	s5 =	simm.s32 $0x20;
	v23 =	vld [tilespmem:s4+$0x0]  }
.LBB2_11:
0xe0: {  	p1 =	sne.s32 s5, $0xF0;
	v25 =	vld [tilespmem:s12+$0x9E80]  }
0xe1: {  	v26 =	vld [tilespmem:s12+$0x9F80]  }
0xe2: {  	v27 =	vld [tilespmem:s12+$0xA080]  }
0xe3: {  	v21 =	vadd.s32 v21, v24;
	v28 =	vld [tilespmem:s12+$0xA180]  }
0xe4: {  	v24 =	vadd.s32 v23, v22;
	v29 =	vld [tilespmem:s12+$0xA280]  }
0xe5: {  	v24 =	vadd.s32 v25, v24;
	v30 =	vld [tilespmem:s12+$0xA380]  }
0xe6: {  	v24 =	vadd.s32 v26, v24;
	v31 =	vld [tilespmem:s12+$0xA480]  }
0xe7: {  	v24 =	vadd.s32 v27, v24;
	v32 =	vld [tilespmem:s12+$0xA580]  }
0xe8: {  	v24 =	vadd.s32 v28, v24;
	v33 =	vld [tilespmem:s12+$0xA680]  }
0xe9: {  	v23 =	vsel vm14, $0x0, v23;
	v24 =	vadd.s32 v29, v24;
	v34 =	vld [tilespmem:s12+$0xA780]  }
0xea: {  	v22 =	vnsel vm13, $0x0, v22;
	v23 =	vadd.s32 v21, v23;
	v24 =	vadd.s32 v30, v24;
	v35 =	vld [tilespmem:s12+$0xA880]  }
0xeb: {  	v25 =	vnsel vm12, $0x0, v25;
	v22 =	vadd.s32 v22, v23;
	v24 =	vadd.s32 v31, v24;
	v36 =	vld [tilespmem:s12+$0xA980]  }
0xec: {  	v23 =	vnsel vm11, $0x0, v26;
	v22 =	vadd.s32 v25, v22;
	v24 =	vadd.s32 v32, v24;
	v26 =	vld [tilespmem:s12+$0xAA80]  }
0xed: {  	v25 =	vnsel vm10, $0x0, v27;
	v22 =	vadd.s32 v23, v22;
	v24 =	vadd.s32 v33, v24;
	v27 =	vld [tilespmem:s12+$0xAB80]  }
0xee: {  	v23 =	vnsel vm9, $0x0, v28;
	v22 =	vadd.s32 v25, v22;
	v24 =	vadd.s32 v34, v24  }
0xef: {  	v25 =	vnsel vm8, $0x0, v29;
	v22 =	vadd.s32 v23, v22;
	v24 =	vadd.s32 v35, v24  }
0xf0: {  	v23 =	vnsel vm7, $0x0, v30;
	v22 =	vadd.s32 v25, v22;
	v24 =	vadd.s32 v36, v24  }
0xf1: {  	v25 =	vnsel vm6, $0x0, v31;
	v22 =	vadd.s32 v23, v22;
	v24 =	vadd.s32 v26, v24  }
0xf2: {  	v23 =	vnsel vm5, $0x0, v32;
	v22 =	vadd.s32 v25, v22;
	v24 =	vadd.s32 v27, v24  }
0xf3: {  	v25 =	vnsel vm4, $0x0, v33;
	v22 =	vadd.s32 v23, v22;
	(xrf0) =	vadd.scan.msk.s32 $0xffff, v24  }
0xf4: {  	v23 =	vnsel vm3, $0x0, v34;
	v22 =	vadd.s32 v25, v22  }
0xf5: {  	v25 =	vnsel vm2, $0x0, v35;
	v22 =	vadd.s32 v23, v22  }
0xf6: {  	v23 =	vnsel vm1, $0x0, v36;
	v22 =	vadd.s32 v25, v22  }
0xf7: {  	v25 =	vnsel vm0, $0x0, v26;
	v22 =	vadd.s32 v23, v22  }
0xf8: {  	v22 =	vadd.s32 v25, v22  }
0xf9: {  	v22 =	vsub.s32 v22, v24;
	v23, _, _ =	vpop (xrf0)  }
0xfa: {  	s7 =	sadd.s32 $0x10, s7;
	v22 =	vadd.s32 v23, v22  }
.Ltmp7:
0xfb: {  	[tilespmem:s7+$0x0] =	vst v22;
	(pc) =	sbr.rel @p1 .LBB2_11-.Ltmp7, $4  }
0xfc: {  	[tilespmem:$0xAC80] =	vst v23  }
0xfd: {  	s12 =	sand.u32 $0xF0, s5;
	v24 =	vld.idx.msk [tilespmem:v20+s6+$0x0], $0xffff  }
0xfe: {  	s4 =	sadd.s32 $0x10, s4;
	v22 =	vld [tilespmem:s12+$0x9D80]  }
0xff: {  	s5 =	sadd.s32 $0x10, s5;
	v23 =	vld [tilespmem:s4+$0x0]  }
0x100: {  	v25 =	vld [tilespmem:s12+$0x9E80]  }
0x101: {  	v26 =	vld [tilespmem:s12+$0x9F80]  }
0x102: {  	v27 =	vld [tilespmem:s12+$0xA080]  }
0x103: {  	v28 =	vld [tilespmem:s12+$0xA180]  }
0x104: {  	v30 =	vld [tilespmem:s12+$0xA280];
	v29 =	vadd.s32 v23, v22  }
0x105: {  	v31 =	vld [tilespmem:s12+$0xA380];
	v29 =	vadd.s32 v25, v29  }
0x106: {  	v32 =	vld [tilespmem:s12+$0xA480];
	v29 =	vadd.s32 v26, v29  }
0x107: {  	v33 =	vld [tilespmem:s12+$0xA580];
	v29 =	vadd.s32 v27, v29  }
0x108: {  	v34 =	vld [tilespmem:s12+$0xA680];
	v29 =	vadd.s32 v28, v29  }
0x109: {  	v60 =	vld [tilespmem:s12+$0xA780];
	v21 =	vadd.s32 v21, v24;
	v23 =	vsel vm14, $0x0, v23;
	v59 =	vadd.s32 v30, v29  }
0x10a: {  	v35 =	vld [tilespmem:s12+$0xA880];
	v22 =	vnsel vm13, $0x0, v22;
	v21 =	vadd.s32 v21, v23;
	v24 =	vadd.s32 v31, v59  }
0x10b: {  	v61 =	vld [tilespmem:s12+$0xA980];
	v23 =	vnsel vm12, $0x0, v25;
	v21 =	vadd.s32 v22, v21;
	v24 =	vadd.s32 v32, v24  }
0x10c: {  	v62 =	vld [tilespmem:s12+$0xAA80];
	v22 =	vnsel vm11, $0x0, v26;
	v21 =	vadd.s32 v23, v21;
	v24 =	vadd.s32 v33, v24  }
0x10d: {  	v63 =	vld [tilespmem:s12+$0xAB80];
	v23 =	vnsel vm10, $0x0, v27;
	v21 =	vadd.s32 v22, v21;
	v24 =	vadd.s32 v34, v24  }
0x10e: {  	v22 =	vnsel vm9, $0x0, v28;
	v21 =	vadd.s32 v23, v21;
	v24 =	vadd.s32 v60, v24  }
0x10f: {  	v23 =	vnsel vm8, $0x0, v30;
	v21 =	vadd.s32 v22, v21;
	v24 =	vadd.s32 v35, v24  }
0x110: {  	v22 =	vnsel vm7, $0x0, v31;
	v21 =	vadd.s32 v23, v21;
	v24 =	vadd.s32 v61, v24  }
0x111: {  	v23 =	vnsel vm6, $0x0, v32;
	v21 =	vadd.s32 v22, v21;
	v24 =	vadd.s32 v62, v24  }
0x112: {  	v22 =	vnsel vm5, $0x0, v33;
	v21 =	vadd.s32 v23, v21;
	v24 =	vadd.s32 v63, v24  }
0x113: {  	v23 =	vnsel vm4, $0x0, v34;
	v21 =	vadd.s32 v22, v21;
	(xrf0) =	vadd.scan.msk.s32 $0xffff, v24  }
0x114: {  	v22 =	vnsel vm3, $0x0, v60;
	v21 =	vadd.s32 v23, v21  }
0x115: {  	v23 =	vnsel vm2, $0x0, v35;
	v21 =	vadd.s32 v22, v21  }
0x116: {  	v22 =	vnsel vm1, $0x0, v61;
	v21 =	vadd.s32 v23, v21  }
0x117: {  	v23 =	vnsel vm0, $0x0, v62;
	v21 =	vadd.s32 v22, v21  }
0x118: {  	v21 =	vadd.s32 v23, v21  }
0x119: {  	v21 =	vsub.s32 v21, v24;
	v22, _, _ =	vpop (xrf0)  }
0x11a: {  	s4 =	sadd.s32 $0x10, s7;
	v21 =	vadd.s32 v22, v21  }
0x11b: {  	[tilespmem:s4+$0x0] =	vst v21  }
0x11c: {  	s12 =	simm.s32 $0x7A80;
	[tilespmem:$0xAC80] =	vst v22  }
0x11d: {  	v21 =	vld [tilespmem:s12+$0x0]  }
0x11e: {  	v22 =	vmov s1;
	_ =	sdelay $0x3  }
0x11f: {  	(xrf0) =	vadd.scan.msk.s32 $0xffff, v21  }
0x120: {  	v22 =	vld.idx.msk [tilespmem:v22+s8+$0x0], $0xffff;
	_ =	sdelay $0x4  }
0x121: {  	v21 =	vsub.s32 v22, v21;
	v22, _, _ =	vpop (xrf0)  }
0x122: {  	s1 =	simm.s32 $0x8A80;
	v21 =	vadd.s32 v22, v21  }
0x123: {  	s5 =	simm.s32 $0x1;
	s4 =	simm.s32 $0x7A90;
	[tilespmem:s1+$0x0] =	vst v21  }
0x124: {  	v22 =	vmov s5;
	s5 =	simm.s32 $0x2;
	v21 =	vld [tilespmem:s4+$0x0]  }
.LBB2_13:
0x125: {  	p1 =	sne.s32 s5, $0xFF;
	_ =	sdelay $0x3  }
0x126: {  	v22 =	vld.idx.msk [tilespmem:v22+s8+$0x0], $0xffff;
	(xrf0) =	vadd.scan.msk.s32 $0xffff, v21;
	_ =	sdelay $0x4  }
.Ltmp8:
0x127: {  	(pc) =	sbr.rel @p1 .LBB2_13-.Ltmp8, $4  }
0x128: {  	v21 =	vsub.s32 v22, v21;
	v22, _, _ =	vpop (xrf0)  }
0x129: {  	s1 =	sadd.s32 $0x10, s1;
	v21 =	vadd.s32 v22, v21  }
0x12a: {  	s4 =	sadd.s32 $0x10, s4;
	[tilespmem:s1+$0x0] =	vst v21  }
0x12b: {  	v22 =	vmov s5;
	s5 =	sadd.s32 $0x1, s5;
	v21 =	vld [tilespmem:s4+$0x0]  }
0x12c: {  	_ =	sdelay $0x3  }
0x12d: {  	(xrf0) =	vadd.scan.msk.s32 $0xffff, v21  }
0x12e: {  	v22 =	vld.idx.msk [tilespmem:v22+s8+$0x0], $0xffff;
	_ =	sdelay $0x4  }
0x12f: {  	v21 =	vsub.s32 v22, v21;
	v22, _, _ =	vpop (xrf0)  }
0x130: {  	s1 =	sadd.s32 $0x10, s1;
	s4 =	simm.s32 $0x0;
	v21 =	vadd.s32 v22, v21  }
0x131: {  	[tilespmem:s1+$0x0] =	vst v21;
	v21 =	vadd.s32 s4, v3  }
0x132: {  	[tilespmem:s30], [sflag:$0x1] =	stream.linear.gather [spmem:s15], $0x1880, $0x38;
	[tilespmem:$0x15980] =	vst v63  }
0x133: {  	_ =	swait.ge [sflag:s28], $0x1880  }
0x134: {  	[sflag:s28] =	ssyncset.done $0x0  }
0x135: {  	[sflag:s28] =	ssyncadd.s32 $0xFFFFE780  }
0x136: {  	v22 =	vld.idx.msk [tilespmem:v21+s29+$0x0], $0xffff;
	_ =	sdelay $0x4  }
0x137: {  	v22 =	vshll.u32 v22, $0x4  }
0x138: {  	v22 =	vor.u32 v0, v22  }
0x139: {  	v22 =	vand.u32 $0xFFF, v22;
	_ =	sdelay $0x4  }
0x13a: {  	v24 =	vld.idx.msk [tilespmem:v22+s9+$0x0], $0xffff;
	_ =	sdelay $0x2  }
0x13b: {  	s12 =	simm.s32 $0x1  }
0x13c: {  	v23 =	vadd.s32 s12, v3;
	s1 =	simm.s32 $0x2  }
.LBB2_15:
0x13d: {  	p1 =	sne.s32 s1, $0x187;
	v25 =	vadd.s32 $0x1, v24  }
0x13e: {  	[tilespmem:v22+s9+$0x0] =	vst.idx.msk $0xffff, v25  }
0x13f: {  	[tilespmem:v21+s0+$0x0] =	vst.idx.msk $0xffff, v24;
	v21 =	vmov v23  }
0x140: {  	v22 =	vld.idx.msk [tilespmem:v23+s29+$0x0], $0xffff;
	_ =	sdelay $0x5  }
0x141: {  	v22 =	vshll.u32 v22, $0x4  }
0x142: {  	v22 =	vor.u32 v0, v22  }
0x143: {  	v22 =	vand.u32 $0xFFF, v22;
	_ =	sdelay $0x4  }
0x144: {  	v24 =	vld.idx.msk [tilespmem:v22+s9+$0x0], $0xffff  }
.Ltmp9:
0x145: {  	(pc) =	sbr.rel @p1 .LBB2_15-.Ltmp9, $3  }
0x146: {  	_ =	sdelay $0x1  }
0x147: {  	v23 =	vadd.s32 s1, v3  }
0x148: {  	s1 =	sadd.s32 $0x1, s1  }
0x149: {  	_ =	sdelay $0x2  }
0x14a: {  	v25 =	vadd.s32 $0x1, v24  }
0x14b: {  	[tilespmem:v22+s9+$0x0] =	vst.idx.msk $0xffff, v25  }
0x14c: {  	[tilespmem:v21+s0+$0x0] =	vst.idx.msk $0xffff, v24  }
0x14d: {  	v21 =	vld.idx.msk [tilespmem:v23+s29+$0x0], $0xffff;
	_ =	sdelay $0x4  }
0x14e: {  	v21 =	vshll.u32 v21, $0x4  }
0x14f: {  	v21 =	vor.u32 v0, v21  }
0x150: {  	v21 =	vand.u32 $0xFFF, v21;
	_ =	sdelay $0x4  }
0x151: {  	v22 =	vld.idx.msk [tilespmem:v21+s9+$0x0], $0xffff;
	_ =	sdelay $0x4  }
0x152: {  	v63 =	vadd.s32 $0x1, v22  }
0x153: {  	[tilespmem:v21+s9+$0x0] =	vst.idx.msk $0xffff, v63  }
0x154: {  	s1 =	rddreg [dreg:$0x5];
	[tilespmem:v23+s0+$0x0] =	vst.idx.msk $0xffff, v22  }
0x155: {  	[spmem:s1] =	stream.indirect.scatter [tilespmem:s29], [sflag:$0x1], $0x1, s0, s29, $0xb8;
	[tilespmem:$0x15980] =	vst v63  }
0x156: {  	_ =	swait.ge [sflag:s28], $0x1880  }
0x157: {  	[sflag:s28] =	ssyncset.done $0x0  }
0x158: {  	[sflag:s28] =	ssyncadd.s32 $0xFFFFE780  }
0x159: {  	s12 =	rddreg [dreg:$0x6]  }
0x15a: {  	[spmem:s12] =	stream.indirect.scatter [tilespmem:s30], [sflag:$0x1], $0x1, s0, s29, $0xb8;
	[tilespmem:$0x15980] =	vst v63  }
0x15b: {  	_ =	swait.ge [sflag:s28], $0x1880  }
0x15c: {  	[sflag:s28] =	ssyncset.done $0x0  }
0x15d: {  	[sflag:s28] =	ssyncadd.s32 $0xFFFFE780  }
0x15e: {  	[bflag:$0x0] =	sbarrier.arrive $0xFFFF  }
0x15f: {  	[tilespmem:s29], [sflag:$0x1] =	stream.linear.gather [spmem:s16], $0x1880, $0x38;
	[tilespmem:$0x15980] =	vst v63  }
0x160: {  	_ =	swait.ge [sflag:s28], $0x1880  }
0x161: {  	s4 =	simm.s32 $0x40;
	[sflag:s28] =	ssyncset.done $0x0  }
0x162: {  	s5 =	simm.s32 $0x0;
	s1 =	simm.s32 $0x0;
	[sflag:s28] =	ssyncadd.s32 $0xFFFFE780  }
.LBB2_17:
0x163: {  	p1 =	sne.s32 s4, $0x3FC0;
	[tilespmem:s5+$0x7A80] =	vst v2;
	s5 =	smov.u32 s4;
	s4 =	sadd.s32 $0x40, s4  }
.Ltmp10:
0x164: {  	(pc) =	sbr.rel @p1 .LBB2_17-.Ltmp10, $2  }
0x165: {  	_ =	sdelay $0x2  }
0x166: {  	s5 =	sshra.s32 s5, $0x2  }
0x167: {  	[tilespmem:s5+$0x7A80] =	vst v2  }
.LBB2_19:
0x168: {  	v21 =	vadd.s32 s1, v3;
	_ =	sdelay $0x4  }
0x169: {  	v21 =	vld.idx.msk [tilespmem:v21+s29+$0x0], $0xffff;
	_ =	sdelay $0x4  }
0x16a: {  	v21 =	vshrl.u32 v21, $0x4  }
0x16b: {  	v21 =	vand.u32 $0xFF0, v21  }
0x16c: {  	v21 =	vor.u32 v0, v21;
	_ =	sdelay $0x4  }
0x16d: {  	v22 =	vld.idx.msk [tilespmem:v21+s31+$0x0], $0xffff  }
0x16e: {  	p1 =	sne.s32 s1, $0x187  }
.Ltmp11:
0x16f: {  	_ = 	snop;
	(pc) =	sbr.rel @p1 .LBB2_19-.Ltmp11, $3  }
0x170: {  	_ =	sdelay $0x1  }
0x171: {  	v22 =	vadd.s32 $0x1, v22  }
0x172: {  	s1 =	sadd.s32 $0x1, s1;
	[tilespmem:v21+s31+$0x0] =	vst.idx.msk $0xffff, v22  }
0x173: {  	s1 =	simm.s32 $0x0  }
0x174: {  	v21 =	vor.u32 s1, v1;
	v22 =	vor.u32 s1, v5  }
0x175: {  	v21 =	vand.u32 v4, v21  }
0x176: {  	v23 =	vor.u32 s1, v6  }
0x177: {  	v24 =	vor.u32 s1, v7  }
0x178: {  	v25 =	vor.u32 s1, v8  }
0x179: {  	v26 =	vor.u32 s1, v9;
	v22 =	vld.idx.msk [tilespmem:v22+s31+$0x0], $0xffff  }
0x17a: {  	v27 =	vor.u32 s1, v10;
	v21 =	vld.idx.msk [tilespmem:v21+s31+$0x0], $0xffff  }
0x17b: {  	v28 =	vor.u32 s1, v11;
	v23 =	vld.idx.msk [tilespmem:v23+s31+$0x0], $0xffff  }
0x17c: {  	v29 =	vor.u32 s1, v12;
	v24 =	vld.idx.msk [tilespmem:v24+s31+$0x0], $0xffff  }
0x17d: {  	v30 =	vor.u32 s1, v13;
	v25 =	vld.idx.msk [tilespmem:v25+s31+$0x0], $0xffff  }
0x17e: {  	v31 =	vor.u32 s1, v14;
	v26 =	vld.idx.msk [tilespmem:v26+s31+$0x0], $0xffff  }
0x17f: {  	v32 =	vor.u32 s1, v15;
	v27 =	vld.idx.msk [tilespmem:v27+s31+$0x0], $0xffff;
	v21 =	vadd.s32 v21, v22  }
0x180: {  	v52 =	vor.u32 s1, v16;
	v22 =	vld.idx.msk [tilespmem:v28+s31+$0x0], $0xffff;
	v21 =	vadd.s32 v23, v21  }
0x181: {  	v53 =	vor.u32 s1, v17;
	v23 =	vld.idx.msk [tilespmem:v29+s31+$0x0], $0xffff;
	v21 =	vadd.s32 v24, v21  }
0x182: {  	v54 =	vor.u32 s1, v18;
	v24 =	vld.idx.msk [tilespmem:v30+s31+$0x0], $0xffff;
	v21 =	vadd.s32 v25, v21  }
0x183: {  	v55 =	vor.u32 s1, v19;
	v25 =	vld.idx.msk [tilespmem:v31+s31+$0x0], $0xffff;
	v21 =	vadd.s32 v26, v21  }
0x184: {  	v26 =	vld.idx.msk [tilespmem:v32+s31+$0x0], $0xffff;
	v21 =	vadd.s32 v27, v21  }
0x185: {  	v27 =	vld.idx.msk [tilespmem:v52+s31+$0x0], $0xffff;
	v21 =	vadd.s32 v22, v21  }
0x186: {  	v22 =	vld.idx.msk [tilespmem:v53+s31+$0x0], $0xffff;
	v21 =	vadd.s32 v23, v21  }
0x187: {  	v23 =	vld.idx.msk [tilespmem:v54+s31+$0x0], $0xffff;
	v21 =	vadd.s32 v24, v21  }
0x188: {  	v24 =	vld.idx.msk [tilespmem:v55+s31+$0x0], $0xffff;
	v21 =	vadd.s32 v25, v21  }
0x189: {  	s4 =	simm.s32 $0x100;
	v21 =	vadd.s32 v26, v21  }
0x18a: {  	v25 =	vor.u32 s4, v1;
	v26 =	vor.u32 s4, v5;
	v21 =	vadd.s32 v27, v21  }
0x18b: {  	v25 =	vand.u32 v4, v25;
	v21 =	vadd.s32 v22, v21  }
0x18c: {  	v22 =	vor.u32 s4, v6;
	v21 =	vadd.s32 v23, v21  }
0x18d: {  	s1 =	simm.s32 $0x9B80;
	v23 =	vor.u32 s4, v7;
	v21 =	vadd.s32 v24, v21  }
0x18e: {  	v24 =	vor.u32 s4, v8;
	[tilespmem:s1+$0x0] =	vst v21  }
0x18f: {  	v21 =	vld.idx.msk [tilespmem:v26+s31+$0x0], $0xffff;
	v26 =	vor.u32 s4, v9  }
0x190: {  	v27 =	vor.u32 s4, v10;
	v25 =	vld.idx.msk [tilespmem:v25+s31+$0x0], $0xffff  }
0x191: {  	v56 =	vor.u32 s4, v11;
	v22 =	vld.idx.msk [tilespmem:v22+s31+$0x0], $0xffff  }
0x192: {  	v57 =	vor.u32 s4, v12;
	v23 =	vld.idx.msk [tilespmem:v23+s31+$0x0], $0xffff  }
0x193: {  	v58 =	vor.u32 s4, v13;
	v24 =	vld.idx.msk [tilespmem:v24+s31+$0x0], $0xffff  }
0x194: {  	v26 =	vld.idx.msk [tilespmem:v26+s31+$0x0], $0xffff  }
0x195: {  	v59 =	vor.u32 s4, v14;
	v27 =	vld.idx.msk [tilespmem:v27+s31+$0x0], $0xffff;
	v21 =	vadd.s32 v25, v21  }
0x196: {  	v60 =	vor.u32 s4, v15;
	v25 =	vld.idx.msk [tilespmem:v56+s31+$0x0], $0xffff;
	v21 =	vadd.s32 v22, v21  }
0x197: {  	v61 =	vor.u32 s4, v16;
	v22 =	vld.idx.msk [tilespmem:v57+s31+$0x0], $0xffff;
	v21 =	vadd.s32 v23, v21  }
0x198: {  	v23 =	vld.idx.msk [tilespmem:v58+s31+$0x0], $0xffff;
	v21 =	vadd.s32 v24, v21;
	v24 =	vor.u32 s4, v17  }
0x199: {  	v21 =	vadd.s32 v26, v21;
	v26 =	vor.u32 s4, v18  }
0x19a: {  	v62 =	vld.idx.msk [tilespmem:v59+s31+$0x0], $0xffff;
	v21 =	vadd.s32 v27, v21;
	v27 =	vor.u32 s4, v19  }
0x19b: {  	v63 =	vld.idx.msk [tilespmem:v60+s31+$0x0], $0xffff;
	v21 =	vadd.s32 v25, v21  }
0x19c: {  	v28 =	vld.idx.msk [tilespmem:v61+s31+$0x0], $0xffff;
	v21 =	vadd.s32 v22, v21  }
0x19d: {  	v22 =	vadd.s32 v23, v21;
	v21 =	vld.idx.msk [tilespmem:v24+s31+$0x0], $0xffff  }
0x19e: {  	v23 =	vld.idx.msk [tilespmem:v26+s31+$0x0], $0xffff  }
0x19f: {  	v22 =	vadd.s32 v62, v22;
	v24 =	vld.idx.msk [tilespmem:v27+s31+$0x0], $0xffff  }
0x1a0: {  	s7 =	simm.s32 $0x200;
	v26 =	vadd.s32 v63, v22  }
0x1a1: {  	s4 =	simm.s32 $0x300;
	v25 =	vor.u32 s7, v1;
	v22 =	vor.u32 s7, v5;
	v26 =	vadd.s32 v28, v26  }
.LBB2_21:
0x1a2: {  	p1 =	sne.s32 s4, $0xF00;
	v25 =	vand.u32 v4, v25;
	v21 =	vadd.s32 v21, v26  }
0x1a3: {  	v26 =	vor.u32 s7, v6;
	v21 =	vadd.s32 v23, v21  }
0x1a4: {  	s1 =	sadd.s32 $0x10, s1;
	v23 =	vor.u32 s7, v7;
	v21 =	vadd.s32 v24, v21  }
0x1a5: {  	v24 =	vor.u32 s7, v8;
	[tilespmem:s1+$0x0] =	vst v21  }
0x1a6: {  	v21 =	vld.idx.msk [tilespmem:v22+s31+$0x0], $0xffff;
	v22 =	vor.u32 s7, v9  }
0x1a7: {  	v27 =	vor.u32 s7, v10;
	v25 =	vld.idx.msk [tilespmem:v25+s31+$0x0], $0xffff  }
0x1a8: {  	v28 =	vor.u32 s7, v11;
	v26 =	vld.idx.msk [tilespmem:v26+s31+$0x0], $0xffff  }
0x1a9: {  	v29 =	vor.u32 s7, v12;
	v23 =	vld.idx.msk [tilespmem:v23+s31+$0x0], $0xffff  }
0x1aa: {  	v30 =	vor.u32 s7, v13;
	v24 =	vld.idx.msk [tilespmem:v24+s31+$0x0], $0xffff  }
0x1ab: {  	v31 =	vor.u32 s7, v14;
	v22 =	vld.idx.msk [tilespmem:v22+s31+$0x0], $0xffff  }
0x1ac: {  	v32 =	vor.u32 s7, v15;
	v27 =	vld.idx.msk [tilespmem:v27+s31+$0x0], $0xffff  }
0x1ad: {  	v21 =	vadd.s32 v25, v21;
	v25 =	vld.idx.msk [tilespmem:v28+s31+$0x0], $0xffff;
	v28 =	vor.u32 s7, v16  }
0x1ae: {  	v21 =	vadd.s32 v26, v21;
	v26 =	vld.idx.msk [tilespmem:v29+s31+$0x0], $0xffff;
	v29 =	vor.u32 s7, v17  }
0x1af: {  	v21 =	vadd.s32 v23, v21;
	v23 =	vor.u32 s7, v18;
	v30 =	vld.idx.msk [tilespmem:v30+s31+$0x0], $0xffff  }
0x1b0: {  	v21 =	vadd.s32 v24, v21;
	v24 =	vor.u32 s7, v19;
	s7 =	smov.u32 s4;
	v31 =	vld.idx.msk [tilespmem:v31+s31+$0x0], $0xffff  }
0x1b1: {  	v21 =	vadd.s32 v22, v21;
	v22 =	vld.idx.msk [tilespmem:v32+s31+$0x0], $0xffff  }
0x1b2: {  	v21 =	vadd.s32 v27, v21;
	v27 =	vld.idx.msk [tilespmem:v28+s31+$0x0], $0xffff  }
0x1b3: {  	v25 =	vadd.s32 v25, v21;
	v21 =	vld.idx.msk [tilespmem:v29+s31+$0x0], $0xffff  }
.Ltmp12:
0x1b4: {  	v25 =	vadd.s32 v26, v25;
	v23 =	vld.idx.msk [tilespmem:v23+s31+$0x0], $0xffff;
	(pc) =	sbr.rel @p1 .LBB2_21-.Ltmp12, $4  }
0x1b5: {  	v25 =	vadd.s32 v30, v25;
	v24 =	vld.idx.msk [tilespmem:v24+s31+$0x0], $0xffff  }
0x1b6: {  	v25 =	vadd.s32 v31, v25  }
0x1b7: {  	v26 =	vadd.s32 v22, v25  }
0x1b8: {  	s4 =	sadd.s32 $0x100, s4;
	v25 =	vor.u32 s7, v1;
	v22 =	vor.u32 s7, v5;
	v26 =	vadd.s32 v27, v26  }
0x1b9: {  	v25 =	vand.u32 v4, v25;
	v21 =	vadd.s32 v21, v26  }
0x1ba: {  	v26 =	vor.u32 s7, v6;
	v21 =	vadd.s32 v23, v21  }
0x1bb: {  	s1 =	sadd.s32 $0x10, s1;
	v23 =	vor.u32 s7, v7;
	v21 =	vadd.s32 v24, v21  }
0x1bc: {  	v24 =	vor.u32 s7, v8;
	[tilespmem:s1+$0x0] =	vst v21  }
0x1bd: {  	v21 =	vld.idx.msk [tilespmem:v22+s31+$0x0], $0xffff;
	v22 =	vor.u32 s7, v9  }
0x1be: {  	v27 =	vor.u32 s7, v10;
	v25 =	vld.idx.msk [tilespmem:v25+s31+$0x0], $0xffff  }
0x1bf: {  	v28 =	vor.u32 s7, v11;
	v26 =	vld.idx.msk [tilespmem:v26+s31+$0x0], $0xffff  }
0x1c0: {  	v29 =	vor.u32 s7, v12;
	v23 =	vld.idx.msk [tilespmem:v23+s31+$0x0], $0xffff  }
0x1c1: {  	v30 =	vor.u32 s7, v13;
	v24 =	vld.idx.msk [tilespmem:v24+s31+$0x0], $0xffff  }
0x1c2: {  	v31 =	vor.u32 s7, v14;
	v22 =	vld.idx.msk [tilespmem:v22+s31+$0x0], $0xffff  }
0x1c3: {  	v32 =	vor.u32 s7, v15;
	v27 =	vld.idx.msk [tilespmem:v27+s31+$0x0], $0xffff;
	v21 =	vadd.s32 v25, v21  }
0x1c4: {  	v54 =	vor.u32 s7, v16;
	v25 =	vld.idx.msk [tilespmem:v28+s31+$0x0], $0xffff;
	v21 =	vadd.s32 v26, v21  }
0x1c5: {  	v55 =	vor.u32 s7, v17;
	v26 =	vld.idx.msk [tilespmem:v29+s31+$0x0], $0xffff;
	v21 =	vadd.s32 v23, v21  }
0x1c6: {  	v56 =	vor.u32 s7, v18;
	v23 =	vld.idx.msk [tilespmem:v30+s31+$0x0], $0xffff;
	v21 =	vadd.s32 v24, v21  }
0x1c7: {  	v57 =	vor.u32 s7, v19;
	v24 =	vld.idx.msk [tilespmem:v31+s31+$0x0], $0xffff;
	v21 =	vadd.s32 v22, v21  }
0x1c8: {  	v22 =	vld.idx.msk [tilespmem:v32+s31+$0x0], $0xffff;
	v21 =	vadd.s32 v27, v21  }
0x1c9: {  	v27 =	vld.idx.msk [tilespmem:v54+s31+$0x0], $0xffff;
	v21 =	vadd.s32 v25, v21  }
0x1ca: {  	v25 =	vld.idx.msk [tilespmem:v55+s31+$0x0], $0xffff;
	v21 =	vadd.s32 v26, v21  }
0x1cb: {  	v26 =	vld.idx.msk [tilespmem:v56+s31+$0x0], $0xffff;
	v21 =	vadd.s32 v23, v21  }
0x1cc: {  	v23 =	vld.idx.msk [tilespmem:v57+s31+$0x0], $0xffff;
	v21 =	vadd.s32 v24, v21  }
0x1cd: {  	v21 =	vadd.s32 v22, v21  }
0x1ce: {  	v21 =	vadd.s32 v27, v21  }
0x1cf: {  	v21 =	vadd.s32 v25, v21  }
0x1d0: {  	v21 =	vadd.s32 v26, v21  }
0x1d1: {  	s1 =	sadd.s32 $0x10, s1;
	v21 =	vadd.s32 v23, v21  }
0x1d2: {  	[tilespmem:s1+$0x0] =	vst v21  }
0x1d3: {  	[spmem:s14] =	stream.linear.scatter [tilespmem:s2], [sflag:$0x1], $0x100, $0x38;
	[tilespmem:$0x15980] =	vst v63  }
0x1d4: {  	_ =	swait.ge [sflag:s28], $0x100  }
0x1d5: {  	[sflag:s28] =	ssyncset.done $0x0  }
0x1d6: {  	[sflag:s28] =	ssyncadd.s32 $0xFFFFFF00  }
0x1d7: {  	s4 =	simm.s32 $0x9C80;
	[bflag:$0x0] =	sbarrier.arrive $0xFFFF  }
0x1d8: {  	[tilespmem:s4], [sflag:$0x1] =	stream.linear.gather [spmem:s3], $0x1000, $0x38;
	[tilespmem:$0x15980] =	vst v63  }
0x1d9: {  	_ =	swait.ge [sflag:s28], $0x1000  }
0x1da: {  	s1 =	simm.s32 $0x0;
	[sflag:s28] =	ssyncset.done $0x0  }
0x1db: {  	s5 =	sand.u32 $0xF0, s1;
	[sflag:s28] =	ssyncadd.s32 $0xFFFFF000  }
0x1dc: {  	v22 =	vld [tilespmem:s5+$0x9D80]  }
0x1dd: {  	v23 =	vld [tilespmem:s4+$0x0]  }
0x1de: {  	v24 =	vld [tilespmem:s5+$0x9E80]  }
0x1df: {  	v25 =	vld [tilespmem:s5+$0x9F80]  }
0x1e0: {  	v26 =	vld [tilespmem:s5+$0xA080]  }
0x1e1: {  	v27 =	vld [tilespmem:s5+$0xA180]  }
0x1e2: {  	v58 =	vld [tilespmem:s5+$0xA280];
	v21 =	vadd.s32 v23, v22  }
0x1e3: {  	v59 =	vld [tilespmem:s5+$0xA380];
	v21 =	vadd.s32 v24, v21  }
0x1e4: {  	v60 =	vld [tilespmem:s5+$0xA480];
	v21 =	vadd.s32 v25, v21  }
0x1e5: {  	v61 =	vld [tilespmem:s5+$0xA580];
	v21 =	vadd.s32 v26, v21  }
0x1e6: {  	v33 =	vld [tilespmem:s5+$0xA680];
	v62 =	vadd.s32 v27, v21  }
0x1e7: {  	v34 =	vld [tilespmem:s5+$0xA780];
	v23 =	vsel vm14, $0x0, v23;
	v21 =	vimm.s32 $0x0;
	v32 =	vadd.s32 v58, v62  }
0x1e8: {  	v35 =	vld [tilespmem:s5+$0xA880];
	v22 =	vnsel vm13, $0x0, v22;
	v23 =	vadd.s32 v21, v23;
	v32 =	vadd.s32 v59, v32  }
0x1e9: {  	v36 =	vld [tilespmem:s5+$0xA980];
	v24 =	vnsel vm12, $0x0, v24;
	v22 =	vadd.s32 v22, v23;
	v32 =	vadd.s32 v60, v32  }
0x1ea: {  	v63 =	vld [tilespmem:s5+$0xAA80];
	v23 =	vnsel vm11, $0x0, v25;
	v22 =	vadd.s32 v24, v22;
	v25 =	vadd.s32 v61, v32  }
0x1eb: {  	v24 =	vnsel vm10, $0x0, v26;
	v26 =	vld [tilespmem:s5+$0xAB80];
	v22 =	vadd.s32 v23, v22;
	v25 =	vadd.s32 v33, v25  }
0x1ec: {  	v23 =	vnsel vm9, $0x0, v27;
	v22 =	vadd.s32 v24, v22;
	v25 =	vadd.s32 v34, v25  }
0x1ed: {  	v24 =	vnsel vm8, $0x0, v58;
	v22 =	vadd.s32 v23, v22;
	v25 =	vadd.s32 v35, v25  }
0x1ee: {  	v23 =	vnsel vm7, $0x0, v59;
	v22 =	vadd.s32 v24, v22;
	v25 =	vadd.s32 v36, v25  }
0x1ef: {  	v24 =	vnsel vm6, $0x0, v60;
	v22 =	vadd.s32 v23, v22;
	v25 =	vadd.s32 v63, v25  }
0x1f0: {  	v23 =	vnsel vm5, $0x0, v61;
	v22 =	vadd.s32 v24, v22;
	v25 =	vadd.s32 v26, v25  }
0x1f1: {  	v24 =	vnsel vm4, $0x0, v33;
	v22 =	vadd.s32 v23, v22;
	(xrf0) =	vadd.scan.msk.s32 $0xffff, v25  }
0x1f2: {  	v23 =	vnsel vm3, $0x0, v34;
	v22 =	vadd.s32 v24, v22  }
0x1f3: {  	v24 =	vnsel vm2, $0x0, v35;
	v22 =	vadd.s32 v23, v22  }
0x1f4: {  	v23 =	vnsel vm1, $0x0, v36;
	v22 =	vadd.s32 v24, v22  }
0x1f5: {  	v24 =	vnsel vm0, $0x0, v63;
	v22 =	vadd.s32 v23, v22  }
0x1f6: {  	v22 =	vadd.s32 v24, v22  }
0x1f7: {  	v22 =	vsub.s32 v22, v25;
	v23, _, _ =	vpop (xrf0)  }
0x1f8: {  	s7 =	simm.s32 $0x9A80;
	v22 =	vadd.s32 v23, v22  }
0x1f9: {  	[tilespmem:s7+$0x0] =	vst v22  }
0x1fa: {  	s12 =	simm.s32 $0x10;
	[tilespmem:$0xAC80] =	vst v23  }
0x1fb: {  	s12 =	sand.u32 $0xF0, s12;
	v24 =	vld.idx.msk [tilespmem:v20+s6+$0x0], $0xffff  }
0x1fc: {  	s4 =	simm.s32 $0x9C90;
	v22 =	vld [tilespmem:s12+$0x9D80]  }
0x1fd: {  	s5 =	simm.s32 $0x20;
	v23 =	vld [tilespmem:s4+$0x0]  }
.LBB2_23:
0x1fe: {  	p1 =	sne.s32 s5, $0xF0;
	v25 =	vld [tilespmem:s12+$0x9E80]  }
0x1ff: {  	v26 =	vld [tilespmem:s12+$0x9F80]  }
0x200: {  	v27 =	vld [tilespmem:s12+$0xA080]  }
0x201: {  	v21 =	vadd.s32 v21, v24;
	v28 =	vld [tilespmem:s12+$0xA180]  }
0x202: {  	v24 =	vadd.s32 v23, v22;
	v29 =	vld [tilespmem:s12+$0xA280]  }
0x203: {  	v24 =	vadd.s32 v25, v24;
	v30 =	vld [tilespmem:s12+$0xA380]  }
0x204: {  	v24 =	vadd.s32 v26, v24;
	v31 =	vld [tilespmem:s12+$0xA480]  }
0x205: {  	v24 =	vadd.s32 v27, v24;
	v32 =	vld [tilespmem:s12+$0xA580]  }
0x206: {  	v24 =	vadd.s32 v28, v24;
	v33 =	vld [tilespmem:s12+$0xA680]  }
0x207: {  	v23 =	vsel vm14, $0x0, v23;
	v24 =	vadd.s32 v29, v24;
	v34 =	vld [tilespmem:s12+$0xA780]  }
0x208: {  	v22 =	vnsel vm13, $0x0, v22;
	v23 =	vadd.s32 v21, v23;
	v24 =	vadd.s32 v30, v24;
	v35 =	vld [tilespmem:s12+$0xA880]  }
0x209: {  	v25 =	vnsel vm12, $0x0, v25;
	v22 =	vadd.s32 v22, v23;
	v24 =	vadd.s32 v31, v24;
	v36 =	vld [tilespmem:s12+$0xA980]  }
0x20a: {  	v23 =	vnsel vm11, $0x0, v26;
	v22 =	vadd.s32 v25, v22;
	v24 =	vadd.s32 v32, v24;
	v26 =	vld [tilespmem:s12+$0xAA80]  }
0x20b: {  	v25 =	vnsel vm10, $0x0, v27;
	v22 =	vadd.s32 v23, v22;
	v24 =	vadd.s32 v33, v24;
	v27 =	vld [tilespmem:s12+$0xAB80]  }
0x20c: {  	v23 =	vnsel vm9, $0x0, v28;
	v22 =	vadd.s32 v25, v22;
	v24 =	vadd.s32 v34, v24  }
0x20d: {  	v25 =	vnsel vm8, $0x0, v29;
	v22 =	vadd.s32 v23, v22;
	v24 =	vadd.s32 v35, v24  }
0x20e: {  	v23 =	vnsel vm7, $0x0, v30;
	v22 =	vadd.s32 v25, v22;
	v24 =	vadd.s32 v36, v24  }
0x20f: {  	v25 =	vnsel vm6, $0x0, v31;
	v22 =	vadd.s32 v23, v22;
	v24 =	vadd.s32 v26, v24  }
0x210: {  	v23 =	vnsel vm5, $0x0, v32;
	v22 =	vadd.s32 v25, v22;
	v24 =	vadd.s32 v27, v24  }
0x211: {  	v25 =	vnsel vm4, $0x0, v33;
	v22 =	vadd.s32 v23, v22;
	(xrf0) =	vadd.scan.msk.s32 $0xffff, v24  }
0x212: {  	v23 =	vnsel vm3, $0x0, v34;
	v22 =	vadd.s32 v25, v22  }
0x213: {  	v25 =	vnsel vm2, $0x0, v35;
	v22 =	vadd.s32 v23, v22  }
0x214: {  	v23 =	vnsel vm1, $0x0, v36;
	v22 =	vadd.s32 v25, v22  }
0x215: {  	v25 =	vnsel vm0, $0x0, v26;
	v22 =	vadd.s32 v23, v22  }
0x216: {  	v22 =	vadd.s32 v25, v22  }
0x217: {  	v22 =	vsub.s32 v22, v24;
	v23, _, _ =	vpop (xrf0)  }
0x218: {  	s7 =	sadd.s32 $0x10, s7;
	v22 =	vadd.s32 v23, v22  }
.Ltmp13:
0x219: {  	[tilespmem:s7+$0x0] =	vst v22;
	(pc) =	sbr.rel @p1 .LBB2_23-.Ltmp13, $4  }
0x21a: {  	[tilespmem:$0xAC80] =	vst v23  }
0x21b: {  	s12 =	sand.u32 $0xF0, s5;
	v24 =	vld.idx.msk [tilespmem:v20+s6+$0x0], $0xffff  }
0x21c: {  	s4 =	sadd.s32 $0x10, s4;
	v22 =	vld [tilespmem:s12+$0x9D80]  }
0x21d: {  	s5 =	sadd.s32 $0x10, s5;
	v23 =	vld [tilespmem:s4+$0x0]  }
0x21e: {  	v25 =	vld [tilespmem:s12+$0x9E80]  }
0x21f: {  	v26 =	vld [tilespmem:s12+$0x9F80]  }
0x220: {  	v27 =	vld [tilespmem:s12+$0xA080]  }
0x221: {  	v28 =	vld [tilespmem:s12+$0xA180]  }
0x222: {  	v30 =	vld [tilespmem:s12+$0xA280];
	v29 =	vadd.s32 v23, v22  }
0x223: {  	v31 =	vld [tilespmem:s12+$0xA380];
	v29 =	vadd.s32 v25, v29  }
0x224: {  	v32 =	vld [tilespmem:s12+$0xA480];
	v29 =	vadd.s32 v26, v29  }
0x225: {  	v33 =	vld [tilespmem:s12+$0xA580];
	v29 =	vadd.s32 v27, v29  }
0x226: {  	v34 =	vld [tilespmem:s12+$0xA680];
	v29 =	vadd.s32 v28, v29  }
0x227: {  	v60 =	vld [tilespmem:s12+$0xA780];
	v21 =	vadd.s32 v21, v24;
	v23 =	vsel vm14, $0x0, v23;
	v59 =	vadd.s32 v30, v29  }
0x228: {  	v35 =	vld [tilespmem:s12+$0xA880];
	v22 =	vnsel vm13, $0x0, v22;
	v21 =	vadd.s32 v21, v23;
	v24 =	vadd.s32 v31, v59  }
0x229: {  	v61 =	vld [tilespmem:s12+$0xA980];
	v23 =	vnsel vm12, $0x0, v25;
	v21 =	vadd.s32 v22, v21;
	v24 =	vadd.s32 v32, v24  }
0x22a: {  	v62 =	vld [tilespmem:s12+$0xAA80];
	v22 =	vnsel vm11, $0x0, v26;
	v21 =	vadd.s32 v23, v21;
	v24 =	vadd.s32 v33, v24  }
0x22b: {  	v63 =	vld [tilespmem:s12+$0xAB80];
	v23 =	vnsel vm10, $0x0, v27;
	v21 =	vadd.s32 v22, v21;
	v24 =	vadd.s32 v34, v24  }
0x22c: {  	v22 =	vnsel vm9, $0x0, v28;
	v21 =	vadd.s32 v23, v21;
	v24 =	vadd.s32 v60, v24  }
0x22d: {  	v23 =	vnsel vm8, $0x0, v30;
	v21 =	vadd.s32 v22, v21;
	v24 =	vadd.s32 v35, v24  }
0x22e: {  	v22 =	vnsel vm7, $0x0, v31;
	v21 =	vadd.s32 v23, v21;
	v24 =	vadd.s32 v61, v24  }
0x22f: {  	v23 =	vnsel vm6, $0x0, v32;
	v21 =	vadd.s32 v22, v21;
	v24 =	vadd.s32 v62, v24  }
0x230: {  	v22 =	vnsel vm5, $0x0, v33;
	v21 =	vadd.s32 v23, v21;
	v24 =	vadd.s32 v63, v24  }
0x231: {  	v23 =	vnsel vm4, $0x0, v34;
	v21 =	vadd.s32 v22, v21;
	(xrf0) =	vadd.scan.msk.s32 $0xffff, v24  }
0x232: {  	v22 =	vnsel vm3, $0x0, v60;
	v21 =	vadd.s32 v23, v21  }
0x233: {  	v23 =	vnsel vm2, $0x0, v35;
	v21 =	vadd.s32 v22, v21  }
0x234: {  	v22 =	vnsel vm1, $0x0, v61;
	v21 =	vadd.s32 v23, v21  }
0x235: {  	v23 =	vnsel vm0, $0x0, v62;
	v21 =	vadd.s32 v22, v21  }
0x236: {  	v21 =	vadd.s32 v23, v21  }
0x237: {  	v21 =	vsub.s32 v21, v24;
	v22, _, _ =	vpop (xrf0)  }
0x238: {  	s4 =	sadd.s32 $0x10, s7;
	v21 =	vadd.s32 v22, v21  }
0x239: {  	[tilespmem:s4+$0x0] =	vst v21  }
0x23a: {  	s12 =	simm.s32 $0x7A80;
	[tilespmem:$0xAC80] =	vst v22  }
0x23b: {  	v21 =	vld [tilespmem:s12+$0x0]  }
0x23c: {  	v22 =	vmov s1;
	_ =	sdelay $0x3  }
0x23d: {  	(xrf0) =	vadd.scan.msk.s32 $0xffff, v21  }
0x23e: {  	v22 =	vld.idx.msk [tilespmem:v22+s8+$0x0], $0xffff;
	_ =	sdelay $0x4  }
0x23f: {  	v21 =	vsub.s32 v22, v21;
	v22, _, _ =	vpop (xrf0)  }
0x240: {  	s1 =	simm.s32 $0x8A80;
	v21 =	vadd.s32 v22, v21  }
0x241: {  	s5 =	simm.s32 $0x1;
	s4 =	simm.s32 $0x7A90;
	[tilespmem:s1+$0x0] =	vst v21  }
0x242: {  	v22 =	vmov s5;
	s5 =	simm.s32 $0x2;
	v21 =	vld [tilespmem:s4+$0x0]  }
.LBB2_25:
0x243: {  	p1 =	sne.s32 s5, $0xFF;
	_ =	sdelay $0x3  }
0x244: {  	v22 =	vld.idx.msk [tilespmem:v22+s8+$0x0], $0xffff;
	(xrf0) =	vadd.scan.msk.s32 $0xffff, v21;
	_ =	sdelay $0x4  }
.Ltmp14:
0x245: {  	(pc) =	sbr.rel @p1 .LBB2_25-.Ltmp14, $4  }
0x246: {  	v21 =	vsub.s32 v22, v21;
	v22, _, _ =	vpop (xrf0)  }
0x247: {  	s1 =	sadd.s32 $0x10, s1;
	v21 =	vadd.s32 v22, v21  }
0x248: {  	s4 =	sadd.s32 $0x10, s4;
	[tilespmem:s1+$0x0] =	vst v21  }
0x249: {  	v22 =	vmov s5;
	s5 =	sadd.s32 $0x1, s5;
	v21 =	vld [tilespmem:s4+$0x0]  }
0x24a: {  	_ =	sdelay $0x3  }
0x24b: {  	(xrf0) =	vadd.scan.msk.s32 $0xffff, v21  }
0x24c: {  	v22 =	vld.idx.msk [tilespmem:v22+s8+$0x0], $0xffff;
	_ =	sdelay $0x4  }
0x24d: {  	v21 =	vsub.s32 v22, v21;
	v22, _, _ =	vpop (xrf0)  }
0x24e: {  	s1 =	sadd.s32 $0x10, s1;
	s4 =	simm.s32 $0x0;
	v21 =	vadd.s32 v22, v21  }
0x24f: {  	[tilespmem:s1+$0x0] =	vst v21;
	v21 =	vadd.s32 s4, v3  }
0x250: {  	[tilespmem:s30], [sflag:$0x1] =	stream.linear.gather [spmem:s17], $0x1880, $0x38;
	[tilespmem:$0x15980] =	vst v63  }
0x251: {  	_ =	swait.ge [sflag:s28], $0x1880  }
0x252: {  	[sflag:s28] =	ssyncset.done $0x0  }
0x253: {  	[sflag:s28] =	ssyncadd.s32 $0xFFFFE780  }
0x254: {  	v22 =	vld.idx.msk [tilespmem:v21+s29+$0x0], $0xffff;
	_ =	sdelay $0x4  }
0x255: {  	v22 =	vshrl.u32 v22, $0x4  }
0x256: {  	v22 =	vand.u32 $0xFF0, v22  }
0x257: {  	v22 =	vor.u32 v0, v22;
	_ =	sdelay $0x4  }
0x258: {  	v24 =	vld.idx.msk [tilespmem:v22+s9+$0x0], $0xffff;
	_ =	sdelay $0x2  }
0x259: {  	s12 =	simm.s32 $0x1  }
0x25a: {  	v23 =	vadd.s32 s12, v3;
	s1 =	simm.s32 $0x2  }
.LBB2_27:
0x25b: {  	p1 =	sne.s32 s1, $0x187;
	v25 =	vadd.s32 $0x1, v24  }
0x25c: {  	[tilespmem:v22+s9+$0x0] =	vst.idx.msk $0xffff, v25  }
0x25d: {  	[tilespmem:v21+s0+$0x0] =	vst.idx.msk $0xffff, v24;
	v21 =	vmov v23  }
0x25e: {  	v22 =	vld.idx.msk [tilespmem:v23+s29+$0x0], $0xffff;
	_ =	sdelay $0x5  }
0x25f: {  	v22 =	vshrl.u32 v22, $0x4  }
0x260: {  	v22 =	vand.u32 $0xFF0, v22  }
0x261: {  	v22 =	vor.u32 v0, v22;
	_ =	sdelay $0x4  }
0x262: {  	v24 =	vld.idx.msk [tilespmem:v22+s9+$0x0], $0xffff  }
.Ltmp15:
0x263: {  	(pc) =	sbr.rel @p1 .LBB2_27-.Ltmp15, $3  }
0x264: {  	_ =	sdelay $0x1  }
0x265: {  	v23 =	vadd.s32 s1, v3  }
0x266: {  	s1 =	sadd.s32 $0x1, s1  }
0x267: {  	_ =	sdelay $0x2  }
0x268: {  	v25 =	vadd.s32 $0x1, v24  }
0x269: {  	[tilespmem:v22+s9+$0x0] =	vst.idx.msk $0xffff, v25  }
0x26a: {  	[tilespmem:v21+s0+$0x0] =	vst.idx.msk $0xffff, v24  }
0x26b: {  	v21 =	vld.idx.msk [tilespmem:v23+s29+$0x0], $0xffff;
	_ =	sdelay $0x4  }
0x26c: {  	v21 =	vshrl.u32 v21, $0x4  }
0x26d: {  	v21 =	vand.u32 $0xFF0, v21  }
0x26e: {  	v21 =	vor.u32 v0, v21;
	_ =	sdelay $0x4  }
0x26f: {  	v22 =	vld.idx.msk [tilespmem:v21+s9+$0x0], $0xffff;
	_ =	sdelay $0x4  }
0x270: {  	v63 =	vadd.s32 $0x1, v22  }
0x271: {  	[tilespmem:v21+s9+$0x0] =	vst.idx.msk $0xffff, v63  }
0x272: {  	s1 =	rddreg [dreg:$0x2];
	[tilespmem:v23+s0+$0x0] =	vst.idx.msk $0xffff, v22  }
0x273: {  	[spmem:s1] =	stream.indirect.scatter [tilespmem:s29], [sflag:$0x1], $0x1, s0, s29, $0xb8;
	[tilespmem:$0x15980] =	vst v63  }
0x274: {  	_ =	swait.ge [sflag:s28], $0x1880  }
0x275: {  	[sflag:s28] =	ssyncset.done $0x0  }
0x276: {  	[sflag:s28] =	ssyncadd.s32 $0xFFFFE780  }
0x277: {  	s12 =	rddreg [dreg:$0x3]  }
0x278: {  	[spmem:s12] =	stream.indirect.scatter [tilespmem:s30], [sflag:$0x1], $0x1, s0, s29, $0xb8;
	[tilespmem:$0x15980] =	vst v63  }
0x279: {  	_ =	swait.ge [sflag:s28], $0x1880  }
0x27a: {  	[sflag:s28] =	ssyncset.done $0x0  }
0x27b: {  	[sflag:s28] =	ssyncadd.s32 $0xFFFFE780  }
0x27c: {  	[bflag:$0x0] =	sbarrier.arrive $0xFFFF  }
0x27d: {  	[tilespmem:s29], [sflag:$0x1] =	stream.linear.gather [spmem:s18], $0x1880, $0x38;
	[tilespmem:$0x15980] =	vst v63  }
0x27e: {  	_ =	swait.ge [sflag:s28], $0x1880  }
0x27f: {  	s4 =	simm.s32 $0x40;
	[sflag:s28] =	ssyncset.done $0x0  }
0x280: {  	s5 =	simm.s32 $0x0;
	s1 =	simm.s32 $0x0;
	[sflag:s28] =	ssyncadd.s32 $0xFFFFE780  }
.LBB2_29:
0x281: {  	p1 =	sne.s32 s4, $0x3FC0;
	[tilespmem:s5+$0x7A80] =	vst v2;
	s5 =	smov.u32 s4;
	s4 =	sadd.s32 $0x40, s4  }
.Ltmp16:
0x282: {  	(pc) =	sbr.rel @p1 .LBB2_29-.Ltmp16, $2  }
0x283: {  	_ =	sdelay $0x2  }
0x284: {  	s5 =	sshra.s32 s5, $0x2  }
0x285: {  	[tilespmem:s5+$0x7A80] =	vst v2  }
.LBB2_31:
0x286: {  	v21 =	vadd.s32 s1, v3;
	_ =	sdelay $0x4  }
0x287: {  	v21 =	vld.idx.msk [tilespmem:v21+s29+$0x0], $0xffff;
	_ =	sdelay $0x4  }
0x288: {  	v21 =	vshrl.u32 v21, $0xC  }
0x289: {  	v21 =	vand.u32 $0xFF0, v21  }
0x28a: {  	v21 =	vor.u32 v0, v21;
	_ =	sdelay $0x4  }
0x28b: {  	v22 =	vld.idx.msk [tilespmem:v21+s31+$0x0], $0xffff  }
0x28c: {  	p1 =	sne.s32 s1, $0x187  }
.Ltmp17:
0x28d: {  	_ = 	snop;
	(pc) =	sbr.rel @p1 .LBB2_31-.Ltmp17, $3  }
0x28e: {  	_ =	sdelay $0x1  }
0x28f: {  	v22 =	vadd.s32 $0x1, v22  }
0x290: {  	s1 =	sadd.s32 $0x1, s1;
	[tilespmem:v21+s31+$0x0] =	vst.idx.msk $0xffff, v22  }
0x291: {  	s1 =	simm.s32 $0x0  }
0x292: {  	v21 =	vor.u32 s1, v1;
	v22 =	vor.u32 s1, v5  }
0x293: {  	v21 =	vand.u32 v4, v21  }
0x294: {  	v23 =	vor.u32 s1, v6  }
0x295: {  	v24 =	vor.u32 s1, v7  }
0x296: {  	v25 =	vor.u32 s1, v8  }
0x297: {  	v26 =	vor.u32 s1, v9;
	v22 =	vld.idx.msk [tilespmem:v22+s31+$0x0], $0xffff  }
0x298: {  	v27 =	vor.u32 s1, v10;
	v21 =	vld.idx.msk [tilespmem:v21+s31+$0x0], $0xffff  }
0x299: {  	v28 =	vor.u32 s1, v11;
	v23 =	vld.idx.msk [tilespmem:v23+s31+$0x0], $0xffff  }
0x29a: {  	v29 =	vor.u32 s1, v12;
	v24 =	vld.idx.msk [tilespmem:v24+s31+$0x0], $0xffff  }
0x29b: {  	v30 =	vor.u32 s1, v13;
	v25 =	vld.idx.msk [tilespmem:v25+s31+$0x0], $0xffff  }
0x29c: {  	v31 =	vor.u32 s1, v14;
	v26 =	vld.idx.msk [tilespmem:v26+s31+$0x0], $0xffff  }
0x29d: {  	v32 =	vor.u32 s1, v15;
	v27 =	vld.idx.msk [tilespmem:v27+s31+$0x0], $0xffff;
	v21 =	vadd.s32 v21, v22  }
0x29e: {  	v52 =	vor.u32 s1, v16;
	v22 =	vld.idx.msk [tilespmem:v28+s31+$0x0], $0xffff;
	v21 =	vadd.s32 v23, v21  }
0x29f: {  	v53 =	vor.u32 s1, v17;
	v23 =	vld.idx.msk [tilespmem:v29+s31+$0x0], $0xffff;
	v21 =	vadd.s32 v24, v21  }
0x2a0: {  	v54 =	vor.u32 s1, v18;
	v24 =	vld.idx.msk [tilespmem:v30+s31+$0x0], $0xffff;
	v21 =	vadd.s32 v25, v21  }
0x2a1: {  	v55 =	vor.u32 s1, v19;
	v25 =	vld.idx.msk [tilespmem:v31+s31+$0x0], $0xffff;
	v21 =	vadd.s32 v26, v21  }
0x2a2: {  	v26 =	vld.idx.msk [tilespmem:v32+s31+$0x0], $0xffff;
	v21 =	vadd.s32 v27, v21  }
0x2a3: {  	v27 =	vld.idx.msk [tilespmem:v52+s31+$0x0], $0xffff;
	v21 =	vadd.s32 v22, v21  }
0x2a4: {  	v22 =	vld.idx.msk [tilespmem:v53+s31+$0x0], $0xffff;
	v21 =	vadd.s32 v23, v21  }
0x2a5: {  	v23 =	vld.idx.msk [tilespmem:v54+s31+$0x0], $0xffff;
	v21 =	vadd.s32 v24, v21  }
0x2a6: {  	v24 =	vld.idx.msk [tilespmem:v55+s31+$0x0], $0xffff;
	v21 =	vadd.s32 v25, v21  }
0x2a7: {  	s4 =	simm.s32 $0x100;
	v21 =	vadd.s32 v26, v21  }
0x2a8: {  	v25 =	vor.u32 s4, v1;
	v26 =	vor.u32 s4, v5;
	v21 =	vadd.s32 v27, v21  }
0x2a9: {  	v25 =	vand.u32 v4, v25;
	v21 =	vadd.s32 v22, v21  }
0x2aa: {  	v22 =	vor.u32 s4, v6;
	v21 =	vadd.s32 v23, v21  }
0x2ab: {  	s1 =	simm.s32 $0x9B80;
	v23 =	vor.u32 s4, v7;
	v21 =	vadd.s32 v24, v21  }
0x2ac: {  	v24 =	vor.u32 s4, v8;
	[tilespmem:s1+$0x0] =	vst v21  }
0x2ad: {  	v21 =	vld.idx.msk [tilespmem:v26+s31+$0x0], $0xffff;
	v26 =	vor.u32 s4, v9  }
0x2ae: {  	v27 =	vor.u32 s4, v10;
	v25 =	vld.idx.msk [tilespmem:v25+s31+$0x0], $0xffff  }
0x2af: {  	v56 =	vor.u32 s4, v11;
	v22 =	vld.idx.msk [tilespmem:v22+s31+$0x0], $0xffff  }
0x2b0: {  	v57 =	vor.u32 s4, v12;
	v23 =	vld.idx.msk [tilespmem:v23+s31+$0x0], $0xffff  }
0x2b1: {  	v58 =	vor.u32 s4, v13;
	v24 =	vld.idx.msk [tilespmem:v24+s31+$0x0], $0xffff  }
0x2b2: {  	v26 =	vld.idx.msk [tilespmem:v26+s31+$0x0], $0xffff  }
0x2b3: {  	v59 =	vor.u32 s4, v14;
	v27 =	vld.idx.msk [tilespmem:v27+s31+$0x0], $0xffff;
	v21 =	vadd.s32 v25, v21  }
0x2b4: {  	v60 =	vor.u32 s4, v15;
	v25 =	vld.idx.msk [tilespmem:v56+s31+$0x0], $0xffff;
	v21 =	vadd.s32 v22, v21  }
0x2b5: {  	v61 =	vor.u32 s4, v16;
	v22 =	vld.idx.msk [tilespmem:v57+s31+$0x0], $0xffff;
	v21 =	vadd.s32 v23, v21  }
0x2b6: {  	v23 =	vld.idx.msk [tilespmem:v58+s31+$0x0], $0xffff;
	v21 =	vadd.s32 v24, v21;
	v24 =	vor.u32 s4, v17  }
0x2b7: {  	v21 =	vadd.s32 v26, v21;
	v26 =	vor.u32 s4, v18  }
0x2b8: {  	v62 =	vld.idx.msk [tilespmem:v59+s31+$0x0], $0xffff;
	v21 =	vadd.s32 v27, v21;
	v27 =	vor.u32 s4, v19  }
0x2b9: {  	v63 =	vld.idx.msk [tilespmem:v60+s31+$0x0], $0xffff;
	v21 =	vadd.s32 v25, v21  }
0x2ba: {  	v28 =	vld.idx.msk [tilespmem:v61+s31+$0x0], $0xffff;
	v21 =	vadd.s32 v22, v21  }
0x2bb: {  	v22 =	vadd.s32 v23, v21;
	v21 =	vld.idx.msk [tilespmem:v24+s31+$0x0], $0xffff  }
0x2bc: {  	v23 =	vld.idx.msk [tilespmem:v26+s31+$0x0], $0xffff  }
0x2bd: {  	v22 =	vadd.s32 v62, v22;
	v24 =	vld.idx.msk [tilespmem:v27+s31+$0x0], $0xffff  }
0x2be: {  	s7 =	simm.s32 $0x200;
	v26 =	vadd.s32 v63, v22  }
0x2bf: {  	s4 =	simm.s32 $0x300;
	v25 =	vor.u32 s7, v1;
	v22 =	vor.u32 s7, v5;
	v26 =	vadd.s32 v28, v26  }
.LBB2_33:
0x2c0: {  	p1 =	sne.s32 s4, $0xF00;
	v25 =	vand.u32 v4, v25;
	v21 =	vadd.s32 v21, v26  }
0x2c1: {  	v26 =	vor.u32 s7, v6;
	v21 =	vadd.s32 v23, v21  }
0x2c2: {  	s1 =	sadd.s32 $0x10, s1;
	v23 =	vor.u32 s7, v7;
	v21 =	vadd.s32 v24, v21  }
0x2c3: {  	v24 =	vor.u32 s7, v8;
	[tilespmem:s1+$0x0] =	vst v21  }
0x2c4: {  	v21 =	vld.idx.msk [tilespmem:v22+s31+$0x0], $0xffff;
	v22 =	vor.u32 s7, v9  }
0x2c5: {  	v27 =	vor.u32 s7, v10;
	v25 =	vld.idx.msk [tilespmem:v25+s31+$0x0], $0xffff  }
0x2c6: {  	v28 =	vor.u32 s7, v11;
	v26 =	vld.idx.msk [tilespmem:v26+s31+$0x0], $0xffff  }
0x2c7: {  	v29 =	vor.u32 s7, v12;
	v23 =	vld.idx.msk [tilespmem:v23+s31+$0x0], $0xffff  }
0x2c8: {  	v30 =	vor.u32 s7, v13;
	v24 =	vld.idx.msk [tilespmem:v24+s31+$0x0], $0xffff  }
0x2c9: {  	v31 =	vor.u32 s7, v14;
	v22 =	vld.idx.msk [tilespmem:v22+s31+$0x0], $0xffff  }
0x2ca: {  	v32 =	vor.u32 s7, v15;
	v27 =	vld.idx.msk [tilespmem:v27+s31+$0x0], $0xffff  }
0x2cb: {  	v21 =	vadd.s32 v25, v21;
	v25 =	vld.idx.msk [tilespmem:v28+s31+$0x0], $0xffff;
	v28 =	vor.u32 s7, v16  }
0x2cc: {  	v21 =	vadd.s32 v26, v21;
	v26 =	vld.idx.msk [tilespmem:v29+s31+$0x0], $0xffff;
	v29 =	vor.u32 s7, v17  }
0x2cd: {  	v21 =	vadd.s32 v23, v21;
	v23 =	vor.u32 s7, v18;
	v30 =	vld.idx.msk [tilespmem:v30+s31+$0x0], $0xffff  }
0x2ce: {  	v21 =	vadd.s32 v24, v21;
	v24 =	vor.u32 s7, v19;
	s7 =	smov.u32 s4;
	v31 =	vld.idx.msk [tilespmem:v31+s31+$0x0], $0xffff  }
0x2cf: {  	v21 =	vadd.s32 v22, v21;
	v22 =	vld.idx.msk [tilespmem:v32+s31+$0x0], $0xffff  }
0x2d0: {  	v21 =	vadd.s32 v27, v21;
	v27 =	vld.idx.msk [tilespmem:v28+s31+$0x0], $0xffff  }
0x2d1: {  	v25 =	vadd.s32 v25, v21;
	v21 =	vld.idx.msk [tilespmem:v29+s31+$0x0], $0xffff  }
.Ltmp18:
0x2d2: {  	v25 =	vadd.s32 v26, v25;
	v23 =	vld.idx.msk [tilespmem:v23+s31+$0x0], $0xffff;
	(pc) =	sbr.rel @p1 .LBB2_33-.Ltmp18, $4  }
0x2d3: {  	v25 =	vadd.s32 v30, v25;
	v24 =	vld.idx.msk [tilespmem:v24+s31+$0x0], $0xffff  }
0x2d4: {  	v25 =	vadd.s32 v31, v25  }
0x2d5: {  	v26 =	vadd.s32 v22, v25  }
0x2d6: {  	s4 =	sadd.s32 $0x100, s4;
	v25 =	vor.u32 s7, v1;
	v22 =	vor.u32 s7, v5;
	v26 =	vadd.s32 v27, v26  }
0x2d7: {  	v25 =	vand.u32 v4, v25;
	v21 =	vadd.s32 v21, v26  }
0x2d8: {  	v26 =	vor.u32 s7, v6;
	v21 =	vadd.s32 v23, v21  }
0x2d9: {  	s1 =	sadd.s32 $0x10, s1;
	v23 =	vor.u32 s7, v7;
	v21 =	vadd.s32 v24, v21  }
0x2da: {  	v24 =	vor.u32 s7, v8;
	[tilespmem:s1+$0x0] =	vst v21  }
0x2db: {  	v21 =	vld.idx.msk [tilespmem:v22+s31+$0x0], $0xffff;
	v22 =	vor.u32 s7, v9  }
0x2dc: {  	v27 =	vor.u32 s7, v10;
	v25 =	vld.idx.msk [tilespmem:v25+s31+$0x0], $0xffff  }
0x2dd: {  	v28 =	vor.u32 s7, v11;
	v26 =	vld.idx.msk [tilespmem:v26+s31+$0x0], $0xffff  }
0x2de: {  	v29 =	vor.u32 s7, v12;
	v23 =	vld.idx.msk [tilespmem:v23+s31+$0x0], $0xffff  }
0x2df: {  	v30 =	vor.u32 s7, v13;
	v24 =	vld.idx.msk [tilespmem:v24+s31+$0x0], $0xffff  }
0x2e0: {  	v31 =	vor.u32 s7, v14;
	v22 =	vld.idx.msk [tilespmem:v22+s31+$0x0], $0xffff  }
0x2e1: {  	v32 =	vor.u32 s7, v15;
	v27 =	vld.idx.msk [tilespmem:v27+s31+$0x0], $0xffff;
	v21 =	vadd.s32 v25, v21  }
0x2e2: {  	v54 =	vor.u32 s7, v16;
	v25 =	vld.idx.msk [tilespmem:v28+s31+$0x0], $0xffff;
	v21 =	vadd.s32 v26, v21  }
0x2e3: {  	v55 =	vor.u32 s7, v17;
	v26 =	vld.idx.msk [tilespmem:v29+s31+$0x0], $0xffff;
	v21 =	vadd.s32 v23, v21  }
0x2e4: {  	v56 =	vor.u32 s7, v18;
	v23 =	vld.idx.msk [tilespmem:v30+s31+$0x0], $0xffff;
	v21 =	vadd.s32 v24, v21  }
0x2e5: {  	v57 =	vor.u32 s7, v19;
	v24 =	vld.idx.msk [tilespmem:v31+s31+$0x0], $0xffff;
	v21 =	vadd.s32 v22, v21  }
0x2e6: {  	v22 =	vld.idx.msk [tilespmem:v32+s31+$0x0], $0xffff;
	v21 =	vadd.s32 v27, v21  }
0x2e7: {  	v27 =	vld.idx.msk [tilespmem:v54+s31+$0x0], $0xffff;
	v21 =	vadd.s32 v25, v21  }
0x2e8: {  	v25 =	vld.idx.msk [tilespmem:v55+s31+$0x0], $0xffff;
	v21 =	vadd.s32 v26, v21  }
0x2e9: {  	v26 =	vld.idx.msk [tilespmem:v56+s31+$0x0], $0xffff;
	v21 =	vadd.s32 v23, v21  }
0x2ea: {  	v23 =	vld.idx.msk [tilespmem:v57+s31+$0x0], $0xffff;
	v21 =	vadd.s32 v24, v21  }
0x2eb: {  	v21 =	vadd.s32 v22, v21  }
0x2ec: {  	v21 =	vadd.s32 v27, v21  }
0x2ed: {  	v21 =	vadd.s32 v25, v21  }
0x2ee: {  	v21 =	vadd.s32 v26, v21  }
0x2ef: {  	s1 =	sadd.s32 $0x10, s1;
	v21 =	vadd.s32 v23, v21  }
0x2f0: {  	[tilespmem:s1+$0x0] =	vst v21  }
0x2f1: {  	[spmem:s14] =	stream.linear.scatter [tilespmem:s2], [sflag:$0x1], $0x100, $0x38;
	[tilespmem:$0x15980] =	vst v63  }
0x2f2: {  	_ =	swait.ge [sflag:s28], $0x100  }
0x2f3: {  	[sflag:s28] =	ssyncset.done $0x0  }
0x2f4: {  	[sflag:s28] =	ssyncadd.s32 $0xFFFFFF00  }
0x2f5: {  	s4 =	simm.s32 $0x9C80;
	[bflag:$0x0] =	sbarrier.arrive $0xFFFF  }
0x2f6: {  	[tilespmem:s4], [sflag:$0x1] =	stream.linear.gather [spmem:s3], $0x1000, $0x38;
	[tilespmem:$0x15980] =	vst v63  }
0x2f7: {  	_ =	swait.ge [sflag:s28], $0x1000  }
0x2f8: {  	s1 =	simm.s32 $0x0;
	[sflag:s28] =	ssyncset.done $0x0  }
0x2f9: {  	s5 =	sand.u32 $0xF0, s1;
	[sflag:s28] =	ssyncadd.s32 $0xFFFFF000  }
0x2fa: {  	v22 =	vld [tilespmem:s5+$0x9D80]  }
0x2fb: {  	v23 =	vld [tilespmem:s4+$0x0]  }
0x2fc: {  	v24 =	vld [tilespmem:s5+$0x9E80]  }
0x2fd: {  	v25 =	vld [tilespmem:s5+$0x9F80]  }
0x2fe: {  	v26 =	vld [tilespmem:s5+$0xA080]  }
0x2ff: {  	v27 =	vld [tilespmem:s5+$0xA180]  }
0x300: {  	v58 =	vld [tilespmem:s5+$0xA280];
	v21 =	vadd.s32 v23, v22  }
0x301: {  	v59 =	vld [tilespmem:s5+$0xA380];
	v21 =	vadd.s32 v24, v21  }
0x302: {  	v60 =	vld [tilespmem:s5+$0xA480];
	v21 =	vadd.s32 v25, v21  }
0x303: {  	v61 =	vld [tilespmem:s5+$0xA580];
	v21 =	vadd.s32 v26, v21  }
0x304: {  	v33 =	vld [tilespmem:s5+$0xA680];
	v62 =	vadd.s32 v27, v21  }
0x305: {  	v34 =	vld [tilespmem:s5+$0xA780];
	v23 =	vsel vm14, $0x0, v23;
	v21 =	vimm.s32 $0x0;
	v32 =	vadd.s32 v58, v62  }
0x306: {  	v35 =	vld [tilespmem:s5+$0xA880];
	v22 =	vnsel vm13, $0x0, v22;
	v23 =	vadd.s32 v21, v23;
	v32 =	vadd.s32 v59, v32  }
0x307: {  	v36 =	vld [tilespmem:s5+$0xA980];
	v24 =	vnsel vm12, $0x0, v24;
	v22 =	vadd.s32 v22, v23;
	v32 =	vadd.s32 v60, v32  }
0x308: {  	v63 =	vld [tilespmem:s5+$0xAA80];
	v23 =	vnsel vm11, $0x0, v25;
	v22 =	vadd.s32 v24, v22;
	v25 =	vadd.s32 v61, v32  }
0x309: {  	v24 =	vnsel vm10, $0x0, v26;
	v26 =	vld [tilespmem:s5+$0xAB80];
	v22 =	vadd.s32 v23, v22;
	v25 =	vadd.s32 v33, v25  }
0x30a: {  	v23 =	vnsel vm9, $0x0, v27;
	v22 =	vadd.s32 v24, v22;
	v25 =	vadd.s32 v34, v25  }
0x30b: {  	v24 =	vnsel vm8, $0x0, v58;
	v22 =	vadd.s32 v23, v22;
	v25 =	vadd.s32 v35, v25  }
0x30c: {  	v23 =	vnsel vm7, $0x0, v59;
	v22 =	vadd.s32 v24, v22;
	v25 =	vadd.s32 v36, v25  }
0x30d: {  	v24 =	vnsel vm6, $0x0, v60;
	v22 =	vadd.s32 v23, v22;
	v25 =	vadd.s32 v63, v25  }
0x30e: {  	v23 =	vnsel vm5, $0x0, v61;
	v22 =	vadd.s32 v24, v22;
	v25 =	vadd.s32 v26, v25  }
0x30f: {  	v24 =	vnsel vm4, $0x0, v33;
	v22 =	vadd.s32 v23, v22;
	(xrf0) =	vadd.scan.msk.s32 $0xffff, v25  }
0x310: {  	v23 =	vnsel vm3, $0x0, v34;
	v22 =	vadd.s32 v24, v22  }
0x311: {  	v24 =	vnsel vm2, $0x0, v35;
	v22 =	vadd.s32 v23, v22  }
0x312: {  	v23 =	vnsel vm1, $0x0, v36;
	v22 =	vadd.s32 v24, v22  }
0x313: {  	v24 =	vnsel vm0, $0x0, v63;
	v22 =	vadd.s32 v23, v22  }
0x314: {  	v22 =	vadd.s32 v24, v22  }
0x315: {  	v22 =	vsub.s32 v22, v25;
	v23, _, _ =	vpop (xrf0)  }
0x316: {  	s7 =	simm.s32 $0x9A80;
	v22 =	vadd.s32 v23, v22  }
0x317: {  	[tilespmem:s7+$0x0] =	vst v22  }
0x318: {  	s12 =	simm.s32 $0x10;
	[tilespmem:$0xAC80] =	vst v23  }
0x319: {  	s12 =	sand.u32 $0xF0, s12;
	v24 =	vld.idx.msk [tilespmem:v20+s6+$0x0], $0xffff  }
0x31a: {  	s4 =	simm.s32 $0x9C90;
	v22 =	vld [tilespmem:s12+$0x9D80]  }
0x31b: {  	s5 =	simm.s32 $0x20;
	v23 =	vld [tilespmem:s4+$0x0]  }
.LBB2_35:
0x31c: {  	p1 =	sne.s32 s5, $0xF0;
	v25 =	vld [tilespmem:s12+$0x9E80]  }
0x31d: {  	v26 =	vld [tilespmem:s12+$0x9F80]  }
0x31e: {  	v27 =	vld [tilespmem:s12+$0xA080]  }
0x31f: {  	v21 =	vadd.s32 v21, v24;
	v28 =	vld [tilespmem:s12+$0xA180]  }
0x320: {  	v24 =	vadd.s32 v23, v22;
	v29 =	vld [tilespmem:s12+$0xA280]  }
0x321: {  	v24 =	vadd.s32 v25, v24;
	v30 =	vld [tilespmem:s12+$0xA380]  }
0x322: {  	v24 =	vadd.s32 v26, v24;
	v31 =	vld [tilespmem:s12+$0xA480]  }
0x323: {  	v24 =	vadd.s32 v27, v24;
	v32 =	vld [tilespmem:s12+$0xA580]  }
0x324: {  	v24 =	vadd.s32 v28, v24;
	v33 =	vld [tilespmem:s12+$0xA680]  }
0x325: {  	v23 =	vsel vm14, $0x0, v23;
	v24 =	vadd.s32 v29, v24;
	v34 =	vld [tilespmem:s12+$0xA780]  }
0x326: {  	v22 =	vnsel vm13, $0x0, v22;
	v23 =	vadd.s32 v21, v23;
	v24 =	vadd.s32 v30, v24;
	v35 =	vld [tilespmem:s12+$0xA880]  }
0x327: {  	v25 =	vnsel vm12, $0x0, v25;
	v22 =	vadd.s32 v22, v23;
	v24 =	vadd.s32 v31, v24;
	v36 =	vld [tilespmem:s12+$0xA980]  }
0x328: {  	v23 =	vnsel vm11, $0x0, v26;
	v22 =	vadd.s32 v25, v22;
	v24 =	vadd.s32 v32, v24;
	v26 =	vld [tilespmem:s12+$0xAA80]  }
0x329: {  	v25 =	vnsel vm10, $0x0, v27;
	v22 =	vadd.s32 v23, v22;
	v24 =	vadd.s32 v33, v24;
	v27 =	vld [tilespmem:s12+$0xAB80]  }
0x32a: {  	v23 =	vnsel vm9, $0x0, v28;
	v22 =	vadd.s32 v25, v22;
	v24 =	vadd.s32 v34, v24  }
0x32b: {  	v25 =	vnsel vm8, $0x0, v29;
	v22 =	vadd.s32 v23, v22;
	v24 =	vadd.s32 v35, v24  }
0x32c: {  	v23 =	vnsel vm7, $0x0, v30;
	v22 =	vadd.s32 v25, v22;
	v24 =	vadd.s32 v36, v24  }
0x32d: {  	v25 =	vnsel vm6, $0x0, v31;
	v22 =	vadd.s32 v23, v22;
	v24 =	vadd.s32 v26, v24  }
0x32e: {  	v23 =	vnsel vm5, $0x0, v32;
	v22 =	vadd.s32 v25, v22;
	v24 =	vadd.s32 v27, v24  }
0x32f: {  	v25 =	vnsel vm4, $0x0, v33;
	v22 =	vadd.s32 v23, v22;
	(xrf0) =	vadd.scan.msk.s32 $0xffff, v24  }
0x330: {  	v23 =	vnsel vm3, $0x0, v34;
	v22 =	vadd.s32 v25, v22  }
0x331: {  	v25 =	vnsel vm2, $0x0, v35;
	v22 =	vadd.s32 v23, v22  }
0x332: {  	v23 =	vnsel vm1, $0x0, v36;
	v22 =	vadd.s32 v25, v22  }
0x333: {  	v25 =	vnsel vm0, $0x0, v26;
	v22 =	vadd.s32 v23, v22  }
0x334: {  	v22 =	vadd.s32 v25, v22  }
0x335: {  	v22 =	vsub.s32 v22, v24;
	v23, _, _ =	vpop (xrf0)  }
0x336: {  	s7 =	sadd.s32 $0x10, s7;
	v22 =	vadd.s32 v23, v22  }
.Ltmp19:
0x337: {  	[tilespmem:s7+$0x0] =	vst v22;
	(pc) =	sbr.rel @p1 .LBB2_35-.Ltmp19, $4  }
0x338: {  	[tilespmem:$0xAC80] =	vst v23  }
0x339: {  	s12 =	sand.u32 $0xF0, s5;
	v24 =	vld.idx.msk [tilespmem:v20+s6+$0x0], $0xffff  }
0x33a: {  	s4 =	sadd.s32 $0x10, s4;
	v22 =	vld [tilespmem:s12+$0x9D80]  }
0x33b: {  	s5 =	sadd.s32 $0x10, s5;
	v23 =	vld [tilespmem:s4+$0x0]  }
0x33c: {  	v25 =	vld [tilespmem:s12+$0x9E80]  }
0x33d: {  	v26 =	vld [tilespmem:s12+$0x9F80]  }
0x33e: {  	v27 =	vld [tilespmem:s12+$0xA080]  }
0x33f: {  	v28 =	vld [tilespmem:s12+$0xA180]  }
0x340: {  	v30 =	vld [tilespmem:s12+$0xA280];
	v29 =	vadd.s32 v23, v22  }
0x341: {  	v31 =	vld [tilespmem:s12+$0xA380];
	v29 =	vadd.s32 v25, v29  }
0x342: {  	v32 =	vld [tilespmem:s12+$0xA480];
	v29 =	vadd.s32 v26, v29  }
0x343: {  	v33 =	vld [tilespmem:s12+$0xA580];
	v29 =	vadd.s32 v27, v29  }
0x344: {  	v34 =	vld [tilespmem:s12+$0xA680];
	v29 =	vadd.s32 v28, v29  }
0x345: {  	v60 =	vld [tilespmem:s12+$0xA780];
	v21 =	vadd.s32 v21, v24;
	v23 =	vsel vm14, $0x0, v23;
	v59 =	vadd.s32 v30, v29  }
0x346: {  	v35 =	vld [tilespmem:s12+$0xA880];
	v22 =	vnsel vm13, $0x0, v22;
	v21 =	vadd.s32 v21, v23;
	v24 =	vadd.s32 v31, v59  }
0x347: {  	v61 =	vld [tilespmem:s12+$0xA980];
	v23 =	vnsel vm12, $0x0, v25;
	v21 =	vadd.s32 v22, v21;
	v24 =	vadd.s32 v32, v24  }
0x348: {  	v62 =	vld [tilespmem:s12+$0xAA80];
	v22 =	vnsel vm11, $0x0, v26;
	v21 =	vadd.s32 v23, v21;
	v24 =	vadd.s32 v33, v24  }
0x349: {  	v63 =	vld [tilespmem:s12+$0xAB80];
	v23 =	vnsel vm10, $0x0, v27;
	v21 =	vadd.s32 v22, v21;
	v24 =	vadd.s32 v34, v24  }
0x34a: {  	v22 =	vnsel vm9, $0x0, v28;
	v21 =	vadd.s32 v23, v21;
	v24 =	vadd.s32 v60, v24  }
0x34b: {  	v23 =	vnsel vm8, $0x0, v30;
	v21 =	vadd.s32 v22, v21;
	v24 =	vadd.s32 v35, v24  }
0x34c: {  	v22 =	vnsel vm7, $0x0, v31;
	v21 =	vadd.s32 v23, v21;
	v24 =	vadd.s32 v61, v24  }
0x34d: {  	v23 =	vnsel vm6, $0x0, v32;
	v21 =	vadd.s32 v22, v21;
	v24 =	vadd.s32 v62, v24  }
0x34e: {  	v22 =	vnsel vm5, $0x0, v33;
	v21 =	vadd.s32 v23, v21;
	v24 =	vadd.s32 v63, v24  }
0x34f: {  	v23 =	vnsel vm4, $0x0, v34;
	v21 =	vadd.s32 v22, v21;
	(xrf0) =	vadd.scan.msk.s32 $0xffff, v24  }
0x350: {  	v22 =	vnsel vm3, $0x0, v60;
	v21 =	vadd.s32 v23, v21  }
0x351: {  	v23 =	vnsel vm2, $0x0, v35;
	v21 =	vadd.s32 v22, v21  }
0x352: {  	v22 =	vnsel vm1, $0x0, v61;
	v21 =	vadd.s32 v23, v21  }
0x353: {  	v23 =	vnsel vm0, $0x0, v62;
	v21 =	vadd.s32 v22, v21  }
0x354: {  	v21 =	vadd.s32 v23, v21  }
0x355: {  	v21 =	vsub.s32 v21, v24;
	v22, _, _ =	vpop (xrf0)  }
0x356: {  	s4 =	sadd.s32 $0x10, s7;
	v21 =	vadd.s32 v22, v21  }
0x357: {  	[tilespmem:s4+$0x0] =	vst v21  }
0x358: {  	s12 =	simm.s32 $0x7A80;
	[tilespmem:$0xAC80] =	vst v22  }
0x359: {  	v21 =	vld [tilespmem:s12+$0x0]  }
0x35a: {  	v22 =	vmov s1;
	_ =	sdelay $0x3  }
0x35b: {  	(xrf0) =	vadd.scan.msk.s32 $0xffff, v21  }
0x35c: {  	v22 =	vld.idx.msk [tilespmem:v22+s8+$0x0], $0xffff;
	_ =	sdelay $0x4  }
0x35d: {  	v21 =	vsub.s32 v22, v21;
	v22, _, _ =	vpop (xrf0)  }
0x35e: {  	s1 =	simm.s32 $0x8A80;
	v21 =	vadd.s32 v22, v21  }
0x35f: {  	s5 =	simm.s32 $0x1;
	s4 =	simm.s32 $0x7A90;
	[tilespmem:s1+$0x0] =	vst v21  }
0x360: {  	v22 =	vmov s5;
	s5 =	simm.s32 $0x2;
	v21 =	vld [tilespmem:s4+$0x0]  }
.LBB2_37:
0x361: {  	p1 =	sne.s32 s5, $0xFF;
	_ =	sdelay $0x3  }
0x362: {  	v22 =	vld.idx.msk [tilespmem:v22+s8+$0x0], $0xffff;
	(xrf0) =	vadd.scan.msk.s32 $0xffff, v21;
	_ =	sdelay $0x4  }
.Ltmp20:
0x363: {  	(pc) =	sbr.rel @p1 .LBB2_37-.Ltmp20, $4  }
0x364: {  	v21 =	vsub.s32 v22, v21;
	v22, _, _ =	vpop (xrf0)  }
0x365: {  	s1 =	sadd.s32 $0x10, s1;
	v21 =	vadd.s32 v22, v21  }
0x366: {  	s4 =	sadd.s32 $0x10, s4;
	[tilespmem:s1+$0x0] =	vst v21  }
0x367: {  	v22 =	vmov s5;
	s5 =	sadd.s32 $0x1, s5;
	v21 =	vld [tilespmem:s4+$0x0]  }
0x368: {  	_ =	sdelay $0x3  }
0x369: {  	(xrf0) =	vadd.scan.msk.s32 $0xffff, v21  }
0x36a: {  	v22 =	vld.idx.msk [tilespmem:v22+s8+$0x0], $0xffff;
	_ =	sdelay $0x4  }
0x36b: {  	v21 =	vsub.s32 v22, v21;
	v22, _, _ =	vpop (xrf0)  }
0x36c: {  	s1 =	sadd.s32 $0x10, s1;
	s4 =	simm.s32 $0x0;
	v21 =	vadd.s32 v22, v21  }
0x36d: {  	[tilespmem:s1+$0x0] =	vst v21;
	v21 =	vadd.s32 s4, v3  }
0x36e: {  	[tilespmem:s30], [sflag:$0x1] =	stream.linear.gather [spmem:s15], $0x1880, $0x38;
	[tilespmem:$0x15980] =	vst v63  }
0x36f: {  	_ =	swait.ge [sflag:s28], $0x1880  }
0x370: {  	[sflag:s28] =	ssyncset.done $0x0  }
0x371: {  	[sflag:s28] =	ssyncadd.s32 $0xFFFFE780  }
0x372: {  	v22 =	vld.idx.msk [tilespmem:v21+s29+$0x0], $0xffff;
	_ =	sdelay $0x4  }
0x373: {  	v22 =	vshrl.u32 v22, $0xC  }
0x374: {  	v22 =	vand.u32 $0xFF0, v22  }
0x375: {  	v22 =	vor.u32 v0, v22;
	_ =	sdelay $0x4  }
0x376: {  	v24 =	vld.idx.msk [tilespmem:v22+s9+$0x0], $0xffff;
	_ =	sdelay $0x2  }
0x377: {  	s12 =	simm.s32 $0x1  }
0x378: {  	v23 =	vadd.s32 s12, v3;
	s1 =	simm.s32 $0x2  }
.LBB2_39:
0x379: {  	p1 =	sne.s32 s1, $0x187;
	v25 =	vadd.s32 $0x1, v24  }
0x37a: {  	[tilespmem:v22+s9+$0x0] =	vst.idx.msk $0xffff, v25  }
0x37b: {  	[tilespmem:v21+s0+$0x0] =	vst.idx.msk $0xffff, v24;
	v21 =	vmov v23  }
0x37c: {  	v22 =	vld.idx.msk [tilespmem:v23+s29+$0x0], $0xffff;
	_ =	sdelay $0x5  }
0x37d: {  	v22 =	vshrl.u32 v22, $0xC  }
0x37e: {  	v22 =	vand.u32 $0xFF0, v22  }
0x37f: {  	v22 =	vor.u32 v0, v22;
	_ =	sdelay $0x4  }
0x380: {  	v24 =	vld.idx.msk [tilespmem:v22+s9+$0x0], $0xffff  }
.Ltmp21:
0x381: {  	(pc) =	sbr.rel @p1 .LBB2_39-.Ltmp21, $3  }
0x382: {  	_ =	sdelay $0x1  }
0x383: {  	v23 =	vadd.s32 s1, v3  }
0x384: {  	s1 =	sadd.s32 $0x1, s1  }
0x385: {  	_ =	sdelay $0x2  }
0x386: {  	v25 =	vadd.s32 $0x1, v24  }
0x387: {  	[tilespmem:v22+s9+$0x0] =	vst.idx.msk $0xffff, v25  }
0x388: {  	[tilespmem:v21+s0+$0x0] =	vst.idx.msk $0xffff, v24  }
0x389: {  	v21 =	vld.idx.msk [tilespmem:v23+s29+$0x0], $0xffff;
	_ =	sdelay $0x4  }
0x38a: {  	v21 =	vshrl.u32 v21, $0xC  }
0x38b: {  	v21 =	vand.u32 $0xFF0, v21  }
0x38c: {  	v21 =	vor.u32 v0, v21;
	_ =	sdelay $0x4  }
0x38d: {  	v22 =	vld.idx.msk [tilespmem:v21+s9+$0x0], $0xffff;
	_ =	sdelay $0x4  }
0x38e: {  	v63 =	vadd.s32 $0x1, v22  }
0x38f: {  	[tilespmem:v21+s9+$0x0] =	vst.idx.msk $0xffff, v63  }
0x390: {  	s1 =	rddreg [dreg:$0x5];
	[tilespmem:v23+s0+$0x0] =	vst.idx.msk $0xffff, v22  }
0x391: {  	[spmem:s1] =	stream.indirect.scatter [tilespmem:s29], [sflag:$0x1], $0x1, s0, s29, $0xb8;
	[tilespmem:$0x15980] =	vst v63  }
0x392: {  	_ =	swait.ge [sflag:s28], $0x1880  }
0x393: {  	[sflag:s28] =	ssyncset.done $0x0  }
0x394: {  	[sflag:s28] =	ssyncadd.s32 $0xFFFFE780  }
0x395: {  	s12 =	rddreg [dreg:$0x6]  }
0x396: {  	[spmem:s12] =	stream.indirect.scatter [tilespmem:s30], [sflag:$0x1], $0x1, s0, s29, $0xb8;
	[tilespmem:$0x15980] =	vst v63  }
0x397: {  	_ =	swait.ge [sflag:s28], $0x1880  }
0x398: {  	[sflag:s28] =	ssyncset.done $0x0  }
0x399: {  	[sflag:s28] =	ssyncadd.s32 $0xFFFFE780  }
0x39a: {  	[bflag:$0x0] =	sbarrier.arrive $0xFFFF  }
0x39b: {  	[tilespmem:s29], [sflag:$0x1] =	stream.linear.gather [spmem:s16], $0x1880, $0x38;
	[tilespmem:$0x15980] =	vst v63  }
0x39c: {  	_ =	swait.ge [sflag:s28], $0x1880  }
0x39d: {  	s4 =	simm.s32 $0x40;
	[sflag:s28] =	ssyncset.done $0x0  }
0x39e: {  	s5 =	simm.s32 $0x0;
	s1 =	simm.s32 $0x0;
	[sflag:s28] =	ssyncadd.s32 $0xFFFFE780  }
.LBB2_41:
0x39f: {  	p1 =	sne.s32 s4, $0x3FC0;
	[tilespmem:s5+$0x7A80] =	vst v2;
	s5 =	smov.u32 s4;
	s4 =	sadd.s32 $0x40, s4  }
.Ltmp22:
0x3a0: {  	(pc) =	sbr.rel @p1 .LBB2_41-.Ltmp22, $2  }
0x3a1: {  	_ =	sdelay $0x2  }
0x3a2: {  	s5 =	sshra.s32 s5, $0x2  }
0x3a3: {  	[tilespmem:s5+$0x7A80] =	vst v2  }
.LBB2_43:
0x3a4: {  	v21 =	vadd.s32 s1, v3;
	_ =	sdelay $0x4  }
0x3a5: {  	v21 =	vld.idx.msk [tilespmem:v21+s29+$0x0], $0xffff;
	_ =	sdelay $0x4  }
0x3a6: {  	v21 =	vshrl.u32 v21, $0x14  }
0x3a7: {  	v21 =	vand.u32 $0xFF0, v21  }
0x3a8: {  	v21 =	vor.u32 v0, v21;
	_ =	sdelay $0x4  }
0x3a9: {  	v22 =	vld.idx.msk [tilespmem:v21+s31+$0x0], $0xffff  }
0x3aa: {  	p1 =	sne.s32 s1, $0x187  }
.Ltmp23:
0x3ab: {  	_ = 	snop;
	(pc) =	sbr.rel @p1 .LBB2_43-.Ltmp23, $3  }
0x3ac: {  	_ =	sdelay $0x1  }
0x3ad: {  	v22 =	vadd.s32 $0x1, v22  }
0x3ae: {  	s1 =	sadd.s32 $0x1, s1;
	[tilespmem:v21+s31+$0x0] =	vst.idx.msk $0xffff, v22  }
0x3af: {  	s1 =	simm.s32 $0x0  }
0x3b0: {  	v21 =	vor.u32 s1, v1;
	v22 =	vor.u32 s1, v5  }
0x3b1: {  	v21 =	vand.u32 v4, v21  }
0x3b2: {  	v23 =	vor.u32 s1, v6  }
0x3b3: {  	v24 =	vor.u32 s1, v7  }
0x3b4: {  	v25 =	vor.u32 s1, v8  }
0x3b5: {  	v26 =	vor.u32 s1, v9;
	v22 =	vld.idx.msk [tilespmem:v22+s31+$0x0], $0xffff  }
0x3b6: {  	v27 =	vor.u32 s1, v10;
	v21 =	vld.idx.msk [tilespmem:v21+s31+$0x0], $0xffff  }
0x3b7: {  	v28 =	vor.u32 s1, v11;
	v23 =	vld.idx.msk [tilespmem:v23+s31+$0x0], $0xffff  }
0x3b8: {  	v29 =	vor.u32 s1, v12;
	v24 =	vld.idx.msk [tilespmem:v24+s31+$0x0], $0xffff  }
0x3b9: {  	v30 =	vor.u32 s1, v13;
	v25 =	vld.idx.msk [tilespmem:v25+s31+$0x0], $0xffff  }
0x3ba: {  	v31 =	vor.u32 s1, v14;
	v26 =	vld.idx.msk [tilespmem:v26+s31+$0x0], $0xffff  }
0x3bb: {  	v32 =	vor.u32 s1, v15;
	v27 =	vld.idx.msk [tilespmem:v27+s31+$0x0], $0xffff;
	v21 =	vadd.s32 v21, v22  }
0x3bc: {  	v52 =	vor.u32 s1, v16;
	v22 =	vld.idx.msk [tilespmem:v28+s31+$0x0], $0xffff;
	v21 =	vadd.s32 v23, v21  }
0x3bd: {  	v53 =	vor.u32 s1, v17;
	v23 =	vld.idx.msk [tilespmem:v29+s31+$0x0], $0xffff;
	v21 =	vadd.s32 v24, v21  }
0x3be: {  	v54 =	vor.u32 s1, v18;
	v24 =	vld.idx.msk [tilespmem:v30+s31+$0x0], $0xffff;
	v21 =	vadd.s32 v25, v21  }
0x3bf: {  	v55 =	vor.u32 s1, v19;
	v25 =	vld.idx.msk [tilespmem:v31+s31+$0x0], $0xffff;
	v21 =	vadd.s32 v26, v21  }
0x3c0: {  	v26 =	vld.idx.msk [tilespmem:v32+s31+$0x0], $0xffff;
	v21 =	vadd.s32 v27, v21  }
0x3c1: {  	v27 =	vld.idx.msk [tilespmem:v52+s31+$0x0], $0xffff;
	v21 =	vadd.s32 v22, v21  }
0x3c2: {  	v22 =	vld.idx.msk [tilespmem:v53+s31+$0x0], $0xffff;
	v21 =	vadd.s32 v23, v21  }
0x3c3: {  	v23 =	vld.idx.msk [tilespmem:v54+s31+$0x0], $0xffff;
	v21 =	vadd.s32 v24, v21  }
0x3c4: {  	v24 =	vld.idx.msk [tilespmem:v55+s31+$0x0], $0xffff;
	v21 =	vadd.s32 v25, v21  }
0x3c5: {  	s4 =	simm.s32 $0x100;
	v21 =	vadd.s32 v26, v21  }
0x3c6: {  	v25 =	vor.u32 s4, v1;
	v26 =	vor.u32 s4, v5;
	v21 =	vadd.s32 v27, v21  }
0x3c7: {  	v25 =	vand.u32 v4, v25;
	v21 =	vadd.s32 v22, v21  }
0x3c8: {  	v22 =	vor.u32 s4, v6;
	v21 =	vadd.s32 v23, v21  }
0x3c9: {  	s1 =	simm.s32 $0x9B80;
	v23 =	vor.u32 s4, v7;
	v21 =	vadd.s32 v24, v21  }
0x3ca: {  	v24 =	vor.u32 s4, v8;
	[tilespmem:s1+$0x0] =	vst v21  }
0x3cb: {  	v21 =	vld.idx.msk [tilespmem:v26+s31+$0x0], $0xffff;
	v26 =	vor.u32 s4, v9  }
0x3cc: {  	v27 =	vor.u32 s4, v10;
	v25 =	vld.idx.msk [tilespmem:v25+s31+$0x0], $0xffff  }
0x3cd: {  	v56 =	vor.u32 s4, v11;
	v22 =	vld.idx.msk [tilespmem:v22+s31+$0x0], $0xffff  }
0x3ce: {  	v57 =	vor.u32 s4, v12;
	v23 =	vld.idx.msk [tilespmem:v23+s31+$0x0], $0xffff  }
0x3cf: {  	v58 =	vor.u32 s4, v13;
	v24 =	vld.idx.msk [tilespmem:v24+s31+$0x0], $0xffff  }
0x3d0: {  	v26 =	vld.idx.msk [tilespmem:v26+s31+$0x0], $0xffff  }
0x3d1: {  	v59 =	vor.u32 s4, v14;
	v27 =	vld.idx.msk [tilespmem:v27+s31+$0x0], $0xffff;
	v21 =	vadd.s32 v25, v21  }
0x3d2: {  	v60 =	vor.u32 s4, v15;
	v25 =	vld.idx.msk [tilespmem:v56+s31+$0x0], $0xffff;
	v21 =	vadd.s32 v22, v21  }
0x3d3: {  	v61 =	vor.u32 s4, v16;
	v22 =	vld.idx.msk [tilespmem:v57+s31+$0x0], $0xffff;
	v21 =	vadd.s32 v23, v21  }
0x3d4: {  	v23 =	vld.idx.msk [tilespmem:v58+s31+$0x0], $0xffff;
	v21 =	vadd.s32 v24, v21;
	v24 =	vor.u32 s4, v17  }
0x3d5: {  	v21 =	vadd.s32 v26, v21;
	v26 =	vor.u32 s4, v18  }
0x3d6: {  	v62 =	vld.idx.msk [tilespmem:v59+s31+$0x0], $0xffff;
	v21 =	vadd.s32 v27, v21;
	v27 =	vor.u32 s4, v19  }
0x3d7: {  	v63 =	vld.idx.msk [tilespmem:v60+s31+$0x0], $0xffff;
	v21 =	vadd.s32 v25, v21  }
0x3d8: {  	v28 =	vld.idx.msk [tilespmem:v61+s31+$0x0], $0xffff;
	v21 =	vadd.s32 v22, v21  }
0x3d9: {  	v22 =	vadd.s32 v23, v21;
	v21 =	vld.idx.msk [tilespmem:v24+s31+$0x0], $0xffff  }
0x3da: {  	v23 =	vld.idx.msk [tilespmem:v26+s31+$0x0], $0xffff  }
0x3db: {  	v22 =	vadd.s32 v62, v22;
	v24 =	vld.idx.msk [tilespmem:v27+s31+$0x0], $0xffff  }
0x3dc: {  	s7 =	simm.s32 $0x200;
	v26 =	vadd.s32 v63, v22  }
0x3dd: {  	s4 =	simm.s32 $0x300;
	v25 =	vor.u32 s7, v1;
	v22 =	vor.u32 s7, v5;
	v26 =	vadd.s32 v28, v26  }
.LBB2_45:
0x3de: {  	p1 =	sne.s32 s4, $0xF00;
	v25 =	vand.u32 v4, v25;
	v21 =	vadd.s32 v21, v26  }
0x3df: {  	v26 =	vor.u32 s7, v6;
	v21 =	vadd.s32 v23, v21  }
0x3e0: {  	s1 =	sadd.s32 $0x10, s1;
	v23 =	vor.u32 s7, v7;
	v21 =	vadd.s32 v24, v21  }
0x3e1: {  	v24 =	vor.u32 s7, v8;
	[tilespmem:s1+$0x0] =	vst v21  }
0x3e2: {  	v21 =	vld.idx.msk [tilespmem:v22+s31+$0x0], $0xffff;
	v22 =	vor.u32 s7, v9  }
0x3e3: {  	v27 =	vor.u32 s7, v10;
	v25 =	vld.idx.msk [tilespmem:v25+s31+$0x0], $0xffff  }
0x3e4: {  	v28 =	vor.u32 s7, v11;
	v26 =	vld.idx.msk [tilespmem:v26+s31+$0x0], $0xffff  }
0x3e5: {  	v29 =	vor.u32 s7, v12;
	v23 =	vld.idx.msk [tilespmem:v23+s31+$0x0], $0xffff  }
0x3e6: {  	v30 =	vor.u32 s7, v13;
	v24 =	vld.idx.msk [tilespmem:v24+s31+$0x0], $0xffff  }
0x3e7: {  	v31 =	vor.u32 s7, v14;
	v22 =	vld.idx.msk [tilespmem:v22+s31+$0x0], $0xffff  }
0x3e8: {  	v32 =	vor.u32 s7, v15;
	v27 =	vld.idx.msk [tilespmem:v27+s31+$0x0], $0xffff  }
0x3e9: {  	v21 =	vadd.s32 v25, v21;
	v25 =	vld.idx.msk [tilespmem:v28+s31+$0x0], $0xffff;
	v28 =	vor.u32 s7, v16  }
0x3ea: {  	v21 =	vadd.s32 v26, v21;
	v26 =	vld.idx.msk [tilespmem:v29+s31+$0x0], $0xffff;
	v29 =	vor.u32 s7, v17  }
0x3eb: {  	v21 =	vadd.s32 v23, v21;
	v23 =	vor.u32 s7, v18;
	v30 =	vld.idx.msk [tilespmem:v30+s31+$0x0], $0xffff  }
0x3ec: {  	v21 =	vadd.s32 v24, v21;
	v24 =	vor.u32 s7, v19;
	s7 =	smov.u32 s4;
	v31 =	vld.idx.msk [tilespmem:v31+s31+$0x0], $0xffff  }
0x3ed: {  	v21 =	vadd.s32 v22, v21;
	v22 =	vld.idx.msk [tilespmem:v32+s31+$0x0], $0xffff  }
0x3ee: {  	v21 =	vadd.s32 v27, v21;
	v27 =	vld.idx.msk [tilespmem:v28+s31+$0x0], $0xffff  }
0x3ef: {  	v25 =	vadd.s32 v25, v21;
	v21 =	vld.idx.msk [tilespmem:v29+s31+$0x0], $0xffff  }
.Ltmp24:
0x3f0: {  	v25 =	vadd.s32 v26, v25;
	v23 =	vld.idx.msk [tilespmem:v23+s31+$0x0], $0xffff;
	(pc) =	sbr.rel @p1 .LBB2_45-.Ltmp24, $4  }
0x3f1: {  	v25 =	vadd.s32 v30, v25;
	v24 =	vld.idx.msk [tilespmem:v24+s31+$0x0], $0xffff  }
0x3f2: {  	v25 =	vadd.s32 v31, v25  }
0x3f3: {  	v26 =	vadd.s32 v22, v25  }
0x3f4: {  	s4 =	sadd.s32 $0x100, s4;
	v25 =	vor.u32 s7, v1;
	v22 =	vor.u32 s7, v5;
	v26 =	vadd.s32 v27, v26  }
0x3f5: {  	v25 =	vand.u32 v4, v25;
	v21 =	vadd.s32 v21, v26  }
0x3f6: {  	v26 =	vor.u32 s7, v6;
	v21 =	vadd.s32 v23, v21  }
0x3f7: {  	s1 =	sadd.s32 $0x10, s1;
	v23 =	vor.u32 s7, v7;
	v21 =	vadd.s32 v24, v21  }
0x3f8: {  	v24 =	vor.u32 s7, v8;
	[tilespmem:s1+$0x0] =	vst v21  }
0x3f9: {  	v21 =	vld.idx.msk [tilespmem:v22+s31+$0x0], $0xffff;
	v22 =	vor.u32 s7, v9  }
0x3fa: {  	v27 =	vor.u32 s7, v10;
	v25 =	vld.idx.msk [tilespmem:v25+s31+$0x0], $0xffff  }
0x3fb: {  	v28 =	vor.u32 s7, v11;
	v26 =	vld.idx.msk [tilespmem:v26+s31+$0x0], $0xffff  }
0x3fc: {  	v29 =	vor.u32 s7, v12;
	v23 =	vld.idx.msk [tilespmem:v23+s31+$0x0], $0xffff  }
0x3fd: {  	v30 =	vor.u32 s7, v13;
	v24 =	vld.idx.msk [tilespmem:v24+s31+$0x0], $0xffff  }
0x3fe: {  	v31 =	vor.u32 s7, v14;
	v22 =	vld.idx.msk [tilespmem:v22+s31+$0x0], $0xffff  }
0x3ff: {  	v32 =	vor.u32 s7, v15;
	v27 =	vld.idx.msk [tilespmem:v27+s31+$0x0], $0xffff;
	v21 =	vadd.s32 v25, v21  }
0x400: {  	v54 =	vor.u32 s7, v16;
	v25 =	vld.idx.msk [tilespmem:v28+s31+$0x0], $0xffff;
	v21 =	vadd.s32 v26, v21  }
0x401: {  	v55 =	vor.u32 s7, v17;
	v26 =	vld.idx.msk [tilespmem:v29+s31+$0x0], $0xffff;
	v21 =	vadd.s32 v23, v21  }
0x402: {  	v56 =	vor.u32 s7, v18;
	v23 =	vld.idx.msk [tilespmem:v30+s31+$0x0], $0xffff;
	v21 =	vadd.s32 v24, v21  }
0x403: {  	v57 =	vor.u32 s7, v19;
	v24 =	vld.idx.msk [tilespmem:v31+s31+$0x0], $0xffff;
	v21 =	vadd.s32 v22, v21  }
0x404: {  	v22 =	vld.idx.msk [tilespmem:v32+s31+$0x0], $0xffff;
	v21 =	vadd.s32 v27, v21  }
0x405: {  	v27 =	vld.idx.msk [tilespmem:v54+s31+$0x0], $0xffff;
	v21 =	vadd.s32 v25, v21  }
0x406: {  	v25 =	vld.idx.msk [tilespmem:v55+s31+$0x0], $0xffff;
	v21 =	vadd.s32 v26, v21  }
0x407: {  	v26 =	vld.idx.msk [tilespmem:v56+s31+$0x0], $0xffff;
	v21 =	vadd.s32 v23, v21  }
0x408: {  	v23 =	vld.idx.msk [tilespmem:v57+s31+$0x0], $0xffff;
	v21 =	vadd.s32 v24, v21  }
0x409: {  	v21 =	vadd.s32 v22, v21  }
0x40a: {  	v21 =	vadd.s32 v27, v21  }
0x40b: {  	v21 =	vadd.s32 v25, v21  }
0x40c: {  	v21 =	vadd.s32 v26, v21  }
0x40d: {  	s1 =	sadd.s32 $0x10, s1;
	v21 =	vadd.s32 v23, v21  }
0x40e: {  	[tilespmem:s1+$0x0] =	vst v21  }
0x40f: {  	[spmem:s14] =	stream.linear.scatter [tilespmem:s2], [sflag:$0x1], $0x100, $0x38;
	[tilespmem:$0x15980] =	vst v63  }
0x410: {  	_ =	swait.ge [sflag:s28], $0x100  }
0x411: {  	[sflag:s28] =	ssyncset.done $0x0  }
0x412: {  	[sflag:s28] =	ssyncadd.s32 $0xFFFFFF00  }
0x413: {  	s4 =	simm.s32 $0x9C80;
	[bflag:$0x0] =	sbarrier.arrive $0xFFFF  }
0x414: {  	[tilespmem:s4], [sflag:$0x1] =	stream.linear.gather [spmem:s3], $0x1000, $0x38;
	[tilespmem:$0x15980] =	vst v63  }
0x415: {  	_ =	swait.ge [sflag:s28], $0x1000  }
0x416: {  	s1 =	simm.s32 $0x0;
	[sflag:s28] =	ssyncset.done $0x0  }
0x417: {  	s5 =	sand.u32 $0xF0, s1;
	[sflag:s28] =	ssyncadd.s32 $0xFFFFF000  }
0x418: {  	v22 =	vld [tilespmem:s5+$0x9D80]  }
0x419: {  	v23 =	vld [tilespmem:s4+$0x0]  }
0x41a: {  	v24 =	vld [tilespmem:s5+$0x9E80]  }
0x41b: {  	v25 =	vld [tilespmem:s5+$0x9F80]  }
0x41c: {  	v26 =	vld [tilespmem:s5+$0xA080]  }
0x41d: {  	v27 =	vld [tilespmem:s5+$0xA180]  }
0x41e: {  	v58 =	vld [tilespmem:s5+$0xA280];
	v21 =	vadd.s32 v23, v22  }
0x41f: {  	v59 =	vld [tilespmem:s5+$0xA380];
	v21 =	vadd.s32 v24, v21  }
0x420: {  	v60 =	vld [tilespmem:s5+$0xA480];
	v21 =	vadd.s32 v25, v21  }
0x421: {  	v61 =	vld [tilespmem:s5+$0xA580];
	v21 =	vadd.s32 v26, v21  }
0x422: {  	v33 =	vld [tilespmem:s5+$0xA680];
	v62 =	vadd.s32 v27, v21  }
0x423: {  	v34 =	vld [tilespmem:s5+$0xA780];
	v23 =	vsel vm14, $0x0, v23;
	v21 =	vimm.s32 $0x0;
	v32 =	vadd.s32 v58, v62  }
0x424: {  	v35 =	vld [tilespmem:s5+$0xA880];
	v22 =	vnsel vm13, $0x0, v22;
	v23 =	vadd.s32 v21, v23;
	v32 =	vadd.s32 v59, v32  }
0x425: {  	v36 =	vld [tilespmem:s5+$0xA980];
	v24 =	vnsel vm12, $0x0, v24;
	v22 =	vadd.s32 v22, v23;
	v32 =	vadd.s32 v60, v32  }
0x426: {  	v63 =	vld [tilespmem:s5+$0xAA80];
	v23 =	vnsel vm11, $0x0, v25;
	v22 =	vadd.s32 v24, v22;
	v25 =	vadd.s32 v61, v32  }
0x427: {  	v24 =	vnsel vm10, $0x0, v26;
	v26 =	vld [tilespmem:s5+$0xAB80];
	v22 =	vadd.s32 v23, v22;
	v25 =	vadd.s32 v33, v25  }
0x428: {  	v23 =	vnsel vm9, $0x0, v27;
	v22 =	vadd.s32 v24, v22;
	v25 =	vadd.s32 v34, v25  }
0x429: {  	v24 =	vnsel vm8, $0x0, v58;
	v22 =	vadd.s32 v23, v22;
	v25 =	vadd.s32 v35, v25  }
0x42a: {  	v23 =	vnsel vm7, $0x0, v59;
	v22 =	vadd.s32 v24, v22;
	v25 =	vadd.s32 v36, v25  }
0x42b: {  	v24 =	vnsel vm6, $0x0, v60;
	v22 =	vadd.s32 v23, v22;
	v25 =	vadd.s32 v63, v25  }
0x42c: {  	v23 =	vnsel vm5, $0x0, v61;
	v22 =	vadd.s32 v24, v22;
	v25 =	vadd.s32 v26, v25  }
0x42d: {  	v24 =	vnsel vm4, $0x0, v33;
	v22 =	vadd.s32 v23, v22;
	(xrf0) =	vadd.scan.msk.s32 $0xffff, v25  }
0x42e: {  	v23 =	vnsel vm3, $0x0, v34;
	v22 =	vadd.s32 v24, v22  }
0x42f: {  	v24 =	vnsel vm2, $0x0, v35;
	v22 =	vadd.s32 v23, v22  }
0x430: {  	v23 =	vnsel vm1, $0x0, v36;
	v22 =	vadd.s32 v24, v22  }
0x431: {  	v24 =	vnsel vm0, $0x0, v63;
	v22 =	vadd.s32 v23, v22  }
0x432: {  	v22 =	vadd.s32 v24, v22  }
0x433: {  	v22 =	vsub.s32 v22, v25;
	v23, _, _ =	vpop (xrf0)  }
0x434: {  	s7 =	simm.s32 $0x9A80;
	v22 =	vadd.s32 v23, v22  }
0x435: {  	[tilespmem:s7+$0x0] =	vst v22  }
0x436: {  	s12 =	simm.s32 $0x10;
	[tilespmem:$0xAC80] =	vst v23  }
0x437: {  	s12 =	sand.u32 $0xF0, s12;
	v24 =	vld.idx.msk [tilespmem:v20+s6+$0x0], $0xffff  }
0x438: {  	s4 =	simm.s32 $0x9C90;
	v22 =	vld [tilespmem:s12+$0x9D80]  }
0x439: {  	s5 =	simm.s32 $0x20;
	v23 =	vld [tilespmem:s4+$0x0]  }
.LBB2_47:
0x43a: {  	p1 =	sne.s32 s5, $0xF0;
	v25 =	vld [tilespmem:s12+$0x9E80]  }
0x43b: {  	v26 =	vld [tilespmem:s12+$0x9F80]  }
0x43c: {  	v27 =	vld [tilespmem:s12+$0xA080]  }
0x43d: {  	v21 =	vadd.s32 v21, v24;
	v28 =	vld [tilespmem:s12+$0xA180]  }
0x43e: {  	v24 =	vadd.s32 v23, v22;
	v29 =	vld [tilespmem:s12+$0xA280]  }
0x43f: {  	v24 =	vadd.s32 v25, v24;
	v30 =	vld [tilespmem:s12+$0xA380]  }
0x440: {  	v24 =	vadd.s32 v26, v24;
	v31 =	vld [tilespmem:s12+$0xA480]  }
0x441: {  	v24 =	vadd.s32 v27, v24;
	v32 =	vld [tilespmem:s12+$0xA580]  }
0x442: {  	v24 =	vadd.s32 v28, v24;
	v33 =	vld [tilespmem:s12+$0xA680]  }
0x443: {  	v23 =	vsel vm14, $0x0, v23;
	v24 =	vadd.s32 v29, v24;
	v34 =	vld [tilespmem:s12+$0xA780]  }
0x444: {  	v22 =	vnsel vm13, $0x0, v22;
	v23 =	vadd.s32 v21, v23;
	v24 =	vadd.s32 v30, v24;
	v35 =	vld [tilespmem:s12+$0xA880]  }
0x445: {  	v25 =	vnsel vm12, $0x0, v25;
	v22 =	vadd.s32 v22, v23;
	v24 =	vadd.s32 v31, v24;
	v36 =	vld [tilespmem:s12+$0xA980]  }
0x446: {  	v23 =	vnsel vm11, $0x0, v26;
	v22 =	vadd.s32 v25, v22;
	v24 =	vadd.s32 v32, v24;
	v26 =	vld [tilespmem:s12+$0xAA80]  }
0x447: {  	v25 =	vnsel vm10, $0x0, v27;
	v22 =	vadd.s32 v23, v22;
	v24 =	vadd.s32 v33, v24;
	v27 =	vld [tilespmem:s12+$0xAB80]  }
0x448: {  	v23 =	vnsel vm9, $0x0, v28;
	v22 =	vadd.s32 v25, v22;
	v24 =	vadd.s32 v34, v24  }
0x449: {  	v25 =	vnsel vm8, $0x0, v29;
	v22 =	vadd.s32 v23, v22;
	v24 =	vadd.s32 v35, v24  }
0x44a: {  	v23 =	vnsel vm7, $0x0, v30;
	v22 =	vadd.s32 v25, v22;
	v24 =	vadd.s32 v36, v24  }
0x44b: {  	v25 =	vnsel vm6, $0x0, v31;
	v22 =	vadd.s32 v23, v22;
	v24 =	vadd.s32 v26, v24  }
0x44c: {  	v23 =	vnsel vm5, $0x0, v32;
	v22 =	vadd.s32 v25, v22;
	v24 =	vadd.s32 v27, v24  }
0x44d: {  	v25 =	vnsel vm4, $0x0, v33;
	v22 =	vadd.s32 v23, v22;
	(xrf0) =	vadd.scan.msk.s32 $0xffff, v24  }
0x44e: {  	v23 =	vnsel vm3, $0x0, v34;
	v22 =	vadd.s32 v25, v22  }
0x44f: {  	v25 =	vnsel vm2, $0x0, v35;
	v22 =	vadd.s32 v23, v22  }
0x450: {  	v23 =	vnsel vm1, $0x0, v36;
	v22 =	vadd.s32 v25, v22  }
0x451: {  	v25 =	vnsel vm0, $0x0, v26;
	v22 =	vadd.s32 v23, v22  }
0x452: {  	v22 =	vadd.s32 v25, v22  }
0x453: {  	v22 =	vsub.s32 v22, v24;
	v23, _, _ =	vpop (xrf0)  }
0x454: {  	s7 =	sadd.s32 $0x10, s7;
	v22 =	vadd.s32 v23, v22  }
.Ltmp25:
0x455: {  	[tilespmem:s7+$0x0] =	vst v22;
	(pc) =	sbr.rel @p1 .LBB2_47-.Ltmp25, $4  }
0x456: {  	[tilespmem:$0xAC80] =	vst v23  }
0x457: {  	s12 =	sand.u32 $0xF0, s5;
	v24 =	vld.idx.msk [tilespmem:v20+s6+$0x0], $0xffff  }
0x458: {  	s4 =	sadd.s32 $0x10, s4;
	v22 =	vld [tilespmem:s12+$0x9D80]  }
0x459: {  	s5 =	sadd.s32 $0x10, s5;
	v23 =	vld [tilespmem:s4+$0x0]  }
0x45a: {  	v25 =	vld [tilespmem:s12+$0x9E80]  }
0x45b: {  	v26 =	vld [tilespmem:s12+$0x9F80]  }
0x45c: {  	v27 =	vld [tilespmem:s12+$0xA080]  }
0x45d: {  	v28 =	vld [tilespmem:s12+$0xA180]  }
0x45e: {  	v30 =	vld [tilespmem:s12+$0xA280];
	v29 =	vadd.s32 v23, v22  }
0x45f: {  	v31 =	vld [tilespmem:s12+$0xA380];
	v29 =	vadd.s32 v25, v29  }
0x460: {  	v32 =	vld [tilespmem:s12+$0xA480];
	v29 =	vadd.s32 v26, v29  }
0x461: {  	v33 =	vld [tilespmem:s12+$0xA580];
	v29 =	vadd.s32 v27, v29  }
0x462: {  	v34 =	vld [tilespmem:s12+$0xA680];
	v29 =	vadd.s32 v28, v29  }
0x463: {  	v60 =	vld [tilespmem:s12+$0xA780];
	v21 =	vadd.s32 v21, v24;
	v23 =	vsel vm14, $0x0, v23;
	v59 =	vadd.s32 v30, v29  }
0x464: {  	v35 =	vld [tilespmem:s12+$0xA880];
	v22 =	vnsel vm13, $0x0, v22;
	v21 =	vadd.s32 v21, v23;
	v24 =	vadd.s32 v31, v59  }
0x465: {  	v61 =	vld [tilespmem:s12+$0xA980];
	v23 =	vnsel vm12, $0x0, v25;
	v21 =	vadd.s32 v22, v21;
	v24 =	vadd.s32 v32, v24  }
0x466: {  	v62 =	vld [tilespmem:s12+$0xAA80];
	v22 =	vnsel vm11, $0x0, v26;
	v21 =	vadd.s32 v23, v21;
	v24 =	vadd.s32 v33, v24  }
0x467: {  	v63 =	vld [tilespmem:s12+$0xAB80];
	v23 =	vnsel vm10, $0x0, v27;
	v21 =	vadd.s32 v22, v21;
	v24 =	vadd.s32 v34, v24  }
0x468: {  	v22 =	vnsel vm9, $0x0, v28;
	v21 =	vadd.s32 v23, v21;
	v24 =	vadd.s32 v60, v24  }
0x469: {  	v23 =	vnsel vm8, $0x0, v30;
	v21 =	vadd.s32 v22, v21;
	v24 =	vadd.s32 v35, v24  }
0x46a: {  	v22 =	vnsel vm7, $0x0, v31;
	v21 =	vadd.s32 v23, v21;
	v24 =	vadd.s32 v61, v24  }
0x46b: {  	v23 =	vnsel vm6, $0x0, v32;
	v21 =	vadd.s32 v22, v21;
	v24 =	vadd.s32 v62, v24  }
0x46c: {  	v22 =	vnsel vm5, $0x0, v33;
	v21 =	vadd.s32 v23, v21;
	v24 =	vadd.s32 v63, v24  }
0x46d: {  	v23 =	vnsel vm4, $0x0, v34;
	v21 =	vadd.s32 v22, v21;
	(xrf0) =	vadd.scan.msk.s32 $0xffff, v24  }
0x46e: {  	v22 =	vnsel vm3, $0x0, v60;
	v21 =	vadd.s32 v23, v21  }
0x46f: {  	v23 =	vnsel vm2, $0x0, v35;
	v21 =	vadd.s32 v22, v21  }
0x470: {  	v22 =	vnsel vm1, $0x0, v61;
	v21 =	vadd.s32 v23, v21  }
0x471: {  	v23 =	vnsel vm0, $0x0, v62;
	v21 =	vadd.s32 v22, v21  }
0x472: {  	v21 =	vadd.s32 v23, v21  }
0x473: {  	v21 =	vsub.s32 v21, v24;
	v22, _, _ =	vpop (xrf0)  }
0x474: {  	s4 =	sadd.s32 $0x10, s7;
	v21 =	vadd.s32 v22, v21  }
0x475: {  	[tilespmem:s4+$0x0] =	vst v21  }
0x476: {  	s12 =	simm.s32 $0x7A80;
	[tilespmem:$0xAC80] =	vst v22  }
0x477: {  	v21 =	vld [tilespmem:s12+$0x0]  }
0x478: {  	v22 =	vmov s1;
	_ =	sdelay $0x3  }
0x479: {  	(xrf0) =	vadd.scan.msk.s32 $0xffff, v21  }
0x47a: {  	v22 =	vld.idx.msk [tilespmem:v22+s8+$0x0], $0xffff;
	_ =	sdelay $0x4  }
0x47b: {  	v21 =	vsub.s32 v22, v21;
	v22, _, _ =	vpop (xrf0)  }
0x47c: {  	s1 =	simm.s32 $0x8A80;
	v21 =	vadd.s32 v22, v21  }
0x47d: {  	s5 =	simm.s32 $0x1;
	s4 =	simm.s32 $0x7A90;
	[tilespmem:s1+$0x0] =	vst v21  }
0x47e: {  	v22 =	vmov s5;
	s5 =	simm.s32 $0x2;
	v21 =	vld [tilespmem:s4+$0x0]  }
.LBB2_49:
0x47f: {  	p1 =	sne.s32 s5, $0xFF;
	_ =	sdelay $0x3  }
0x480: {  	v22 =	vld.idx.msk [tilespmem:v22+s8+$0x0], $0xffff;
	(xrf0) =	vadd.scan.msk.s32 $0xffff, v21;
	_ =	sdelay $0x4  }
.Ltmp26:
0x481: {  	(pc) =	sbr.rel @p1 .LBB2_49-.Ltmp26, $4  }
0x482: {  	v21 =	vsub.s32 v22, v21;
	v22, _, _ =	vpop (xrf0)  }
0x483: {  	s1 =	sadd.s32 $0x10, s1;
	v21 =	vadd.s32 v22, v21  }
0x484: {  	s4 =	sadd.s32 $0x10, s4;
	[tilespmem:s1+$0x0] =	vst v21  }
0x485: {  	v22 =	vmov s5;
	s5 =	sadd.s32 $0x1, s5;
	v21 =	vld [tilespmem:s4+$0x0]  }
0x486: {  	_ =	sdelay $0x3  }
0x487: {  	(xrf0) =	vadd.scan.msk.s32 $0xffff, v21  }
0x488: {  	v22 =	vld.idx.msk [tilespmem:v22+s8+$0x0], $0xffff;
	_ =	sdelay $0x4  }
0x489: {  	v21 =	vsub.s32 v22, v21;
	v22, _, _ =	vpop (xrf0)  }
0x48a: {  	s1 =	sadd.s32 $0x10, s1;
	s4 =	simm.s32 $0x0;
	v21 =	vadd.s32 v22, v21  }
0x48b: {  	[tilespmem:s1+$0x0] =	vst v21;
	v21 =	vadd.s32 s4, v3  }
0x48c: {  	[tilespmem:s30], [sflag:$0x1] =	stream.linear.gather [spmem:s17], $0x1880, $0x38;
	[tilespmem:$0x15980] =	vst v63  }
0x48d: {  	_ =	swait.ge [sflag:s28], $0x1880  }
0x48e: {  	[sflag:s28] =	ssyncset.done $0x0  }
0x48f: {  	[sflag:s28] =	ssyncadd.s32 $0xFFFFE780  }
0x490: {  	v22 =	vld.idx.msk [tilespmem:v21+s29+$0x0], $0xffff;
	_ =	sdelay $0x4  }
0x491: {  	v22 =	vshrl.u32 v22, $0x14  }
0x492: {  	v22 =	vand.u32 $0xFF0, v22  }
0x493: {  	v22 =	vor.u32 v0, v22;
	_ =	sdelay $0x4  }
0x494: {  	v24 =	vld.idx.msk [tilespmem:v22+s9+$0x0], $0xffff;
	_ =	sdelay $0x2  }
0x495: {  	s12 =	simm.s32 $0x1  }
0x496: {  	v23 =	vadd.s32 s12, v3;
	s1 =	simm.s32 $0x2  }
.LBB2_51:
0x497: {  	p1 =	sne.s32 s1, $0x187;
	v25 =	vadd.s32 $0x1, v24  }
0x498: {  	[tilespmem:v22+s9+$0x0] =	vst.idx.msk $0xffff, v25  }
0x499: {  	[tilespmem:v21+s0+$0x0] =	vst.idx.msk $0xffff, v24;
	v21 =	vmov v23  }
0x49a: {  	v22 =	vld.idx.msk [tilespmem:v23+s29+$0x0], $0xffff;
	_ =	sdelay $0x5  }
0x49b: {  	v22 =	vshrl.u32 v22, $0x14  }
0x49c: {  	v22 =	vand.u32 $0xFF0, v22  }
0x49d: {  	v22 =	vor.u32 v0, v22;
	_ =	sdelay $0x4  }
0x49e: {  	v24 =	vld.idx.msk [tilespmem:v22+s9+$0x0], $0xffff  }
.Ltmp27:
0x49f: {  	(pc) =	sbr.rel @p1 .LBB2_51-.Ltmp27, $3  }
0x4a0: {  	_ =	sdelay $0x1  }
0x4a1: {  	v23 =	vadd.s32 s1, v3  }
0x4a2: {  	s1 =	sadd.s32 $0x1, s1  }
0x4a3: {  	_ =	sdelay $0x2  }
0x4a4: {  	v25 =	vadd.s32 $0x1, v24  }
0x4a5: {  	[tilespmem:v22+s9+$0x0] =	vst.idx.msk $0xffff, v25  }
0x4a6: {  	[tilespmem:v21+s0+$0x0] =	vst.idx.msk $0xffff, v24  }
0x4a7: {  	v21 =	vld.idx.msk [tilespmem:v23+s29+$0x0], $0xffff;
	_ =	sdelay $0x4  }
0x4a8: {  	v21 =	vshrl.u32 v21, $0x14  }
0x4a9: {  	v21 =	vand.u32 $0xFF0, v21  }
0x4aa: {  	v21 =	vor.u32 v0, v21;
	_ =	sdelay $0x4  }
0x4ab: {  	v22 =	vld.idx.msk [tilespmem:v21+s9+$0x0], $0xffff;
	_ =	sdelay $0x4  }
0x4ac: {  	v63 =	vadd.s32 $0x1, v22  }
0x4ad: {  	[tilespmem:v21+s9+$0x0] =	vst.idx.msk $0xffff, v63  }
0x4ae: {  	s1 =	simm.s32 $0x0;
	[tilespmem:v23+s0+$0x0] =	vst.idx.msk $0xffff, v22  }
0x4af: {  	v21 =	vld [tilespmem:s1+$0x4980]  }
0x4b0: {  	s4 =	simm.s32 $0x40  }
.LBB2_53:
0x4b1: {  	p1 =	sne.s32 s4, $0x61C0  }
.Ltmp28:
0x4b2: {  	_ = 	snop;
	(pc) =	sbr.rel @p1 .LBB2_53-.Ltmp28, $4  }
0x4b3: {  	_ = 	snop  }
0x4b4: {  	s5 =	sshra.s32 s4, $0x2;
	s4 =	sadd.s32 $0x40, s4;
	vm15 =	vlt.s32 v21, $0xC350  }
0x4b5: {  	v22 =	vnsel vm15, $0xFFFFFFFF, v21;
	v21 =	vld [tilespmem:s5+$0x4980]  }
0x4b6: {  	[tilespmem:s1+$0x6200] =	vst v22;
	s1 =	smov.u32 s5  }
0x4b7: {  	_ =	sdelay $0x2  }
0x4b8: {  	vm15 =	vlt.s32 v21, $0xC350  }
0x4b9: {  	v21 =	vnsel vm15, $0xFFFFFFFF, v21  }
0x4ba: {  	s12 =	rddreg [dreg:$0x7];
	s4 =	simm.s32 $0x6200;
	[tilespmem:s1+$0x6200] =	vst v21  }
0x4bb: {  	[spmem:s12] =	stream.indirect.scatter [tilespmem:s4], [sflag:$0x1], $0x1, s30, s29, $0xb8;
	[tilespmem:$0x15980] =	vst v63  }
0x4bc: {  	_ =	swait.ge [sflag:s28], $0x1880  }
0x4bd: {  	[sflag:s28] =	ssyncset.done $0x0  }
0x4be: {  	[sflag:s28] =	ssyncadd.s32 $0xFFFFE780  }
0x4bf: {  	s5 =	rddreg [dreg:$0x8]  }
0x4c0: {  	[spmem:s5] =	stream.indirect.scatter [tilespmem:s30], [sflag:$0x1], $0x1, s0, s29, $0xb8;
	[tilespmem:$0x15980] =	vst v63  }
0x4c1: {  	_ =	swait.ge [sflag:s28], $0x1880  }
0x4c2: {  	[sflag:s28] =	ssyncset.done $0x0  }
0x4c3: {  	[sflag:s28] =	ssyncadd.s32 $0xFFFFE780  }
0x4c4: {  	s7 =	rddreg [dreg:$0x9]  }
0x4c5: {  	[spmem:s7] =	stream.indirect.scatter [tilespmem:s29], [sflag:$0x1], $0x1, s0, s29, $0xb8;
	[tilespmem:$0x15980] =	vst v63  }
0x4c6: {  	_ =	swait.ge [sflag:s28], $0x1880  }
0x4c7: {  	s12 =	stileid.u32;
	[sflag:s28] =	ssyncset.done $0x0  }
0x4c8: {  	s1 =	sshll.u32 s12, $0x6;
	[sflag:s28] =	ssyncadd.s32 $0xFFFFE780  }
0x4c9: {  	s1 =	sor.u32 $0x1C01, s1;
	[bflag:$0x0] =	sbarrier.arrive $0xFFFF  }
0x4ca: {  	[hbm:s19], [sflag:s1] =	dma.local [spmem:s23], $0x310  }
0x4cb: {  	_ =	swait.ge [sflag:s28], $0x310  }
0x4cc: {  	[sflag:s28] =	ssyncset.done $0x0  }
0x4cd: {  	[sflag:s28] =	ssyncadd.s32 $0xFFFFFCF0  }
0x4ce: {  	[hbm:s20], [sflag:s1] =	dma.local [spmem:s24], $0x310  }
0x4cf: {  	_ =	swait.ge [sflag:s28], $0x310  }
0x4d0: {  	[sflag:s28] =	ssyncset.done $0x0  }
.Ltmp29:
0x4d1: {  	[sflag:s28] =	ssyncadd.s32 $0xFFFFFCF0;
	(pc) =	sbr.rel .LBB2_55-.Ltmp29, $4  }
0x4d2: {  	[hbm:s21], [sflag:s1] =	dma.local [spmem:s25], $0x310  }
0x4d3: {  	_ =	swait.ge [sflag:s28], $0x310  }
0x4d4: {  	[sflag:s28] =	ssyncset.done $0x0  }
0x4d5: {  	[sflag:s28] =	ssyncadd.s32 $0xFFFFFCF0  }
.LBB2_56:
0x4d6: {  	_ =	sfence.sel $0x180000  }
0x4d7: {  	[bflag:$0x0] =	sbarrier.arrive $0xFFFF  }
0x4d8: {  	_ =	strace $0x90000047  }
0x4d9: {  	s0 =	stileid.u32;
	[bflag:$0x2] =	sbarrier.arrive $0xFFFF  }
0x4da: {  	p0 =	sne.s32 s0, $0x0;
	s0 =	rddreg [dreg:$0xa]  }
0x4db: {  	s0 =	sadd.s32 @!p0 $0x100000, s0  }
0x4dc: {  	[sflag:s0] =	ssyncadd.tile.s32 @!p0 $0x1;
	_ =	shalt  }
.Lfunc_end2:
_tile_overlayer_lowered:
.L_overlay_start_2:
0x4dd: {  	(tag) =	ssettag $0x2  }
0x4de: {  	s0 =	rddreg [dreg:$0x0];
	s2 =	stileid.u32  }
0x4df: {  	s1 =	rddreg [dreg:$0x1];
	p0 =	sne.s32 s2, $0x0  }
0x4e0: {  	s3 =	rddreg [dreg:$0x2];
	[bflag:$0x3] =	sbarrier.arrive $0xFFFF;
	s2 =	simm.s32 @!p0 $0x1C01  }
0x4e1: {  	[timem:s3], [sflag:s2] =	dma.local @!p0 [hbm:s0], s1  }
0x4e2: {  	s0 =	simm.s32 @!p0 $0x1  }
0x4e3: {  	_ =	swait.ge @!p0 [sflag:s0], s1  }
0x4e4: {  	s1 =	ssub.s32 @!p0 $0x0, s1;
	[sflag:s0] =	ssyncset.done @!p0 $0x0  }
0x4e5: {  	[sflag:s0] =	ssyncadd.s32 @!p0 s1  }
0x4e6: {  	[bflag:$0x3] =	sbarrier.arrive $0xFFFF  }
0x4e7: {  	_ =	shalt  }

// kernel: kernel.7.cloned.1.call-start
scs
__scs_entry_jumppad:
0x0: {  	(pc) =	sbr.rel $0x88, $3  }
0x1: {  	(tag) =	ssettag $0x0;
	lr =	simm.s32 $0x1  }
0x2: {  	[smem:$0x3F9E] =	sst lr;
	_ =	strace $0xD0000000  }
0x3: {  	_ = 	snop  }
0x4: {  	_ = 	snop  }
0x5: {  	_ = 	snop  }
0x6: {  	_ = 	snop  }
0x7: {  	_ = 	snop  }
__scs_overlays_trampoline_lowered:
0x8: {  	[smem:$0x3FAD] =	sst s0  }
0x9: {  	[smem:$0x3FAE] =	sst s1  }
0xa: {  	[smem:$0x3FAF] =	sst s2  }
0xb: {  	[smem:$0x3FB0] =	sst s3  }
0xc: {  	[smem:$0x3FB1] =	sst s4  }
0xd: {  	[smem:$0x3FB2] =	sst s5  }
0xe: {  	[smem:$0x3FB3] =	sst s6  }
0xf: {  	[smem:$0x3FB4] =	sst s7  }
0x10: {  	[smem:$0x3FB5] =	sst s8  }
0x11: {  	[smem:$0x3FB6] =	sst s9;
	s0 =	simm.s32 @!p0 $0x0  }
0x12: {  	s1 =	sld [smem:$0x3F9C];
	s0 =	simm.s32 @p0 $0x1  }
0x13: {  	[smem:$0x3FB7] =	sst s0;
	s0 =	simm.s32 @!p1 $0x0  }
0x14: {  	s2 =	sld [smem:$0x3F9B];
	s0 =	simm.s32 @p1 $0x1  }
0x15: {  	[smem:$0x3FB8] =	sst s0;
	s0 =	simm.s32 @!p2 $0x0  }
0x16: {  	s3 =	sld [smem:$0x3FDB];
	s0 =	simm.s32 @p2 $0x1  }
0x17: {  	s4 =	simm.s32 $0x1BF5;
	[smem:$0x3FBA] =	sst s0  }
0x18: {  	s0 =	sld [smem:$0x3F9D];
	_ =	swait.ge [sflag:s4], $0x0  }
0x19: {  	s7 =	sld [smem:$0x3F9E]  }
0x1a: {  	s8 =	sadd.s32 $0xFFFFE003, lr  }
0x1b: {  	s9 =	sadd.s32 $0xFFFFFEF7, lr;
	s5 =	simm.s32 $0xFFFFFFFF;
	p2 =	slt.u32 s8, $0xFFFFF086  }
0x1c: {  	p1 =	slt.u32 s9, $0xF7A;
	s5 =	simm.s32 @!p2 $0x0  }
0x1d: {  	s5 =	simm.s32 @p1 $0x1;
	p0 =	seq.s32 s7, s2  }
0x1e: {  	s7 =	smul.u32 @!p0 $0xF7A, s2;
	p2 =	seq.s32 @!p0 s5, $0x0  }
0x1f: {  	s9 =	smul.u32 $0xF7A, s1;
	s8 =	simm.s32 @!p0 $0x1BF5;
	p2 =	por !p2, p0  }
0x20: {  	[sflag:s8] =	ssyncset.s32 @!p0 $0xFFFFF086;
	s6 =	sadd.s32 @!p0 s3, s7;
	s7 =	simm.s32 @!p0 $0x108  }
0x21: {  	s3 =	sadd.s32 s3, s9;
	s6 =	sadd.s32 @!p0 $0x88, s6;
	s7 =	simm.s32 @p2 $0x1082  }
0x22: {  	[simem:s7], [sflag:s8] =	dma.local @!p0 [hbm:s6], $0xF7A  }
0x23: {  	s9 =	sor.u32 $0xD0000000, s2;
	s6 =	simm.s32 $0x108;
	_ =	swait.ge @!p0 [sflag:s8], $0x0  }
0x24: {  	s3 =	sadd.s32 $0x88, s3;
	s6 =	simm.s32 @!p1 $0x1082;
	[sflag:s4] =	ssyncset.s32 $0xFFFFF086  }
0x25: {  	[simem:s6], [sflag:s4] =	dma.local [hbm:s3], $0xF7A  }
0x26: {  	[smem:$0x3F9E] =	sst s1;
	(tag) =	ssettag s2;
	_ =	strace s9  }
0x27: {  	s1 =	sld [smem:$0x3FAE]  }
0x28: {  	s2 =	sld [smem:$0x3FAF]  }
0x29: {  	s4 =	sld [smem:$0x3FB1]  }
0x2a: {  	p0 =	seq.s32 s5, $0x0;
	s5 =	sld [smem:$0x3FB2]  }
0x2b: {  	s6 =	sld [smem:$0x3FB3]  }
0x2c: {  	s7 =	sld [smem:$0x3FB4]  }
0x2d: {  	s3 =	simm.s32 $0x108;
	s8 =	sld [smem:$0x3FB5]  }
0x2e: {  	s3 =	simm.s32 @!p0 $0x1082;
	s9 =	sld [smem:$0x3FB6]  }
0x2f: {  	lr =	sadd.s32 s0, s3;
	s0 =	sld [smem:$0x3FAD]  }
0x30: {  	s3 =	sld [smem:$0x3FB0]  }
0x31: {  	[smem:$0x3FB9] =	sst s10  }
0x32: {  	s10 =	sld [smem:$0x3FB7];
	_ =	sdelay $0x3  }
0x33: {  	p0 =	seq.s32 s10, $0x1;
	s10 =	sld [smem:$0x3FB9];
	_ =	sdelay $0x3  }
0x34: {  	[smem:$0x3FB9] =	sst s10  }
0x35: {  	s10 =	sld [smem:$0x3FB8];
	_ =	sdelay $0x3  }
0x36: {  	p1 =	seq.s32 s10, $0x1;
	s10 =	sld [smem:$0x3FB9];
	_ =	sdelay $0x3  }
0x37: {  	[smem:$0x3FB9] =	sst s10  }
0x38: {  	s10 =	sld [smem:$0x3FBA]  }
0x39: {  	_ = 	snop;
	(pc) =	sbr.ind lr, $3  }
0x3a: {  	_ = 	snop  }
0x3b: {  	_ = 	snop  }
0x3c: {  	p2 =	seq.s32 s10, $0x1;
	s10 =	sld [smem:$0x3FB9]  }
0x3d: {  	_ =	shalt  }
0x3e: {  	_ =	shalt  }
0x3f: {  	_ =	shalt  }
0x40: {  	_ =	shalt  }
0x41: {  	_ =	shalt  }
0x42: {  	_ =	shalt  }
0x43: {  	_ =	shalt  }
0x44: {  	_ =	shalt  }
0x45: {  	_ =	shalt  }
0x46: {  	_ =	shalt  }
0x47: {  	_ =	shalt  }
0x48: {  	_ =	shalt  }
0x49: {  	_ =	shalt  }
0x4a: {  	_ =	shalt  }
0x4b: {  	_ =	shalt  }
0x4c: {  	_ =	shalt  }
0x4d: {  	_ =	shalt  }
0x4e: {  	_ =	shalt  }
0x4f: {  	_ =	shalt  }
0x50: {  	_ =	shalt  }
0x51: {  	_ =	shalt  }
0x52: {  	_ =	shalt  }
0x53: {  	_ =	shalt  }
0x54: {  	_ =	shalt  }
0x55: {  	_ =	shalt  }
0x56: {  	_ =	shalt  }
0x57: {  	_ =	shalt  }
0x58: {  	_ =	shalt  }
0x59: {  	_ =	shalt  }
0x5a: {  	_ =	shalt  }
0x5b: {  	_ =	shalt  }
0x5c: {  	_ =	shalt  }
0x5d: {  	_ =	shalt  }
0x5e: {  	_ =	shalt  }
0x5f: {  	_ =	shalt  }
0x60: {  	_ =	shalt  }
0x61: {  	_ =	shalt  }
0x62: {  	_ =	shalt  }
0x63: {  	_ =	shalt  }
0x64: {  	_ =	shalt  }
0x65: {  	_ =	shalt  }
0x66: {  	_ =	shalt  }
0x67: {  	_ =	shalt  }
0x68: {  	_ =	shalt  }
0x69: {  	_ =	shalt  }
0x6a: {  	_ =	shalt  }
0x6b: {  	_ =	shalt  }
0x6c: {  	_ =	shalt  }
0x6d: {  	_ =	shalt  }
0x6e: {  	_ =	shalt  }
0x6f: {  	_ =	shalt  }
0x70: {  	_ =	shalt  }
0x71: {  	_ =	shalt  }
0x72: {  	_ =	shalt  }
0x73: {  	_ =	shalt  }
0x74: {  	_ =	shalt  }
0x75: {  	_ =	shalt  }
0x76: {  	_ =	shalt  }
0x77: {  	_ =	shalt  }
0x78: {  	_ =	shalt  }
0x79: {  	_ =	shalt  }
0x7a: {  	_ =	shalt  }
0x7b: {  	_ =	shalt  }
0x7c: {  	_ =	shalt  }
0x7d: {  	_ =	shalt  }
0x7e: {  	_ =	shalt  }
0x7f: {  	_ =	shalt  }
0x80: {  	_ =	shalt  }
0x81: {  	_ =	shalt  }
0x82: {  	_ =	shalt  }
0x83: {  	_ =	shalt  }
0x84: {  	_ =	shalt  }
0x85: {  	_ =	shalt  }
0x86: {  	_ =	shalt  }
0x87: {  	_ =	shalt  }
.Lfunc_end0:
.L_simem_size_0:
called_computation.1_lowered:
.L_overlay_start_0:
0x88: {  	s2 =	sld [smem:$0x3FD9]  }
0x89: {  	s3 =	sld [smem:$0x3FFE];
	_ =	sdelay $0x1  }
0x8a: {  	s1 =	srdreg.scid  }
0x8b: {  	s0 =	sand.u32 $0x1, s1  }
0x8c: {  	s14 =	sshll.u32 s0, $0xA;
	s2 =	sadd.s32 s3, s2  }
0x8d: {  	s2 =	sadd.s32 s2, s14  }
0x8e: {  	[smem:$0x3FC5] =	sst s2  }
0x8f: {  	_ = 	snop  }
0x90: {  	s2 =	sld [smem:$0x3FD0];
	_ =	sdelay $0x2  }
0x91: {  	s4 =	simm.s32 $0xA;
	s5 =	simm.s32 $0x10;
	s15 =	sld [smem:$0x3FC8]  }
0x92: {  	[smem:s5], [sflag:s4] =	dma.local [hbm:s2], $0x1  }
0x93: {  	_ =	swait.eq [sflag:s4], $0x1  }
0x94: {  	[sflag:s4] =	ssyncset.done $0x0  }
0x95: {  	s16 =	sld [smem:$0x10];
	[sflag:s4] =	ssyncadd.s32 $0xFFFFFFFF  }
0x96: {  	s17 =	sld [smem:$0x11];
	(tm) =	ssettm $0x1  }
0x97: {  	s18 =	sld [smem:$0x3FFB];
	_ =	sdelay $0x3  }
0x98: {  	_ =	strace s18  }
0x99: {  	s5 =	sld [smem:$0x3FFC];
	_ =	sdelay $0x3  }
0x9a: {  	_ =	strace s5  }
0x9b: {  	s5 =	sld [smem:$0x3FFD];
	_ =	sdelay $0x3  }
0x9c: {  	_ =	strace s5  }
0x9d: {  	_ =	strace $0x8FFFFFFF  }
0x9e: {  	s19 =	sld [smem:$0x3FDB];
	_ =	sdelay $0x1  }
0x9f: {  	s6 =	simm.s32 $_scs_section_size  }
0xa0: {  	s7 =	simm.s32 $_size__tile_overlayer_lowered;
	s8 =	simm.s32 $_tile_overlayer_lowered  }
0xa1: {  	s22 =	simm.s32 $0x1BFF;
	s21 =	sshll.u32 s8, $0x1;
	s5 =	sadd.s32 s6, s19  }
0xa2: {  	s9 =	simm.s32 $0x0;
	s20 =	sshll.u32 s7, $0x1;
	s7 =	sadd.s32 s21, s5  }
0xa3: {  	[timem:s9], [sflag:s22] =	dma.local [hbm:s7], s20  }
0xa4: {  	_ =	swait.ge [sflag:s22], s20  }
0xa5: {  	s6 =	ssub.s32 $0x0, s20;
	[sflag:s22] =	ssyncset.done $0x0  }
0xa6: {  	[sflag:s22] =	ssyncadd.s32 s6;
	_ =	sdelay $0x1  }
0xa7: {  	s23 =	simm.s32 $0x1B8B  }
0xa8: {  	_ =	swait.ge [sflag:s23], $0x1  }
0xa9: {  	[sflag:s23] =	ssyncset.done $0x0  }
0xaa: {  	s25 =	simm.s32 $0x1B8E;
	s24 =	sld [smem:$0x3FFE];
	[sflag:s23] =	ssyncadd.s32 $0xFFFFFFFF  }
0xab: {  	s26 =	simm.s32 $execute0_lowered;
	[smem:$0x3FD2] =	sst s25  }
0xac: {  	s7 =	sshll.u32 s26, $0x1;
	_ =	strace $0x80000049;
	[dreg:$0x1] =	wrdreg $0xFFFFFFFF  }
0xad: {  	s28 =	simm.s32 $_size_execute0_lowered;
	s5 =	sadd.s32 s5, s7;
	[dreg:$0x0] =	wrdreg $0x0  }
0xae: {  	s7 =	sshll.u32 s28, $0x1;
	[dreg:$0x2] =	wrdreg s5  }
0xaf: {  	[dreg:$0x3] =	wrdreg s7  }
0xb0: {  	[dreg:$0x4] =	wrdreg $0xC0  }
0xb1: {  	_ =	task [dreg:s9], $0x5FFFF  }
0xb2: {  	[dreg:$0x1] =	wrdreg $0xFFFFFFFF  }
0xb3: {  	[dreg:$0x0] =	wrdreg $0x60  }
0xb4: {  	[dreg:$0x2] =	wrdreg s24  }
0xb5: {  	[dreg:$0x3] =	wrdreg s15  }
0xb6: {  	[dreg:$0x4] =	wrdreg s16  }
0xb7: {  	[dreg:$0x5] =	wrdreg s17  }
0xb8: {  	[dreg:$0x6] =	wrdreg $0x9  }
0xb9: {  	_ =	task.clear_ibuf [dreg:s9], $0x7FFFF;
	_ =	strace $0x90000049  }
0xba: {  	s29 =	simm.s32 $0x9;
	_ =	strace $0x8000004B  }
0xbb: {  	_ =	swait.ge [sflag:s29], $0x1  }
0xbc: {  	[sflag:s29] =	ssyncadd.s32 $0xFFFFFFFF  }
0xbd: {  	_ =	strace $0x9000004B  }
0xbe: {  	_ =	sfence  }
0xbf: {  	s30 =	sld [smem:$0x0];
	_ =	sdelay $0x2  }
0xc0: {  	s31 =	sshll.u32 s1, $0xD;
	s1 =	sshrl.u32 s1, $0x2  }
0xc1: {  	s3 =	sand.u32 $0x4000, s31;
	s1 =	sadd.s32 s1, s30  }
0xc2: {  	s0 =	sor.u32 s3, s0;
	s1 =	sshll.u32 s1, $0x11  }
0xc3: {  	s0 =	sor.u32 s1, s0  }
0xc4: {  	s0 =	sadd.s32 $0x8F2B, s0  }
0xc5: {  	[sflag:s0] =	ssyncadd.remote.s32 $0x1  }
0xc6: {  	_ =	sfence.sel $0xFFFF  }
0xc7: {  	[dreg:$0x0] =	wrdreg $0xFFFFFFFF;
	(pc) =	sbr.abs _section_cstart, $3  }
0xc8: {  	[dreg:$0x1] =	wrdreg $0xFFFFFFFF  }
0xc9: {  	_ =	task.clear_ibuf [dreg:s9], $0x2FFFF;
	_ =	strace $0x9FFFFFFF  }
0xca: {  	(tm) =	ssettm $0x7FFFFFFF  }
0xcb: {  	_ =	shalt  }
tec
execute0_lowered:
.L_overlay_start_1:
0x0: {  	(tag) =	ssettag $0x1  }
0x1: {  	s0 =	rddreg [dreg:$0x0]  }
0x2: {  	s3 =	rddreg [dreg:$0x1]  }
0x3: {  	s1 =	rddreg [dreg:$0x2]  }
0x4: {  	s2 =	rddreg [dreg:$0x3];
	s4 =	simm.s32 $0x0;
	s5 =	srdreg.scid  }
0x5: {  	s7 =	stileid.u32;
	s16 =	simm.s32 $0x1C800;
	s17 =	simm.s32 $0x6  }
0x6: {  	s18 =	simm.s32 $0x1C880;
	s19 =	simm.s32 $0x80;
	s20 =	simm.s32 $0x1C900  }
0x7: {  	s21 =	simm.s32 $0x1C980;
	s22 =	simm.s32 $0x1CA00;
	s29 =	simm.s32 $0x1  }
0x8: {  	s30 =	simm.s32 $0x19800;
	s31 =	simm.s32 $0x2;
	s14 =	simm.s32 $0x0  }
0x9: {  	[smem:$0x7FF] =	sst s4;
	s6 =	sand.u32 $0x1, s5;
	s7 =	sshll.u32 s7, $0x1  }
0xa: {  	s5 =	sadd.s32 $0xA000, s0;
	s8 =	sadd.s32 $0xA00, s0;
	s9 =	sadd.s32 $0x6E00, s0  }
0xb: {  	s12 =	sadd.s32 $0x8000, s3;
	_ =	strace $0x8000004A;
	s7 =	sor.u32 s6, s7  }
0xc: {  	[dreg:$0x5] =	wrdreg s8;
	s6 =	ssub.s32 $0x2, s6;
	s10 =	sshll.u32 s7, $0x9  }
0xd: {  	s8 =	sadd.s32 $0x3C00, s0;
	s23 =	sshrl.u32 s6, $0x1;
	s11 =	sadd.s32 s3, s10  }
0xe: {  	s25 =	sadd.s32 s10, s2;
	[dreg:$0x6] =	wrdreg s11;
	s24 =	sadd.s32 $0x4000, s11  }
.Ltmp0:
0xf: {  	s26 =	sadd.s32 $0x180000, s25;
	[dreg:$0x7] =	wrdreg s24;
	(pc) =	sbr.rel .LBB2_1-.Ltmp0, $4  }
0x10: {  	s0 =	ssub.s32 s6, s23;
	s28 =	sadd.s32 $0x184000, s25;
	[dreg:$0x8] =	wrdreg s26  }
0x11: {  	p0 =	sgt.u32 s7, $0x14;
	s0 =	smax.u32 s0, $0x1;
	[dreg:$0x9] =	wrdreg s28  }
0x12: {  	s23 =	simm.s32 $0x1CA80;
	s25 =	simm.s32 $0x5;
	[dreg:$0xa] =	wrdreg s0  }
0x13: {  	v0 =	vlaneseq.u32;
	v1 =	vimm.s32 $0x0;
	s24 =	simm.s32 $0x1CB00;
	s26 =	simm.s32 $0x18800;
	s0 =	simm.s32 $0x1B800  }
.LBB2_16:
0x14: {  	s3 =	simm.s32 $0x3;
	s6 =	simm.s32 $0x4  }
.LBB2_20:
0x15: {  	_ =	swait.ge [sflag:s6], $0x1000  }
0x16: {  	[sflag:s6] =	ssyncset.done $0x0  }
0x17: {  	[sflag:s6] =	ssyncadd.s32 $0xFFFFF000  }
0x18: {  	_ =	swait.ge [sflag:s3], $0x1000  }
0x19: {  	s14 =	sadd.s32 $0x1, s14;
	s28 =	rddreg [dreg:$0xa]  }
0x1a: {  	p1 =	sne.s32 s14, s28  }
.Ltmp1:
0x1b: {  	_ = 	snop;
	(pc) =	sbr.rel @!p1 .LBB2_21-.Ltmp1, $3  }
0x1c: {  	_ =	sdelay $0x1  }
0x1d: {  	[sflag:s3] =	ssyncset.done $0x0  }
0x1e: {  	[sflag:s3] =	ssyncadd.s32 $0xFFFFF000  }
.LBB2_1:
.Ltmp2:
0x1f: {  	(pc) =	sbr.rel .LBB2_2-.Ltmp2, $2  }
0x20: {  	_ =	sdelay $0x2  }
0x21: {  	s28 =	simm.s32 $0x0  }
.LBB2_6:
0x22: {  	s28 =	sadd.s32 $0x1, s28  }
0x23: {  	p1 =	sne.s32 s28, $0xD  }
.Ltmp3:
0x24: {  	_ = 	snop;
	(pc) =	sbr.rel @!p1 .LBB2_7-.Ltmp3, $1  }
0x25: {  	_ =	sdelay $0x3  }
.LBB2_2:
0x26: {  	s3 =	sshll.u32 s28, $0x5  }
0x27: {  	s6 =	sor.u32 s7, s3  }
0x28: {  	p1 =	sgt.u32 s6, $0x186  }
.Ltmp4:
0x29: {  	_ = 	snop;
	(pc) =	sbr.rel @p1 .LBB2_6-.Ltmp4, $1  }
0x2a: {  	_ =	sdelay $0x3  }
0x2b: {  	s3 =	sshll.u32 s6, $0x4  }
0x2c: {  	s11 =	simm.s32 $0x0;
	s10 =	sadd.s32 s8, s3  }
0x2d: {  	[tilespmem:s16], [sflag:$0x6] =	stream.linear.gather [hbm4b:s10+s11], $0x80, $0x38;
	[tilespmem:$0x1CC80] =	vst v63  }
0x2e: {  	_ =	swait.ge [sflag:s17], $0x80  }
0x2f: {  	[sflag:s17] =	ssyncset.done $0x0  }
0x30: {  	s3 =	sadd.s32 s9, s3;
	[sflag:s17] =	ssyncadd.s32 $0xFFFFFF80  }
0x31: {  	[tilespmem:s18], [sflag:$0x6] =	stream.linear.gather [hbm4b:s3+s11], $0x80, $0x38;
	[tilespmem:$0x1CC80] =	vst v63  }
0x32: {  	_ =	swait.ge [sflag:s17], $0x80  }
0x33: {  	[sflag:s17] =	ssyncset.done $0x0  }
0x34: {  	[sflag:s17] =	ssyncadd.s32 $0xFFFFFF80  }
0x35: {  	v2 =	vld [tilespmem:$0x1C800]  }
0x36: {  	v3 =	vld [tilespmem:$0x1C810]  }
0x37: {  	v4 =	vld [tilespmem:$0x1C820]  }
0x38: {  	v5 =	vld [tilespmem:$0x1C830]  }
0x39: {  	v6 =	vld [tilespmem:$0x1C840]  }
0x3a: {  	v7 =	vld [tilespmem:$0x1C850];
	v2 =	vmul.u32 $0x3, v2  }
0x3b: {  	v8 =	vld [tilespmem:$0x1C860];
	v3 =	vmul.u32 $0x3, v3  }
0x3c: {  	[tilespmem:$0x1C900] =	vst v2;
	v2 =	vmul.u32 $0x3, v4;
	v4 =	vld [tilespmem:$0x1C870]  }
0x3d: {  	[tilespmem:$0x1C910] =	vst v3;
	v3 =	vmul.u32 $0x3, v5  }
0x3e: {  	[tilespmem:$0x1C920] =	vst v2;
	v2 =	vmul.u32 $0x3, v6  }
0x3f: {  	[tilespmem:$0x1C930] =	vst v3;
	v3 =	vmul.u32 $0x3, v7  }
0x40: {  	[tilespmem:$0x1C940] =	vst v2;
	v2 =	vmul.u32 $0x3, v8  }
0x41: {  	[tilespmem:$0x1C950] =	vst v3;
	v3 =	vmul.u32 $0x3, v4  }
0x42: {  	[tilespmem:$0x1C960] =	vst v2  }
0x43: {  	[tilespmem:$0x1C970] =	vst v3  }
0x44: {  	[tilespmem:s21], [sflag:$0x6] =	stream.indirect.gather [hbm4b:s5+s19], $0x1, s20, s19, $0xb8;
	[tilespmem:$0x1CC80] =	vst v63  }
0x45: {  	_ =	swait.ge [sflag:s17], $0x80  }
0x46: {  	[sflag:s17] =	ssyncset.done $0x0  }
0x47: {  	[sflag:s17] =	ssyncadd.s32 $0xFFFFFF80  }
0x48: {  	v2 =	vld [tilespmem:$0x1C800]  }
0x49: {  	v3 =	vld [tilespmem:$0x1C810]  }
0x4a: {  	v4 =	vld [tilespmem:$0x1C820]  }
0x4b: {  	v5 =	vld [tilespmem:$0x1C830]  }
0x4c: {  	v6 =	vld [tilespmem:$0x1C840]  }
0x4d: {  	v7 =	vld [tilespmem:$0x1C850];
	v2 =	vmul.u32 $0x3, v2  }
0x4e: {  	v8 =	vld [tilespmem:$0x1C860];
	v3 =	vmul.u32 $0x3, v3  }
0x4f: {  	v9 =	vld [tilespmem:$0x1C870];
	v4 =	vmul.u32 $0x3, v4;
	v2 =	vadd.s32 $0x1, v2  }
0x50: {  	[tilespmem:$0x1C900] =	vst v2;
	v2 =	vadd.s32 $0x1, v3;
	v3 =	vmul.u32 $0x3, v5  }
0x51: {  	[tilespmem:$0x1C910] =	vst v2;
	v2 =	vadd.s32 $0x1, v4;
	v4 =	vmul.u32 $0x3, v6  }
0x52: {  	[tilespmem:$0x1C920] =	vst v2;
	v2 =	vadd.s32 $0x1, v3;
	v3 =	vmul.u32 $0x3, v7  }
0x53: {  	[tilespmem:$0x1C930] =	vst v2;
	v2 =	vadd.s32 $0x1, v4;
	v4 =	vmul.u32 $0x3, v8  }
0x54: {  	[tilespmem:$0x1C940] =	vst v2;
	v2 =	vadd.s32 $0x1, v3;
	v3 =	vmul.u32 $0x3, v9  }
0x55: {  	[tilespmem:$0x1C950] =	vst v2;
	v2 =	vadd.s32 $0x1, v4  }
0x56: {  	[tilespmem:$0x1C960] =	vst v2;
	v2 =	vadd.s32 $0x1, v3  }
0x57: {  	[tilespmem:$0x1C970] =	vst v2  }
0x58: {  	[tilespmem:s22], [sflag:$0x6] =	stream.indirect.gather [hbm4b:s5+s19], $0x1, s20, s19, $0xb8;
	[tilespmem:$0x1CC80] =	vst v63  }
0x59: {  	_ =	swait.ge [sflag:s17], $0x80  }
0x5a: {  	[sflag:s17] =	ssyncset.done $0x0  }
0x5b: {  	[sflag:s17] =	ssyncadd.s32 $0xFFFFFF80  }
0x5c: {  	v2 =	vld [tilespmem:$0x1C800]  }
0x5d: {  	v3 =	vld [tilespmem:$0x1C810]  }
0x5e: {  	v5 =	vor.u32 s11, v0;
	v4 =	vld [tilespmem:$0x1C820]  }
0x5f: {  	v7 =	vmulhi.u32 $0xAAAAAAAB, v5;
	v6 =	vld [tilespmem:$0x1C830]  }
0x60: {  	v8 =	vld [tilespmem:$0x1C840]  }
0x61: {  	v7 =	vshrl.u32 v7, $0x1;
	v9 =	vld [tilespmem:$0x1C850]  }
0x62: {  	v10 =	vmul.u32 $0xFFFFFFFD, v7;
	v2 =	vmul.u32 $0x3, v2  }
0x63: {  	v12 =	vsub.s32 $0x0, v5;
	v11 =	vld [tilespmem:$0x1C860];
	v3 =	vmul.u32 $0x3, v3  }
0x64: {  	vm0 =	vne.s32 v10, v12;
	v10 =	vld [tilespmem:$0x1C870];
	v4 =	vmul.u32 $0x3, v4;
	v2 =	vadd.s32 $0x2, v2  }
0x65: {  	[tilespmem:$0x1C900] =	vst v2;
	v2 =	vadd.s32 $0x2, v3;
	v3 =	vmul.u32 $0x3, v6;
	v6 =	vmul.u32 $0x3, v8  }
0x66: {  	v8 =	vmov s11;
	[tilespmem:$0x1C910] =	vst v2;
	v2 =	vadd.s32 $0x2, v4;
	v4 =	vmul.u32 $0x3, v9  }
0x67: {  	vm1 =	veq.s32 v8, v0;
	[tilespmem:$0x1C920] =	vst v2;
	v2 =	vadd.s32 $0x2, v3;
	v3 =	vadd.s32 $0x2, v6  }
0x68: {  	vm0 =	vmand vm1, vm0;
	[tilespmem:$0x1C930] =	vst v2;
	v2 =	vadd.s32 $0x2, v4;
	v4 =	vmul.u32 $0x3, v11  }
0x69: {  	[tilespmem:$0x1C940] =	vst v3;
	v3 =	vmul.u32 $0x3, v10;
	v6 =	vsel vm0, $0xFFFFFFFF, v1  }
0x6a: {  	s13 =	simm.s32 $0x10;
	[tilespmem:$0x1C950] =	vst v2;
	v2 =	vadd.s32 $0x2, v4;
	v4 =	vadd.s32 v6, v7  }
0x6b: {  	v8 =	vor.u32 s13, v0;
	[tilespmem:$0x1C960] =	vst v2;
	v2 =	vadd.s32 $0x2, v3;
	v3 =	vmul.u32 $0x1FFFFFD, v4  }
0x6c: {  	v6 =	vmulhi.u32 $0xAAAAAAAB, v8  }
0x6d: {  	[tilespmem:$0x1C970] =	vst v2;
	v3 =	vadd.s32 v5, v3  }
0x6e: {  	v2 =	vshrl.u32 v6, $0x1;
	[tilespmem:s23], [sflag:$0x6] =	stream.indirect.gather [hbm4b:s5+s19], $0x1, s20, s19, $0xb8;
	v3 =	vshll.u32 v3, $0x7;
	[tilespmem:$0x1CC80] =	vst v63  }
0x6f: {  	v5 =	vmul.u32 $0xFFFFFFFD, v2;
	_ =	swait.ge [sflag:s17], $0x80;
	v3 =	vadd.s32 v4, v3  }
0x70: {  	v7 =	vsub.s32 $0x0, v8;
	v6 =	vmov s13;
	[sflag:s17] =	ssyncset.done $0x0  }
0x71: {  	vm11 =	veq.s32 v6, v0;
	vm12 =	vne.s32 v5, v7;
	[sflag:s17] =	ssyncadd.s32 $0xFFFFFF80  }
0x72: {  	vm0 =	vmand vm11, vm12;
	v4 =	vld.idx.msk [tilespmem:v4+s18+$0x0], $0xffff  }
0x73: {  	v5 =	vsel vm0, $0xFFFFFFFF, v1  }
0x74: {  	s15 =	simm.s32 $0x20;
	v5 =	vadd.s32 v5, v2;
	v3 =	vld.idx.msk [tilespmem:v3+s21+$0x0], $0xffff  }
0x75: {  	v2 =	vor.u32 s15, v0;
	v6 =	vmul.u32 $0x1FFFFFD, v5  }
0x76: {  	v7 =	vmulhi.u32 $0xAAAAAAAB, v2  }
0x77: {  	v6 =	vadd.s32 v8, v6;
	vm13 =	vlt.s32 v4, $0x0;
	v8 =	vandn.u32 $0x7FFFFFFF, v4  }
0x78: {  	v7 =	vshrl.u32 v7, $0x1;
	v6 =	vshll.u32 v6, $0x7;
	v4 =	vsel vm13, v4, v8  }
0x79: {  	v8 =	vmul.u32 $0xFFFFFFFD, v7;
	v6 =	vadd.s32 v5, v6;
	v3 =	vmul.f32 v4, v3  }
0x7a: {  	s11 =	simm.s32 $0x1CB00;
	v9 =	vmov s15;
	v10 =	vsub.s32 $0x0, v2  }
0x7b: {  	vm14 =	veq.s32 v9, v0;
	vm15 =	vne.s32 v8, v10;
	[tilespmem:s11+$0x0] =	vst v3  }
0x7c: {  	vm0 =	vmand vm14, vm15;
	v5 =	vld.idx.msk [tilespmem:v5+s18+$0x0], $0xffff  }
0x7d: {  	v3 =	vsel vm0, $0xFFFFFFFF, v1  }
0x7e: {  	s13 =	simm.s32 $0x30;
	v3 =	vadd.s32 v3, v7;
	v6 =	vld.idx.msk [tilespmem:v6+s21+$0x0], $0xffff  }
0x7f: {  	v4 =	vor.u32 s13, v0;
	v8 =	vmul.u32 $0x1FFFFFD, v3  }
0x80: {  	s15 =	simm.s32 $0x40;
	v7 =	vmulhi.u32 $0xAAAAAAAB, v4  }
.LBB2_4:
0x81: {  	p1 =	sne.s32 s15, $0x170;
	v8 =	vadd.s32 v2, v8;
	vm0 =	vlt.s32 v5, $0x0;
	v9 =	vandn.u32 $0x7FFFFFFF, v5;
	v2 =	vmovc v4  }
0x82: {  	v4 =	vshll.u32 v8, $0x7;
	v5 =	vsel vm0, v5, v9  }
0x83: {  	v7 =	vshrl.u32 v7, $0x1;
	v4 =	vadd.s32 v3, v4;
	v5 =	vmul.f32 v5, v6  }
0x84: {  	s11 =	sadd.s32 $0x10, s11;
	v6 =	vmul.u32 $0xFFFFFFFD, v7  }
0x85: {  	v8 =	vmov s13;
	v9 =	vsub.s32 $0x0, v2;
	s13 =	smov.u32 s15;
	[tilespmem:s11+$0x0] =	vst v5  }
0x86: {  	vm0 =	veq.s32 v8, v0;
	vm1 =	vne.s32 v6, v9;
	v5 =	vld.idx.msk [tilespmem:v3+s18+$0x0], $0xffff  }
.Ltmp5:
0x87: {  	vm0 =	vmand vm0, vm1;
	(pc) =	sbr.rel @p1 .LBB2_4-.Ltmp5, $4  }
0x88: {  	v3 =	vsel vm0, $0xFFFFFFFF, v1;
	v6 =	vld.idx.msk [tilespmem:v4+s21+$0x0], $0xffff  }
0x89: {  	v3 =	vadd.s32 v3, v7  }
0x8a: {  	v4 =	vor.u32 s15, v0;
	v8 =	vmul.u32 $0x1FFFFFD, v3  }
0x8b: {  	s15 =	sadd.s32 $0x10, s15;
	v7 =	vmulhi.u32 $0xAAAAAAAB, v4  }
0x8c: {  	v2 =	vadd.s32 v2, v8;
	vm0 =	vlt.s32 v5, $0x0;
	v56 =	vandn.u32 $0x7FFFFFFF, v5  }
0x8d: {  	v2 =	vshll.u32 v2, $0x7;
	v5 =	vsel vm0, v5, v56;
	v7 =	vshrl.u32 v7, $0x1  }
0x8e: {  	v2 =	vadd.s32 v3, v2;
	v5 =	vmul.f32 v5, v6;
	v57 =	vmul.u32 $0xFFFFFFFD, v7  }
0x8f: {  	s3 =	sadd.s32 $0x10, s11;
	v58 =	vmov s13;
	v9 =	vsub.s32 $0x0, v4  }
0x90: {  	vm13 =	veq.s32 v58, v0;
	[tilespmem:s3+$0x0] =	vst v5;
	vm1 =	vne.s32 v57, v9  }
0x91: {  	v3 =	vld.idx.msk [tilespmem:v3+s18+$0x0], $0xffff;
	vm0 =	vmand vm13, vm1  }
0x92: {  	v59 =	vsel vm0, $0xFFFFFFFF, v1  }
0x93: {  	v2 =	vld.idx.msk [tilespmem:v2+s21+$0x0], $0xffff;
	v5 =	vadd.s32 v59, v7  }
0x94: {  	v60 =	vmul.u32 $0x1FFFFFD, v5;
	_ =	sdelay $0x1  }
0x95: {  	v61 =	vadd.s32 v4, v60;
	vm14 =	vlt.s32 v3, $0x0;
	v62 =	vandn.u32 $0x7FFFFFFF, v3  }
0x96: {  	v4 =	vshll.u32 v61, $0x7;
	v3 =	vsel vm14, v3, v62  }
0x97: {  	v4 =	vadd.s32 v5, v4;
	v2 =	vmul.f32 v3, v2  }
0x98: {  	s3 =	sadd.s32 $0x10, s3  }
0x99: {  	[tilespmem:s3+$0x0] =	vst v2  }
0x9a: {  	v2 =	vld.idx.msk [tilespmem:v5+s18+$0x0], $0xffff;
	_ =	sdelay $0x1  }
0x9b: {  	v3 =	vld.idx.msk [tilespmem:v4+s21+$0x0], $0xffff;
	_ =	sdelay $0x2  }
0x9c: {  	vm15 =	vlt.s32 v2, $0x0;
	v63 =	vandn.u32 $0x7FFFFFFF, v2  }
0x9d: {  	v2 =	vsel vm15, v2, v63  }
0x9e: {  	s6 =	smul.u32 $0x30, s6;
	v2 =	vmul.f32 v2, v3  }
0x9f: {  	s3 =	sadd.s32 $0x10, s3  }
.Ltmp6:
0xa0: {  	s15 =	sadd.s32 s1, s6;
	[tilespmem:s3+$0x0] =	vst v2;
	(pc) =	sbr.rel .LBB2_6-.Ltmp6, $4  }
0xa1: {  	[hbm4b:s15+s4] =	stream.linear.scatter [tilespmem:s24], [sflag:$0x5], $0x180, $0x38;
	[tilespmem:$0x1CC80] =	vst v63  }
0xa2: {  	_ =	swait.ge [sflag:s25], $0x180  }
0xa3: {  	[sflag:s25] =	ssyncset.done $0x0  }
0xa4: {  	[sflag:s25] =	ssyncadd.s32 $0xFFFFFE80  }
.LBB2_7:
0xa5: {  	[dreg:$0xb] =	wrdreg s14  }
0xa6: {  	s6 =	simm.s32 $0x0;
	s3 =	rddreg [dreg:$0x5]  }
0xa7: {  	[tilespmem:s6], [sflag:$0x5] =	stream.linear.gather [hbm4b:s3+s6], $0x18800, $0x38;
	[tilespmem:$0x1CC80] =	vst v63  }
0xa8: {  	_ =	swait.ge [sflag:s25], $0x18800  }
0xa9: {  	[sflag:s25] =	ssyncset.done $0x0  }
0xaa: {  	s14 =	rddreg [dreg:$0x6];
	[sflag:s25] =	ssyncadd.s32 $0xFFFE7800  }
0xab: {  	[tilespmem:s26], [sflag:$0x1] =	stream.linear.gather [hbm4b:s14+s6], $0x1000, $0x38;
	[tilespmem:$0x1CC80] =	vst v63  }
0xac: {  	s10 =	simm.s32 $0x1A800;
	s28 =	simm.s32 $0x0;
	s15 =	rddreg [dreg:$0x7]  }
0xad: {  	[tilespmem:s10], [sflag:$0x2] =	stream.linear.gather [hbm4b:s15+s6], $0x1000, $0x38;
	[tilespmem:$0x1CC80] =	vst v63  }
.LBB2_8:
0xae: {  	_ =	swait.ge [sflag:s29], $0x1000  }
0xaf: {  	p1 =	seq.s32 s28, $0x0;
	[sflag:s29] =	ssyncset.done $0x0  }
0xb0: {  	s3 =	simm.s32 @!p1 $0x3;
	[sflag:s29] =	ssyncadd.s32 $0xFFFFF000  }
0xb1: {  	_ =	swait.ge @!p1 [sflag:s3], $0x1000  }
0xb2: {  	s10 =	sand.u32 $0x70, s6;
	s11 =	sand.u32 $0xF00, s6;
	[sflag:s3] =	ssyncset.done @!p1 $0x0  }
0xb3: {  	s13 =	sor.u32 s10, s11;
	[sflag:s3] =	ssyncadd.s32 @!p1 $0xFFFFF000  }
0xb4: {  	v2 =	vld [tilespmem:s13+$0x18880]  }
0xb5: {  	v3 =	vld [tilespmem:s13+$0x18800];
	_ =	sdelay $0x6  }
0xb6: {  	s11 =	simm.s32 $0x10;
	s10 =	simm.s32 $0x20;
	v2 =	vld.idx.msk [tilespmem:v2+s4+$0x0], $0xffff  }
0xb7: {  	s14 =	sshll.u32 s28, $0x6;
	s15 =	sand.u32 $0xF00, s10;
	s3 =	sand.u32 $0x70, s11;
	v3 =	vld.idx.msk [tilespmem:v3+s4+$0x0], $0xffff  }
0xb8: {  	s11 =	sor.u32 s7, s14;
	s15 =	sor.u32 s3, s15;
	s3 =	simm.s32 $0x20  }
.LBB2_9:
0xb9: {  	p2 =	sne.s32 s3, $0x7F0;
	v4 =	vld [tilespmem:s15+$0x18880]  }
0xba: {  	v5 =	vld [tilespmem:s15+$0x18800];
	_ =	sdelay $0x1  }
0xbb: {  	v6 =	vor.u32 v3, v2  }
0xbc: {  	vm0 =	vgt.s32 v6, $0xFFFFFFFF  }
0xbd: {  	v3 =	vnsel vm0, $0xFFFFFFFF, v3;
	v2 =	vnsel vm0, $0xFFFFFFFF, v2  }
0xbe: {  	[tilespmem:s13+$0x19800] =	vst v3  }
.Ltmp7:
0xbf: {  	[tilespmem:s13+$0x19880] =	vst v2;
	s13 =	smov.u32 s15;
	(pc) =	sbr.rel @p2 .LBB2_9-.Ltmp7, $4  }
0xc0: {  	v2 =	vld.idx.msk [tilespmem:v4+s4+$0x0], $0xffff  }
0xc1: {  	s10 =	sadd.s32 $0x20, s10;
	v3 =	vld.idx.msk [tilespmem:v5+s4+$0x0], $0xffff  }
0xc2: {  	s14 =	sand.u32 $0xF00, s10;
	s15 =	sand.u32 $0x70, s3  }
0xc3: {  	s3 =	sadd.s32 $0x10, s3;
	s15 =	sor.u32 s15, s14  }
0xc4: {  	v4 =	vld [tilespmem:s15+$0x18880]  }
0xc5: {  	v5 =	vld [tilespmem:s15+$0x18800];
	_ =	sdelay $0x1  }
0xc6: {  	v6 =	vor.u32 v3, v2  }
0xc7: {  	vm0 =	vgt.s32 v6, $0xFFFFFFFF  }
0xc8: {  	v3 =	vnsel vm0, $0xFFFFFFFF, v3  }
0xc9: {  	v2 =	vnsel vm0, $0xFFFFFFFF, v2;
	[tilespmem:s13+$0x19800] =	vst v3  }
0xca: {  	[tilespmem:s13+$0x19880] =	vst v2  }
0xcb: {  	v2 =	vld.idx.msk [tilespmem:v4+s4+$0x0], $0xffff  }
0xcc: {  	v3 =	vld.idx.msk [tilespmem:v5+s4+$0x0], $0xffff;
	_ =	sdelay $0x4  }
0xcd: {  	v4 =	vor.u32 v3, v2  }
0xce: {  	vm15 =	vgt.s32 v4, $0xFFFFFFFF  }
0xcf: {  	v3 =	vnsel vm15, $0xFFFFFFFF, v3  }
0xd0: {  	s3 =	sshll.u32 s11, $0x9;
	v2 =	vnsel vm15, $0xFFFFFFFF, v2;
	[tilespmem:s15+$0x19800] =	vst v3  }
0xd1: {  	s10 =	sadd.s32 s2, s3;
	[tilespmem:s15+$0x19880] =	vst v2  }
0xd2: {  	[hbm4b:s10+s4] =	stream.linear.scatter [tilespmem:s30], [sflag:$0x3], $0x1000, $0x38;
	[tilespmem:$0x1CC80] =	vst v63  }
0xd3: {  	s3 =	sadd.s32 s3, s12  }
0xd4: {  	[tilespmem:s26], [sflag:$0x1] =	stream.linear.gather [hbm4b:s3+s4], $0x1000, $0x38;
	[tilespmem:$0x1CC80] =	vst v63  }
0xd5: {  	_ =	swait.ge [sflag:s31], $0x1000  }
0xd6: {  	[sflag:s31] =	ssyncset.done $0x0  }
0xd7: {  	s3 =	simm.s32 @!p1 $0x4;
	[sflag:s31] =	ssyncadd.s32 $0xFFFFF000  }
0xd8: {  	s13 =	simm.s32 $0x0;
	_ =	swait.ge @!p1 [sflag:s3], $0x1000  }
0xd9: {  	s14 =	sand.u32 $0x70, s13;
	s10 =	sand.u32 $0xF00, s13;
	[sflag:s3] =	ssyncset.done @!p1 $0x0  }
0xda: {  	s13 =	sor.u32 s14, s10;
	[sflag:s3] =	ssyncadd.s32 @!p1 $0xFFFFF000  }
0xdb: {  	v2 =	vld [tilespmem:s13+$0x1A880]  }
0xdc: {  	v3 =	vld [tilespmem:s13+$0x1A800];
	_ =	sdelay $0x6  }
0xdd: {  	s15 =	simm.s32 $0x10;
	s10 =	simm.s32 $0x20;
	v2 =	vld.idx.msk [tilespmem:v2+s4+$0x0], $0xffff  }
0xde: {  	s14 =	sand.u32 $0xF00, s10;
	s3 =	sand.u32 $0x70, s15;
	v3 =	vld.idx.msk [tilespmem:v3+s4+$0x0], $0xffff  }
0xdf: {  	s11 =	sor.u32 $0x20, s11;
	s15 =	sor.u32 s3, s14;
	s3 =	simm.s32 $0x20  }
.LBB2_11:
0xe0: {  	p1 =	sne.s32 s3, $0x7F0;
	v4 =	vld [tilespmem:s15+$0x1A880]  }
0xe1: {  	v5 =	vld [tilespmem:s15+$0x1A800];
	_ =	sdelay $0x1  }
0xe2: {  	v6 =	vor.u32 v3, v2  }
0xe3: {  	vm0 =	vgt.s32 v6, $0xFFFFFFFF  }
0xe4: {  	v3 =	vnsel vm0, $0xFFFFFFFF, v3;
	v2 =	vnsel vm0, $0xFFFFFFFF, v2  }
0xe5: {  	[tilespmem:s13+$0x1B800] =	vst v3  }
.Ltmp8:
0xe6: {  	[tilespmem:s13+$0x1B880] =	vst v2;
	s13 =	smov.u32 s15;
	(pc) =	sbr.rel @p1 .LBB2_11-.Ltmp8, $4  }
0xe7: {  	v2 =	vld.idx.msk [tilespmem:v4+s4+$0x0], $0xffff  }
0xe8: {  	s10 =	sadd.s32 $0x20, s10;
	v3 =	vld.idx.msk [tilespmem:v5+s4+$0x0], $0xffff  }
0xe9: {  	s14 =	sand.u32 $0x70, s3;
	s15 =	sand.u32 $0xF00, s10  }
0xea: {  	s3 =	sadd.s32 $0x10, s3;
	s15 =	sor.u32 s14, s15  }
0xeb: {  	v4 =	vld [tilespmem:s15+$0x1A880]  }
0xec: {  	v5 =	vld [tilespmem:s15+$0x1A800];
	_ =	sdelay $0x1  }
0xed: {  	v6 =	vor.u32 v3, v2  }
0xee: {  	vm0 =	vgt.s32 v6, $0xFFFFFFFF  }
0xef: {  	v3 =	vnsel vm0, $0xFFFFFFFF, v3  }
0xf0: {  	v2 =	vnsel vm0, $0xFFFFFFFF, v2;
	[tilespmem:s13+$0x1B800] =	vst v3  }
0xf1: {  	[tilespmem:s13+$0x1B880] =	vst v2  }
0xf2: {  	v2 =	vld.idx.msk [tilespmem:v4+s4+$0x0], $0xffff  }
0xf3: {  	v3 =	vld.idx.msk [tilespmem:v5+s4+$0x0], $0xffff;
	_ =	sdelay $0x4  }
0xf4: {  	v4 =	vor.u32 v3, v2  }
0xf5: {  	vm15 =	vgt.s32 v4, $0xFFFFFFFF  }
0xf6: {  	v3 =	vnsel vm15, $0xFFFFFFFF, v3  }
0xf7: {  	s3 =	sshll.u32 s11, $0x9;
	v2 =	vnsel vm15, $0xFFFFFFFF, v2;
	[tilespmem:s15+$0x1B800] =	vst v3  }
0xf8: {  	p1 =	sgt.u32 s11, $0xBF4;
	s28 =	sadd.s32 $0x1, s28;
	s10 =	sadd.s32 s2, s3;
	[tilespmem:s15+$0x1B880] =	vst v2  }
0xf9: {  	[hbm4b:s10+s4] =	stream.linear.scatter [tilespmem:s0], [sflag:$0x4], $0x1000, $0x38;
	[tilespmem:$0x1CC80] =	vst v63  }
0xfa: {  	s3 =	sadd.s32 @!p1 s3, s12;
	s11 =	simm.s32 @!p1 $0x1A800;
	s10 =	simm.s32 @!p1 $0x0  }
0xfb: {  	[tilespmem:s11], [sflag:$0x2] =	stream.linear.gather @!p1 [hbm4b:s3+s10], $0x1000, $0x38;
	[tilespmem:$0x1CC80] =	vst v63  }
0xfc: {  	p1 =	sne.s32 s28, $0x30  }
.Ltmp9:
0xfd: {  	_ = 	snop;
	(pc) =	sbr.rel @p1 .LBB2_8-.Ltmp9, $1  }
0xfe: {  	_ =	sdelay $0x3  }
0xff: {  	_ =	swait.ge [sflag:s29], $0x1000  }
0x100: {  	[sflag:s29] =	ssyncset.done $0x0  }
0x101: {  	s10 =	simm.s32 $0x3;
	[sflag:s29] =	ssyncadd.s32 $0xFFFFF000  }
0x102: {  	s3 =	simm.s32 $0x0;
	_ =	swait.ge [sflag:s10], $0x1000  }
0x103: {  	s6 =	sand.u32 $0x70, s3;
	s3 =	sand.u32 $0xF00, s3;
	[sflag:s10] =	ssyncset.done $0x0  }
0x104: {  	s6 =	sor.u32 s6, s3;
	[sflag:s10] =	ssyncadd.s32 $0xFFFFF000  }
0x105: {  	v2 =	vld [tilespmem:s6+$0x18880]  }
0x106: {  	v3 =	vld [tilespmem:s6+$0x18800];
	_ =	sdelay $0x6  }
0x107: {  	s15 =	simm.s32 $0x10;
	s11 =	simm.s32 $0x20;
	v2 =	vld.idx.msk [tilespmem:v2+s4+$0x0], $0xffff  }
0x108: {  	s28 =	sand.u32 $0xF00, s11;
	s3 =	sand.u32 $0x70, s15;
	v3 =	vld.idx.msk [tilespmem:v3+s4+$0x0], $0xffff  }
0x109: {  	s10 =	sor.u32 s3, s28;
	s3 =	simm.s32 $0x20  }
.LBB2_14:
0x10a: {  	p1 =	sne.s32 s3, $0x7F0;
	v4 =	vld [tilespmem:s10+$0x18880]  }
0x10b: {  	v5 =	vld [tilespmem:s10+$0x18800];
	_ =	sdelay $0x1  }
0x10c: {  	v6 =	vor.u32 v3, v2  }
0x10d: {  	vm0 =	vgt.s32 v6, $0xFFFFFFFF  }
0x10e: {  	v3 =	vnsel vm0, $0xFFFFFFFF, v3;
	v2 =	vnsel vm0, $0xFFFFFFFF, v2  }
0x10f: {  	[tilespmem:s6+$0x19800] =	vst v3  }
.Ltmp10:
0x110: {  	[tilespmem:s6+$0x19880] =	vst v2;
	s6 =	smov.u32 s10;
	(pc) =	sbr.rel @p1 .LBB2_14-.Ltmp10, $4  }
0x111: {  	v2 =	vld.idx.msk [tilespmem:v4+s4+$0x0], $0xffff  }
0x112: {  	s11 =	sadd.s32 $0x20, s11;
	v3 =	vld.idx.msk [tilespmem:v5+s4+$0x0], $0xffff  }
0x113: {  	s13 =	sand.u32 $0xF00, s11;
	s10 =	sand.u32 $0x70, s3  }
0x114: {  	s3 =	sadd.s32 $0x10, s3;
	s10 =	sor.u32 s10, s13  }
0x115: {  	v4 =	vld [tilespmem:s10+$0x18880]  }
0x116: {  	v5 =	vld [tilespmem:s10+$0x18800];
	_ =	sdelay $0x1  }
0x117: {  	v6 =	vor.u32 v3, v2  }
0x118: {  	vm0 =	vgt.s32 v6, $0xFFFFFFFF  }
0x119: {  	v3 =	vnsel vm0, $0xFFFFFFFF, v3  }
0x11a: {  	v2 =	vnsel vm0, $0xFFFFFFFF, v2;
	[tilespmem:s6+$0x19800] =	vst v3  }
0x11b: {  	[tilespmem:s6+$0x19880] =	vst v2  }
0x11c: {  	v2 =	vld.idx.msk [tilespmem:v4+s4+$0x0], $0xffff  }
0x11d: {  	v3 =	vld.idx.msk [tilespmem:v5+s4+$0x0], $0xffff;
	_ =	sdelay $0x4  }
0x11e: {  	v4 =	vor.u32 v3, v2  }
.Ltmp11:
0x11f: {  	vm15 =	vgt.s32 v4, $0xFFFFFFFF;
	(pc) =	sbr.rel @p0 .LBB2_16-.Ltmp11, $4  }
0x120: {  	v3 =	vnsel vm15, $0xFFFFFFFF, v3  }
0x121: {  	s3 =	rddreg [dreg:$0x8];
	v2 =	vnsel vm15, $0xFFFFFFFF, v2;
	[tilespmem:s10+$0x19800] =	vst v3  }
0x122: {  	s14 =	rddreg [dreg:$0xb];
	[tilespmem:s10+$0x19880] =	vst v2  }
0x123: {  	[hbm4b:s3+s4] =	stream.linear.scatter [tilespmem:s30], [sflag:$0x3], $0x1000, $0x38;
	[tilespmem:$0x1CC80] =	vst v63  }
0x124: {  	_ =	swait.ge [sflag:s31], $0x1000  }
0x125: {  	[sflag:s31] =	ssyncset.done $0x0  }
0x126: {  	s10 =	simm.s32 $0x4;
	[sflag:s31] =	ssyncadd.s32 $0xFFFFF000  }
0x127: {  	s3 =	simm.s32 $0x0;
	_ =	swait.ge [sflag:s10], $0x1000  }
0x128: {  	s6 =	sand.u32 $0x70, s3;
	s3 =	sand.u32 $0xF00, s3;
	[sflag:s10] =	ssyncset.done $0x0  }
0x129: {  	s6 =	sor.u32 s6, s3;
	[sflag:s10] =	ssyncadd.s32 $0xFFFFF000  }
0x12a: {  	v2 =	vld [tilespmem:s6+$0x1A880]  }
0x12b: {  	v3 =	vld [tilespmem:s6+$0x1A800];
	_ =	sdelay $0x6  }
0x12c: {  	s15 =	simm.s32 $0x10;
	s11 =	simm.s32 $0x20;
	v2 =	vld.idx.msk [tilespmem:v2+s4+$0x0], $0xffff  }
0x12d: {  	s28 =	sand.u32 $0xF00, s11;
	s3 =	sand.u32 $0x70, s15;
	v3 =	vld.idx.msk [tilespmem:v3+s4+$0x0], $0xffff  }
0x12e: {  	s10 =	sor.u32 s3, s28;
	s3 =	simm.s32 $0x20  }
.LBB2_18:
0x12f: {  	p1 =	sne.s32 s3, $0x7F0;
	v4 =	vld [tilespmem:s10+$0x1A880]  }
0x130: {  	v5 =	vld [tilespmem:s10+$0x1A800];
	_ =	sdelay $0x1  }
0x131: {  	v6 =	vor.u32 v3, v2  }
0x132: {  	vm0 =	vgt.s32 v6, $0xFFFFFFFF  }
0x133: {  	v3 =	vnsel vm0, $0xFFFFFFFF, v3;
	v2 =	vnsel vm0, $0xFFFFFFFF, v2  }
0x134: {  	[tilespmem:s6+$0x1B800] =	vst v3  }
.Ltmp12:
0x135: {  	[tilespmem:s6+$0x1B880] =	vst v2;
	s6 =	smov.u32 s10;
	(pc) =	sbr.rel @p1 .LBB2_18-.Ltmp12, $4  }
0x136: {  	v2 =	vld.idx.msk [tilespmem:v4+s4+$0x0], $0xffff  }
0x137: {  	s11 =	sadd.s32 $0x20, s11;
	v3 =	vld.idx.msk [tilespmem:v5+s4+$0x0], $0xffff  }
0x138: {  	s13 =	sand.u32 $0xF00, s11;
	s10 =	sand.u32 $0x70, s3  }
0x139: {  	s3 =	sadd.s32 $0x10, s3;
	s10 =	sor.u32 s10, s13  }
0x13a: {  	v4 =	vld [tilespmem:s10+$0x1A880]  }
0x13b: {  	v5 =	vld [tilespmem:s10+$0x1A800];
	_ =	sdelay $0x1  }
0x13c: {  	v6 =	vor.u32 v3, v2  }
0x13d: {  	vm0 =	vgt.s32 v6, $0xFFFFFFFF  }
0x13e: {  	v3 =	vnsel vm0, $0xFFFFFFFF, v3  }
0x13f: {  	v2 =	vnsel vm0, $0xFFFFFFFF, v2;
	[tilespmem:s6+$0x1B800] =	vst v3  }
0x140: {  	[tilespmem:s6+$0x1B880] =	vst v2  }
0x141: {  	v2 =	vld.idx.msk [tilespmem:v4+s4+$0x0], $0xffff  }
0x142: {  	v3 =	vld.idx.msk [tilespmem:v5+s4+$0x0], $0xffff;
	_ =	sdelay $0x4  }
0x143: {  	v4 =	vor.u32 v3, v2  }
0x144: {  	vm15 =	vgt.s32 v4, $0xFFFFFFFF  }
.Ltmp13:
0x145: {  	v3 =	vnsel vm15, $0xFFFFFFFF, v3;
	(pc) =	sbr.rel .LBB2_20-.Ltmp13, $4  }
0x146: {  	v2 =	vnsel vm15, $0xFFFFFFFF, v2;
	[tilespmem:s10+$0x1B800] =	vst v3  }
0x147: {  	s3 =	rddreg [dreg:$0x9];
	[tilespmem:s10+$0x1B880] =	vst v2  }
0x148: {  	[hbm4b:s3+s4] =	stream.linear.scatter [tilespmem:s0], [sflag:$0x4], $0x1000, $0x38;
	[tilespmem:$0x1CC80] =	vst v63  }
0x149: {  	s6 =	simm.s32 $0x3;
	s3 =	simm.s32 $0x4  }
.LBB2_21:
0x14a: {  	_ =	sfence.sel $0x180000  }
0x14b: {  	[bflag:$0x0] =	sbarrier.arrive $0xFFFF  }
0x14c: {  	_ =	strace $0x9000004A  }
0x14d: {  	s0 =	stileid.u32;
	[bflag:$0x2] =	sbarrier.arrive $0xFFFF  }
0x14e: {  	p0 =	sne.s32 s0, $0x0;
	s0 =	rddreg [dreg:$0x4]  }
0x14f: {  	s0 =	sadd.s32 @!p0 $0x100000, s0  }
0x150: {  	[sflag:s0] =	ssyncadd.tile.s32 @!p0 $0x1;
	_ =	shalt  }
.Lfunc_end2:
_tile_overlayer_lowered:
.L_overlay_start_2:
0x151: {  	(tag) =	ssettag $0x2  }
0x152: {  	s0 =	rddreg [dreg:$0x0];
	s2 =	stileid.u32  }
0x153: {  	s1 =	rddreg [dreg:$0x1];
	p0 =	sne.s32 s2, $0x0  }
0x154: {  	s3 =	rddreg [dreg:$0x2];
	[bflag:$0x3] =	sbarrier.arrive $0xFFFF;
	s2 =	simm.s32 @!p0 $0x1C05  }
0x155: {  	[timem:s3], [sflag:s2] =	dma.local @!p0 [hbm:s0], s1  }
0x156: {  	s0 =	simm.s32 @!p0 $0x5  }
0x157: {  	_ =	swait.ge @!p0 [sflag:s0], s1  }
0x158: {  	s1 =	ssub.s32 @!p0 $0x0, s1;
	[sflag:s0] =	ssyncset.done @!p0 $0x0  }
0x159: {  	[sflag:s0] =	ssyncadd.s32 @!p0 s1  }
0x15a: {  	[bflag:$0x3] =	sbarrier.arrive $0xFFFF  }
0x15b: {  	_ =	shalt  }

</sc_bundles>
